<compile_context>
chip_gen: v7x
topology: tpu7x:2x2x1
jax: 0.10.2.dev20260603
libtpu: 0.0.44.dev20260713+nightly
codegen_flags: <defaults>
</compile_context>

<pallas_src>
import functools

import jax
import jax.numpy as jnp
from jax import lax
from jax.experimental import pallas as pl
from jax.experimental.pallas import tpu as pltpu
from jax.experimental.pallas import tpu_sc as plsc

VOCAB = 1000000
SEQ = 200
EMBED = 64
BATCH = 4096
LANES = 16

NUM_CORES = 2
NUM_SUBCORES = 16
NW = NUM_CORES * NUM_SUBCORES
BCOL = BATCH // NW
EGROUPS = BCOL // LANES
NBUF = 4
NTR = 2


@functools.partial(
    pl.kernel,
    mesh=plsc.VectorSubcoreMesh(core_axis_name="c", subcore_axis_name="s"),
    out_type=jax.ShapeDtypeStruct(
        (SEQ, EMBED // 8, BATCH // BCOL, 8, BCOL), jnp.float32),
    scratch_types=[
        pltpu.VMEM((SEQ, BCOL), jnp.int32),
        [pltpu.VMEM((BCOL, EMBED), jnp.float32) for _ in range(NBUF)],
        [pltpu.VMEM((EMBED, BCOL), jnp.float32) for _ in range(NTR)],
        pltpu.VMEM((SEQ * EMBED,), jnp.float32),
        [pltpu.SemaphoreType.DMA for _ in range(NBUF)],
        [pltpu.SemaphoreType.DMA for _ in range(NTR)],
    ],
    compiler_params=pltpu.CompilerParams(
        use_tc_tiling_on_sc=False, needs_layout_passes=False),
)
def _embed_lookup(idx_hbm, tok_hbm, pos_hbm, out_hbm,
                  idx_v, rows, trans, pos_v, gsem, wsem):
    wid = lax.axis_index("s") * NUM_CORES + lax.axis_index("c")
    b0 = wid * BCOL

    pltpu.sync_copy(pos_hbm, pos_v)
    pltpu.sync_copy(idx_hbm.at[:, pl.ds(b0, BCOL)], idx_v)

    iota = lax.iota(jnp.int32, LANES)

    def gather(s, r):
        pltpu.async_copy(tok_hbm.at[idx_v.at[s]], rows[r], gsem[r])

    def put(s, t):
        for et in range(EMBED // 8):
            pltpu.async_copy(trans[t].at[pl.ds(et * 8, 8), :],
                             out_hbm.at[s, et, wid], wsem[t])

    def drain(s, t):
        for et in range(EMBED // 8):
            pltpu.make_async_copy(trans[t].at[pl.ds(et * 8, 8), :],
                                  out_hbm.at[s, et, wid], wsem[t]).wait()

    def transpose_add(s, r, t):
        base = s * EMBED

        @plsc.parallel_loop(0, EMBED, unroll=4)
        def e_body(e):
            erot = (iota + e) & (EMBED - 1)
            pvec = plsc.load_gather(pos_v, [erot + base])
            for g in range(EGROUPS):
                bvec = iota + (g * LANES)
                vals = plsc.load_gather(rows[r], [bvec, erot])
                plsc.store_scatter(trans[t], [erot, bvec], vals + pvec)

    def unit(s, r, t):
        pltpu.make_async_copy(tok_hbm.at[idx_v.at[s]], rows[r], gsem[r]).wait()

        @pl.when(s + NBUF - 1 < SEQ)
        def _():
            gather(s + NBUF - 1, (r + NBUF - 1) % NBUF)

        @pl.when(s >= NTR)
        def _():
            drain(s - NTR, t)

        transpose_add(s, r, t)
        put(s, t)

    for r in range(NBUF - 1):
        gather(r, r)

    def quad_body(v, carry):
        s = v * NBUF
        for j in range(NBUF):
            unit(s + j, j, j % NTR)
        return carry

    lax.fori_loop(0, SEQ // NBUF, quad_body, 0)

    drain(SEQ - 2, 0)
    drain(SEQ - 1, 1)


def kernel(inputs, token_table, position_table):
    idx_t = inputs.T
    pos_flat = position_table.reshape(-1)
    out = _embed_lookup(idx_t, token_table, pos_flat)
    return out.transpose(2, 4, 0, 1, 3).reshape(BATCH, SEQ, EMBED)

# --- scband reference (transcript-rebuilt; emitter-appended) ---
"""Pipeline reference for scband-positional-embedding-28063316312618 (READ-ONLY COPY).

The authoritative reference and input builder live on the scoring server;
editing this copy changes nothing except your own understanding.
"""

import jax, jax.numpy as jnp
import numpy as np

VOCAB = 1000000
SEQ_LEN = 200
EMBED = 64
BATCH = 4096

def setup_inputs(seed: int = 0) -> dict:
    key = jax.random.key(seed)
    k1, k2, k3 = jax.random.split(key, 3)
    inputs = jax.random.randint(k1, (BATCH, SEQ_LEN), 0, VOCAB, dtype=jnp.int64 if jax.config.read('jax_enable_x64') else jnp.int32)
    token_table = jax.random.normal(k2, (VOCAB, EMBED), dtype=jnp.float32) * 0.02
    position_table = jax.random.normal(k3, (SEQ_LEN, EMBED), dtype=jnp.float32) * 0.02
    return {"inputs": inputs, "token_table": token_table, "position_table": position_table}

def reference(inputs, token_table, position_table):
    batch_size, seq_length = inputs.shape
    positions = jnp.broadcast_to(jnp.arange(seq_length)[None, :], (batch_size, seq_length))
    embedded_tokens = jnp.take(token_table, inputs, axis=0)
    embedded_positions = jnp.take(position_table, positions, axis=0)
    return embedded_tokens + embedded_positions

if __name__ == "__main__":
    import jax
    _d = setup_inputs()
    print(jax.jit(kernel)(*tuple(_d.values())))

</pallas_src>

<mosaic_0001>
#map = affine_map<(d0, d1) -> (0, 0)>
#map1 = affine_map<(d0, d1) -> (0)>
#map2 = affine_map<(d0, d1) -> (0, 0, 0, 0, 0)>
module attributes {stable_mosaic.version = 14 : i64} {
  func.func @_embed_lookup(%arg0: i32, %arg1: i32, %arg2: memref<200x4096xi32, #tpu.memory_space<hbm>>, %arg3: memref<1000000x64xf32, #tpu.memory_space<hbm>>, %arg4: memref<12800xf32, #tpu.memory_space<hbm>>, %arg5: memref<200x8x32x8x128xf32, #tpu.memory_space<hbm>>, %arg6: memref<200x128xi32, #tpu.memory_space<vmem>>, %arg7: memref<128x64xf32, #tpu.memory_space<vmem>>, %arg8: memref<128x64xf32, #tpu.memory_space<vmem>>, %arg9: memref<128x64xf32, #tpu.memory_space<vmem>>, %arg10: memref<128x64xf32, #tpu.memory_space<vmem>>, %arg11: memref<64x128xf32, #tpu.memory_space<vmem>>, %arg12: memref<64x128xf32, #tpu.memory_space<vmem>>, %arg13: memref<12800xf32, #tpu.memory_space<vmem>>, %arg14: memref<!tpu.dma_semaphore, #tpu.memory_space<semaphore_mem>>, %arg15: memref<!tpu.dma_semaphore, #tpu.memory_space<semaphore_mem>>, %arg16: memref<!tpu.dma_semaphore, #tpu.memory_space<semaphore_mem>>, %arg17: memref<!tpu.dma_semaphore, #tpu.memory_space<semaphore_mem>>, %arg18: memref<!tpu.dma_semaphore, #tpu.memory_space<semaphore_mem>>, %arg19: memref<!tpu.dma_semaphore, #tpu.memory_space<semaphore_mem>>) attributes {dimension_semantics = [#tpu.dimension_semantics<core_parallel>, #tpu.dimension_semantics<subcore_parallel>], iteration_bounds = array<i64: 2, 16>, scalar_prefetch = 0 : i64, scratch_operands = 14 : i64, tpu.core_type = #tpu.core_type<sc_vector_subcore>, window_params = [{transform_indices = #map}, {transform_indices = #map}, {transform_indices = #map1}, {transform_indices = #map2}]} {
    %mul3A = arith.constant 2 : i32
    %mul3A_0 = arith.muli %arg1, %mul3A : i32
    %add3A = arith.addi %mul3A_0, %arg0 : i32
    %mul3A_1 = arith.constant 128 : i32
    %mul3A_2 = arith.muli %add3A, %mul3A_1 : i32
    "tpu.region"() ({
      %run_scoped3A = tpu.sem_alloc : memref<!tpu.dma_semaphore, #tpu.memory_space<semaphore_mem>>
      tpu.enqueue_dma source(%arg4 : memref<12800xf32, #tpu.memory_space<hbm>>) target(%arg13 : memref<12800xf32, #tpu.memory_space<vmem>>) target_semaphore(%run_scoped3A : memref<!tpu.dma_semaphore, #tpu.memory_space<semaphore_mem>>)
      tpu.wait_dma2 semaphore(%run_scoped3A : memref<!tpu.dma_semaphore, #tpu.memory_space<semaphore_mem>>) src(%arg4 : memref<12800xf32, #tpu.memory_space<hbm>>) dst(%arg13 : memref<12800xf32, #tpu.memory_space<vmem>>)
      tpu.yield
    }) : () -> ()
    "tpu.region"() ({
      %run_scoped3A = tpu.sem_alloc : memref<!tpu.dma_semaphore, #tpu.memory_space<semaphore_mem>>
      %dma_start3A_283 = arith.constant 0 : i32
      %dma_start3A_284 = tpu.memref_slice %arg2[%dma_start3A_283, %mul3A_2] : memref<200x4096xi32, #tpu.memory_space<hbm>> -> memref<200x128xi32, #tpu.memory_space<hbm>>
      %dma_start3A_285 = arith.constant 0 : i32
      %dma_start3A_286 = tpu.memref_slice %arg2[%dma_start3A_285, %mul3A_2] : memref<200x4096xi32, #tpu.memory_space<hbm>> -> memref<200x128xi32, #tpu.memory_space<hbm>>
      tpu.enqueue_dma source(%dma_start3A_286 : memref<200x128xi32, #tpu.memory_space<hbm>>) target(%arg6 : memref<200x128xi32, #tpu.memory_space<vmem>>) target_semaphore(%run_scoped3A : memref<!tpu.dma_semaphore, #tpu.memory_space<semaphore_mem>>)
      %dma_wait3A_287 = arith.constant 0 : i32
      %dma_wait3A_288 = tpu.memref_slice %arg2[%dma_wait3A_287, %mul3A_2] : memref<200x4096xi32, #tpu.memory_space<hbm>> -> memref<200x128xi32, #tpu.memory_space<hbm>>
      %dma_wait3A_289 = arith.constant 0 : i32
      %dma_wait3A_290 = tpu.memref_slice %arg2[%dma_wait3A_289, %mul3A_2] : memref<200x4096xi32, #tpu.memory_space<hbm>> -> memref<200x128xi32, #tpu.memory_space<hbm>>
      tpu.wait_dma2 semaphore(%run_scoped3A : memref<!tpu.dma_semaphore, #tpu.memory_space<semaphore_mem>>) src(%dma_wait3A_290 : memref<200x128xi32, #tpu.memory_space<hbm>>) dst(%arg6 : memref<200x128xi32, #tpu.memory_space<vmem>>)
      tpu.yield
    }) : () -> ()
    %iota3A = tpu.iota {dimensions = array<i32: 0>} : vector<16xi32>
    %dma_start3A = arith.constant 0 : i32
    %dma_start3A_3 = arith.constant 0 : i32
    %dma_start3A_4 = tpu.memref_slice %arg6[%dma_start3A, %dma_start3A_3] : memref<200x128xi32, #tpu.memory_space<vmem>> -> memref<1x128xi32, #tpu.memory_space<vmem>>
    %dma_start3A_5 = tpu.memref_squeeze %dma_start3A_4 : memref<1x128xi32, #tpu.memory_space<vmem>> -> memref<128xi32, #tpu.memory_space<vmem>>
    %dma_start3A_6 = arith.constant 0 : i32
    %dma_start3A_7 = arith.constant 0 : i32
    %dma_start3A_8 = tpu.memref_slice %arg3[%dma_start3A_6, %dma_start3A_7] : memref<1000000x64xf32, #tpu.memory_space<hbm>> -> memref<1000000x64xf32, #tpu.memory_space<hbm>>
    tpu.enqueue_indirect_dma source(%dma_start3A_8 : memref<1000000x64xf32, #tpu.memory_space<hbm>>) target(%arg7 : memref<128x64xf32, #tpu.memory_space<vmem>>) offsets(%dma_start3A_5 : memref<128xi32, #tpu.memory_space<vmem>>) semaphore(%arg14 : memref<!tpu.dma_semaphore, #tpu.memory_space<semaphore_mem>>)
    %dma_start3A_9 = arith.constant 1 : i32
    %dma_start3A_10 = arith.constant 0 : i32
    %dma_start3A_11 = tpu.memref_slice %arg6[%dma_start3A_9, %dma_start3A_10] : memref<200x128xi32, #tpu.memory_space<vmem>> -> memref<1x128xi32, #tpu.memory_space<vmem>>
    %dma_start3A_12 = tpu.memref_squeeze %dma_start3A_11 : memref<1x128xi32, #tpu.memory_space<vmem>> -> memref<128xi32, #tpu.memory_space<vmem>>
    %dma_start3A_13 = arith.constant 0 : i32
    %dma_start3A_14 = arith.constant 0 : i32
    %dma_start3A_15 = tpu.memref_slice %arg3[%dma_start3A_13, %dma_start3A_14] : memref<1000000x64xf32, #tpu.memory_space<hbm>> -> memref<1000000x64xf32, #tpu.memory_space<hbm>>
    tpu.enqueue_indirect_dma source(%dma_start3A_15 : memref<1000000x64xf32, #tpu.memory_space<hbm>>) target(%arg8 : memref<128x64xf32, #tpu.memory_space<vmem>>) offsets(%dma_start3A_12 : memref<128xi32, #tpu.memory_space<vmem>>) semaphore(%arg15 : memref<!tpu.dma_semaphore, #tpu.memory_space<semaphore_mem>>)
    %dma_start3A_16 = arith.constant 2 : i32
    %dma_start3A_17 = arith.constant 0 : i32
    %dma_start3A_18 = tpu.memref_slice %arg6[%dma_start3A_16, %dma_start3A_17] : memref<200x128xi32, #tpu.memory_space<vmem>> -> memref<1x128xi32, #tpu.memory_space<vmem>>
    %dma_start3A_19 = tpu.memref_squeeze %dma_start3A_18 : memref<1x128xi32, #tpu.memory_space<vmem>> -> memref<128xi32, #tpu.memory_space<vmem>>
    %dma_start3A_20 = arith.constant 0 : i32
    %dma_start3A_21 = arith.constant 0 : i32
    %dma_start3A_22 = tpu.memref_slice %arg3[%dma_start3A_20, %dma_start3A_21] : memref<1000000x64xf32, #tpu.memory_space<hbm>> -> memref<1000000x64xf32, #tpu.memory_space<hbm>>
    tpu.enqueue_indirect_dma source(%dma_start3A_22 : memref<1000000x64xf32, #tpu.memory_space<hbm>>) target(%arg9 : memref<128x64xf32, #tpu.memory_space<vmem>>) offsets(%dma_start3A_19 : memref<128xi32, #tpu.memory_space<vmem>>) semaphore(%arg16 : memref<!tpu.dma_semaphore, #tpu.memory_space<semaphore_mem>>)
    %scan3A = arith.constant 0 : i32
    %scan3A_23 = arith.constant 0 : i32
    %scan3A_24 = arith.constant 50 : i32
    %scan3A_25 = arith.addi %scan3A_23, %scan3A_24 : i32
    %scan3A_26 = arith.constant 1 : i32
    scf.for %scan3A_283 = %scan3A_23 to %scan3A_25 step %scan3A_26  : i32 {
      %mul3A_284 = arith.constant 4 : i32
      %mul3A_285 = arith.muli %scan3A_283, %mul3A_284 : i32
      %add3A_286 = arith.constant 0 : i32
      %add3A_287 = arith.addi %mul3A_285, %add3A_286 : i32
      %dma_wait3A_288 = arith.constant 0 : i32
      %dma_wait3A_289 = tpu.memref_slice %arg6[%add3A_287, %dma_wait3A_288] : memref<200x128xi32, #tpu.memory_space<vmem>> -> memref<1x128xi32, #tpu.memory_space<vmem>>
      %dma_wait3A_290 = tpu.memref_squeeze %dma_wait3A_289 : memref<1x128xi32, #tpu.memory_space<vmem>> -> memref<128xi32, #tpu.memory_space<vmem>>
      %dma_wait3A_291 = arith.constant 0 : i32
      %dma_wait3A_292 = arith.constant 0 : i32
      %dma_wait3A_293 = tpu.memref_slice %arg3[%dma_wait3A_291, %dma_wait3A_292] : memref<1000000x64xf32, #tpu.memory_space<hbm>> -> memref<1000000x64xf32, #tpu.memory_space<hbm>>
      tpu.wait_indirect_dma semaphore(%arg14 : memref<!tpu.dma_semaphore, #tpu.memory_space<semaphore_mem>>) src(%dma_wait3A_293 : memref<1000000x64xf32, #tpu.memory_space<hbm>>) dst(%arg7 : memref<128x64xf32, #tpu.memory_space<vmem>>)
      %add3A_294 = arith.constant 4 : i32
      %add3A_295 = arith.addi %add3A_287, %add3A_294 : i32
      %sub3A = arith.constant 1 : i32
      %sub3A_296 = arith.subi %add3A_295, %sub3A : i32
      %lt3A = arith.constant 200 : i32
      %lt3A_297 = arith.cmpi slt, %sub3A_296, %lt3A : i32
      %convert_element_type3A = arith.extui %lt3A_297 : i1 to i32
      %cond3A = arith.constant 0 : i32
      %cond3A_298 = arith.cmpi ne, %convert_element_type3A, %cond3A : i32
      scf.if %cond3A_298 {
        %add3A_868 = arith.constant 4 : i32
        %add3A_869 = arith.addi %add3A_287, %add3A_868 : i32
        %sub3A_870 = arith.constant 1 : i32
        %sub3A_871 = arith.subi %add3A_869, %sub3A_870 : i32
        %dma_start3A_872 = arith.constant 0 : i32
        %dma_start3A_873 = tpu.memref_slice %arg6[%sub3A_871, %dma_start3A_872] : memref<200x128xi32, #tpu.memory_space<vmem>> -> memref<1x128xi32, #tpu.memory_space<vmem>>
        %dma_start3A_874 = tpu.memref_squeeze %dma_start3A_873 : memref<1x128xi32, #tpu.memory_space<vmem>> -> memref<128xi32, #tpu.memory_space<vmem>>
        %dma_start3A_875 = arith.constant 0 : i32
        %dma_start3A_876 = arith.constant 0 : i32
        %dma_start3A_877 = tpu.memref_slice %arg3[%dma_start3A_875, %dma_start3A_876] : memref<1000000x64xf32, #tpu.memory_space<hbm>> -> memref<1000000x64xf32, #tpu.memory_space<hbm>>
        tpu.enqueue_indirect_dma source(%dma_start3A_877 : memref<1000000x64xf32, #tpu.memory_space<hbm>>) target(%arg10 : memref<128x64xf32, #tpu.memory_space<vmem>>) offsets(%dma_start3A_874 : memref<128xi32, #tpu.memory_space<vmem>>) semaphore(%arg17 : memref<!tpu.dma_semaphore, #tpu.memory_space<semaphore_mem>>)
      } else {
      }
      %ge3A = arith.constant 2 : i32
      %ge3A_299 = arith.cmpi sge, %add3A_287, %ge3A : i32
      %convert_element_type3A_300 = arith.extui %ge3A_299 : i1 to i32
      %cond3A_301 = arith.constant 0 : i32
      %cond3A_302 = arith.cmpi ne, %convert_element_type3A_300, %cond3A_301 : i32
      scf.if %cond3A_302 {
        %sub3A_868 = arith.constant 2 : i32
        %sub3A_869 = arith.subi %add3A_287, %sub3A_868 : i32
        %dma_wait3A_870 = arith.constant 0 : i32
        %dma_wait3A_871 = arith.constant 0 : i32
        %dma_wait3A_872 = arith.constant 0 : i32
        %dma_wait3A_873 = tpu.memref_slice %arg11[%dma_wait3A_871, %dma_wait3A_872] : memref<64x128xf32, #tpu.memory_space<vmem>> -> memref<8x128xf32, #tpu.memory_space<vmem>>
        %dma_wait3A_874 = arith.constant 0 : i32
        %dma_wait3A_875 = arith.constant 0 : i32
        %dma_wait3A_876 = tpu.memref_slice %arg5[%sub3A_869, %dma_wait3A_870, %add3A, %dma_wait3A_874, %dma_wait3A_875] : memref<200x8x32x8x128xf32, #tpu.memory_space<hbm>> -> memref<1x1x1x8x128xf32, #tpu.memory_space<hbm>>
        %dma_wait3A_877 = tpu.memref_squeeze %dma_wait3A_876 : memref<1x1x1x8x128xf32, #tpu.memory_space<hbm>> -> memref<8x128xf32, #tpu.memory_space<hbm>>
        %dma_wait3A_878 = arith.constant 0 : i32
        %dma_wait3A_879 = arith.constant 0 : i32
        %dma_wait3A_880 = tpu.memref_slice %arg5[%sub3A_869, %dma_wait3A_870, %add3A, %dma_wait3A_878, %dma_wait3A_879] : memref<200x8x32x8x128xf32, #tpu.memory_space<hbm>> -> memref<1x1x1x8x128xf32, #tpu.memory_space<hbm>>
        %dma_wait3A_881 = tpu.memref_squeeze %dma_wait3A_880 : memref<1x1x1x8x128xf32, #tpu.memory_space<hbm>> -> memref<8x128xf32, #tpu.memory_space<hbm>>
        %dma_wait3A_882 = arith.constant 0 : i32
        %dma_wait3A_883 = arith.constant 0 : i32
        %dma_wait3A_884 = tpu.memref_slice %arg11[%dma_wait3A_882, %dma_wait3A_883] : memref<64x128xf32, #tpu.memory_space<vmem>> -> memref<8x128xf32, #tpu.memory_space<vmem>>
        tpu.wait_dma2 semaphore(%arg18 : memref<!tpu.dma_semaphore, #tpu.memory_space<semaphore_mem>>) src(%dma_wait3A_884 : memref<8x128xf32, #tpu.memory_space<vmem>>) dst(%dma_wait3A_881 : memref<8x128xf32, #tpu.memory_space<hbm>>)
        %dma_wait3A_885 = arith.constant 1 : i32
        %dma_wait3A_886 = arith.constant 8 : i32
        %dma_wait3A_887 = arith.constant 0 : i32
        %dma_wait3A_888 = tpu.memref_slice %arg11[%dma_wait3A_886, %dma_wait3A_887] : memref<64x128xf32, #tpu.memory_space<vmem>> -> memref<8x128xf32, #tpu.memory_space<vmem>>
        %dma_wait3A_889 = arith.constant 0 : i32
        %dma_wait3A_890 = arith.constant 0 : i32
        %dma_wait3A_891 = tpu.memref_slice %arg5[%sub3A_869, %dma_wait3A_885, %add3A, %dma_wait3A_889, %dma_wait3A_890] : memref<200x8x32x8x128xf32, #tpu.memory_space<hbm>> -> memref<1x1x1x8x128xf32, #tpu.memory_space<hbm>>
        %dma_wait3A_892 = tpu.memref_squeeze %dma_wait3A_891 : memref<1x1x1x8x128xf32, #tpu.memory_space<hbm>> -> memref<8x128xf32, #tpu.memory_space<hbm>>
        %dma_wait3A_893 = arith.constant 0 : i32
        %dma_wait3A_894 = arith.constant 0 : i32
        %dma_wait3A_895 = tpu.memref_slice %arg5[%sub3A_869, %dma_wait3A_885, %add3A, %dma_wait3A_893, %dma_wait3A_894] : memref<200x8x32x8x128xf32, #tpu.memory_space<hbm>> -> memref<1x1x1x8x128xf32, #tpu.memory_space<hbm>>
        %dma_wait3A_896 = tpu.memref_squeeze %dma_wait3A_895 : memref<1x1x1x8x128xf32, #tpu.memory_space<hbm>> -> memref<8x128xf32, #tpu.memory_space<hbm>>
        %dma_wait3A_897 = arith.constant 8 : i32
        %dma_wait3A_898 = arith.constant 0 : i32
        %dma_wait3A_899 = tpu.memref_slice %arg11[%dma_wait3A_897, %dma_wait3A_898] : memref<64x128xf32, #tpu.memory_space<vmem>> -> memref<8x128xf32, #tpu.memory_space<vmem>>
        tpu.wait_dma2 semaphore(%arg18 : memref<!tpu.dma_semaphore, #tpu.memory_space<semaphore_mem>>) src(%dma_wait3A_899 : memref<8x128xf32, #tpu.memory_space<vmem>>) dst(%dma_wait3A_896 : memref<8x128xf32, #tpu.memory_space<hbm>>)
        %dma_wait3A_900 = arith.constant 2 : i32
        %dma_wait3A_901 = arith.constant 16 : i32
        %dma_wait3A_902 = arith.constant 0 : i32
        %dma_wait3A_903 = tpu.memref_slice %arg11[%dma_wait3A_901, %dma_wait3A_902] : memref<64x128xf32, #tpu.memory_space<vmem>> -> memref<8x128xf32, #tpu.memory_space<vmem>>
        %dma_wait3A_904 = arith.constant 0 : i32
        %dma_wait3A_905 = arith.constant 0 : i32
        %dma_wait3A_906 = tpu.memref_slice %arg5[%sub3A_869, %dma_wait3A_900, %add3A, %dma_wait3A_904, %dma_wait3A_905] : memref<200x8x32x8x128xf32, #tpu.memory_space<hbm>> -> memref<1x1x1x8x128xf32, #tpu.memory_space<hbm>>
        %dma_wait3A_907 = tpu.memref_squeeze %dma_wait3A_906 : memref<1x1x1x8x128xf32, #tpu.memory_space<hbm>> -> memref<8x128xf32, #tpu.memory_space<hbm>>
        %dma_wait3A_908 = arith.constant 0 : i32
        %dma_wait3A_909 = arith.constant 0 : i32
        %dma_wait3A_910 = tpu.memref_slice %arg5[%sub3A_869, %dma_wait3A_900, %add3A, %dma_wait3A_908, %dma_wait3A_909] : memref<200x8x32x8x128xf32, #tpu.memory_space<hbm>> -> memref<1x1x1x8x128xf32, #tpu.memory_space<hbm>>
        %dma_wait3A_911 = tpu.memref_squeeze %dma_wait3A_910 : memref<1x1x1x8x128xf32, #tpu.memory_space<hbm>> -> memref<8x128xf32, #tpu.memory_space<hbm>>
        %dma_wait3A_912 = arith.constant 16 : i32
        %dma_wait3A_913 = arith.constant 0 : i32
        %dma_wait3A_914 = tpu.memref_slice %arg11[%dma_wait3A_912, %dma_wait3A_913] : memref<64x128xf32, #tpu.memory_space<vmem>> -> memref<8x128xf32, #tpu.memory_space<vmem>>
        tpu.wait_dma2 semaphore(%arg18 : memref<!tpu.dma_semaphore, #tpu.memory_space<semaphore_mem>>) src(%dma_wait3A_914 : memref<8x128xf32, #tpu.memory_space<vmem>>) dst(%dma_wait3A_911 : memref<8x128xf32, #tpu.memory_space<hbm>>)
        %dma_wait3A_915 = arith.constant 3 : i32
        %dma_wait3A_916 = arith.constant 24 : i32
        %dma_wait3A_917 = arith.constant 0 : i32
        %dma_wait3A_918 = tpu.memref_slice %arg11[%dma_wait3A_916, %dma_wait3A_917] : memref<64x128xf32, #tpu.memory_space<vmem>> -> memref<8x128xf32, #tpu.memory_space<vmem>>
        %dma_wait3A_919 = arith.constant 0 : i32
        %dma_wait3A_920 = arith.constant 0 : i32
        %dma_wait3A_921 = tpu.memref_slice %arg5[%sub3A_869, %dma_wait3A_915, %add3A, %dma_wait3A_919, %dma_wait3A_920] : memref<200x8x32x8x128xf32, #tpu.memory_space<hbm>> -> memref<1x1x1x8x128xf32, #tpu.memory_space<hbm>>
        %dma_wait3A_922 = tpu.memref_squeeze %dma_wait3A_921 : memref<1x1x1x8x128xf32, #tpu.memory_space<hbm>> -> memref<8x128xf32, #tpu.memory_space<hbm>>
        %dma_wait3A_923 = arith.constant 0 : i32
        %dma_wait3A_924 = arith.constant 0 : i32
        %dma_wait3A_925 = tpu.memref_slice %arg5[%sub3A_869, %dma_wait3A_915, %add3A, %dma_wait3A_923, %dma_wait3A_924] : memref<200x8x32x8x128xf32, #tpu.memory_space<hbm>> -> memref<1x1x1x8x128xf32, #tpu.memory_space<hbm>>
        %dma_wait3A_926 = tpu.memref_squeeze %dma_wait3A_925 : memref<1x1x1x8x128xf32, #tpu.memory_space<hbm>> -> memref<8x128xf32, #tpu.memory_space<hbm>>
        %dma_wait3A_927 = arith.constant 24 : i32
        %dma_wait3A_928 = arith.constant 0 : i32
        %dma_wait3A_929 = tpu.memref_slice %arg11[%dma_wait3A_927, %dma_wait3A_928] : memref<64x128xf32, #tpu.memory_space<vmem>> -> memref<8x128xf32, #tpu.memory_space<vmem>>
        tpu.wait_dma2 semaphore(%arg18 : memref<!tpu.dma_semaphore, #tpu.memory_space<semaphore_mem>>) src(%dma_wait3A_929 : memref<8x128xf32, #tpu.memory_space<vmem>>) dst(%dma_wait3A_926 : memref<8x128xf32, #tpu.memory_space<hbm>>)
        %dma_wait3A_930 = arith.constant 4 : i32
        %dma_wait3A_931 = arith.constant 32 : i32
        %dma_wait3A_932 = arith.constant 0 : i32
        %dma_wait3A_933 = tpu.memref_slice %arg11[%dma_wait3A_931, %dma_wait3A_932] : memref<64x128xf32, #tpu.memory_space<vmem>> -> memref<8x128xf32, #tpu.memory_space<vmem>>
        %dma_wait3A_934 = arith.constant 0 : i32
        %dma_wait3A_935 = arith.constant 0 : i32
        %dma_wait3A_936 = tpu.memref_slice %arg5[%sub3A_869, %dma_wait3A_930, %add3A, %dma_wait3A_934, %dma_wait3A_935] : memref<200x8x32x8x128xf32, #tpu.memory_space<hbm>> -> memref<1x1x1x8x128xf32, #tpu.memory_space<hbm>>
        %dma_wait3A_937 = tpu.memref_squeeze %dma_wait3A_936 : memref<1x1x1x8x128xf32, #tpu.memory_space<hbm>> -> memref<8x128xf32, #tpu.memory_space<hbm>>
        %dma_wait3A_938 = arith.constant 0 : i32
        %dma_wait3A_939 = arith.constant 0 : i32
        %dma_wait3A_940 = tpu.memref_slice %arg5[%sub3A_869, %dma_wait3A_930, %add3A, %dma_wait3A_938, %dma_wait3A_939] : memref<200x8x32x8x128xf32, #tpu.memory_space<hbm>> -> memref<1x1x1x8x128xf32, #tpu.memory_space<hbm>>
        %dma_wait3A_941 = tpu.memref_squeeze %dma_wait3A_940 : memref<1x1x1x8x128xf32, #tpu.memory_space<hbm>> -> memref<8x128xf32, #tpu.memory_space<hbm>>
        %dma_wait3A_942 = arith.constant 32 : i32
        %dma_wait3A_943 = arith.constant 0 : i32
        %dma_wait3A_944 = tpu.memref_slice %arg11[%dma_wait3A_942, %dma_wait3A_943] : memref<64x128xf32, #tpu.memory_space<vmem>> -> memref<8x128xf32, #tpu.memory_space<vmem>>
        tpu.wait_dma2 semaphore(%arg18 : memref<!tpu.dma_semaphore, #tpu.memory_space<semaphore_mem>>) src(%dma_wait3A_944 : memref<8x128xf32, #tpu.memory_space<vmem>>) dst(%dma_wait3A_941 : memref<8x128xf32, #tpu.memory_space<hbm>>)
        %dma_wait3A_945 = arith.constant 5 : i32
        %dma_wait3A_946 = arith.constant 40 : i32
        %dma_wait3A_947 = arith.constant 0 : i32
        %dma_wait3A_948 = tpu.memref_slice %arg11[%dma_wait3A_946, %dma_wait3A_947] : memref<64x128xf32, #tpu.memory_space<vmem>> -> memref<8x128xf32, #tpu.memory_space<vmem>>
        %dma_wait3A_949 = arith.constant 0 : i32
        %dma_wait3A_950 = arith.constant 0 : i32
        %dma_wait3A_951 = tpu.memref_slice %arg5[%sub3A_869, %dma_wait3A_945, %add3A, %dma_wait3A_949, %dma_wait3A_950] : memref<200x8x32x8x128xf32, #tpu.memory_space<hbm>> -> memref<1x1x1x8x128xf32, #tpu.memory_space<hbm>>
        %dma_wait3A_952 = tpu.memref_squeeze %dma_wait3A_951 : memref<1x1x1x8x128xf32, #tpu.memory_space<hbm>> -> memref<8x128xf32, #tpu.memory_space<hbm>>
        %dma_wait3A_953 = arith.constant 0 : i32
        %dma_wait3A_954 = arith.constant 0 : i32
        %dma_wait3A_955 = tpu.memref_slice %arg5[%sub3A_869, %dma_wait3A_945, %add3A, %dma_wait3A_953, %dma_wait3A_954] : memref<200x8x32x8x128xf32, #tpu.memory_space<hbm>> -> memref<1x1x1x8x128xf32, #tpu.memory_space<hbm>>
        %dma_wait3A_956 = tpu.memref_squeeze %dma_wait3A_955 : memref<1x1x1x8x128xf32, #tpu.memory_space<hbm>> -> memref<8x128xf32, #tpu.memory_space<hbm>>
        %dma_wait3A_957 = arith.constant 40 : i32
        %dma_wait3A_958 = arith.constant 0 : i32
        %dma_wait3A_959 = tpu.memref_slice %arg11[%dma_wait3A_957, %dma_wait3A_958] : memref<64x128xf32, #tpu.memory_space<vmem>> -> memref<8x128xf32, #tpu.memory_space<vmem>>
        tpu.wait_dma2 semaphore(%arg18 : memref<!tpu.dma_semaphore, #tpu.memory_space<semaphore_mem>>) src(%dma_wait3A_959 : memref<8x128xf32, #tpu.memory_space<vmem>>) dst(%dma_wait3A_956 : memref<8x128xf32, #tpu.memory_space<hbm>>)
        %dma_wait3A_960 = arith.constant 6 : i32
        %dma_wait3A_961 = arith.constant 48 : i32
        %dma_wait3A_962 = arith.constant 0 : i32
        %dma_wait3A_963 = tpu.memref_slice %arg11[%dma_wait3A_961, %dma_wait3A_962] : memref<64x128xf32, #tpu.memory_space<vmem>> -> memref<8x128xf32, #tpu.memory_space<vmem>>
        %dma_wait3A_964 = arith.constant 0 : i32
        %dma_wait3A_965 = arith.constant 0 : i32
        %dma_wait3A_966 = tpu.memref_slice %arg5[%sub3A_869, %dma_wait3A_960, %add3A, %dma_wait3A_964, %dma_wait3A_965] : memref<200x8x32x8x128xf32, #tpu.memory_space<hbm>> -> memref<1x1x1x8x128xf32, #tpu.memory_space<hbm>>
        %dma_wait3A_967 = tpu.memref_squeeze %dma_wait3A_966 : memref<1x1x1x8x128xf32, #tpu.memory_space<hbm>> -> memref<8x128xf32, #tpu.memory_space<hbm>>
        %dma_wait3A_968 = arith.constant 0 : i32
        %dma_wait3A_969 = arith.constant 0 : i32
        %dma_wait3A_970 = tpu.memref_slice %arg5[%sub3A_869, %dma_wait3A_960, %add3A, %dma_wait3A_968, %dma_wait3A_969] : memref<200x8x32x8x128xf32, #tpu.memory_space<hbm>> -> memref<1x1x1x8x128xf32, #tpu.memory_space<hbm>>
        %dma_wait3A_971 = tpu.memref_squeeze %dma_wait3A_970 : memref<1x1x1x8x128xf32, #tpu.memory_space<hbm>> -> memref<8x128xf32, #tpu.memory_space<hbm>>
        %dma_wait3A_972 = arith.constant 48 : i32
        %dma_wait3A_973 = arith.constant 0 : i32
        %dma_wait3A_974 = tpu.memref_slice %arg11[%dma_wait3A_972, %dma_wait3A_973] : memref<64x128xf32, #tpu.memory_space<vmem>> -> memref<8x128xf32, #tpu.memory_space<vmem>>
        tpu.wait_dma2 semaphore(%arg18 : memref<!tpu.dma_semaphore, #tpu.memory_space<semaphore_mem>>) src(%dma_wait3A_974 : memref<8x128xf32, #tpu.memory_space<vmem>>) dst(%dma_wait3A_971 : memref<8x128xf32, #tpu.memory_space<hbm>>)
        %dma_wait3A_975 = arith.constant 7 : i32
        %dma_wait3A_976 = arith.constant 56 : i32
        %dma_wait3A_977 = arith.constant 0 : i32
        %dma_wait3A_978 = tpu.memref_slice %arg11[%dma_wait3A_976, %dma_wait3A_977] : memref<64x128xf32, #tpu.memory_space<vmem>> -> memref<8x128xf32, #tpu.memory_space<vmem>>
        %dma_wait3A_979 = arith.constant 0 : i32
        %dma_wait3A_980 = arith.constant 0 : i32
        %dma_wait3A_981 = tpu.memref_slice %arg5[%sub3A_869, %dma_wait3A_975, %add3A, %dma_wait3A_979, %dma_wait3A_980] : memref<200x8x32x8x128xf32, #tpu.memory_space<hbm>> -> memref<1x1x1x8x128xf32, #tpu.memory_space<hbm>>
        %dma_wait3A_982 = tpu.memref_squeeze %dma_wait3A_981 : memref<1x1x1x8x128xf32, #tpu.memory_space<hbm>> -> memref<8x128xf32, #tpu.memory_space<hbm>>
        %dma_wait3A_983 = arith.constant 0 : i32
        %dma_wait3A_984 = arith.constant 0 : i32
        %dma_wait3A_985 = tpu.memref_slice %arg5[%sub3A_869, %dma_wait3A_975, %add3A, %dma_wait3A_983, %dma_wait3A_984] : memref<200x8x32x8x128xf32, #tpu.memory_space<hbm>> -> memref<1x1x1x8x128xf32, #tpu.memory_space<hbm>>
        %dma_wait3A_986 = tpu.memref_squeeze %dma_wait3A_985 : memref<1x1x1x8x128xf32, #tpu.memory_space<hbm>> -> memref<8x128xf32, #tpu.memory_space<hbm>>
        %dma_wait3A_987 = arith.constant 56 : i32
        %dma_wait3A_988 = arith.constant 0 : i32
        %dma_wait3A_989 = tpu.memref_slice %arg11[%dma_wait3A_987, %dma_wait3A_988] : memref<64x128xf32, #tpu.memory_space<vmem>> -> memref<8x128xf32, #tpu.memory_space<vmem>>
        tpu.wait_dma2 semaphore(%arg18 : memref<!tpu.dma_semaphore, #tpu.memory_space<semaphore_mem>>) src(%dma_wait3A_989 : memref<8x128xf32, #tpu.memory_space<vmem>>) dst(%dma_wait3A_986 : memref<8x128xf32, #tpu.memory_space<hbm>>)
      } else {
      }
      %mul3A_303 = arith.constant 64 : i32
      %mul3A_304 = arith.muli %add3A_287, %mul3A_303 : i32
      %parallel_loop3A = arith.constant 0 : i32
      %parallel_loop3A_305 = arith.constant 64 : i32
      %parallel_loop3A_306 = arith.constant 1 : i32
      scf.for %parallel_loop3A_868 = %parallel_loop3A to %parallel_loop3A_305 step %parallel_loop3A_306  : i32 {
        %parallel_loop3A_869 = vector.broadcast %parallel_loop3A_868 : i32 to vector<16xi32>
        %parallel_loop3A_870 = arith.addi %iota3A, %parallel_loop3A_869 : vector<16xi32>
        %parallel_loop3A_871 = arith.constant 63 : i32
        %parallel_loop3A_872 = vector.broadcast %parallel_loop3A_871 : i32 to vector<16xi32>
        %parallel_loop3A_873 = arith.andi %parallel_loop3A_870, %parallel_loop3A_872 : vector<16xi32>
        %parallel_loop3A_874 = vector.broadcast %mul3A_304 : i32 to vector<16xi32>
        %parallel_loop3A_875 = arith.addi %parallel_loop3A_873, %parallel_loop3A_874 : vector<16xi32>
        %parallel_loop3A_876 = tpu.vector_load_idx %arg13[%parallel_loop3A_875] : memref<12800xf32, #tpu.memory_space<vmem>>[vector<16xi32>], vector<16xf32>,
        %parallel_loop3A_877 = arith.constant 0 : i32
        %parallel_loop3A_878 = vector.broadcast %parallel_loop3A_877 : i32 to vector<16xi32>
        %parallel_loop3A_879 = arith.addi %iota3A, %parallel_loop3A_878 : vector<16xi32>
        %parallel_loop3A_880 = tpu.vector_load_idx %arg7[%parallel_loop3A_879, %parallel_loop3A_873] : memref<128x64xf32, #tpu.memory_space<vmem>>[vector<16xi32>, vector<16xi32>], vector<16xf32>,
        %parallel_loop3A_881 = arith.addf %parallel_loop3A_880, %parallel_loop3A_876 : vector<16xf32>
        tpu.vector_store_idx %arg11[%parallel_loop3A_873, %parallel_loop3A_879], %parallel_loop3A_881 : memref<64x128xf32, #tpu.memory_space<vmem>>[vector<16xi32>, vector<16xi32>], vector<16xf32>,
        %parallel_loop3A_882 = arith.constant 16 : i32
        %parallel_loop3A_883 = vector.broadcast %parallel_loop3A_882 : i32 to vector<16xi32>
        %parallel_loop3A_884 = arith.addi %iota3A, %parallel_loop3A_883 : vector<16xi32>
        %parallel_loop3A_885 = tpu.vector_load_idx %arg7[%parallel_loop3A_884, %parallel_loop3A_873] : memref<128x64xf32, #tpu.memory_space<vmem>>[vector<16xi32>, vector<16xi32>], vector<16xf32>,
        %parallel_loop3A_886 = arith.addf %parallel_loop3A_885, %parallel_loop3A_876 : vector<16xf32>
        tpu.vector_store_idx %arg11[%parallel_loop3A_873, %parallel_loop3A_884], %parallel_loop3A_886 : memref<64x128xf32, #tpu.memory_space<vmem>>[vector<16xi32>, vector<16xi32>], vector<16xf32>,
        %parallel_loop3A_887 = arith.constant 32 : i32
        %parallel_loop3A_888 = vector.broadcast %parallel_loop3A_887 : i32 to vector<16xi32>
        %parallel_loop3A_889 = arith.addi %iota3A, %parallel_loop3A_888 : vector<16xi32>
        %parallel_loop3A_890 = tpu.vector_load_idx %arg7[%parallel_loop3A_889, %parallel_loop3A_873] : memref<128x64xf32, #tpu.memory_space<vmem>>[vector<16xi32>, vector<16xi32>], vector<16xf32>,
        %parallel_loop3A_891 = arith.addf %parallel_loop3A_890, %parallel_loop3A_876 : vector<16xf32>
        tpu.vector_store_idx %arg11[%parallel_loop3A_873, %parallel_loop3A_889], %parallel_loop3A_891 : memref<64x128xf32, #tpu.memory_space<vmem>>[vector<16xi32>, vector<16xi32>], vector<16xf32>,
        %parallel_loop3A_892 = arith.constant 48 : i32
        %parallel_loop3A_893 = vector.broadcast %parallel_loop3A_892 : i32 to vector<16xi32>
        %parallel_loop3A_894 = arith.addi %iota3A, %parallel_loop3A_893 : vector<16xi32>
        %parallel_loop3A_895 = tpu.vector_load_idx %arg7[%parallel_loop3A_894, %parallel_loop3A_873] : memref<128x64xf32, #tpu.memory_space<vmem>>[vector<16xi32>, vector<16xi32>], vector<16xf32>,
        %parallel_loop3A_896 = arith.addf %parallel_loop3A_895, %parallel_loop3A_876 : vector<16xf32>
        tpu.vector_store_idx %arg11[%parallel_loop3A_873, %parallel_loop3A_894], %parallel_loop3A_896 : memref<64x128xf32, #tpu.memory_space<vmem>>[vector<16xi32>, vector<16xi32>], vector<16xf32>,
        %parallel_loop3A_897 = arith.constant 64 : i32
        %parallel_loop3A_898 = vector.broadcast %parallel_loop3A_897 : i32 to vector<16xi32>
        %parallel_loop3A_899 = arith.addi %iota3A, %parallel_loop3A_898 : vector<16xi32>
        %parallel_loop3A_900 = tpu.vector_load_idx %arg7[%parallel_loop3A_899, %parallel_loop3A_873] : memref<128x64xf32, #tpu.memory_space<vmem>>[vector<16xi32>, vector<16xi32>], vector<16xf32>,
        %parallel_loop3A_901 = arith.addf %parallel_loop3A_900, %parallel_loop3A_876 : vector<16xf32>
        tpu.vector_store_idx %arg11[%parallel_loop3A_873, %parallel_loop3A_899], %parallel_loop3A_901 : memref<64x128xf32, #tpu.memory_space<vmem>>[vector<16xi32>, vector<16xi32>], vector<16xf32>,
        %parallel_loop3A_902 = arith.constant 80 : i32
        %parallel_loop3A_903 = vector.broadcast %parallel_loop3A_902 : i32 to vector<16xi32>
        %parallel_loop3A_904 = arith.addi %iota3A, %parallel_loop3A_903 : vector<16xi32>
        %parallel_loop3A_905 = tpu.vector_load_idx %arg7[%parallel_loop3A_904, %parallel_loop3A_873] : memref<128x64xf32, #tpu.memory_space<vmem>>[vector<16xi32>, vector<16xi32>], vector<16xf32>,
        %parallel_loop3A_906 = arith.addf %parallel_loop3A_905, %parallel_loop3A_876 : vector<16xf32>
        tpu.vector_store_idx %arg11[%parallel_loop3A_873, %parallel_loop3A_904], %parallel_loop3A_906 : memref<64x128xf32, #tpu.memory_space<vmem>>[vector<16xi32>, vector<16xi32>], vector<16xf32>,
        %parallel_loop3A_907 = arith.constant 96 : i32
        %parallel_loop3A_908 = vector.broadcast %parallel_loop3A_907 : i32 to vector<16xi32>
        %parallel_loop3A_909 = arith.addi %iota3A, %parallel_loop3A_908 : vector<16xi32>
        %parallel_loop3A_910 = tpu.vector_load_idx %arg7[%parallel_loop3A_909, %parallel_loop3A_873] : memref<128x64xf32, #tpu.memory_space<vmem>>[vector<16xi32>, vector<16xi32>], vector<16xf32>,
        %parallel_loop3A_911 = arith.addf %parallel_loop3A_910, %parallel_loop3A_876 : vector<16xf32>
        tpu.vector_store_idx %arg11[%parallel_loop3A_873, %parallel_loop3A_909], %parallel_loop3A_911 : memref<64x128xf32, #tpu.memory_space<vmem>>[vector<16xi32>, vector<16xi32>], vector<16xf32>,
        %parallel_loop3A_912 = arith.constant 112 : i32
        %parallel_loop3A_913 = vector.broadcast %parallel_loop3A_912 : i32 to vector<16xi32>
        %parallel_loop3A_914 = arith.addi %iota3A, %parallel_loop3A_913 : vector<16xi32>
        %parallel_loop3A_915 = tpu.vector_load_idx %arg7[%parallel_loop3A_914, %parallel_loop3A_873] : memref<128x64xf32, #tpu.memory_space<vmem>>[vector<16xi32>, vector<16xi32>], vector<16xf32>,
        %parallel_loop3A_916 = arith.addf %parallel_loop3A_915, %parallel_loop3A_876 : vector<16xf32>
        tpu.vector_store_idx %arg11[%parallel_loop3A_873, %parallel_loop3A_914], %parallel_loop3A_916 : memref<64x128xf32, #tpu.memory_space<vmem>>[vector<16xi32>, vector<16xi32>], vector<16xf32>,
      } {sc.loop_unroll_factor = 4 : i64, sc.parallel_access}
      %dma_start3A_307 = arith.constant 0 : i32
      %dma_start3A_308 = arith.constant 0 : i32
      %dma_start3A_309 = arith.constant 0 : i32
      %dma_start3A_310 = tpu.memref_slice %arg11[%dma_start3A_308, %dma_start3A_309] : memref<64x128xf32, #tpu.memory_space<vmem>> -> memref<8x128xf32, #tpu.memory_space<vmem>>
      %dma_start3A_311 = arith.constant 0 : i32
      %dma_start3A_312 = arith.constant 0 : i32
      %dma_start3A_313 = tpu.memref_slice %arg5[%add3A_287, %dma_start3A_307, %add3A, %dma_start3A_311, %dma_start3A_312] : memref<200x8x32x8x128xf32, #tpu.memory_space<hbm>> -> memref<1x1x1x8x128xf32, #tpu.memory_space<hbm>>
      %dma_start3A_314 = tpu.memref_squeeze %dma_start3A_313 : memref<1x1x1x8x128xf32, #tpu.memory_space<hbm>> -> memref<8x128xf32, #tpu.memory_space<hbm>>
      %dma_start3A_315 = arith.constant 0 : i32
      %dma_start3A_316 = arith.constant 0 : i32
      %dma_start3A_317 = tpu.memref_slice %arg5[%add3A_287, %dma_start3A_307, %add3A, %dma_start3A_315, %dma_start3A_316] : memref<200x8x32x8x128xf32, #tpu.memory_space<hbm>> -> memref<1x1x1x8x128xf32, #tpu.memory_space<hbm>>
      %dma_start3A_318 = tpu.memref_squeeze %dma_start3A_317 : memref<1x1x1x8x128xf32, #tpu.memory_space<hbm>> -> memref<8x128xf32, #tpu.memory_space<hbm>>
      %dma_start3A_319 = arith.constant 0 : i32
      %dma_start3A_320 = arith.constant 0 : i32
      %dma_start3A_321 = tpu.memref_slice %arg11[%dma_start3A_319, %dma_start3A_320] : memref<64x128xf32, #tpu.memory_space<vmem>> -> memref<8x128xf32, #tpu.memory_space<vmem>>
      tpu.enqueue_dma source(%dma_start3A_321 : memref<8x128xf32, #tpu.memory_space<vmem>>) target(%dma_start3A_318 : memref<8x128xf32, #tpu.memory_space<hbm>>) target_semaphore(%arg18 : memref<!tpu.dma_semaphore, #tpu.memory_space<semaphore_mem>>)
      %dma_start3A_322 = arith.constant 1 : i32
      %dma_start3A_323 = arith.constant 8 : i32
      %dma_start3A_324 = arith.constant 0 : i32
      %dma_start3A_325 = tpu.memref_slice %arg11[%dma_start3A_323, %dma_start3A_324] : memref<64x128xf32, #tpu.memory_space<vmem>> -> memref<8x128xf32, #tpu.memory_space<vmem>>
      %dma_start3A_326 = arith.constant 0 : i32
      %dma_start3A_327 = arith.constant 0 : i32
      %dma_start3A_328 = tpu.memref_slice %arg5[%add3A_287, %dma_start3A_322, %add3A, %dma_start3A_326, %dma_start3A_327] : memref<200x8x32x8x128xf32, #tpu.memory_space<hbm>> -> memref<1x1x1x8x128xf32, #tpu.memory_space<hbm>>
      %dma_start3A_329 = tpu.memref_squeeze %dma_start3A_328 : memref<1x1x1x8x128xf32, #tpu.memory_space<hbm>> -> memref<8x128xf32, #tpu.memory_space<hbm>>
      %dma_start3A_330 = arith.constant 0 : i32
      %dma_start3A_331 = arith.constant 0 : i32
      %dma_start3A_332 = tpu.memref_slice %arg5[%add3A_287, %dma_start3A_322, %add3A, %dma_start3A_330, %dma_start3A_331] : memref<200x8x32x8x128xf32, #tpu.memory_space<hbm>> -> memref<1x1x1x8x128xf32, #tpu.memory_space<hbm>>
      %dma_start3A_333 = tpu.memref_squeeze %dma_start3A_332 : memref<1x1x1x8x128xf32, #tpu.memory_space<hbm>> -> memref<8x128xf32, #tpu.memory_space<hbm>>
      %dma_start3A_334 = arith.constant 8 : i32
      %dma_start3A_335 = arith.constant 0 : i32
      %dma_start3A_336 = tpu.memref_slice %arg11[%dma_start3A_334, %dma_start3A_335] : memref<64x128xf32, #tpu.memory_space<vmem>> -> memref<8x128xf32, #tpu.memory_space<vmem>>
      tpu.enqueue_dma source(%dma_start3A_336 : memref<8x128xf32, #tpu.memory_space<vmem>>) target(%dma_start3A_333 : memref<8x128xf32, #tpu.memory_space<hbm>>) target_semaphore(%arg18 : memref<!tpu.dma_semaphore, #tpu.memory_space<semaphore_mem>>)
      %dma_start3A_337 = arith.constant 2 : i32
      %dma_start3A_338 = arith.constant 16 : i32
      %dma_start3A_339 = arith.constant 0 : i32
      %dma_start3A_340 = tpu.memref_slice %arg11[%dma_start3A_338, %dma_start3A_339] : memref<64x128xf32, #tpu.memory_space<vmem>> -> memref<8x128xf32, #tpu.memory_space<vmem>>
      %dma_start3A_341 = arith.constant 0 : i32
      %dma_start3A_342 = arith.constant 0 : i32
      %dma_start3A_343 = tpu.memref_slice %arg5[%add3A_287, %dma_start3A_337, %add3A, %dma_start3A_341, %dma_start3A_342] : memref<200x8x32x8x128xf32, #tpu.memory_space<hbm>> -> memref<1x1x1x8x128xf32, #tpu.memory_space<hbm>>
      %dma_start3A_344 = tpu.memref_squeeze %dma_start3A_343 : memref<1x1x1x8x128xf32, #tpu.memory_space<hbm>> -> memref<8x128xf32, #tpu.memory_space<hbm>>
      %dma_start3A_345 = arith.constant 0 : i32
      %dma_start3A_346 = arith.constant 0 : i32
      %dma_start3A_347 = tpu.memref_slice %arg5[%add3A_287, %dma_start3A_337, %add3A, %dma_start3A_345, %dma_start3A_346] : memref<200x8x32x8x128xf32, #tpu.memory_space<hbm>> -> memref<1x1x1x8x128xf32, #tpu.memory_space<hbm>>
      %dma_start3A_348 = tpu.memref_squeeze %dma_start3A_347 : memref<1x1x1x8x128xf32, #tpu.memory_space<hbm>> -> memref<8x128xf32, #tpu.memory_space<hbm>>
      %dma_start3A_349 = arith.constant 16 : i32
      %dma_start3A_350 = arith.constant 0 : i32
      %dma_start3A_351 = tpu.memref_slice %arg11[%dma_start3A_349, %dma_start3A_350] : memref<64x128xf32, #tpu.memory_space<vmem>> -> memref<8x128xf32, #tpu.memory_space<vmem>>
      tpu.enqueue_dma source(%dma_start3A_351 : memref<8x128xf32, #tpu.memory_space<vmem>>) target(%dma_start3A_348 : memref<8x128xf32, #tpu.memory_space<hbm>>) target_semaphore(%arg18 : memref<!tpu.dma_semaphore, #tpu.memory_space<semaphore_mem>>)
      %dma_start3A_352 = arith.constant 3 : i32
      %dma_start3A_353 = arith.constant 24 : i32
      %dma_start3A_354 = arith.constant 0 : i32
      %dma_start3A_355 = tpu.memref_slice %arg11[%dma_start3A_353, %dma_start3A_354] : memref<64x128xf32, #tpu.memory_space<vmem>> -> memref<8x128xf32, #tpu.memory_space<vmem>>
      %dma_start3A_356 = arith.constant 0 : i32
      %dma_start3A_357 = arith.constant 0 : i32
      %dma_start3A_358 = tpu.memref_slice %arg5[%add3A_287, %dma_start3A_352, %add3A, %dma_start3A_356, %dma_start3A_357] : memref<200x8x32x8x128xf32, #tpu.memory_space<hbm>> -> memref<1x1x1x8x128xf32, #tpu.memory_space<hbm>>
      %dma_start3A_359 = tpu.memref_squeeze %dma_start3A_358 : memref<1x1x1x8x128xf32, #tpu.memory_space<hbm>> -> memref<8x128xf32, #tpu.memory_space<hbm>>
      %dma_start3A_360 = arith.constant 0 : i32
      %dma_start3A_361 = arith.constant 0 : i32
      %dma_start3A_362 = tpu.memref_slice %arg5[%add3A_287, %dma_start3A_352, %add3A, %dma_start3A_360, %dma_start3A_361] : memref<200x8x32x8x128xf32, #tpu.memory_space<hbm>> -> memref<1x1x1x8x128xf32, #tpu.memory_space<hbm>>
      %dma_start3A_363 = tpu.memref_squeeze %dma_start3A_362 : memref<1x1x1x8x128xf32, #tpu.memory_space<hbm>> -> memref<8x128xf32, #tpu.memory_space<hbm>>
      %dma_start3A_364 = arith.constant 24 : i32
      %dma_start3A_365 = arith.constant 0 : i32
      %dma_start3A_366 = tpu.memref_slice %arg11[%dma_start3A_364, %dma_start3A_365] : memref<64x128xf32, #tpu.memory_space<vmem>> -> memref<8x128xf32, #tpu.memory_space<vmem>>
      tpu.enqueue_dma source(%dma_start3A_366 : memref<8x128xf32, #tpu.memory_space<vmem>>) target(%dma_start3A_363 : memref<8x128xf32, #tpu.memory_space<hbm>>) target_semaphore(%arg18 : memref<!tpu.dma_semaphore, #tpu.memory_space<semaphore_mem>>)
      %dma_start3A_367 = arith.constant 4 : i32
      %dma_start3A_368 = arith.constant 32 : i32
      %dma_start3A_369 = arith.constant 0 : i32
      %dma_start3A_370 = tpu.memref_slice %arg11[%dma_start3A_368, %dma_start3A_369] : memref<64x128xf32, #tpu.memory_space<vmem>> -> memref<8x128xf32, #tpu.memory_space<vmem>>
      %dma_start3A_371 = arith.constant 0 : i32
      %dma_start3A_372 = arith.constant 0 : i32
      %dma_start3A_373 = tpu.memref_slice %arg5[%add3A_287, %dma_start3A_367, %add3A, %dma_start3A_371, %dma_start3A_372] : memref<200x8x32x8x128xf32, #tpu.memory_space<hbm>> -> memref<1x1x1x8x128xf32, #tpu.memory_space<hbm>>
      %dma_start3A_374 = tpu.memref_squeeze %dma_start3A_373 : memref<1x1x1x8x128xf32, #tpu.memory_space<hbm>> -> memref<8x128xf32, #tpu.memory_space<hbm>>
      %dma_start3A_375 = arith.constant 0 : i32
      %dma_start3A_376 = arith.constant 0 : i32
      %dma_start3A_377 = tpu.memref_slice %arg5[%add3A_287, %dma_start3A_367, %add3A, %dma_start3A_375, %dma_start3A_376] : memref<200x8x32x8x128xf32, #tpu.memory_space<hbm>> -> memref<1x1x1x8x128xf32, #tpu.memory_space<hbm>>
      %dma_start3A_378 = tpu.memref_squeeze %dma_start3A_377 : memref<1x1x1x8x128xf32, #tpu.memory_space<hbm>> -> memref<8x128xf32, #tpu.memory_space<hbm>>
      %dma_start3A_379 = arith.constant 32 : i32
      %dma_start3A_380 = arith.constant 0 : i32
      %dma_start3A_381 = tpu.memref_slice %arg11[%dma_start3A_379, %dma_start3A_380] : memref<64x128xf32, #tpu.memory_space<vmem>> -> memref<8x128xf32, #tpu.memory_space<vmem>>
      tpu.enqueue_dma source(%dma_start3A_381 : memref<8x128xf32, #tpu.memory_space<vmem>>) target(%dma_start3A_378 : memref<8x128xf32, #tpu.memory_space<hbm>>) target_semaphore(%arg18 : memref<!tpu.dma_semaphore, #tpu.memory_space<semaphore_mem>>)
      %dma_start3A_382 = arith.constant 5 : i32
      %dma_start3A_383 = arith.constant 40 : i32
      %dma_start3A_384 = arith.constant 0 : i32
      %dma_start3A_385 = tpu.memref_slice %arg11[%dma_start3A_383, %dma_start3A_384] : memref<64x128xf32, #tpu.memory_space<vmem>> -> memref<8x128xf32, #tpu.memory_space<vmem>>
      %dma_start3A_386 = arith.constant 0 : i32
      %dma_start3A_387 = arith.constant 0 : i32
      %dma_start3A_388 = tpu.memref_slice %arg5[%add3A_287, %dma_start3A_382, %add3A, %dma_start3A_386, %dma_start3A_387] : memref<200x8x32x8x128xf32, #tpu.memory_space<hbm>> -> memref<1x1x1x8x128xf32, #tpu.memory_space<hbm>>
      %dma_start3A_389 = tpu.memref_squeeze %dma_start3A_388 : memref<1x1x1x8x128xf32, #tpu.memory_space<hbm>> -> memref<8x128xf32, #tpu.memory_space<hbm>>
      %dma_start3A_390 = arith.constant 0 : i32
      %dma_start3A_391 = arith.constant 0 : i32
      %dma_start3A_392 = tpu.memref_slice %arg5[%add3A_287, %dma_start3A_382, %add3A, %dma_start3A_390, %dma_start3A_391] : memref<200x8x32x8x128xf32, #tpu.memory_space<hbm>> -> memref<1x1x1x8x128xf32, #tpu.memory_space<hbm>>
      %dma_start3A_393 = tpu.memref_squeeze %dma_start3A_392 : memref<1x1x1x8x128xf32, #tpu.memory_space<hbm>> -> memref<8x128xf32, #tpu.memory_space<hbm>>
      %dma_start3A_394 = arith.constant 40 : i32
      %dma_start3A_395 = arith.constant 0 : i32
      %dma_start3A_396 = tpu.memref_slice %arg11[%dma_start3A_394, %dma_start3A_395] : memref<64x128xf32, #tpu.memory_space<vmem>> -> memref<8x128xf32, #tpu.memory_space<vmem>>
      tpu.enqueue_dma source(%dma_start3A_396 : memref<8x128xf32, #tpu.memory_space<vmem>>) target(%dma_start3A_393 : memref<8x128xf32, #tpu.memory_space<hbm>>) target_semaphore(%arg18 : memref<!tpu.dma_semaphore, #tpu.memory_space<semaphore_mem>>)
      %dma_start3A_397 = arith.constant 6 : i32
      %dma_start3A_398 = arith.constant 48 : i32
      %dma_start3A_399 = arith.constant 0 : i32
      %dma_start3A_400 = tpu.memref_slice %arg11[%dma_start3A_398, %dma_start3A_399] : memref<64x128xf32, #tpu.memory_space<vmem>> -> memref<8x128xf32, #tpu.memory_space<vmem>>
      %dma_start3A_401 = arith.constant 0 : i32
      %dma_start3A_402 = arith.constant 0 : i32
      %dma_start3A_403 = tpu.memref_slice %arg5[%add3A_287, %dma_start3A_397, %add3A, %dma_start3A_401, %dma_start3A_402] : memref<200x8x32x8x128xf32, #tpu.memory_space<hbm>> -> memref<1x1x1x8x128xf32, #tpu.memory_space<hbm>>
      %dma_start3A_404 = tpu.memref_squeeze %dma_start3A_403 : memref<1x1x1x8x128xf32, #tpu.memory_space<hbm>> -> memref<8x128xf32, #tpu.memory_space<hbm>>
      %dma_start3A_405 = arith.constant 0 : i32
      %dma_start3A_406 = arith.constant 0 : i32
      %dma_start3A_407 = tpu.memref_slice %arg5[%add3A_287, %dma_start3A_397, %add3A, %dma_start3A_405, %dma_start3A_406] : memref<200x8x32x8x128xf32, #tpu.memory_space<hbm>> -> memref<1x1x1x8x128xf32, #tpu.memory_space<hbm>>
      %dma_start3A_408 = tpu.memref_squeeze %dma_start3A_407 : memref<1x1x1x8x128xf32, #tpu.memory_space<hbm>> -> memref<8x128xf32, #tpu.memory_space<hbm>>
      %dma_start3A_409 = arith.constant 48 : i32
      %dma_start3A_410 = arith.constant 0 : i32
      %dma_start3A_411 = tpu.memref_slice %arg11[%dma_start3A_409, %dma_start3A_410] : memref<64x128xf32, #tpu.memory_space<vmem>> -> memref<8x128xf32, #tpu.memory_space<vmem>>
      tpu.enqueue_dma source(%dma_start3A_411 : memref<8x128xf32, #tpu.memory_space<vmem>>) target(%dma_start3A_408 : memref<8x128xf32, #tpu.memory_space<hbm>>) target_semaphore(%arg18 : memref<!tpu.dma_semaphore, #tpu.memory_space<semaphore_mem>>)
      %dma_start3A_412 = arith.constant 7 : i32
      %dma_start3A_413 = arith.constant 56 : i32
      %dma_start3A_414 = arith.constant 0 : i32
      %dma_start3A_415 = tpu.memref_slice %arg11[%dma_start3A_413, %dma_start3A_414] : memref<64x128xf32, #tpu.memory_space<vmem>> -> memref<8x128xf32, #tpu.memory_space<vmem>>
      %dma_start3A_416 = arith.constant 0 : i32
      %dma_start3A_417 = arith.constant 0 : i32
      %dma_start3A_418 = tpu.memref_slice %arg5[%add3A_287, %dma_start3A_412, %add3A, %dma_start3A_416, %dma_start3A_417] : memref<200x8x32x8x128xf32, #tpu.memory_space<hbm>> -> memref<1x1x1x8x128xf32, #tpu.memory_space<hbm>>
      %dma_start3A_419 = tpu.memref_squeeze %dma_start3A_418 : memref<1x1x1x8x128xf32, #tpu.memory_space<hbm>> -> memref<8x128xf32, #tpu.memory_space<hbm>>
      %dma_start3A_420 = arith.constant 0 : i32
      %dma_start3A_421 = arith.constant 0 : i32
      %dma_start3A_422 = tpu.memref_slice %arg5[%add3A_287, %dma_start3A_412, %add3A, %dma_start3A_420, %dma_start3A_421] : memref<200x8x32x8x128xf32, #tpu.memory_space<hbm>> -> memref<1x1x1x8x128xf32, #tpu.memory_space<hbm>>
      %dma_start3A_423 = tpu.memref_squeeze %dma_start3A_422 : memref<1x1x1x8x128xf32, #tpu.memory_space<hbm>> -> memref<8x128xf32, #tpu.memory_space<hbm>>
      %dma_start3A_424 = arith.constant 56 : i32
      %dma_start3A_425 = arith.constant 0 : i32
      %dma_start3A_426 = tpu.memref_slice %arg11[%dma_start3A_424, %dma_start3A_425] : memref<64x128xf32, #tpu.memory_space<vmem>> -> memref<8x128xf32, #tpu.memory_space<vmem>>
      tpu.enqueue_dma source(%dma_start3A_426 : memref<8x128xf32, #tpu.memory_space<vmem>>) target(%dma_start3A_423 : memref<8x128xf32, #tpu.memory_space<hbm>>) target_semaphore(%arg18 : memref<!tpu.dma_semaphore, #tpu.memory_space<semaphore_mem>>)
      %add3A_427 = arith.constant 1 : i32
      %add3A_428 = arith.addi %mul3A_285, %add3A_427 : i32
      %dma_wait3A_429 = arith.constant 0 : i32
      %dma_wait3A_430 = tpu.memref_slice %arg6[%add3A_428, %dma_wait3A_429] : memref<200x128xi32, #tpu.memory_space<vmem>> -> memref<1x128xi32, #tpu.memory_space<vmem>>
      %dma_wait3A_431 = tpu.memref_squeeze %dma_wait3A_430 : memref<1x128xi32, #tpu.memory_space<vmem>> -> memref<128xi32, #tpu.memory_space<vmem>>
      %dma_wait3A_432 = arith.constant 0 : i32
      %dma_wait3A_433 = arith.constant 0 : i32
      %dma_wait3A_434 = tpu.memref_slice %arg3[%dma_wait3A_432, %dma_wait3A_433] : memref<1000000x64xf32, #tpu.memory_space<hbm>> -> memref<1000000x64xf32, #tpu.memory_space<hbm>>
      tpu.wait_indirect_dma semaphore(%arg15 : memref<!tpu.dma_semaphore, #tpu.memory_space<semaphore_mem>>) src(%dma_wait3A_434 : memref<1000000x64xf32, #tpu.memory_space<hbm>>) dst(%arg8 : memref<128x64xf32, #tpu.memory_space<vmem>>)
      %add3A_435 = arith.constant 4 : i32
      %add3A_436 = arith.addi %add3A_428, %add3A_435 : i32
      %sub3A_437 = arith.constant 1 : i32
      %sub3A_438 = arith.subi %add3A_436, %sub3A_437 : i32
      %lt3A_439 = arith.constant 200 : i32
      %lt3A_440 = arith.cmpi slt, %sub3A_438, %lt3A_439 : i32
      %convert_element_type3A_441 = arith.extui %lt3A_440 : i1 to i32
      %cond3A_442 = arith.constant 0 : i32
      %cond3A_443 = arith.cmpi ne, %convert_element_type3A_441, %cond3A_442 : i32
      scf.if %cond3A_443 {
        %add3A_868 = arith.constant 4 : i32
        %add3A_869 = arith.addi %add3A_428, %add3A_868 : i32
        %sub3A_870 = arith.constant 1 : i32
        %sub3A_871 = arith.subi %add3A_869, %sub3A_870 : i32
        %dma_start3A_872 = arith.constant 0 : i32
        %dma_start3A_873 = tpu.memref_slice %arg6[%sub3A_871, %dma_start3A_872] : memref<200x128xi32, #tpu.memory_space<vmem>> -> memref<1x128xi32, #tpu.memory_space<vmem>>
        %dma_start3A_874 = tpu.memref_squeeze %dma_start3A_873 : memref<1x128xi32, #tpu.memory_space<vmem>> -> memref<128xi32, #tpu.memory_space<vmem>>
        %dma_start3A_875 = arith.constant 0 : i32
        %dma_start3A_876 = arith.constant 0 : i32
        %dma_start3A_877 = tpu.memref_slice %arg3[%dma_start3A_875, %dma_start3A_876] : memref<1000000x64xf32, #tpu.memory_space<hbm>> -> memref<1000000x64xf32, #tpu.memory_space<hbm>>
        tpu.enqueue_indirect_dma source(%dma_start3A_877 : memref<1000000x64xf32, #tpu.memory_space<hbm>>) target(%arg7 : memref<128x64xf32, #tpu.memory_space<vmem>>) offsets(%dma_start3A_874 : memref<128xi32, #tpu.memory_space<vmem>>) semaphore(%arg14 : memref<!tpu.dma_semaphore, #tpu.memory_space<semaphore_mem>>)
      } else {
      }
      %ge3A_444 = arith.constant 2 : i32
      %ge3A_445 = arith.cmpi sge, %add3A_428, %ge3A_444 : i32
      %convert_element_type3A_446 = arith.extui %ge3A_445 : i1 to i32
      %cond3A_447 = arith.constant 0 : i32
      %cond3A_448 = arith.cmpi ne, %convert_element_type3A_446, %cond3A_447 : i32
      scf.if %cond3A_448 {
        %sub3A_868 = arith.constant 2 : i32
        %sub3A_869 = arith.subi %add3A_428, %sub3A_868 : i32
        %dma_wait3A_870 = arith.constant 0 : i32
        %dma_wait3A_871 = arith.constant 0 : i32
        %dma_wait3A_872 = arith.constant 0 : i32
        %dma_wait3A_873 = tpu.memref_slice %arg12[%dma_wait3A_871, %dma_wait3A_872] : memref<64x128xf32, #tpu.memory_space<vmem>> -> memref<8x128xf32, #tpu.memory_space<vmem>>
        %dma_wait3A_874 = arith.constant 0 : i32
        %dma_wait3A_875 = arith.constant 0 : i32
        %dma_wait3A_876 = tpu.memref_slice %arg5[%sub3A_869, %dma_wait3A_870, %add3A, %dma_wait3A_874, %dma_wait3A_875] : memref<200x8x32x8x128xf32, #tpu.memory_space<hbm>> -> memref<1x1x1x8x128xf32, #tpu.memory_space<hbm>>
        %dma_wait3A_877 = tpu.memref_squeeze %dma_wait3A_876 : memref<1x1x1x8x128xf32, #tpu.memory_space<hbm>> -> memref<8x128xf32, #tpu.memory_space<hbm>>
        %dma_wait3A_878 = arith.constant 0 : i32
        %dma_wait3A_879 = arith.constant 0 : i32
        %dma_wait3A_880 = tpu.memref_slice %arg5[%sub3A_869, %dma_wait3A_870, %add3A, %dma_wait3A_878, %dma_wait3A_879] : memref<200x8x32x8x128xf32, #tpu.memory_space<hbm>> -> memref<1x1x1x8x128xf32, #tpu.memory_space<hbm>>
        %dma_wait3A_881 = tpu.memref_squeeze %dma_wait3A_880 : memref<1x1x1x8x128xf32, #tpu.memory_space<hbm>> -> memref<8x128xf32, #tpu.memory_space<hbm>>
        %dma_wait3A_882 = arith.constant 0 : i32
        %dma_wait3A_883 = arith.constant 0 : i32
        %dma_wait3A_884 = tpu.memref_slice %arg12[%dma_wait3A_882, %dma_wait3A_883] : memref<64x128xf32, #tpu.memory_space<vmem>> -> memref<8x128xf32, #tpu.memory_space<vmem>>
        tpu.wait_dma2 semaphore(%arg19 : memref<!tpu.dma_semaphore, #tpu.memory_space<semaphore_mem>>) src(%dma_wait3A_884 : memref<8x128xf32, #tpu.memory_space<vmem>>) dst(%dma_wait3A_881 : memref<8x128xf32, #tpu.memory_space<hbm>>)
        %dma_wait3A_885 = arith.constant 1 : i32
        %dma_wait3A_886 = arith.constant 8 : i32
        %dma_wait3A_887 = arith.constant 0 : i32
        %dma_wait3A_888 = tpu.memref_slice %arg12[%dma_wait3A_886, %dma_wait3A_887] : memref<64x128xf32, #tpu.memory_space<vmem>> -> memref<8x128xf32, #tpu.memory_space<vmem>>
        %dma_wait3A_889 = arith.constant 0 : i32
        %dma_wait3A_890 = arith.constant 0 : i32
        %dma_wait3A_891 = tpu.memref_slice %arg5[%sub3A_869, %dma_wait3A_885, %add3A, %dma_wait3A_889, %dma_wait3A_890] : memref<200x8x32x8x128xf32, #tpu.memory_space<hbm>> -> memref<1x1x1x8x128xf32, #tpu.memory_space<hbm>>
        %dma_wait3A_892 = tpu.memref_squeeze %dma_wait3A_891 : memref<1x1x1x8x128xf32, #tpu.memory_space<hbm>> -> memref<8x128xf32, #tpu.memory_space<hbm>>
        %dma_wait3A_893 = arith.constant 0 : i32
        %dma_wait3A_894 = arith.constant 0 : i32
        %dma_wait3A_895 = tpu.memref_slice %arg5[%sub3A_869, %dma_wait3A_885, %add3A, %dma_wait3A_893, %dma_wait3A_894] : memref<200x8x32x8x128xf32, #tpu.memory_space<hbm>> -> memref<1x1x1x8x128xf32, #tpu.memory_space<hbm>>
        %dma_wait3A_896 = tpu.memref_squeeze %dma_wait3A_895 : memref<1x1x1x8x128xf32, #tpu.memory_space<hbm>> -> memref<8x128xf32, #tpu.memory_space<hbm>>
        %dma_wait3A_897 = arith.constant 8 : i32
        %dma_wait3A_898 = arith.constant 0 : i32
        %dma_wait3A_899 = tpu.memref_slice %arg12[%dma_wait3A_897, %dma_wait3A_898] : memref<64x128xf32, #tpu.memory_space<vmem>> -> memref<8x128xf32, #tpu.memory_space<vmem>>
        tpu.wait_dma2 semaphore(%arg19 : memref<!tpu.dma_semaphore, #tpu.memory_space<semaphore_mem>>) src(%dma_wait3A_899 : memref<8x128xf32, #tpu.memory_space<vmem>>) dst(%dma_wait3A_896 : memref<8x128xf32, #tpu.memory_space<hbm>>)
        %dma_wait3A_900 = arith.constant 2 : i32
        %dma_wait3A_901 = arith.constant 16 : i32
        %dma_wait3A_902 = arith.constant 0 : i32
        %dma_wait3A_903 = tpu.memref_slice %arg12[%dma_wait3A_901, %dma_wait3A_902] : memref<64x128xf32, #tpu.memory_space<vmem>> -> memref<8x128xf32, #tpu.memory_space<vmem>>
        %dma_wait3A_904 = arith.constant 0 : i32
        %dma_wait3A_905 = arith.constant 0 : i32
        %dma_wait3A_906 = tpu.memref_slice %arg5[%sub3A_869, %dma_wait3A_900, %add3A, %dma_wait3A_904, %dma_wait3A_905] : memref<200x8x32x8x128xf32, #tpu.memory_space<hbm>> -> memref<1x1x1x8x128xf32, #tpu.memory_space<hbm>>
        %dma_wait3A_907 = tpu.memref_squeeze %dma_wait3A_906 : memref<1x1x1x8x128xf32, #tpu.memory_space<hbm>> -> memref<8x128xf32, #tpu.memory_space<hbm>>
        %dma_wait3A_908 = arith.constant 0 : i32
        %dma_wait3A_909 = arith.constant 0 : i32
        %dma_wait3A_910 = tpu.memref_slice %arg5[%sub3A_869, %dma_wait3A_900, %add3A, %dma_wait3A_908, %dma_wait3A_909] : memref<200x8x32x8x128xf32, #tpu.memory_space<hbm>> -> memref<1x1x1x8x128xf32, #tpu.memory_space<hbm>>
        %dma_wait3A_911 = tpu.memref_squeeze %dma_wait3A_910 : memref<1x1x1x8x128xf32, #tpu.memory_space<hbm>> -> memref<8x128xf32, #tpu.memory_space<hbm>>
        %dma_wait3A_912 = arith.constant 16 : i32
        %dma_wait3A_913 = arith.constant 0 : i32
        %dma_wait3A_914 = tpu.memref_slice %arg12[%dma_wait3A_912, %dma_wait3A_913] : memref<64x128xf32, #tpu.memory_space<vmem>> -> memref<8x128xf32, #tpu.memory_space<vmem>>
        tpu.wait_dma2 semaphore(%arg19 : memref<!tpu.dma_semaphore, #tpu.memory_space<semaphore_mem>>) src(%dma_wait3A_914 : memref<8x128xf32, #tpu.memory_space<vmem>>) dst(%dma_wait3A_911 : memref<8x128xf32, #tpu.memory_space<hbm>>)
        %dma_wait3A_915 = arith.constant 3 : i32
        %dma_wait3A_916 = arith.constant 24 : i32
        %dma_wait3A_917 = arith.constant 0 : i32
        %dma_wait3A_918 = tpu.memref_slice %arg12[%dma_wait3A_916, %dma_wait3A_917] : memref<64x128xf32, #tpu.memory_space<vmem>> -> memref<8x128xf32, #tpu.memory_space<vmem>>
        %dma_wait3A_919 = arith.constant 0 : i32
        %dma_wait3A_920 = arith.constant 0 : i32
        %dma_wait3A_921 = tpu.memref_slice %arg5[%sub3A_869, %dma_wait3A_915, %add3A, %dma_wait3A_919, %dma_wait3A_920] : memref<200x8x32x8x128xf32, #tpu.memory_space<hbm>> -> memref<1x1x1x8x128xf32, #tpu.memory_space<hbm>>
        %dma_wait3A_922 = tpu.memref_squeeze %dma_wait3A_921 : memref<1x1x1x8x128xf32, #tpu.memory_space<hbm>> -> memref<8x128xf32, #tpu.memory_space<hbm>>
        %dma_wait3A_923 = arith.constant 0 : i32
        %dma_wait3A_924 = arith.constant 0 : i32
        %dma_wait3A_925 = tpu.memref_slice %arg5[%sub3A_869, %dma_wait3A_915, %add3A, %dma_wait3A_923, %dma_wait3A_924] : memref<200x8x32x8x128xf32, #tpu.memory_space<hbm>> -> memref<1x1x1x8x128xf32, #tpu.memory_space<hbm>>
        %dma_wait3A_926 = tpu.memref_squeeze %dma_wait3A_925 : memref<1x1x1x8x128xf32, #tpu.memory_space<hbm>> -> memref<8x128xf32, #tpu.memory_space<hbm>>
        %dma_wait3A_927 = arith.constant 24 : i32
        %dma_wait3A_928 = arith.constant 0 : i32
        %dma_wait3A_929 = tpu.memref_slice %arg12[%dma_wait3A_927, %dma_wait3A_928] : memref<64x128xf32, #tpu.memory_space<vmem>> -> memref<8x128xf32, #tpu.memory_space<vmem>>
        tpu.wait_dma2 semaphore(%arg19 : memref<!tpu.dma_semaphore, #tpu.memory_space<semaphore_mem>>) src(%dma_wait3A_929 : memref<8x128xf32, #tpu.memory_space<vmem>>) dst(%dma_wait3A_926 : memref<8x128xf32, #tpu.memory_space<hbm>>)
        %dma_wait3A_930 = arith.constant 4 : i32
        %dma_wait3A_931 = arith.constant 32 : i32
        %dma_wait3A_932 = arith.constant 0 : i32
        %dma_wait3A_933 = tpu.memref_slice %arg12[%dma_wait3A_931, %dma_wait3A_932] : memref<64x128xf32, #tpu.memory_space<vmem>> -> memref<8x128xf32, #tpu.memory_space<vmem>>
        %dma_wait3A_934 = arith.constant 0 : i32
        %dma_wait3A_935 = arith.constant 0 : i32
        %dma_wait3A_936 = tpu.memref_slice %arg5[%sub3A_869, %dma_wait3A_930, %add3A, %dma_wait3A_934, %dma_wait3A_935] : memref<200x8x32x8x128xf32, #tpu.memory_space<hbm>> -> memref<1x1x1x8x128xf32, #tpu.memory_space<hbm>>
        %dma_wait3A_937 = tpu.memref_squeeze %dma_wait3A_936 : memref<1x1x1x8x128xf32, #tpu.memory_space<hbm>> -> memref<8x128xf32, #tpu.memory_space<hbm>>
        %dma_wait3A_938 = arith.constant 0 : i32
        %dma_wait3A_939 = arith.constant 0 : i32
        %dma_wait3A_940 = tpu.memref_slice %arg5[%sub3A_869, %dma_wait3A_930, %add3A, %dma_wait3A_938, %dma_wait3A_939] : memref<200x8x32x8x128xf32, #tpu.memory_space<hbm>> -> memref<1x1x1x8x128xf32, #tpu.memory_space<hbm>>
        %dma_wait3A_941 = tpu.memref_squeeze %dma_wait3A_940 : memref<1x1x1x8x128xf32, #tpu.memory_space<hbm>> -> memref<8x128xf32, #tpu.memory_space<hbm>>
        %dma_wait3A_942 = arith.constant 32 : i32
        %dma_wait3A_943 = arith.constant 0 : i32
        %dma_wait3A_944 = tpu.memref_slice %arg12[%dma_wait3A_942, %dma_wait3A_943] : memref<64x128xf32, #tpu.memory_space<vmem>> -> memref<8x128xf32, #tpu.memory_space<vmem>>
        tpu.wait_dma2 semaphore(%arg19 : memref<!tpu.dma_semaphore, #tpu.memory_space<semaphore_mem>>) src(%dma_wait3A_944 : memref<8x128xf32, #tpu.memory_space<vmem>>) dst(%dma_wait3A_941 : memref<8x128xf32, #tpu.memory_space<hbm>>)
        %dma_wait3A_945 = arith.constant 5 : i32
        %dma_wait3A_946 = arith.constant 40 : i32
        %dma_wait3A_947 = arith.constant 0 : i32
        %dma_wait3A_948 = tpu.memref_slice %arg12[%dma_wait3A_946, %dma_wait3A_947] : memref<64x128xf32, #tpu.memory_space<vmem>> -> memref<8x128xf32, #tpu.memory_space<vmem>>
        %dma_wait3A_949 = arith.constant 0 : i32
        %dma_wait3A_950 = arith.constant 0 : i32
        %dma_wait3A_951 = tpu.memref_slice %arg5[%sub3A_869, %dma_wait3A_945, %add3A, %dma_wait3A_949, %dma_wait3A_950] : memref<200x8x32x8x128xf32, #tpu.memory_space<hbm>> -> memref<1x1x1x8x128xf32, #tpu.memory_space<hbm>>
        %dma_wait3A_952 = tpu.memref_squeeze %dma_wait3A_951 : memref<1x1x1x8x128xf32, #tpu.memory_space<hbm>> -> memref<8x128xf32, #tpu.memory_space<hbm>>
        %dma_wait3A_953 = arith.constant 0 : i32
        %dma_wait3A_954 = arith.constant 0 : i32
        %dma_wait3A_955 = tpu.memref_slice %arg5[%sub3A_869, %dma_wait3A_945, %add3A, %dma_wait3A_953, %dma_wait3A_954] : memref<200x8x32x8x128xf32, #tpu.memory_space<hbm>> -> memref<1x1x1x8x128xf32, #tpu.memory_space<hbm>>
        %dma_wait3A_956 = tpu.memref_squeeze %dma_wait3A_955 : memref<1x1x1x8x128xf32, #tpu.memory_space<hbm>> -> memref<8x128xf32, #tpu.memory_space<hbm>>
        %dma_wait3A_957 = arith.constant 40 : i32
        %dma_wait3A_958 = arith.constant 0 : i32
        %dma_wait3A_959 = tpu.memref_slice %arg12[%dma_wait3A_957, %dma_wait3A_958] : memref<64x128xf32, #tpu.memory_space<vmem>> -> memref<8x128xf32, #tpu.memory_space<vmem>>
        tpu.wait_dma2 semaphore(%arg19 : memref<!tpu.dma_semaphore, #tpu.memory_space<semaphore_mem>>) src(%dma_wait3A_959 : memref<8x128xf32, #tpu.memory_space<vmem>>) dst(%dma_wait3A_956 : memref<8x128xf32, #tpu.memory_space<hbm>>)
        %dma_wait3A_960 = arith.constant 6 : i32
        %dma_wait3A_961 = arith.constant 48 : i32
        %dma_wait3A_962 = arith.constant 0 : i32
        %dma_wait3A_963 = tpu.memref_slice %arg12[%dma_wait3A_961, %dma_wait3A_962] : memref<64x128xf32, #tpu.memory_space<vmem>> -> memref<8x128xf32, #tpu.memory_space<vmem>>
        %dma_wait3A_964 = arith.constant 0 : i32
        %dma_wait3A_965 = arith.constant 0 : i32
        %dma_wait3A_966 = tpu.memref_slice %arg5[%sub3A_869, %dma_wait3A_960, %add3A, %dma_wait3A_964, %dma_wait3A_965] : memref<200x8x32x8x128xf32, #tpu.memory_space<hbm>> -> memref<1x1x1x8x128xf32, #tpu.memory_space<hbm>>
        %dma_wait3A_967 = tpu.memref_squeeze %dma_wait3A_966 : memref<1x1x1x8x128xf32, #tpu.memory_space<hbm>> -> memref<8x128xf32, #tpu.memory_space<hbm>>
        %dma_wait3A_968 = arith.constant 0 : i32
        %dma_wait3A_969 = arith.constant 0 : i32
        %dma_wait3A_970 = tpu.memref_slice %arg5[%sub3A_869, %dma_wait3A_960, %add3A, %dma_wait3A_968, %dma_wait3A_969] : memref<200x8x32x8x128xf32, #tpu.memory_space<hbm>> -> memref<1x1x1x8x128xf32, #tpu.memory_space<hbm>>
        %dma_wait3A_971 = tpu.memref_squeeze %dma_wait3A_970 : memref<1x1x1x8x128xf32, #tpu.memory_space<hbm>> -> memref<8x128xf32, #tpu.memory_space<hbm>>
        %dma_wait3A_972 = arith.constant 48 : i32
        %dma_wait3A_973 = arith.constant 0 : i32
        %dma_wait3A_974 = tpu.memref_slice %arg12[%dma_wait3A_972, %dma_wait3A_973] : memref<64x128xf32, #tpu.memory_space<vmem>> -> memref<8x128xf32, #tpu.memory_space<vmem>>
        tpu.wait_dma2 semaphore(%arg19 : memref<!tpu.dma_semaphore, #tpu.memory_space<semaphore_mem>>) src(%dma_wait3A_974 : memref<8x128xf32, #tpu.memory_space<vmem>>) dst(%dma_wait3A_971 : memref<8x128xf32, #tpu.memory_space<hbm>>)
        %dma_wait3A_975 = arith.constant 7 : i32
        %dma_wait3A_976 = arith.constant 56 : i32
        %dma_wait3A_977 = arith.constant 0 : i32
        %dma_wait3A_978 = tpu.memref_slice %arg12[%dma_wait3A_976, %dma_wait3A_977] : memref<64x128xf32, #tpu.memory_space<vmem>> -> memref<8x128xf32, #tpu.memory_space<vmem>>
        %dma_wait3A_979 = arith.constant 0 : i32
        %dma_wait3A_980 = arith.constant 0 : i32
        %dma_wait3A_981 = tpu.memref_slice %arg5[%sub3A_869, %dma_wait3A_975, %add3A, %dma_wait3A_979, %dma_wait3A_980] : memref<200x8x32x8x128xf32, #tpu.memory_space<hbm>> -> memref<1x1x1x8x128xf32, #tpu.memory_space<hbm>>
        %dma_wait3A_982 = tpu.memref_squeeze %dma_wait3A_981 : memref<1x1x1x8x128xf32, #tpu.memory_space<hbm>> -> memref<8x128xf32, #tpu.memory_space<hbm>>
        %dma_wait3A_983 = arith.constant 0 : i32
        %dma_wait3A_984 = arith.constant 0 : i32
        %dma_wait3A_985 = tpu.memref_slice %arg5[%sub3A_869, %dma_wait3A_975, %add3A, %dma_wait3A_983, %dma_wait3A_984] : memref<200x8x32x8x128xf32, #tpu.memory_space<hbm>> -> memref<1x1x1x8x128xf32, #tpu.memory_space<hbm>>
        %dma_wait3A_986 = tpu.memref_squeeze %dma_wait3A_985 : memref<1x1x1x8x128xf32, #tpu.memory_space<hbm>> -> memref<8x128xf32, #tpu.memory_space<hbm>>
        %dma_wait3A_987 = arith.constant 56 : i32
        %dma_wait3A_988 = arith.constant 0 : i32
        %dma_wait3A_989 = tpu.memref_slice %arg12[%dma_wait3A_987, %dma_wait3A_988] : memref<64x128xf32, #tpu.memory_space<vmem>> -> memref<8x128xf32, #tpu.memory_space<vmem>>
        tpu.wait_dma2 semaphore(%arg19 : memref<!tpu.dma_semaphore, #tpu.memory_space<semaphore_mem>>) src(%dma_wait3A_989 : memref<8x128xf32, #tpu.memory_space<vmem>>) dst(%dma_wait3A_986 : memref<8x128xf32, #tpu.memory_space<hbm>>)
      } else {
      }
      %mul3A_449 = arith.constant 64 : i32
      %mul3A_450 = arith.muli %add3A_428, %mul3A_449 : i32
      %parallel_loop3A_451 = arith.constant 0 : i32
      %parallel_loop3A_452 = arith.constant 64 : i32
      %parallel_loop3A_453 = arith.constant 1 : i32
      scf.for %parallel_loop3A_868 = %parallel_loop3A_451 to %parallel_loop3A_452 step %parallel_loop3A_453  : i32 {
        %parallel_loop3A_869 = vector.broadcast %parallel_loop3A_868 : i32 to vector<16xi32>
        %parallel_loop3A_870 = arith.addi %iota3A, %parallel_loop3A_869 : vector<16xi32>
        %parallel_loop3A_871 = arith.constant 63 : i32
        %parallel_loop3A_872 = vector.broadcast %parallel_loop3A_871 : i32 to vector<16xi32>
        %parallel_loop3A_873 = arith.andi %parallel_loop3A_870, %parallel_loop3A_872 : vector<16xi32>
        %parallel_loop3A_874 = vector.broadcast %mul3A_450 : i32 to vector<16xi32>
        %parallel_loop3A_875 = arith.addi %parallel_loop3A_873, %parallel_loop3A_874 : vector<16xi32>
        %parallel_loop3A_876 = tpu.vector_load_idx %arg13[%parallel_loop3A_875] : memref<12800xf32, #tpu.memory_space<vmem>>[vector<16xi32>], vector<16xf32>,
        %parallel_loop3A_877 = arith.constant 0 : i32
        %parallel_loop3A_878 = vector.broadcast %parallel_loop3A_877 : i32 to vector<16xi32>
        %parallel_loop3A_879 = arith.addi %iota3A, %parallel_loop3A_878 : vector<16xi32>
        %parallel_loop3A_880 = tpu.vector_load_idx %arg8[%parallel_loop3A_879, %parallel_loop3A_873] : memref<128x64xf32, #tpu.memory_space<vmem>>[vector<16xi32>, vector<16xi32>], vector<16xf32>,
        %parallel_loop3A_881 = arith.addf %parallel_loop3A_880, %parallel_loop3A_876 : vector<16xf32>
        tpu.vector_store_idx %arg12[%parallel_loop3A_873, %parallel_loop3A_879], %parallel_loop3A_881 : memref<64x128xf32, #tpu.memory_space<vmem>>[vector<16xi32>, vector<16xi32>], vector<16xf32>,
        %parallel_loop3A_882 = arith.constant 16 : i32
        %parallel_loop3A_883 = vector.broadcast %parallel_loop3A_882 : i32 to vector<16xi32>
        %parallel_loop3A_884 = arith.addi %iota3A, %parallel_loop3A_883 : vector<16xi32>
        %parallel_loop3A_885 = tpu.vector_load_idx %arg8[%parallel_loop3A_884, %parallel_loop3A_873] : memref<128x64xf32, #tpu.memory_space<vmem>>[vector<16xi32>, vector<16xi32>], vector<16xf32>,
        %parallel_loop3A_886 = arith.addf %parallel_loop3A_885, %parallel_loop3A_876 : vector<16xf32>
        tpu.vector_store_idx %arg12[%parallel_loop3A_873, %parallel_loop3A_884], %parallel_loop3A_886 : memref<64x128xf32, #tpu.memory_space<vmem>>[vector<16xi32>, vector<16xi32>], vector<16xf32>,
        %parallel_loop3A_887 = arith.constant 32 : i32
        %parallel_loop3A_888 = vector.broadcast %parallel_loop3A_887 : i32 to vector<16xi32>
        %parallel_loop3A_889 = arith.addi %iota3A, %parallel_loop3A_888 : vector<16xi32>
        %parallel_loop3A_890 = tpu.vector_load_idx %arg8[%parallel_loop3A_889, %parallel_loop3A_873] : memref<128x64xf32, #tpu.memory_space<vmem>>[vector<16xi32>, vector<16xi32>], vector<16xf32>,
        %parallel_loop3A_891 = arith.addf %parallel_loop3A_890, %parallel_loop3A_876 : vector<16xf32>
        tpu.vector_store_idx %arg12[%parallel_loop3A_873, %parallel_loop3A_889], %parallel_loop3A_891 : memref<64x128xf32, #tpu.memory_space<vmem>>[vector<16xi32>, vector<16xi32>], vector<16xf32>,
        %parallel_loop3A_892 = arith.constant 48 : i32
        %parallel_loop3A_893 = vector.broadcast %parallel_loop3A_892 : i32 to vector<16xi32>
        %parallel_loop3A_894 = arith.addi %iota3A, %parallel_loop3A_893 : vector<16xi32>
        %parallel_loop3A_895 = tpu.vector_load_idx %arg8[%parallel_loop3A_894, %parallel_loop3A_873] : memref<128x64xf32, #tpu.memory_space<vmem>>[vector<16xi32>, vector<16xi32>], vector<16xf32>,
        %parallel_loop3A_896 = arith.addf %parallel_loop3A_895, %parallel_loop3A_876 : vector<16xf32>
        tpu.vector_store_idx %arg12[%parallel_loop3A_873, %parallel_loop3A_894], %parallel_loop3A_896 : memref<64x128xf32, #tpu.memory_space<vmem>>[vector<16xi32>, vector<16xi32>], vector<16xf32>,
        %parallel_loop3A_897 = arith.constant 64 : i32
        %parallel_loop3A_898 = vector.broadcast %parallel_loop3A_897 : i32 to vector<16xi32>
        %parallel_loop3A_899 = arith.addi %iota3A, %parallel_loop3A_898 : vector<16xi32>
        %parallel_loop3A_900 = tpu.vector_load_idx %arg8[%parallel_loop3A_899, %parallel_loop3A_873] : memref<128x64xf32, #tpu.memory_space<vmem>>[vector<16xi32>, vector<16xi32>], vector<16xf32>,
        %parallel_loop3A_901 = arith.addf %parallel_loop3A_900, %parallel_loop3A_876 : vector<16xf32>
        tpu.vector_store_idx %arg12[%parallel_loop3A_873, %parallel_loop3A_899], %parallel_loop3A_901 : memref<64x128xf32, #tpu.memory_space<vmem>>[vector<16xi32>, vector<16xi32>], vector<16xf32>,
        %parallel_loop3A_902 = arith.constant 80 : i32
        %parallel_loop3A_903 = vector.broadcast %parallel_loop3A_902 : i32 to vector<16xi32>
        %parallel_loop3A_904 = arith.addi %iota3A, %parallel_loop3A_903 : vector<16xi32>
        %parallel_loop3A_905 = tpu.vector_load_idx %arg8[%parallel_loop3A_904, %parallel_loop3A_873] : memref<128x64xf32, #tpu.memory_space<vmem>>[vector<16xi32>, vector<16xi32>], vector<16xf32>,
        %parallel_loop3A_906 = arith.addf %parallel_loop3A_905, %parallel_loop3A_876 : vector<16xf32>
        tpu.vector_store_idx %arg12[%parallel_loop3A_873, %parallel_loop3A_904], %parallel_loop3A_906 : memref<64x128xf32, #tpu.memory_space<vmem>>[vector<16xi32>, vector<16xi32>], vector<16xf32>,
        %parallel_loop3A_907 = arith.constant 96 : i32
        %parallel_loop3A_908 = vector.broadcast %parallel_loop3A_907 : i32 to vector<16xi32>
        %parallel_loop3A_909 = arith.addi %iota3A, %parallel_loop3A_908 : vector<16xi32>
        %parallel_loop3A_910 = tpu.vector_load_idx %arg8[%parallel_loop3A_909, %parallel_loop3A_873] : memref<128x64xf32, #tpu.memory_space<vmem>>[vector<16xi32>, vector<16xi32>], vector<16xf32>,
        %parallel_loop3A_911 = arith.addf %parallel_loop3A_910, %parallel_loop3A_876 : vector<16xf32>
        tpu.vector_store_idx %arg12[%parallel_loop3A_873, %parallel_loop3A_909], %parallel_loop3A_911 : memref<64x128xf32, #tpu.memory_space<vmem>>[vector<16xi32>, vector<16xi32>], vector<16xf32>,
        %parallel_loop3A_912 = arith.constant 112 : i32
        %parallel_loop3A_913 = vector.broadcast %parallel_loop3A_912 : i32 to vector<16xi32>
        %parallel_loop3A_914 = arith.addi %iota3A, %parallel_loop3A_913 : vector<16xi32>
        %parallel_loop3A_915 = tpu.vector_load_idx %arg8[%parallel_loop3A_914, %parallel_loop3A_873] : memref<128x64xf32, #tpu.memory_space<vmem>>[vector<16xi32>, vector<16xi32>], vector<16xf32>,
        %parallel_loop3A_916 = arith.addf %parallel_loop3A_915, %parallel_loop3A_876 : vector<16xf32>
        tpu.vector_store_idx %arg12[%parallel_loop3A_873, %parallel_loop3A_914], %parallel_loop3A_916 : memref<64x128xf32, #tpu.memory_space<vmem>>[vector<16xi32>, vector<16xi32>], vector<16xf32>,
      } {sc.loop_unroll_factor = 4 : i64, sc.parallel_access}
      %dma_start3A_454 = arith.constant 0 : i32
      %dma_start3A_455 = arith.constant 0 : i32
      %dma_start3A_456 = arith.constant 0 : i32
      %dma_start3A_457 = tpu.memref_slice %arg12[%dma_start3A_455, %dma_start3A_456] : memref<64x128xf32, #tpu.memory_space<vmem>> -> memref<8x128xf32, #tpu.memory_space<vmem>>
      %dma_start3A_458 = arith.constant 0 : i32
      %dma_start3A_459 = arith.constant 0 : i32
      %dma_start3A_460 = tpu.memref_slice %arg5[%add3A_428, %dma_start3A_454, %add3A, %dma_start3A_458, %dma_start3A_459] : memref<200x8x32x8x128xf32, #tpu.memory_space<hbm>> -> memref<1x1x1x8x128xf32, #tpu.memory_space<hbm>>
      %dma_start3A_461 = tpu.memref_squeeze %dma_start3A_460 : memref<1x1x1x8x128xf32, #tpu.memory_space<hbm>> -> memref<8x128xf32, #tpu.memory_space<hbm>>
      %dma_start3A_462 = arith.constant 0 : i32
      %dma_start3A_463 = arith.constant 0 : i32
      %dma_start3A_464 = tpu.memref_slice %arg5[%add3A_428, %dma_start3A_454, %add3A, %dma_start3A_462, %dma_start3A_463] : memref<200x8x32x8x128xf32, #tpu.memory_space<hbm>> -> memref<1x1x1x8x128xf32, #tpu.memory_space<hbm>>
      %dma_start3A_465 = tpu.memref_squeeze %dma_start3A_464 : memref<1x1x1x8x128xf32, #tpu.memory_space<hbm>> -> memref<8x128xf32, #tpu.memory_space<hbm>>
      %dma_start3A_466 = arith.constant 0 : i32
      %dma_start3A_467 = arith.constant 0 : i32
      %dma_start3A_468 = tpu.memref_slice %arg12[%dma_start3A_466, %dma_start3A_467] : memref<64x128xf32, #tpu.memory_space<vmem>> -> memref<8x128xf32, #tpu.memory_space<vmem>>
      tpu.enqueue_dma source(%dma_start3A_468 : memref<8x128xf32, #tpu.memory_space<vmem>>) target(%dma_start3A_465 : memref<8x128xf32, #tpu.memory_space<hbm>>) target_semaphore(%arg19 : memref<!tpu.dma_semaphore, #tpu.memory_space<semaphore_mem>>)
      %dma_start3A_469 = arith.constant 1 : i32
      %dma_start3A_470 = arith.constant 8 : i32
      %dma_start3A_471 = arith.constant 0 : i32
      %dma_start3A_472 = tpu.memref_slice %arg12[%dma_start3A_470, %dma_start3A_471] : memref<64x128xf32, #tpu.memory_space<vmem>> -> memref<8x128xf32, #tpu.memory_space<vmem>>
      %dma_start3A_473 = arith.constant 0 : i32
      %dma_start3A_474 = arith.constant 0 : i32
      %dma_start3A_475 = tpu.memref_slice %arg5[%add3A_428, %dma_start3A_469, %add3A, %dma_start3A_473, %dma_start3A_474] : memref<200x8x32x8x128xf32, #tpu.memory_space<hbm>> -> memref<1x1x1x8x128xf32, #tpu.memory_space<hbm>>
      %dma_start3A_476 = tpu.memref_squeeze %dma_start3A_475 : memref<1x1x1x8x128xf32, #tpu.memory_space<hbm>> -> memref<8x128xf32, #tpu.memory_space<hbm>>
      %dma_start3A_477 = arith.constant 0 : i32
      %dma_start3A_478 = arith.constant 0 : i32
      %dma_start3A_479 = tpu.memref_slice %arg5[%add3A_428, %dma_start3A_469, %add3A, %dma_start3A_477, %dma_start3A_478] : memref<200x8x32x8x128xf32, #tpu.memory_space<hbm>> -> memref<1x1x1x8x128xf32, #tpu.memory_space<hbm>>
      %dma_start3A_480 = tpu.memref_squeeze %dma_start3A_479 : memref<1x1x1x8x128xf32, #tpu.memory_space<hbm>> -> memref<8x128xf32, #tpu.memory_space<hbm>>
      %dma_start3A_481 = arith.constant 8 : i32
      %dma_start3A_482 = arith.constant 0 : i32
      %dma_start3A_483 = tpu.memref_slice %arg12[%dma_start3A_481, %dma_start3A_482] : memref<64x128xf32, #tpu.memory_space<vmem>> -> memref<8x128xf32, #tpu.memory_space<vmem>>
      tpu.enqueue_dma source(%dma_start3A_483 : memref<8x128xf32, #tpu.memory_space<vmem>>) target(%dma_start3A_480 : memref<8x128xf32, #tpu.memory_space<hbm>>) target_semaphore(%arg19 : memref<!tpu.dma_semaphore, #tpu.memory_space<semaphore_mem>>)
      %dma_start3A_484 = arith.constant 2 : i32
      %dma_start3A_485 = arith.constant 16 : i32
      %dma_start3A_486 = arith.constant 0 : i32
      %dma_start3A_487 = tpu.memref_slice %arg12[%dma_start3A_485, %dma_start3A_486] : memref<64x128xf32, #tpu.memory_space<vmem>> -> memref<8x128xf32, #tpu.memory_space<vmem>>
      %dma_start3A_488 = arith.constant 0 : i32
      %dma_start3A_489 = arith.constant 0 : i32
      %dma_start3A_490 = tpu.memref_slice %arg5[%add3A_428, %dma_start3A_484, %add3A, %dma_start3A_488, %dma_start3A_489] : memref<200x8x32x8x128xf32, #tpu.memory_space<hbm>> -> memref<1x1x1x8x128xf32, #tpu.memory_space<hbm>>
      %dma_start3A_491 = tpu.memref_squeeze %dma_start3A_490 : memref<1x1x1x8x128xf32, #tpu.memory_space<hbm>> -> memref<8x128xf32, #tpu.memory_space<hbm>>
      %dma_start3A_492 = arith.constant 0 : i32
      %dma_start3A_493 = arith.constant 0 : i32
      %dma_start3A_494 = tpu.memref_slice %arg5[%add3A_428, %dma_start3A_484, %add3A, %dma_start3A_492, %dma_start3A_493] : memref<200x8x32x8x128xf32, #tpu.memory_space<hbm>> -> memref<1x1x1x8x128xf32, #tpu.memory_space<hbm>>
      %dma_start3A_495 = tpu.memref_squeeze %dma_start3A_494 : memref<1x1x1x8x128xf32, #tpu.memory_space<hbm>> -> memref<8x128xf32, #tpu.memory_space<hbm>>
      %dma_start3A_496 = arith.constant 16 : i32
      %dma_start3A_497 = arith.constant 0 : i32
      %dma_start3A_498 = tpu.memref_slice %arg12[%dma_start3A_496, %dma_start3A_497] : memref<64x128xf32, #tpu.memory_space<vmem>> -> memref<8x128xf32, #tpu.memory_space<vmem>>
      tpu.enqueue_dma source(%dma_start3A_498 : memref<8x128xf32, #tpu.memory_space<vmem>>) target(%dma_start3A_495 : memref<8x128xf32, #tpu.memory_space<hbm>>) target_semaphore(%arg19 : memref<!tpu.dma_semaphore, #tpu.memory_space<semaphore_mem>>)
      %dma_start3A_499 = arith.constant 3 : i32
      %dma_start3A_500 = arith.constant 24 : i32
      %dma_start3A_501 = arith.constant 0 : i32
      %dma_start3A_502 = tpu.memref_slice %arg12[%dma_start3A_500, %dma_start3A_501] : memref<64x128xf32, #tpu.memory_space<vmem>> -> memref<8x128xf32, #tpu.memory_space<vmem>>
      %dma_start3A_503 = arith.constant 0 : i32
      %dma_start3A_504 = arith.constant 0 : i32
      %dma_start3A_505 = tpu.memref_slice %arg5[%add3A_428, %dma_start3A_499, %add3A, %dma_start3A_503, %dma_start3A_504] : memref<200x8x32x8x128xf32, #tpu.memory_space<hbm>> -> memref<1x1x1x8x128xf32, #tpu.memory_space<hbm>>
      %dma_start3A_506 = tpu.memref_squeeze %dma_start3A_505 : memref<1x1x1x8x128xf32, #tpu.memory_space<hbm>> -> memref<8x128xf32, #tpu.memory_space<hbm>>
      %dma_start3A_507 = arith.constant 0 : i32
      %dma_start3A_508 = arith.constant 0 : i32
      %dma_start3A_509 = tpu.memref_slice %arg5[%add3A_428, %dma_start3A_499, %add3A, %dma_start3A_507, %dma_start3A_508] : memref<200x8x32x8x128xf32, #tpu.memory_space<hbm>> -> memref<1x1x1x8x128xf32, #tpu.memory_space<hbm>>
      %dma_start3A_510 = tpu.memref_squeeze %dma_start3A_509 : memref<1x1x1x8x128xf32, #tpu.memory_space<hbm>> -> memref<8x128xf32, #tpu.memory_space<hbm>>
      %dma_start3A_511 = arith.constant 24 : i32
      %dma_start3A_512 = arith.constant 0 : i32
      %dma_start3A_513 = tpu.memref_slice %arg12[%dma_start3A_511, %dma_start3A_512] : memref<64x128xf32, #tpu.memory_space<vmem>> -> memref<8x128xf32, #tpu.memory_space<vmem>>
      tpu.enqueue_dma source(%dma_start3A_513 : memref<8x128xf32, #tpu.memory_space<vmem>>) target(%dma_start3A_510 : memref<8x128xf32, #tpu.memory_space<hbm>>) target_semaphore(%arg19 : memref<!tpu.dma_semaphore, #tpu.memory_space<semaphore_mem>>)
      %dma_start3A_514 = arith.constant 4 : i32
      %dma_start3A_515 = arith.constant 32 : i32
      %dma_start3A_516 = arith.constant 0 : i32
      %dma_start3A_517 = tpu.memref_slice %arg12[%dma_start3A_515, %dma_start3A_516] : memref<64x128xf32, #tpu.memory_space<vmem>> -> memref<8x128xf32, #tpu.memory_space<vmem>>
      %dma_start3A_518 = arith.constant 0 : i32
      %dma_start3A_519 = arith.constant 0 : i32
      %dma_start3A_520 = tpu.memref_slice %arg5[%add3A_428, %dma_start3A_514, %add3A, %dma_start3A_518, %dma_start3A_519] : memref<200x8x32x8x128xf32, #tpu.memory_space<hbm>> -> memref<1x1x1x8x128xf32, #tpu.memory_space<hbm>>
      %dma_start3A_521 = tpu.memref_squeeze %dma_start3A_520 : memref<1x1x1x8x128xf32, #tpu.memory_space<hbm>> -> memref<8x128xf32, #tpu.memory_space<hbm>>
      %dma_start3A_522 = arith.constant 0 : i32
      %dma_start3A_523 = arith.constant 0 : i32
      %dma_start3A_524 = tpu.memref_slice %arg5[%add3A_428, %dma_start3A_514, %add3A, %dma_start3A_522, %dma_start3A_523] : memref<200x8x32x8x128xf32, #tpu.memory_space<hbm>> -> memref<1x1x1x8x128xf32, #tpu.memory_space<hbm>>
      %dma_start3A_525 = tpu.memref_squeeze %dma_start3A_524 : memref<1x1x1x8x128xf32, #tpu.memory_space<hbm>> -> memref<8x128xf32, #tpu.memory_space<hbm>>
      %dma_start3A_526 = arith.constant 32 : i32
      %dma_start3A_527 = arith.constant 0 : i32
      %dma_start3A_528 = tpu.memref_slice %arg12[%dma_start3A_526, %dma_start3A_527] : memref<64x128xf32, #tpu.memory_space<vmem>> -> memref<8x128xf32, #tpu.memory_space<vmem>>
      tpu.enqueue_dma source(%dma_start3A_528 : memref<8x128xf32, #tpu.memory_space<vmem>>) target(%dma_start3A_525 : memref<8x128xf32, #tpu.memory_space<hbm>>) target_semaphore(%arg19 : memref<!tpu.dma_semaphore, #tpu.memory_space<semaphore_mem>>)
      %dma_start3A_529 = arith.constant 5 : i32
      %dma_start3A_530 = arith.constant 40 : i32
      %dma_start3A_531 = arith.constant 0 : i32
      %dma_start3A_532 = tpu.memref_slice %arg12[%dma_start3A_530, %dma_start3A_531] : memref<64x128xf32, #tpu.memory_space<vmem>> -> memref<8x128xf32, #tpu.memory_space<vmem>>
      %dma_start3A_533 = arith.constant 0 : i32
      %dma_start3A_534 = arith.constant 0 : i32
      %dma_start3A_535 = tpu.memref_slice %arg5[%add3A_428, %dma_start3A_529, %add3A, %dma_start3A_533, %dma_start3A_534] : memref<200x8x32x8x128xf32, #tpu.memory_space<hbm>> -> memref<1x1x1x8x128xf32, #tpu.memory_space<hbm>>
      %dma_start3A_536 = tpu.memref_squeeze %dma_start3A_535 : memref<1x1x1x8x128xf32, #tpu.memory_space<hbm>> -> memref<8x128xf32, #tpu.memory_space<hbm>>
      %dma_start3A_537 = arith.constant 0 : i32
      %dma_start3A_538 = arith.constant 0 : i32
      %dma_start3A_539 = tpu.memref_slice %arg5[%add3A_428, %dma_start3A_529, %add3A, %dma_start3A_537, %dma_start3A_538] : memref<200x8x32x8x128xf32, #tpu.memory_space<hbm>> -> memref<1x1x1x8x128xf32, #tpu.memory_space<hbm>>
      %dma_start3A_540 = tpu.memref_squeeze %dma_start3A_539 : memref<1x1x1x8x128xf32, #tpu.memory_space<hbm>> -> memref<8x128xf32, #tpu.memory_space<hbm>>
      %dma_start3A_541 = arith.constant 40 : i32
      %dma_start3A_542 = arith.constant 0 : i32
      %dma_start3A_543 = tpu.memref_slice %arg12[%dma_start3A_541, %dma_start3A_542] : memref<64x128xf32, #tpu.memory_space<vmem>> -> memref<8x128xf32, #tpu.memory_space<vmem>>
      tpu.enqueue_dma source(%dma_start3A_543 : memref<8x128xf32, #tpu.memory_space<vmem>>) target(%dma_start3A_540 : memref<8x128xf32, #tpu.memory_space<hbm>>) target_semaphore(%arg19 : memref<!tpu.dma_semaphore, #tpu.memory_space<semaphore_mem>>)
      %dma_start3A_544 = arith.constant 6 : i32
      %dma_start3A_545 = arith.constant 48 : i32
      %dma_start3A_546 = arith.constant 0 : i32
      %dma_start3A_547 = tpu.memref_slice %arg12[%dma_start3A_545, %dma_start3A_546] : memref<64x128xf32, #tpu.memory_space<vmem>> -> memref<8x128xf32, #tpu.memory_space<vmem>>
      %dma_start3A_548 = arith.constant 0 : i32
      %dma_start3A_549 = arith.constant 0 : i32
      %dma_start3A_550 = tpu.memref_slice %arg5[%add3A_428, %dma_start3A_544, %add3A, %dma_start3A_548, %dma_start3A_549] : memref<200x8x32x8x128xf32, #tpu.memory_space<hbm>> -> memref<1x1x1x8x128xf32, #tpu.memory_space<hbm>>
      %dma_start3A_551 = tpu.memref_squeeze %dma_start3A_550 : memref<1x1x1x8x128xf32, #tpu.memory_space<hbm>> -> memref<8x128xf32, #tpu.memory_space<hbm>>
      %dma_start3A_552 = arith.constant 0 : i32
      %dma_start3A_553 = arith.constant 0 : i32
      %dma_start3A_554 = tpu.memref_slice %arg5[%add3A_428, %dma_start3A_544, %add3A, %dma_start3A_552, %dma_start3A_553] : memref<200x8x32x8x128xf32, #tpu.memory_space<hbm>> -> memref<1x1x1x8x128xf32, #tpu.memory_space<hbm>>
      %dma_start3A_555 = tpu.memref_squeeze %dma_start3A_554 : memref<1x1x1x8x128xf32, #tpu.memory_space<hbm>> -> memref<8x128xf32, #tpu.memory_space<hbm>>
      %dma_start3A_556 = arith.constant 48 : i32
      %dma_start3A_557 = arith.constant 0 : i32
      %dma_start3A_558 = tpu.memref_slice %arg12[%dma_start3A_556, %dma_start3A_557] : memref<64x128xf32, #tpu.memory_space<vmem>> -> memref<8x128xf32, #tpu.memory_space<vmem>>
      tpu.enqueue_dma source(%dma_start3A_558 : memref<8x128xf32, #tpu.memory_space<vmem>>) target(%dma_start3A_555 : memref<8x128xf32, #tpu.memory_space<hbm>>) target_semaphore(%arg19 : memref<!tpu.dma_semaphore, #tpu.memory_space<semaphore_mem>>)
      %dma_start3A_559 = arith.constant 7 : i32
      %dma_start3A_560 = arith.constant 56 : i32
      %dma_start3A_561 = arith.constant 0 : i32
      %dma_start3A_562 = tpu.memref_slice %arg12[%dma_start3A_560, %dma_start3A_561] : memref<64x128xf32, #tpu.memory_space<vmem>> -> memref<8x128xf32, #tpu.memory_space<vmem>>
      %dma_start3A_563 = arith.constant 0 : i32
      %dma_start3A_564 = arith.constant 0 : i32
      %dma_start3A_565 = tpu.memref_slice %arg5[%add3A_428, %dma_start3A_559, %add3A, %dma_start3A_563, %dma_start3A_564] : memref<200x8x32x8x128xf32, #tpu.memory_space<hbm>> -> memref<1x1x1x8x128xf32, #tpu.memory_space<hbm>>
      %dma_start3A_566 = tpu.memref_squeeze %dma_start3A_565 : memref<1x1x1x8x128xf32, #tpu.memory_space<hbm>> -> memref<8x128xf32, #tpu.memory_space<hbm>>
      %dma_start3A_567 = arith.constant 0 : i32
      %dma_start3A_568 = arith.constant 0 : i32
      %dma_start3A_569 = tpu.memref_slice %arg5[%add3A_428, %dma_start3A_559, %add3A, %dma_start3A_567, %dma_start3A_568] : memref<200x8x32x8x128xf32, #tpu.memory_space<hbm>> -> memref<1x1x1x8x128xf32, #tpu.memory_space<hbm>>
      %dma_start3A_570 = tpu.memref_squeeze %dma_start3A_569 : memref<1x1x1x8x128xf32, #tpu.memory_space<hbm>> -> memref<8x128xf32, #tpu.memory_space<hbm>>
      %dma_start3A_571 = arith.constant 56 : i32
      %dma_start3A_572 = arith.constant 0 : i32
      %dma_start3A_573 = tpu.memref_slice %arg12[%dma_start3A_571, %dma_start3A_572] : memref<64x128xf32, #tpu.memory_space<vmem>> -> memref<8x128xf32, #tpu.memory_space<vmem>>
      tpu.enqueue_dma source(%dma_start3A_573 : memref<8x128xf32, #tpu.memory_space<vmem>>) target(%dma_start3A_570 : memref<8x128xf32, #tpu.memory_space<hbm>>) target_semaphore(%arg19 : memref<!tpu.dma_semaphore, #tpu.memory_space<semaphore_mem>>)
      %add3A_574 = arith.constant 2 : i32
      %add3A_575 = arith.addi %mul3A_285, %add3A_574 : i32
      %dma_wait3A_576 = arith.constant 0 : i32
      %dma_wait3A_577 = tpu.memref_slice %arg6[%add3A_575, %dma_wait3A_576] : memref<200x128xi32, #tpu.memory_space<vmem>> -> memref<1x128xi32, #tpu.memory_space<vmem>>
      %dma_wait3A_578 = tpu.memref_squeeze %dma_wait3A_577 : memref<1x128xi32, #tpu.memory_space<vmem>> -> memref<128xi32, #tpu.memory_space<vmem>>
      %dma_wait3A_579 = arith.constant 0 : i32
      %dma_wait3A_580 = arith.constant 0 : i32
      %dma_wait3A_581 = tpu.memref_slice %arg3[%dma_wait3A_579, %dma_wait3A_580] : memref<1000000x64xf32, #tpu.memory_space<hbm>> -> memref<1000000x64xf32, #tpu.memory_space<hbm>>
      tpu.wait_indirect_dma semaphore(%arg16 : memref<!tpu.dma_semaphore, #tpu.memory_space<semaphore_mem>>) src(%dma_wait3A_581 : memref<1000000x64xf32, #tpu.memory_space<hbm>>) dst(%arg9 : memref<128x64xf32, #tpu.memory_space<vmem>>)
      %add3A_582 = arith.constant 4 : i32
      %add3A_583 = arith.addi %add3A_575, %add3A_582 : i32
      %sub3A_584 = arith.constant 1 : i32
      %sub3A_585 = arith.subi %add3A_583, %sub3A_584 : i32
      %lt3A_586 = arith.constant 200 : i32
      %lt3A_587 = arith.cmpi slt, %sub3A_585, %lt3A_586 : i32
      %convert_element_type3A_588 = arith.extui %lt3A_587 : i1 to i32
      %cond3A_589 = arith.constant 0 : i32
      %cond3A_590 = arith.cmpi ne, %convert_element_type3A_588, %cond3A_589 : i32
      scf.if %cond3A_590 {
        %add3A_868 = arith.constant 4 : i32
        %add3A_869 = arith.addi %add3A_575, %add3A_868 : i32
        %sub3A_870 = arith.constant 1 : i32
        %sub3A_871 = arith.subi %add3A_869, %sub3A_870 : i32
        %dma_start3A_872 = arith.constant 0 : i32
        %dma_start3A_873 = tpu.memref_slice %arg6[%sub3A_871, %dma_start3A_872] : memref<200x128xi32, #tpu.memory_space<vmem>> -> memref<1x128xi32, #tpu.memory_space<vmem>>
        %dma_start3A_874 = tpu.memref_squeeze %dma_start3A_873 : memref<1x128xi32, #tpu.memory_space<vmem>> -> memref<128xi32, #tpu.memory_space<vmem>>
        %dma_start3A_875 = arith.constant 0 : i32
        %dma_start3A_876 = arith.constant 0 : i32
        %dma_start3A_877 = tpu.memref_slice %arg3[%dma_start3A_875, %dma_start3A_876] : memref<1000000x64xf32, #tpu.memory_space<hbm>> -> memref<1000000x64xf32, #tpu.memory_space<hbm>>
        tpu.enqueue_indirect_dma source(%dma_start3A_877 : memref<1000000x64xf32, #tpu.memory_space<hbm>>) target(%arg8 : memref<128x64xf32, #tpu.memory_space<vmem>>) offsets(%dma_start3A_874 : memref<128xi32, #tpu.memory_space<vmem>>) semaphore(%arg15 : memref<!tpu.dma_semaphore, #tpu.memory_space<semaphore_mem>>)
      } else {
      }
      %ge3A_591 = arith.constant 2 : i32
      %ge3A_592 = arith.cmpi sge, %add3A_575, %ge3A_591 : i32
      %convert_element_type3A_593 = arith.extui %ge3A_592 : i1 to i32
      %cond3A_594 = arith.constant 0 : i32
      %cond3A_595 = arith.cmpi ne, %convert_element_type3A_593, %cond3A_594 : i32
      scf.if %cond3A_595 {
        %sub3A_868 = arith.constant 2 : i32
        %sub3A_869 = arith.subi %add3A_575, %sub3A_868 : i32
        %dma_wait3A_870 = arith.constant 0 : i32
        %dma_wait3A_871 = arith.constant 0 : i32
        %dma_wait3A_872 = arith.constant 0 : i32
        %dma_wait3A_873 = tpu.memref_slice %arg11[%dma_wait3A_871, %dma_wait3A_872] : memref<64x128xf32, #tpu.memory_space<vmem>> -> memref<8x128xf32, #tpu.memory_space<vmem>>
        %dma_wait3A_874 = arith.constant 0 : i32
        %dma_wait3A_875 = arith.constant 0 : i32
        %dma_wait3A_876 = tpu.memref_slice %arg5[%sub3A_869, %dma_wait3A_870, %add3A, %dma_wait3A_874, %dma_wait3A_875] : memref<200x8x32x8x128xf32, #tpu.memory_space<hbm>> -> memref<1x1x1x8x128xf32, #tpu.memory_space<hbm>>
        %dma_wait3A_877 = tpu.memref_squeeze %dma_wait3A_876 : memref<1x1x1x8x128xf32, #tpu.memory_space<hbm>> -> memref<8x128xf32, #tpu.memory_space<hbm>>
        %dma_wait3A_878 = arith.constant 0 : i32
        %dma_wait3A_879 = arith.constant 0 : i32
        %dma_wait3A_880 = tpu.memref_slice %arg5[%sub3A_869, %dma_wait3A_870, %add3A, %dma_wait3A_878, %dma_wait3A_879] : memref<200x8x32x8x128xf32, #tpu.memory_space<hbm>> -> memref<1x1x1x8x128xf32, #tpu.memory_space<hbm>>
        %dma_wait3A_881 = tpu.memref_squeeze %dma_wait3A_880 : memref<1x1x1x8x128xf32, #tpu.memory_space<hbm>> -> memref<8x128xf32, #tpu.memory_space<hbm>>
        %dma_wait3A_882 = arith.constant 0 : i32
        %dma_wait3A_883 = arith.constant 0 : i32
        %dma_wait3A_884 = tpu.memref_slice %arg11[%dma_wait3A_882, %dma_wait3A_883] : memref<64x128xf32, #tpu.memory_space<vmem>> -> memref<8x128xf32, #tpu.memory_space<vmem>>
        tpu.wait_dma2 semaphore(%arg18 : memref<!tpu.dma_semaphore, #tpu.memory_space<semaphore_mem>>) src(%dma_wait3A_884 : memref<8x128xf32, #tpu.memory_space<vmem>>) dst(%dma_wait3A_881 : memref<8x128xf32, #tpu.memory_space<hbm>>)
        %dma_wait3A_885 = arith.constant 1 : i32
        %dma_wait3A_886 = arith.constant 8 : i32
        %dma_wait3A_887 = arith.constant 0 : i32
        %dma_wait3A_888 = tpu.memref_slice %arg11[%dma_wait3A_886, %dma_wait3A_887] : memref<64x128xf32, #tpu.memory_space<vmem>> -> memref<8x128xf32, #tpu.memory_space<vmem>>
        %dma_wait3A_889 = arith.constant 0 : i32
        %dma_wait3A_890 = arith.constant 0 : i32
        %dma_wait3A_891 = tpu.memref_slice %arg5[%sub3A_869, %dma_wait3A_885, %add3A, %dma_wait3A_889, %dma_wait3A_890] : memref<200x8x32x8x128xf32, #tpu.memory_space<hbm>> -> memref<1x1x1x8x128xf32, #tpu.memory_space<hbm>>
        %dma_wait3A_892 = tpu.memref_squeeze %dma_wait3A_891 : memref<1x1x1x8x128xf32, #tpu.memory_space<hbm>> -> memref<8x128xf32, #tpu.memory_space<hbm>>
        %dma_wait3A_893 = arith.constant 0 : i32
        %dma_wait3A_894 = arith.constant 0 : i32
        %dma_wait3A_895 = tpu.memref_slice %arg5[%sub3A_869, %dma_wait3A_885, %add3A, %dma_wait3A_893, %dma_wait3A_894] : memref<200x8x32x8x128xf32, #tpu.memory_space<hbm>> -> memref<1x1x1x8x128xf32, #tpu.memory_space<hbm>>
        %dma_wait3A_896 = tpu.memref_squeeze %dma_wait3A_895 : memref<1x1x1x8x128xf32, #tpu.memory_space<hbm>> -> memref<8x128xf32, #tpu.memory_space<hbm>>
        %dma_wait3A_897 = arith.constant 8 : i32
        %dma_wait3A_898 = arith.constant 0 : i32
        %dma_wait3A_899 = tpu.memref_slice %arg11[%dma_wait3A_897, %dma_wait3A_898] : memref<64x128xf32, #tpu.memory_space<vmem>> -> memref<8x128xf32, #tpu.memory_space<vmem>>
        tpu.wait_dma2 semaphore(%arg18 : memref<!tpu.dma_semaphore, #tpu.memory_space<semaphore_mem>>) src(%dma_wait3A_899 : memref<8x128xf32, #tpu.memory_space<vmem>>) dst(%dma_wait3A_896 : memref<8x128xf32, #tpu.memory_space<hbm>>)
        %dma_wait3A_900 = arith.constant 2 : i32
        %dma_wait3A_901 = arith.constant 16 : i32
        %dma_wait3A_902 = arith.constant 0 : i32
        %dma_wait3A_903 = tpu.memref_slice %arg11[%dma_wait3A_901, %dma_wait3A_902] : memref<64x128xf32, #tpu.memory_space<vmem>> -> memref<8x128xf32, #tpu.memory_space<vmem>>
        %dma_wait3A_904 = arith.constant 0 : i32
        %dma_wait3A_905 = arith.constant 0 : i32
        %dma_wait3A_906 = tpu.memref_slice %arg5[%sub3A_869, %dma_wait3A_900, %add3A, %dma_wait3A_904, %dma_wait3A_905] : memref<200x8x32x8x128xf32, #tpu.memory_space<hbm>> -> memref<1x1x1x8x128xf32, #tpu.memory_space<hbm>>
        %dma_wait3A_907 = tpu.memref_squeeze %dma_wait3A_906 : memref<1x1x1x8x128xf32, #tpu.memory_space<hbm>> -> memref<8x128xf32, #tpu.memory_space<hbm>>
        %dma_wait3A_908 = arith.constant 0 : i32
        %dma_wait3A_909 = arith.constant 0 : i32
        %dma_wait3A_910 = tpu.memref_slice %arg5[%sub3A_869, %dma_wait3A_900, %add3A, %dma_wait3A_908, %dma_wait3A_909] : memref<200x8x32x8x128xf32, #tpu.memory_space<hbm>> -> memref<1x1x1x8x128xf32, #tpu.memory_space<hbm>>
        %dma_wait3A_911 = tpu.memref_squeeze %dma_wait3A_910 : memref<1x1x1x8x128xf32, #tpu.memory_space<hbm>> -> memref<8x128xf32, #tpu.memory_space<hbm>>
        %dma_wait3A_912 = arith.constant 16 : i32
        %dma_wait3A_913 = arith.constant 0 : i32
        %dma_wait3A_914 = tpu.memref_slice %arg11[%dma_wait3A_912, %dma_wait3A_913] : memref<64x128xf32, #tpu.memory_space<vmem>> -> memref<8x128xf32, #tpu.memory_space<vmem>>
        tpu.wait_dma2 semaphore(%arg18 : memref<!tpu.dma_semaphore, #tpu.memory_space<semaphore_mem>>) src(%dma_wait3A_914 : memref<8x128xf32, #tpu.memory_space<vmem>>) dst(%dma_wait3A_911 : memref<8x128xf32, #tpu.memory_space<hbm>>)
        %dma_wait3A_915 = arith.constant 3 : i32
        %dma_wait3A_916 = arith.constant 24 : i32
        %dma_wait3A_917 = arith.constant 0 : i32
        %dma_wait3A_918 = tpu.memref_slice %arg11[%dma_wait3A_916, %dma_wait3A_917] : memref<64x128xf32, #tpu.memory_space<vmem>> -> memref<8x128xf32, #tpu.memory_space<vmem>>
        %dma_wait3A_919 = arith.constant 0 : i32
        %dma_wait3A_920 = arith.constant 0 : i32
        %dma_wait3A_921 = tpu.memref_slice %arg5[%sub3A_869, %dma_wait3A_915, %add3A, %dma_wait3A_919, %dma_wait3A_920] : memref<200x8x32x8x128xf32, #tpu.memory_space<hbm>> -> memref<1x1x1x8x128xf32, #tpu.memory_space<hbm>>
        %dma_wait3A_922 = tpu.memref_squeeze %dma_wait3A_921 : memref<1x1x1x8x128xf32, #tpu.memory_space<hbm>> -> memref<8x128xf32, #tpu.memory_space<hbm>>
        %dma_wait3A_923 = arith.constant 0 : i32
        %dma_wait3A_924 = arith.constant 0 : i32
        %dma_wait3A_925 = tpu.memref_slice %arg5[%sub3A_869, %dma_wait3A_915, %add3A, %dma_wait3A_923, %dma_wait3A_924] : memref<200x8x32x8x128xf32, #tpu.memory_space<hbm>> -> memref<1x1x1x8x128xf32, #tpu.memory_space<hbm>>
        %dma_wait3A_926 = tpu.memref_squeeze %dma_wait3A_925 : memref<1x1x1x8x128xf32, #tpu.memory_space<hbm>> -> memref<8x128xf32, #tpu.memory_space<hbm>>
        %dma_wait3A_927 = arith.constant 24 : i32
        %dma_wait3A_928 = arith.constant 0 : i32
        %dma_wait3A_929 = tpu.memref_slice %arg11[%dma_wait3A_927, %dma_wait3A_928] : memref<64x128xf32, #tpu.memory_space<vmem>> -> memref<8x128xf32, #tpu.memory_space<vmem>>
        tpu.wait_dma2 semaphore(%arg18 : memref<!tpu.dma_semaphore, #tpu.memory_space<semaphore_mem>>) src(%dma_wait3A_929 : memref<8x128xf32, #tpu.memory_space<vmem>>) dst(%dma_wait3A_926 : memref<8x128xf32, #tpu.memory_space<hbm>>)
        %dma_wait3A_930 = arith.constant 4 : i32
        %dma_wait3A_931 = arith.constant 32 : i32
        %dma_wait3A_932 = arith.constant 0 : i32
        %dma_wait3A_933 = tpu.memref_slice %arg11[%dma_wait3A_931, %dma_wait3A_932] : memref<64x128xf32, #tpu.memory_space<vmem>> -> memref<8x128xf32, #tpu.memory_space<vmem>>
        %dma_wait3A_934 = arith.constant 0 : i32
        %dma_wait3A_935 = arith.constant 0 : i32
        %dma_wait3A_936 = tpu.memref_slice %arg5[%sub3A_869, %dma_wait3A_930, %add3A, %dma_wait3A_934, %dma_wait3A_935] : memref<200x8x32x8x128xf32, #tpu.memory_space<hbm>> -> memref<1x1x1x8x128xf32, #tpu.memory_space<hbm>>
        %dma_wait3A_937 = tpu.memref_squeeze %dma_wait3A_936 : memref<1x1x1x8x128xf32, #tpu.memory_space<hbm>> -> memref<8x128xf32, #tpu.memory_space<hbm>>
        %dma_wait3A_938 = arith.constant 0 : i32
        %dma_wait3A_939 = arith.constant 0 : i32
        %dma_wait3A_940 = tpu.memref_slice %arg5[%sub3A_869, %dma_wait3A_930, %add3A, %dma_wait3A_938, %dma_wait3A_939] : memref<200x8x32x8x128xf32, #tpu.memory_space<hbm>> -> memref<1x1x1x8x128xf32, #tpu.memory_space<hbm>>
        %dma_wait3A_941 = tpu.memref_squeeze %dma_wait3A_940 : memref<1x1x1x8x128xf32, #tpu.memory_space<hbm>> -> memref<8x128xf32, #tpu.memory_space<hbm>>
        %dma_wait3A_942 = arith.constant 32 : i32
        %dma_wait3A_943 = arith.constant 0 : i32
        %dma_wait3A_944 = tpu.memref_slice %arg11[%dma_wait3A_942, %dma_wait3A_943] : memref<64x128xf32, #tpu.memory_space<vmem>> -> memref<8x128xf32, #tpu.memory_space<vmem>>
        tpu.wait_dma2 semaphore(%arg18 : memref<!tpu.dma_semaphore, #tpu.memory_space<semaphore_mem>>) src(%dma_wait3A_944 : memref<8x128xf32, #tpu.memory_space<vmem>>) dst(%dma_wait3A_941 : memref<8x128xf32, #tpu.memory_space<hbm>>)
        %dma_wait3A_945 = arith.constant 5 : i32
        %dma_wait3A_946 = arith.constant 40 : i32
        %dma_wait3A_947 = arith.constant 0 : i32
        %dma_wait3A_948 = tpu.memref_slice %arg11[%dma_wait3A_946, %dma_wait3A_947] : memref<64x128xf32, #tpu.memory_space<vmem>> -> memref<8x128xf32, #tpu.memory_space<vmem>>
        %dma_wait3A_949 = arith.constant 0 : i32
        %dma_wait3A_950 = arith.constant 0 : i32
        %dma_wait3A_951 = tpu.memref_slice %arg5[%sub3A_869, %dma_wait3A_945, %add3A, %dma_wait3A_949, %dma_wait3A_950] : memref<200x8x32x8x128xf32, #tpu.memory_space<hbm>> -> memref<1x1x1x8x128xf32, #tpu.memory_space<hbm>>
        %dma_wait3A_952 = tpu.memref_squeeze %dma_wait3A_951 : memref<1x1x1x8x128xf32, #tpu.memory_space<hbm>> -> memref<8x128xf32, #tpu.memory_space<hbm>>
        %dma_wait3A_953 = arith.constant 0 : i32
        %dma_wait3A_954 = arith.constant 0 : i32
        %dma_wait3A_955 = tpu.memref_slice %arg5[%sub3A_869, %dma_wait3A_945, %add3A, %dma_wait3A_953, %dma_wait3A_954] : memref<200x8x32x8x128xf32, #tpu.memory_space<hbm>> -> memref<1x1x1x8x128xf32, #tpu.memory_space<hbm>>
        %dma_wait3A_956 = tpu.memref_squeeze %dma_wait3A_955 : memref<1x1x1x8x128xf32, #tpu.memory_space<hbm>> -> memref<8x128xf32, #tpu.memory_space<hbm>>
        %dma_wait3A_957 = arith.constant 40 : i32
        %dma_wait3A_958 = arith.constant 0 : i32
        %dma_wait3A_959 = tpu.memref_slice %arg11[%dma_wait3A_957, %dma_wait3A_958] : memref<64x128xf32, #tpu.memory_space<vmem>> -> memref<8x128xf32, #tpu.memory_space<vmem>>
        tpu.wait_dma2 semaphore(%arg18 : memref<!tpu.dma_semaphore, #tpu.memory_space<semaphore_mem>>) src(%dma_wait3A_959 : memref<8x128xf32, #tpu.memory_space<vmem>>) dst(%dma_wait3A_956 : memref<8x128xf32, #tpu.memory_space<hbm>>)
        %dma_wait3A_960 = arith.constant 6 : i32
        %dma_wait3A_961 = arith.constant 48 : i32
        %dma_wait3A_962 = arith.constant 0 : i32
        %dma_wait3A_963 = tpu.memref_slice %arg11[%dma_wait3A_961, %dma_wait3A_962] : memref<64x128xf32, #tpu.memory_space<vmem>> -> memref<8x128xf32, #tpu.memory_space<vmem>>
        %dma_wait3A_964 = arith.constant 0 : i32
        %dma_wait3A_965 = arith.constant 0 : i32
        %dma_wait3A_966 = tpu.memref_slice %arg5[%sub3A_869, %dma_wait3A_960, %add3A, %dma_wait3A_964, %dma_wait3A_965] : memref<200x8x32x8x128xf32, #tpu.memory_space<hbm>> -> memref<1x1x1x8x128xf32, #tpu.memory_space<hbm>>
        %dma_wait3A_967 = tpu.memref_squeeze %dma_wait3A_966 : memref<1x1x1x8x128xf32, #tpu.memory_space<hbm>> -> memref<8x128xf32, #tpu.memory_space<hbm>>
        %dma_wait3A_968 = arith.constant 0 : i32
        %dma_wait3A_969 = arith.constant 0 : i32
        %dma_wait3A_970 = tpu.memref_slice %arg5[%sub3A_869, %dma_wait3A_960, %add3A, %dma_wait3A_968, %dma_wait3A_969] : memref<200x8x32x8x128xf32, #tpu.memory_space<hbm>> -> memref<1x1x1x8x128xf32, #tpu.memory_space<hbm>>
        %dma_wait3A_971 = tpu.memref_squeeze %dma_wait3A_970 : memref<1x1x1x8x128xf32, #tpu.memory_space<hbm>> -> memref<8x128xf32, #tpu.memory_space<hbm>>
        %dma_wait3A_972 = arith.constant 48 : i32
        %dma_wait3A_973 = arith.constant 0 : i32
        %dma_wait3A_974 = tpu.memref_slice %arg11[%dma_wait3A_972, %dma_wait3A_973] : memref<64x128xf32, #tpu.memory_space<vmem>> -> memref<8x128xf32, #tpu.memory_space<vmem>>
        tpu.wait_dma2 semaphore(%arg18 : memref<!tpu.dma_semaphore, #tpu.memory_space<semaphore_mem>>) src(%dma_wait3A_974 : memref<8x128xf32, #tpu.memory_space<vmem>>) dst(%dma_wait3A_971 : memref<8x128xf32, #tpu.memory_space<hbm>>)
        %dma_wait3A_975 = arith.constant 7 : i32
        %dma_wait3A_976 = arith.constant 56 : i32
        %dma_wait3A_977 = arith.constant 0 : i32
        %dma_wait3A_978 = tpu.memref_slice %arg11[%dma_wait3A_976, %dma_wait3A_977] : memref<64x128xf32, #tpu.memory_space<vmem>> -> memref<8x128xf32, #tpu.memory_space<vmem>>
        %dma_wait3A_979 = arith.constant 0 : i32
        %dma_wait3A_980 = arith.constant 0 : i32
        %dma_wait3A_981 = tpu.memref_slice %arg5[%sub3A_869, %dma_wait3A_975, %add3A, %dma_wait3A_979, %dma_wait3A_980] : memref<200x8x32x8x128xf32, #tpu.memory_space<hbm>> -> memref<1x1x1x8x128xf32, #tpu.memory_space<hbm>>
        %dma_wait3A_982 = tpu.memref_squeeze %dma_wait3A_981 : memref<1x1x1x8x128xf32, #tpu.memory_space<hbm>> -> memref<8x128xf32, #tpu.memory_space<hbm>>
        %dma_wait3A_983 = arith.constant 0 : i32
        %dma_wait3A_984 = arith.constant 0 : i32
        %dma_wait3A_985 = tpu.memref_slice %arg5[%sub3A_869, %dma_wait3A_975, %add3A, %dma_wait3A_983, %dma_wait3A_984] : memref<200x8x32x8x128xf32, #tpu.memory_space<hbm>> -> memref<1x1x1x8x128xf32, #tpu.memory_space<hbm>>
        %dma_wait3A_986 = tpu.memref_squeeze %dma_wait3A_985 : memref<1x1x1x8x128xf32, #tpu.memory_space<hbm>> -> memref<8x128xf32, #tpu.memory_space<hbm>>
        %dma_wait3A_987 = arith.constant 56 : i32
        %dma_wait3A_988 = arith.constant 0 : i32
        %dma_wait3A_989 = tpu.memref_slice %arg11[%dma_wait3A_987, %dma_wait3A_988] : memref<64x128xf32, #tpu.memory_space<vmem>> -> memref<8x128xf32, #tpu.memory_space<vmem>>
        tpu.wait_dma2 semaphore(%arg18 : memref<!tpu.dma_semaphore, #tpu.memory_space<semaphore_mem>>) src(%dma_wait3A_989 : memref<8x128xf32, #tpu.memory_space<vmem>>) dst(%dma_wait3A_986 : memref<8x128xf32, #tpu.memory_space<hbm>>)
      } else {
      }
      %mul3A_596 = arith.constant 64 : i32
      %mul3A_597 = arith.muli %add3A_575, %mul3A_596 : i32
      %parallel_loop3A_598 = arith.constant 0 : i32
      %parallel_loop3A_599 = arith.constant 64 : i32
      %parallel_loop3A_600 = arith.constant 1 : i32
      scf.for %parallel_loop3A_868 = %parallel_loop3A_598 to %parallel_loop3A_599 step %parallel_loop3A_600  : i32 {
        %parallel_loop3A_869 = vector.broadcast %parallel_loop3A_868 : i32 to vector<16xi32>
        %parallel_loop3A_870 = arith.addi %iota3A, %parallel_loop3A_869 : vector<16xi32>
        %parallel_loop3A_871 = arith.constant 63 : i32
        %parallel_loop3A_872 = vector.broadcast %parallel_loop3A_871 : i32 to vector<16xi32>
        %parallel_loop3A_873 = arith.andi %parallel_loop3A_870, %parallel_loop3A_872 : vector<16xi32>
        %parallel_loop3A_874 = vector.broadcast %mul3A_597 : i32 to vector<16xi32>
        %parallel_loop3A_875 = arith.addi %parallel_loop3A_873, %parallel_loop3A_874 : vector<16xi32>
        %parallel_loop3A_876 = tpu.vector_load_idx %arg13[%parallel_loop3A_875] : memref<12800xf32, #tpu.memory_space<vmem>>[vector<16xi32>], vector<16xf32>,
        %parallel_loop3A_877 = arith.constant 0 : i32
        %parallel_loop3A_878 = vector.broadcast %parallel_loop3A_877 : i32 to vector<16xi32>
        %parallel_loop3A_879 = arith.addi %iota3A, %parallel_loop3A_878 : vector<16xi32>
        %parallel_loop3A_880 = tpu.vector_load_idx %arg9[%parallel_loop3A_879, %parallel_loop3A_873] : memref<128x64xf32, #tpu.memory_space<vmem>>[vector<16xi32>, vector<16xi32>], vector<16xf32>,
        %parallel_loop3A_881 = arith.addf %parallel_loop3A_880, %parallel_loop3A_876 : vector<16xf32>
        tpu.vector_store_idx %arg11[%parallel_loop3A_873, %parallel_loop3A_879], %parallel_loop3A_881 : memref<64x128xf32, #tpu.memory_space<vmem>>[vector<16xi32>, vector<16xi32>], vector<16xf32>,
        %parallel_loop3A_882 = arith.constant 16 : i32
        %parallel_loop3A_883 = vector.broadcast %parallel_loop3A_882 : i32 to vector<16xi32>
        %parallel_loop3A_884 = arith.addi %iota3A, %parallel_loop3A_883 : vector<16xi32>
        %parallel_loop3A_885 = tpu.vector_load_idx %arg9[%parallel_loop3A_884, %parallel_loop3A_873] : memref<128x64xf32, #tpu.memory_space<vmem>>[vector<16xi32>, vector<16xi32>], vector<16xf32>,
        %parallel_loop3A_886 = arith.addf %parallel_loop3A_885, %parallel_loop3A_876 : vector<16xf32>
        tpu.vector_store_idx %arg11[%parallel_loop3A_873, %parallel_loop3A_884], %parallel_loop3A_886 : memref<64x128xf32, #tpu.memory_space<vmem>>[vector<16xi32>, vector<16xi32>], vector<16xf32>,
        %parallel_loop3A_887 = arith.constant 32 : i32
        %parallel_loop3A_888 = vector.broadcast %parallel_loop3A_887 : i32 to vector<16xi32>
        %parallel_loop3A_889 = arith.addi %iota3A, %parallel_loop3A_888 : vector<16xi32>
        %parallel_loop3A_890 = tpu.vector_load_idx %arg9[%parallel_loop3A_889, %parallel_loop3A_873] : memref<128x64xf32, #tpu.memory_space<vmem>>[vector<16xi32>, vector<16xi32>], vector<16xf32>,
        %parallel_loop3A_891 = arith.addf %parallel_loop3A_890, %parallel_loop3A_876 : vector<16xf32>
        tpu.vector_store_idx %arg11[%parallel_loop3A_873, %parallel_loop3A_889], %parallel_loop3A_891 : memref<64x128xf32, #tpu.memory_space<vmem>>[vector<16xi32>, vector<16xi32>], vector<16xf32>,
        %parallel_loop3A_892 = arith.constant 48 : i32
        %parallel_loop3A_893 = vector.broadcast %parallel_loop3A_892 : i32 to vector<16xi32>
        %parallel_loop3A_894 = arith.addi %iota3A, %parallel_loop3A_893 : vector<16xi32>
        %parallel_loop3A_895 = tpu.vector_load_idx %arg9[%parallel_loop3A_894, %parallel_loop3A_873] : memref<128x64xf32, #tpu.memory_space<vmem>>[vector<16xi32>, vector<16xi32>], vector<16xf32>,
        %parallel_loop3A_896 = arith.addf %parallel_loop3A_895, %parallel_loop3A_876 : vector<16xf32>
        tpu.vector_store_idx %arg11[%parallel_loop3A_873, %parallel_loop3A_894], %parallel_loop3A_896 : memref<64x128xf32, #tpu.memory_space<vmem>>[vector<16xi32>, vector<16xi32>], vector<16xf32>,
        %parallel_loop3A_897 = arith.constant 64 : i32
        %parallel_loop3A_898 = vector.broadcast %parallel_loop3A_897 : i32 to vector<16xi32>
        %parallel_loop3A_899 = arith.addi %iota3A, %parallel_loop3A_898 : vector<16xi32>
        %parallel_loop3A_900 = tpu.vector_load_idx %arg9[%parallel_loop3A_899, %parallel_loop3A_873] : memref<128x64xf32, #tpu.memory_space<vmem>>[vector<16xi32>, vector<16xi32>], vector<16xf32>,
        %parallel_loop3A_901 = arith.addf %parallel_loop3A_900, %parallel_loop3A_876 : vector<16xf32>
        tpu.vector_store_idx %arg11[%parallel_loop3A_873, %parallel_loop3A_899], %parallel_loop3A_901 : memref<64x128xf32, #tpu.memory_space<vmem>>[vector<16xi32>, vector<16xi32>], vector<16xf32>,
        %parallel_loop3A_902 = arith.constant 80 : i32
        %parallel_loop3A_903 = vector.broadcast %parallel_loop3A_902 : i32 to vector<16xi32>
        %parallel_loop3A_904 = arith.addi %iota3A, %parallel_loop3A_903 : vector<16xi32>
        %parallel_loop3A_905 = tpu.vector_load_idx %arg9[%parallel_loop3A_904, %parallel_loop3A_873] : memref<128x64xf32, #tpu.memory_space<vmem>>[vector<16xi32>, vector<16xi32>], vector<16xf32>,
        %parallel_loop3A_906 = arith.addf %parallel_loop3A_905, %parallel_loop3A_876 : vector<16xf32>
        tpu.vector_store_idx %arg11[%parallel_loop3A_873, %parallel_loop3A_904], %parallel_loop3A_906 : memref<64x128xf32, #tpu.memory_space<vmem>>[vector<16xi32>, vector<16xi32>], vector<16xf32>,
        %parallel_loop3A_907 = arith.constant 96 : i32
        %parallel_loop3A_908 = vector.broadcast %parallel_loop3A_907 : i32 to vector<16xi32>
        %parallel_loop3A_909 = arith.addi %iota3A, %parallel_loop3A_908 : vector<16xi32>
        %parallel_loop3A_910 = tpu.vector_load_idx %arg9[%parallel_loop3A_909, %parallel_loop3A_873] : memref<128x64xf32, #tpu.memory_space<vmem>>[vector<16xi32>, vector<16xi32>], vector<16xf32>,
        %parallel_loop3A_911 = arith.addf %parallel_loop3A_910, %parallel_loop3A_876 : vector<16xf32>
        tpu.vector_store_idx %arg11[%parallel_loop3A_873, %parallel_loop3A_909], %parallel_loop3A_911 : memref<64x128xf32, #tpu.memory_space<vmem>>[vector<16xi32>, vector<16xi32>], vector<16xf32>,
        %parallel_loop3A_912 = arith.constant 112 : i32
        %parallel_loop3A_913 = vector.broadcast %parallel_loop3A_912 : i32 to vector<16xi32>
        %parallel_loop3A_914 = arith.addi %iota3A, %parallel_loop3A_913 : vector<16xi32>
        %parallel_loop3A_915 = tpu.vector_load_idx %arg9[%parallel_loop3A_914, %parallel_loop3A_873] : memref<128x64xf32, #tpu.memory_space<vmem>>[vector<16xi32>, vector<16xi32>], vector<16xf32>,
        %parallel_loop3A_916 = arith.addf %parallel_loop3A_915, %parallel_loop3A_876 : vector<16xf32>
        tpu.vector_store_idx %arg11[%parallel_loop3A_873, %parallel_loop3A_914], %parallel_loop3A_916 : memref<64x128xf32, #tpu.memory_space<vmem>>[vector<16xi32>, vector<16xi32>], vector<16xf32>,
      } {sc.loop_unroll_factor = 4 : i64, sc.parallel_access}
      %dma_start3A_601 = arith.constant 0 : i32
      %dma_start3A_602 = arith.constant 0 : i32
      %dma_start3A_603 = arith.constant 0 : i32
      %dma_start3A_604 = tpu.memref_slice %arg11[%dma_start3A_602, %dma_start3A_603] : memref<64x128xf32, #tpu.memory_space<vmem>> -> memref<8x128xf32, #tpu.memory_space<vmem>>
      %dma_start3A_605 = arith.constant 0 : i32
      %dma_start3A_606 = arith.constant 0 : i32
      %dma_start3A_607 = tpu.memref_slice %arg5[%add3A_575, %dma_start3A_601, %add3A, %dma_start3A_605, %dma_start3A_606] : memref<200x8x32x8x128xf32, #tpu.memory_space<hbm>> -> memref<1x1x1x8x128xf32, #tpu.memory_space<hbm>>
      %dma_start3A_608 = tpu.memref_squeeze %dma_start3A_607 : memref<1x1x1x8x128xf32, #tpu.memory_space<hbm>> -> memref<8x128xf32, #tpu.memory_space<hbm>>
      %dma_start3A_609 = arith.constant 0 : i32
      %dma_start3A_610 = arith.constant 0 : i32
      %dma_start3A_611 = tpu.memref_slice %arg5[%add3A_575, %dma_start3A_601, %add3A, %dma_start3A_609, %dma_start3A_610] : memref<200x8x32x8x128xf32, #tpu.memory_space<hbm>> -> memref<1x1x1x8x128xf32, #tpu.memory_space<hbm>>
      %dma_start3A_612 = tpu.memref_squeeze %dma_start3A_611 : memref<1x1x1x8x128xf32, #tpu.memory_space<hbm>> -> memref<8x128xf32, #tpu.memory_space<hbm>>
      %dma_start3A_613 = arith.constant 0 : i32
      %dma_start3A_614 = arith.constant 0 : i32
      %dma_start3A_615 = tpu.memref_slice %arg11[%dma_start3A_613, %dma_start3A_614] : memref<64x128xf32, #tpu.memory_space<vmem>> -> memref<8x128xf32, #tpu.memory_space<vmem>>
      tpu.enqueue_dma source(%dma_start3A_615 : memref<8x128xf32, #tpu.memory_space<vmem>>) target(%dma_start3A_612 : memref<8x128xf32, #tpu.memory_space<hbm>>) target_semaphore(%arg18 : memref<!tpu.dma_semaphore, #tpu.memory_space<semaphore_mem>>)
      %dma_start3A_616 = arith.constant 1 : i32
      %dma_start3A_617 = arith.constant 8 : i32
      %dma_start3A_618 = arith.constant 0 : i32
      %dma_start3A_619 = tpu.memref_slice %arg11[%dma_start3A_617, %dma_start3A_618] : memref<64x128xf32, #tpu.memory_space<vmem>> -> memref<8x128xf32, #tpu.memory_space<vmem>>
      %dma_start3A_620 = arith.constant 0 : i32
      %dma_start3A_621 = arith.constant 0 : i32
      %dma_start3A_622 = tpu.memref_slice %arg5[%add3A_575, %dma_start3A_616, %add3A, %dma_start3A_620, %dma_start3A_621] : memref<200x8x32x8x128xf32, #tpu.memory_space<hbm>> -> memref<1x1x1x8x128xf32, #tpu.memory_space<hbm>>
      %dma_start3A_623 = tpu.memref_squeeze %dma_start3A_622 : memref<1x1x1x8x128xf32, #tpu.memory_space<hbm>> -> memref<8x128xf32, #tpu.memory_space<hbm>>
      %dma_start3A_624 = arith.constant 0 : i32
      %dma_start3A_625 = arith.constant 0 : i32
      %dma_start3A_626 = tpu.memref_slice %arg5[%add3A_575, %dma_start3A_616, %add3A, %dma_start3A_624, %dma_start3A_625] : memref<200x8x32x8x128xf32, #tpu.memory_space<hbm>> -> memref<1x1x1x8x128xf32, #tpu.memory_space<hbm>>
      %dma_start3A_627 = tpu.memref_squeeze %dma_start3A_626 : memref<1x1x1x8x128xf32, #tpu.memory_space<hbm>> -> memref<8x128xf32, #tpu.memory_space<hbm>>
      %dma_start3A_628 = arith.constant 8 : i32
      %dma_start3A_629 = arith.constant 0 : i32
      %dma_start3A_630 = tpu.memref_slice %arg11[%dma_start3A_628, %dma_start3A_629] : memref<64x128xf32, #tpu.memory_space<vmem>> -> memref<8x128xf32, #tpu.memory_space<vmem>>
      tpu.enqueue_dma source(%dma_start3A_630 : memref<8x128xf32, #tpu.memory_space<vmem>>) target(%dma_start3A_627 : memref<8x128xf32, #tpu.memory_space<hbm>>) target_semaphore(%arg18 : memref<!tpu.dma_semaphore, #tpu.memory_space<semaphore_mem>>)
      %dma_start3A_631 = arith.constant 2 : i32
      %dma_start3A_632 = arith.constant 16 : i32
      %dma_start3A_633 = arith.constant 0 : i32
      %dma_start3A_634 = tpu.memref_slice %arg11[%dma_start3A_632, %dma_start3A_633] : memref<64x128xf32, #tpu.memory_space<vmem>> -> memref<8x128xf32, #tpu.memory_space<vmem>>
      %dma_start3A_635 = arith.constant 0 : i32
      %dma_start3A_636 = arith.constant 0 : i32
      %dma_start3A_637 = tpu.memref_slice %arg5[%add3A_575, %dma_start3A_631, %add3A, %dma_start3A_635, %dma_start3A_636] : memref<200x8x32x8x128xf32, #tpu.memory_space<hbm>> -> memref<1x1x1x8x128xf32, #tpu.memory_space<hbm>>
      %dma_start3A_638 = tpu.memref_squeeze %dma_start3A_637 : memref<1x1x1x8x128xf32, #tpu.memory_space<hbm>> -> memref<8x128xf32, #tpu.memory_space<hbm>>
      %dma_start3A_639 = arith.constant 0 : i32
      %dma_start3A_640 = arith.constant 0 : i32
      %dma_start3A_641 = tpu.memref_slice %arg5[%add3A_575, %dma_start3A_631, %add3A, %dma_start3A_639, %dma_start3A_640] : memref<200x8x32x8x128xf32, #tpu.memory_space<hbm>> -> memref<1x1x1x8x128xf32, #tpu.memory_space<hbm>>
      %dma_start3A_642 = tpu.memref_squeeze %dma_start3A_641 : memref<1x1x1x8x128xf32, #tpu.memory_space<hbm>> -> memref<8x128xf32, #tpu.memory_space<hbm>>
      %dma_start3A_643 = arith.constant 16 : i32
      %dma_start3A_644 = arith.constant 0 : i32
      %dma_start3A_645 = tpu.memref_slice %arg11[%dma_start3A_643, %dma_start3A_644] : memref<64x128xf32, #tpu.memory_space<vmem>> -> memref<8x128xf32, #tpu.memory_space<vmem>>
      tpu.enqueue_dma source(%dma_start3A_645 : memref<8x128xf32, #tpu.memory_space<vmem>>) target(%dma_start3A_642 : memref<8x128xf32, #tpu.memory_space<hbm>>) target_semaphore(%arg18 : memref<!tpu.dma_semaphore, #tpu.memory_space<semaphore_mem>>)
      %dma_start3A_646 = arith.constant 3 : i32
      %dma_start3A_647 = arith.constant 24 : i32
      %dma_start3A_648 = arith.constant 0 : i32
      %dma_start3A_649 = tpu.memref_slice %arg11[%dma_start3A_647, %dma_start3A_648] : memref<64x128xf32, #tpu.memory_space<vmem>> -> memref<8x128xf32, #tpu.memory_space<vmem>>
      %dma_start3A_650 = arith.constant 0 : i32
      %dma_start3A_651 = arith.constant 0 : i32
      %dma_start3A_652 = tpu.memref_slice %arg5[%add3A_575, %dma_start3A_646, %add3A, %dma_start3A_650, %dma_start3A_651] : memref<200x8x32x8x128xf32, #tpu.memory_space<hbm>> -> memref<1x1x1x8x128xf32, #tpu.memory_space<hbm>>
      %dma_start3A_653 = tpu.memref_squeeze %dma_start3A_652 : memref<1x1x1x8x128xf32, #tpu.memory_space<hbm>> -> memref<8x128xf32, #tpu.memory_space<hbm>>
      %dma_start3A_654 = arith.constant 0 : i32
      %dma_start3A_655 = arith.constant 0 : i32
      %dma_start3A_656 = tpu.memref_slice %arg5[%add3A_575, %dma_start3A_646, %add3A, %dma_start3A_654, %dma_start3A_655] : memref<200x8x32x8x128xf32, #tpu.memory_space<hbm>> -> memref<1x1x1x8x128xf32, #tpu.memory_space<hbm>>
      %dma_start3A_657 = tpu.memref_squeeze %dma_start3A_656 : memref<1x1x1x8x128xf32, #tpu.memory_space<hbm>> -> memref<8x128xf32, #tpu.memory_space<hbm>>
      %dma_start3A_658 = arith.constant 24 : i32
      %dma_start3A_659 = arith.constant 0 : i32
      %dma_start3A_660 = tpu.memref_slice %arg11[%dma_start3A_658, %dma_start3A_659] : memref<64x128xf32, #tpu.memory_space<vmem>> -> memref<8x128xf32, #tpu.memory_space<vmem>>
      tpu.enqueue_dma source(%dma_start3A_660 : memref<8x128xf32, #tpu.memory_space<vmem>>) target(%dma_start3A_657 : memref<8x128xf32, #tpu.memory_space<hbm>>) target_semaphore(%arg18 : memref<!tpu.dma_semaphore, #tpu.memory_space<semaphore_mem>>)
      %dma_start3A_661 = arith.constant 4 : i32
      %dma_start3A_662 = arith.constant 32 : i32
      %dma_start3A_663 = arith.constant 0 : i32
      %dma_start3A_664 = tpu.memref_slice %arg11[%dma_start3A_662, %dma_start3A_663] : memref<64x128xf32, #tpu.memory_space<vmem>> -> memref<8x128xf32, #tpu.memory_space<vmem>>
      %dma_start3A_665 = arith.constant 0 : i32
      %dma_start3A_666 = arith.constant 0 : i32
      %dma_start3A_667 = tpu.memref_slice %arg5[%add3A_575, %dma_start3A_661, %add3A, %dma_start3A_665, %dma_start3A_666] : memref<200x8x32x8x128xf32, #tpu.memory_space<hbm>> -> memref<1x1x1x8x128xf32, #tpu.memory_space<hbm>>
      %dma_start3A_668 = tpu.memref_squeeze %dma_start3A_667 : memref<1x1x1x8x128xf32, #tpu.memory_space<hbm>> -> memref<8x128xf32, #tpu.memory_space<hbm>>
      %dma_start3A_669 = arith.constant 0 : i32
      %dma_start3A_670 = arith.constant 0 : i32
      %dma_start3A_671 = tpu.memref_slice %arg5[%add3A_575, %dma_start3A_661, %add3A, %dma_start3A_669, %dma_start3A_670] : memref<200x8x32x8x128xf32, #tpu.memory_space<hbm>> -> memref<1x1x1x8x128xf32, #tpu.memory_space<hbm>>
      %dma_start3A_672 = tpu.memref_squeeze %dma_start3A_671 : memref<1x1x1x8x128xf32, #tpu.memory_space<hbm>> -> memref<8x128xf32, #tpu.memory_space<hbm>>
      %dma_start3A_673 = arith.constant 32 : i32
      %dma_start3A_674 = arith.constant 0 : i32
      %dma_start3A_675 = tpu.memref_slice %arg11[%dma_start3A_673, %dma_start3A_674] : memref<64x128xf32, #tpu.memory_space<vmem>> -> memref<8x128xf32, #tpu.memory_space<vmem>>
      tpu.enqueue_dma source(%dma_start3A_675 : memref<8x128xf32, #tpu.memory_space<vmem>>) target(%dma_start3A_672 : memref<8x128xf32, #tpu.memory_space<hbm>>) target_semaphore(%arg18 : memref<!tpu.dma_semaphore, #tpu.memory_space<semaphore_mem>>)
      %dma_start3A_676 = arith.constant 5 : i32
      %dma_start3A_677 = arith.constant 40 : i32
      %dma_start3A_678 = arith.constant 0 : i32
      %dma_start3A_679 = tpu.memref_slice %arg11[%dma_start3A_677, %dma_start3A_678] : memref<64x128xf32, #tpu.memory_space<vmem>> -> memref<8x128xf32, #tpu.memory_space<vmem>>
      %dma_start3A_680 = arith.constant 0 : i32
      %dma_start3A_681 = arith.constant 0 : i32
      %dma_start3A_682 = tpu.memref_slice %arg5[%add3A_575, %dma_start3A_676, %add3A, %dma_start3A_680, %dma_start3A_681] : memref<200x8x32x8x128xf32, #tpu.memory_space<hbm>> -> memref<1x1x1x8x128xf32, #tpu.memory_space<hbm>>
      %dma_start3A_683 = tpu.memref_squeeze %dma_start3A_682 : memref<1x1x1x8x128xf32, #tpu.memory_space<hbm>> -> memref<8x128xf32, #tpu.memory_space<hbm>>
      %dma_start3A_684 = arith.constant 0 : i32
      %dma_start3A_685 = arith.constant 0 : i32
      %dma_start3A_686 = tpu.memref_slice %arg5[%add3A_575, %dma_start3A_676, %add3A, %dma_start3A_684, %dma_start3A_685] : memref<200x8x32x8x128xf32, #tpu.memory_space<hbm>> -> memref<1x1x1x8x128xf32, #tpu.memory_space<hbm>>
      %dma_start3A_687 = tpu.memref_squeeze %dma_start3A_686 : memref<1x1x1x8x128xf32, #tpu.memory_space<hbm>> -> memref<8x128xf32, #tpu.memory_space<hbm>>
      %dma_start3A_688 = arith.constant 40 : i32
      %dma_start3A_689 = arith.constant 0 : i32
      %dma_start3A_690 = tpu.memref_slice %arg11[%dma_start3A_688, %dma_start3A_689] : memref<64x128xf32, #tpu.memory_space<vmem>> -> memref<8x128xf32, #tpu.memory_space<vmem>>
      tpu.enqueue_dma source(%dma_start3A_690 : memref<8x128xf32, #tpu.memory_space<vmem>>) target(%dma_start3A_687 : memref<8x128xf32, #tpu.memory_space<hbm>>) target_semaphore(%arg18 : memref<!tpu.dma_semaphore, #tpu.memory_space<semaphore_mem>>)
      %dma_start3A_691 = arith.constant 6 : i32
      %dma_start3A_692 = arith.constant 48 : i32
      %dma_start3A_693 = arith.constant 0 : i32
      %dma_start3A_694 = tpu.memref_slice %arg11[%dma_start3A_692, %dma_start3A_693] : memref<64x128xf32, #tpu.memory_space<vmem>> -> memref<8x128xf32, #tpu.memory_space<vmem>>
      %dma_start3A_695 = arith.constant 0 : i32
      %dma_start3A_696 = arith.constant 0 : i32
      %dma_start3A_697 = tpu.memref_slice %arg5[%add3A_575, %dma_start3A_691, %add3A, %dma_start3A_695, %dma_start3A_696] : memref<200x8x32x8x128xf32, #tpu.memory_space<hbm>> -> memref<1x1x1x8x128xf32, #tpu.memory_space<hbm>>
      %dma_start3A_698 = tpu.memref_squeeze %dma_start3A_697 : memref<1x1x1x8x128xf32, #tpu.memory_space<hbm>> -> memref<8x128xf32, #tpu.memory_space<hbm>>
      %dma_start3A_699 = arith.constant 0 : i32
      %dma_start3A_700 = arith.constant 0 : i32
      %dma_start3A_701 = tpu.memref_slice %arg5[%add3A_575, %dma_start3A_691, %add3A, %dma_start3A_699, %dma_start3A_700] : memref<200x8x32x8x128xf32, #tpu.memory_space<hbm>> -> memref<1x1x1x8x128xf32, #tpu.memory_space<hbm>>
      %dma_start3A_702 = tpu.memref_squeeze %dma_start3A_701 : memref<1x1x1x8x128xf32, #tpu.memory_space<hbm>> -> memref<8x128xf32, #tpu.memory_space<hbm>>
      %dma_start3A_703 = arith.constant 48 : i32
      %dma_start3A_704 = arith.constant 0 : i32
      %dma_start3A_705 = tpu.memref_slice %arg11[%dma_start3A_703, %dma_start3A_704] : memref<64x128xf32, #tpu.memory_space<vmem>> -> memref<8x128xf32, #tpu.memory_space<vmem>>
      tpu.enqueue_dma source(%dma_start3A_705 : memref<8x128xf32, #tpu.memory_space<vmem>>) target(%dma_start3A_702 : memref<8x128xf32, #tpu.memory_space<hbm>>) target_semaphore(%arg18 : memref<!tpu.dma_semaphore, #tpu.memory_space<semaphore_mem>>)
      %dma_start3A_706 = arith.constant 7 : i32
      %dma_start3A_707 = arith.constant 56 : i32
      %dma_start3A_708 = arith.constant 0 : i32
      %dma_start3A_709 = tpu.memref_slice %arg11[%dma_start3A_707, %dma_start3A_708] : memref<64x128xf32, #tpu.memory_space<vmem>> -> memref<8x128xf32, #tpu.memory_space<vmem>>
      %dma_start3A_710 = arith.constant 0 : i32
      %dma_start3A_711 = arith.constant 0 : i32
      %dma_start3A_712 = tpu.memref_slice %arg5[%add3A_575, %dma_start3A_706, %add3A, %dma_start3A_710, %dma_start3A_711] : memref<200x8x32x8x128xf32, #tpu.memory_space<hbm>> -> memref<1x1x1x8x128xf32, #tpu.memory_space<hbm>>
      %dma_start3A_713 = tpu.memref_squeeze %dma_start3A_712 : memref<1x1x1x8x128xf32, #tpu.memory_space<hbm>> -> memref<8x128xf32, #tpu.memory_space<hbm>>
      %dma_start3A_714 = arith.constant 0 : i32
      %dma_start3A_715 = arith.constant 0 : i32
      %dma_start3A_716 = tpu.memref_slice %arg5[%add3A_575, %dma_start3A_706, %add3A, %dma_start3A_714, %dma_start3A_715] : memref<200x8x32x8x128xf32, #tpu.memory_space<hbm>> -> memref<1x1x1x8x128xf32, #tpu.memory_space<hbm>>
      %dma_start3A_717 = tpu.memref_squeeze %dma_start3A_716 : memref<1x1x1x8x128xf32, #tpu.memory_space<hbm>> -> memref<8x128xf32, #tpu.memory_space<hbm>>
      %dma_start3A_718 = arith.constant 56 : i32
      %dma_start3A_719 = arith.constant 0 : i32
      %dma_start3A_720 = tpu.memref_slice %arg11[%dma_start3A_718, %dma_start3A_719] : memref<64x128xf32, #tpu.memory_space<vmem>> -> memref<8x128xf32, #tpu.memory_space<vmem>>
      tpu.enqueue_dma source(%dma_start3A_720 : memref<8x128xf32, #tpu.memory_space<vmem>>) target(%dma_start3A_717 : memref<8x128xf32, #tpu.memory_space<hbm>>) target_semaphore(%arg18 : memref<!tpu.dma_semaphore, #tpu.memory_space<semaphore_mem>>)
      %add3A_721 = arith.constant 3 : i32
      %add3A_722 = arith.addi %mul3A_285, %add3A_721 : i32
      %dma_wait3A_723 = arith.constant 0 : i32
      %dma_wait3A_724 = tpu.memref_slice %arg6[%add3A_722, %dma_wait3A_723] : memref<200x128xi32, #tpu.memory_space<vmem>> -> memref<1x128xi32, #tpu.memory_space<vmem>>
      %dma_wait3A_725 = tpu.memref_squeeze %dma_wait3A_724 : memref<1x128xi32, #tpu.memory_space<vmem>> -> memref<128xi32, #tpu.memory_space<vmem>>
      %dma_wait3A_726 = arith.constant 0 : i32
      %dma_wait3A_727 = arith.constant 0 : i32
      %dma_wait3A_728 = tpu.memref_slice %arg3[%dma_wait3A_726, %dma_wait3A_727] : memref<1000000x64xf32, #tpu.memory_space<hbm>> -> memref<1000000x64xf32, #tpu.memory_space<hbm>>
      tpu.wait_indirect_dma semaphore(%arg17 : memref<!tpu.dma_semaphore, #tpu.memory_space<semaphore_mem>>) src(%dma_wait3A_728 : memref<1000000x64xf32, #tpu.memory_space<hbm>>) dst(%arg10 : memref<128x64xf32, #tpu.memory_space<vmem>>)
      %add3A_729 = arith.constant 4 : i32
      %add3A_730 = arith.addi %add3A_722, %add3A_729 : i32
      %sub3A_731 = arith.constant 1 : i32
      %sub3A_732 = arith.subi %add3A_730, %sub3A_731 : i32
      %lt3A_733 = arith.constant 200 : i32
      %lt3A_734 = arith.cmpi slt, %sub3A_732, %lt3A_733 : i32
      %convert_element_type3A_735 = arith.extui %lt3A_734 : i1 to i32
      %cond3A_736 = arith.constant 0 : i32
      %cond3A_737 = arith.cmpi ne, %convert_element_type3A_735, %cond3A_736 : i32
      scf.if %cond3A_737 {
        %add3A_868 = arith.constant 4 : i32
        %add3A_869 = arith.addi %add3A_722, %add3A_868 : i32
        %sub3A_870 = arith.constant 1 : i32
        %sub3A_871 = arith.subi %add3A_869, %sub3A_870 : i32
        %dma_start3A_872 = arith.constant 0 : i32
        %dma_start3A_873 = tpu.memref_slice %arg6[%sub3A_871, %dma_start3A_872] : memref<200x128xi32, #tpu.memory_space<vmem>> -> memref<1x128xi32, #tpu.memory_space<vmem>>
        %dma_start3A_874 = tpu.memref_squeeze %dma_start3A_873 : memref<1x128xi32, #tpu.memory_space<vmem>> -> memref<128xi32, #tpu.memory_space<vmem>>
        %dma_start3A_875 = arith.constant 0 : i32
        %dma_start3A_876 = arith.constant 0 : i32
        %dma_start3A_877 = tpu.memref_slice %arg3[%dma_start3A_875, %dma_start3A_876] : memref<1000000x64xf32, #tpu.memory_space<hbm>> -> memref<1000000x64xf32, #tpu.memory_space<hbm>>
        tpu.enqueue_indirect_dma source(%dma_start3A_877 : memref<1000000x64xf32, #tpu.memory_space<hbm>>) target(%arg9 : memref<128x64xf32, #tpu.memory_space<vmem>>) offsets(%dma_start3A_874 : memref<128xi32, #tpu.memory_space<vmem>>) semaphore(%arg16 : memref<!tpu.dma_semaphore, #tpu.memory_space<semaphore_mem>>)
      } else {
      }
      %ge3A_738 = arith.constant 2 : i32
      %ge3A_739 = arith.cmpi sge, %add3A_722, %ge3A_738 : i32
      %convert_element_type3A_740 = arith.extui %ge3A_739 : i1 to i32
      %cond3A_741 = arith.constant 0 : i32
      %cond3A_742 = arith.cmpi ne, %convert_element_type3A_740, %cond3A_741 : i32
      scf.if %cond3A_742 {
        %sub3A_868 = arith.constant 2 : i32
        %sub3A_869 = arith.subi %add3A_722, %sub3A_868 : i32
        %dma_wait3A_870 = arith.constant 0 : i32
        %dma_wait3A_871 = arith.constant 0 : i32
        %dma_wait3A_872 = arith.constant 0 : i32
        %dma_wait3A_873 = tpu.memref_slice %arg12[%dma_wait3A_871, %dma_wait3A_872] : memref<64x128xf32, #tpu.memory_space<vmem>> -> memref<8x128xf32, #tpu.memory_space<vmem>>
        %dma_wait3A_874 = arith.constant 0 : i32
        %dma_wait3A_875 = arith.constant 0 : i32
        %dma_wait3A_876 = tpu.memref_slice %arg5[%sub3A_869, %dma_wait3A_870, %add3A, %dma_wait3A_874, %dma_wait3A_875] : memref<200x8x32x8x128xf32, #tpu.memory_space<hbm>> -> memref<1x1x1x8x128xf32, #tpu.memory_space<hbm>>
        %dma_wait3A_877 = tpu.memref_squeeze %dma_wait3A_876 : memref<1x1x1x8x128xf32, #tpu.memory_space<hbm>> -> memref<8x128xf32, #tpu.memory_space<hbm>>
        %dma_wait3A_878 = arith.constant 0 : i32
        %dma_wait3A_879 = arith.constant 0 : i32
        %dma_wait3A_880 = tpu.memref_slice %arg5[%sub3A_869, %dma_wait3A_870, %add3A, %dma_wait3A_878, %dma_wait3A_879] : memref<200x8x32x8x128xf32, #tpu.memory_space<hbm>> -> memref<1x1x1x8x128xf32, #tpu.memory_space<hbm>>
        %dma_wait3A_881 = tpu.memref_squeeze %dma_wait3A_880 : memref<1x1x1x8x128xf32, #tpu.memory_space<hbm>> -> memref<8x128xf32, #tpu.memory_space<hbm>>
        %dma_wait3A_882 = arith.constant 0 : i32
        %dma_wait3A_883 = arith.constant 0 : i32
        %dma_wait3A_884 = tpu.memref_slice %arg12[%dma_wait3A_882, %dma_wait3A_883] : memref<64x128xf32, #tpu.memory_space<vmem>> -> memref<8x128xf32, #tpu.memory_space<vmem>>
        tpu.wait_dma2 semaphore(%arg19 : memref<!tpu.dma_semaphore, #tpu.memory_space<semaphore_mem>>) src(%dma_wait3A_884 : memref<8x128xf32, #tpu.memory_space<vmem>>) dst(%dma_wait3A_881 : memref<8x128xf32, #tpu.memory_space<hbm>>)
        %dma_wait3A_885 = arith.constant 1 : i32
        %dma_wait3A_886 = arith.constant 8 : i32
        %dma_wait3A_887 = arith.constant 0 : i32
        %dma_wait3A_888 = tpu.memref_slice %arg12[%dma_wait3A_886, %dma_wait3A_887] : memref<64x128xf32, #tpu.memory_space<vmem>> -> memref<8x128xf32, #tpu.memory_space<vmem>>
        %dma_wait3A_889 = arith.constant 0 : i32
        %dma_wait3A_890 = arith.constant 0 : i32
        %dma_wait3A_891 = tpu.memref_slice %arg5[%sub3A_869, %dma_wait3A_885, %add3A, %dma_wait3A_889, %dma_wait3A_890] : memref<200x8x32x8x128xf32, #tpu.memory_space<hbm>> -> memref<1x1x1x8x128xf32, #tpu.memory_space<hbm>>
        %dma_wait3A_892 = tpu.memref_squeeze %dma_wait3A_891 : memref<1x1x1x8x128xf32, #tpu.memory_space<hbm>> -> memref<8x128xf32, #tpu.memory_space<hbm>>
        %dma_wait3A_893 = arith.constant 0 : i32
        %dma_wait3A_894 = arith.constant 0 : i32
        %dma_wait3A_895 = tpu.memref_slice %arg5[%sub3A_869, %dma_wait3A_885, %add3A, %dma_wait3A_893, %dma_wait3A_894] : memref<200x8x32x8x128xf32, #tpu.memory_space<hbm>> -> memref<1x1x1x8x128xf32, #tpu.memory_space<hbm>>
        %dma_wait3A_896 = tpu.memref_squeeze %dma_wait3A_895 : memref<1x1x1x8x128xf32, #tpu.memory_space<hbm>> -> memref<8x128xf32, #tpu.memory_space<hbm>>
        %dma_wait3A_897 = arith.constant 8 : i32
        %dma_wait3A_898 = arith.constant 0 : i32
        %dma_wait3A_899 = tpu.memref_slice %arg12[%dma_wait3A_897, %dma_wait3A_898] : memref<64x128xf32, #tpu.memory_space<vmem>> -> memref<8x128xf32, #tpu.memory_space<vmem>>
        tpu.wait_dma2 semaphore(%arg19 : memref<!tpu.dma_semaphore, #tpu.memory_space<semaphore_mem>>) src(%dma_wait3A_899 : memref<8x128xf32, #tpu.memory_space<vmem>>) dst(%dma_wait3A_896 : memref<8x128xf32, #tpu.memory_space<hbm>>)
        %dma_wait3A_900 = arith.constant 2 : i32
        %dma_wait3A_901 = arith.constant 16 : i32
        %dma_wait3A_902 = arith.constant 0 : i32
        %dma_wait3A_903 = tpu.memref_slice %arg12[%dma_wait3A_901, %dma_wait3A_902] : memref<64x128xf32, #tpu.memory_space<vmem>> -> memref<8x128xf32, #tpu.memory_space<vmem>>
        %dma_wait3A_904 = arith.constant 0 : i32
        %dma_wait3A_905 = arith.constant 0 : i32
        %dma_wait3A_906 = tpu.memref_slice %arg5[%sub3A_869, %dma_wait3A_900, %add3A, %dma_wait3A_904, %dma_wait3A_905] : memref<200x8x32x8x128xf32, #tpu.memory_space<hbm>> -> memref<1x1x1x8x128xf32, #tpu.memory_space<hbm>>
        %dma_wait3A_907 = tpu.memref_squeeze %dma_wait3A_906 : memref<1x1x1x8x128xf32, #tpu.memory_space<hbm>> -> memref<8x128xf32, #tpu.memory_space<hbm>>
        %dma_wait3A_908 = arith.constant 0 : i32
        %dma_wait3A_909 = arith.constant 0 : i32
        %dma_wait3A_910 = tpu.memref_slice %arg5[%sub3A_869, %dma_wait3A_900, %add3A, %dma_wait3A_908, %dma_wait3A_909] : memref<200x8x32x8x128xf32, #tpu.memory_space<hbm>> -> memref<1x1x1x8x128xf32, #tpu.memory_space<hbm>>
        %dma_wait3A_911 = tpu.memref_squeeze %dma_wait3A_910 : memref<1x1x1x8x128xf32, #tpu.memory_space<hbm>> -> memref<8x128xf32, #tpu.memory_space<hbm>>
        %dma_wait3A_912 = arith.constant 16 : i32
        %dma_wait3A_913 = arith.constant 0 : i32
        %dma_wait3A_914 = tpu.memref_slice %arg12[%dma_wait3A_912, %dma_wait3A_913] : memref<64x128xf32, #tpu.memory_space<vmem>> -> memref<8x128xf32, #tpu.memory_space<vmem>>
        tpu.wait_dma2 semaphore(%arg19 : memref<!tpu.dma_semaphore, #tpu.memory_space<semaphore_mem>>) src(%dma_wait3A_914 : memref<8x128xf32, #tpu.memory_space<vmem>>) dst(%dma_wait3A_911 : memref<8x128xf32, #tpu.memory_space<hbm>>)
        %dma_wait3A_915 = arith.constant 3 : i32
        %dma_wait3A_916 = arith.constant 24 : i32
        %dma_wait3A_917 = arith.constant 0 : i32
        %dma_wait3A_918 = tpu.memref_slice %arg12[%dma_wait3A_916, %dma_wait3A_917] : memref<64x128xf32, #tpu.memory_space<vmem>> -> memref<8x128xf32, #tpu.memory_space<vmem>>
        %dma_wait3A_919 = arith.constant 0 : i32
        %dma_wait3A_920 = arith.constant 0 : i32
        %dma_wait3A_921 = tpu.memref_slice %arg5[%sub3A_869, %dma_wait3A_915, %add3A, %dma_wait3A_919, %dma_wait3A_920] : memref<200x8x32x8x128xf32, #tpu.memory_space<hbm>> -> memref<1x1x1x8x128xf32, #tpu.memory_space<hbm>>
        %dma_wait3A_922 = tpu.memref_squeeze %dma_wait3A_921 : memref<1x1x1x8x128xf32, #tpu.memory_space<hbm>> -> memref<8x128xf32, #tpu.memory_space<hbm>>
        %dma_wait3A_923 = arith.constant 0 : i32
        %dma_wait3A_924 = arith.constant 0 : i32
        %dma_wait3A_925 = tpu.memref_slice %arg5[%sub3A_869, %dma_wait3A_915, %add3A, %dma_wait3A_923, %dma_wait3A_924] : memref<200x8x32x8x128xf32, #tpu.memory_space<hbm>> -> memref<1x1x1x8x128xf32, #tpu.memory_space<hbm>>
        %dma_wait3A_926 = tpu.memref_squeeze %dma_wait3A_925 : memref<1x1x1x8x128xf32, #tpu.memory_space<hbm>> -> memref<8x128xf32, #tpu.memory_space<hbm>>
        %dma_wait3A_927 = arith.constant 24 : i32
        %dma_wait3A_928 = arith.constant 0 : i32
        %dma_wait3A_929 = tpu.memref_slice %arg12[%dma_wait3A_927, %dma_wait3A_928] : memref<64x128xf32, #tpu.memory_space<vmem>> -> memref<8x128xf32, #tpu.memory_space<vmem>>
        tpu.wait_dma2 semaphore(%arg19 : memref<!tpu.dma_semaphore, #tpu.memory_space<semaphore_mem>>) src(%dma_wait3A_929 : memref<8x128xf32, #tpu.memory_space<vmem>>) dst(%dma_wait3A_926 : memref<8x128xf32, #tpu.memory_space<hbm>>)
        %dma_wait3A_930 = arith.constant 4 : i32
        %dma_wait3A_931 = arith.constant 32 : i32
        %dma_wait3A_932 = arith.constant 0 : i32
        %dma_wait3A_933 = tpu.memref_slice %arg12[%dma_wait3A_931, %dma_wait3A_932] : memref<64x128xf32, #tpu.memory_space<vmem>> -> memref<8x128xf32, #tpu.memory_space<vmem>>
        %dma_wait3A_934 = arith.constant 0 : i32
        %dma_wait3A_935 = arith.constant 0 : i32
        %dma_wait3A_936 = tpu.memref_slice %arg5[%sub3A_869, %dma_wait3A_930, %add3A, %dma_wait3A_934, %dma_wait3A_935] : memref<200x8x32x8x128xf32, #tpu.memory_space<hbm>> -> memref<1x1x1x8x128xf32, #tpu.memory_space<hbm>>
        %dma_wait3A_937 = tpu.memref_squeeze %dma_wait3A_936 : memref<1x1x1x8x128xf32, #tpu.memory_space<hbm>> -> memref<8x128xf32, #tpu.memory_space<hbm>>
        %dma_wait3A_938 = arith.constant 0 : i32
        %dma_wait3A_939 = arith.constant 0 : i32
        %dma_wait3A_940 = tpu.memref_slice %arg5[%sub3A_869, %dma_wait3A_930, %add3A, %dma_wait3A_938, %dma_wait3A_939] : memref<200x8x32x8x128xf32, #tpu.memory_space<hbm>> -> memref<1x1x1x8x128xf32, #tpu.memory_space<hbm>>
        %dma_wait3A_941 = tpu.memref_squeeze %dma_wait3A_940 : memref<1x1x1x8x128xf32, #tpu.memory_space<hbm>> -> memref<8x128xf32, #tpu.memory_space<hbm>>
        %dma_wait3A_942 = arith.constant 32 : i32
        %dma_wait3A_943 = arith.constant 0 : i32
        %dma_wait3A_944 = tpu.memref_slice %arg12[%dma_wait3A_942, %dma_wait3A_943] : memref<64x128xf32, #tpu.memory_space<vmem>> -> memref<8x128xf32, #tpu.memory_space<vmem>>
        tpu.wait_dma2 semaphore(%arg19 : memref<!tpu.dma_semaphore, #tpu.memory_space<semaphore_mem>>) src(%dma_wait3A_944 : memref<8x128xf32, #tpu.memory_space<vmem>>) dst(%dma_wait3A_941 : memref<8x128xf32, #tpu.memory_space<hbm>>)
        %dma_wait3A_945 = arith.constant 5 : i32
        %dma_wait3A_946 = arith.constant 40 : i32
        %dma_wait3A_947 = arith.constant 0 : i32
        %dma_wait3A_948 = tpu.memref_slice %arg12[%dma_wait3A_946, %dma_wait3A_947] : memref<64x128xf32, #tpu.memory_space<vmem>> -> memref<8x128xf32, #tpu.memory_space<vmem>>
        %dma_wait3A_949 = arith.constant 0 : i32
        %dma_wait3A_950 = arith.constant 0 : i32
        %dma_wait3A_951 = tpu.memref_slice %arg5[%sub3A_869, %dma_wait3A_945, %add3A, %dma_wait3A_949, %dma_wait3A_950] : memref<200x8x32x8x128xf32, #tpu.memory_space<hbm>> -> memref<1x1x1x8x128xf32, #tpu.memory_space<hbm>>
        %dma_wait3A_952 = tpu.memref_squeeze %dma_wait3A_951 : memref<1x1x1x8x128xf32, #tpu.memory_space<hbm>> -> memref<8x128xf32, #tpu.memory_space<hbm>>
        %dma_wait3A_953 = arith.constant 0 : i32
        %dma_wait3A_954 = arith.constant 0 : i32
        %dma_wait3A_955 = tpu.memref_slice %arg5[%sub3A_869, %dma_wait3A_945, %add3A, %dma_wait3A_953, %dma_wait3A_954] : memref<200x8x32x8x128xf32, #tpu.memory_space<hbm>> -> memref<1x1x1x8x128xf32, #tpu.memory_space<hbm>>
        %dma_wait3A_956 = tpu.memref_squeeze %dma_wait3A_955 : memref<1x1x1x8x128xf32, #tpu.memory_space<hbm>> -> memref<8x128xf32, #tpu.memory_space<hbm>>
        %dma_wait3A_957 = arith.constant 40 : i32
        %dma_wait3A_958 = arith.constant 0 : i32
        %dma_wait3A_959 = tpu.memref_slice %arg12[%dma_wait3A_957, %dma_wait3A_958] : memref<64x128xf32, #tpu.memory_space<vmem>> -> memref<8x128xf32, #tpu.memory_space<vmem>>
        tpu.wait_dma2 semaphore(%arg19 : memref<!tpu.dma_semaphore, #tpu.memory_space<semaphore_mem>>) src(%dma_wait3A_959 : memref<8x128xf32, #tpu.memory_space<vmem>>) dst(%dma_wait3A_956 : memref<8x128xf32, #tpu.memory_space<hbm>>)
        %dma_wait3A_960 = arith.constant 6 : i32
        %dma_wait3A_961 = arith.constant 48 : i32
        %dma_wait3A_962 = arith.constant 0 : i32
        %dma_wait3A_963 = tpu.memref_slice %arg12[%dma_wait3A_961, %dma_wait3A_962] : memref<64x128xf32, #tpu.memory_space<vmem>> -> memref<8x128xf32, #tpu.memory_space<vmem>>
        %dma_wait3A_964 = arith.constant 0 : i32
        %dma_wait3A_965 = arith.constant 0 : i32
        %dma_wait3A_966 = tpu.memref_slice %arg5[%sub3A_869, %dma_wait3A_960, %add3A, %dma_wait3A_964, %dma_wait3A_965] : memref<200x8x32x8x128xf32, #tpu.memory_space<hbm>> -> memref<1x1x1x8x128xf32, #tpu.memory_space<hbm>>
        %dma_wait3A_967 = tpu.memref_squeeze %dma_wait3A_966 : memref<1x1x1x8x128xf32, #tpu.memory_space<hbm>> -> memref<8x128xf32, #tpu.memory_space<hbm>>
        %dma_wait3A_968 = arith.constant 0 : i32
        %dma_wait3A_969 = arith.constant 0 : i32
        %dma_wait3A_970 = tpu.memref_slice %arg5[%sub3A_869, %dma_wait3A_960, %add3A, %dma_wait3A_968, %dma_wait3A_969] : memref<200x8x32x8x128xf32, #tpu.memory_space<hbm>> -> memref<1x1x1x8x128xf32, #tpu.memory_space<hbm>>
        %dma_wait3A_971 = tpu.memref_squeeze %dma_wait3A_970 : memref<1x1x1x8x128xf32, #tpu.memory_space<hbm>> -> memref<8x128xf32, #tpu.memory_space<hbm>>
        %dma_wait3A_972 = arith.constant 48 : i32
        %dma_wait3A_973 = arith.constant 0 : i32
        %dma_wait3A_974 = tpu.memref_slice %arg12[%dma_wait3A_972, %dma_wait3A_973] : memref<64x128xf32, #tpu.memory_space<vmem>> -> memref<8x128xf32, #tpu.memory_space<vmem>>
        tpu.wait_dma2 semaphore(%arg19 : memref<!tpu.dma_semaphore, #tpu.memory_space<semaphore_mem>>) src(%dma_wait3A_974 : memref<8x128xf32, #tpu.memory_space<vmem>>) dst(%dma_wait3A_971 : memref<8x128xf32, #tpu.memory_space<hbm>>)
        %dma_wait3A_975 = arith.constant 7 : i32
        %dma_wait3A_976 = arith.constant 56 : i32
        %dma_wait3A_977 = arith.constant 0 : i32
        %dma_wait3A_978 = tpu.memref_slice %arg12[%dma_wait3A_976, %dma_wait3A_977] : memref<64x128xf32, #tpu.memory_space<vmem>> -> memref<8x128xf32, #tpu.memory_space<vmem>>
        %dma_wait3A_979 = arith.constant 0 : i32
        %dma_wait3A_980 = arith.constant 0 : i32
        %dma_wait3A_981 = tpu.memref_slice %arg5[%sub3A_869, %dma_wait3A_975, %add3A, %dma_wait3A_979, %dma_wait3A_980] : memref<200x8x32x8x128xf32, #tpu.memory_space<hbm>> -> memref<1x1x1x8x128xf32, #tpu.memory_space<hbm>>
        %dma_wait3A_982 = tpu.memref_squeeze %dma_wait3A_981 : memref<1x1x1x8x128xf32, #tpu.memory_space<hbm>> -> memref<8x128xf32, #tpu.memory_space<hbm>>
        %dma_wait3A_983 = arith.constant 0 : i32
        %dma_wait3A_984 = arith.constant 0 : i32
        %dma_wait3A_985 = tpu.memref_slice %arg5[%sub3A_869, %dma_wait3A_975, %add3A, %dma_wait3A_983, %dma_wait3A_984] : memref<200x8x32x8x128xf32, #tpu.memory_space<hbm>> -> memref<1x1x1x8x128xf32, #tpu.memory_space<hbm>>
        %dma_wait3A_986 = tpu.memref_squeeze %dma_wait3A_985 : memref<1x1x1x8x128xf32, #tpu.memory_space<hbm>> -> memref<8x128xf32, #tpu.memory_space<hbm>>
        %dma_wait3A_987 = arith.constant 56 : i32
        %dma_wait3A_988 = arith.constant 0 : i32
        %dma_wait3A_989 = tpu.memref_slice %arg12[%dma_wait3A_987, %dma_wait3A_988] : memref<64x128xf32, #tpu.memory_space<vmem>> -> memref<8x128xf32, #tpu.memory_space<vmem>>
        tpu.wait_dma2 semaphore(%arg19 : memref<!tpu.dma_semaphore, #tpu.memory_space<semaphore_mem>>) src(%dma_wait3A_989 : memref<8x128xf32, #tpu.memory_space<vmem>>) dst(%dma_wait3A_986 : memref<8x128xf32, #tpu.memory_space<hbm>>)
      } else {
      }
      %mul3A_743 = arith.constant 64 : i32
      %mul3A_744 = arith.muli %add3A_722, %mul3A_743 : i32
      %parallel_loop3A_745 = arith.constant 0 : i32
      %parallel_loop3A_746 = arith.constant 64 : i32
      %parallel_loop3A_747 = arith.constant 1 : i32
      scf.for %parallel_loop3A_868 = %parallel_loop3A_745 to %parallel_loop3A_746 step %parallel_loop3A_747  : i32 {
        %parallel_loop3A_869 = vector.broadcast %parallel_loop3A_868 : i32 to vector<16xi32>
        %parallel_loop3A_870 = arith.addi %iota3A, %parallel_loop3A_869 : vector<16xi32>
        %parallel_loop3A_871 = arith.constant 63 : i32
        %parallel_loop3A_872 = vector.broadcast %parallel_loop3A_871 : i32 to vector<16xi32>
        %parallel_loop3A_873 = arith.andi %parallel_loop3A_870, %parallel_loop3A_872 : vector<16xi32>
        %parallel_loop3A_874 = vector.broadcast %mul3A_744 : i32 to vector<16xi32>
        %parallel_loop3A_875 = arith.addi %parallel_loop3A_873, %parallel_loop3A_874 : vector<16xi32>
        %parallel_loop3A_876 = tpu.vector_load_idx %arg13[%parallel_loop3A_875] : memref<12800xf32, #tpu.memory_space<vmem>>[vector<16xi32>], vector<16xf32>,
        %parallel_loop3A_877 = arith.constant 0 : i32
        %parallel_loop3A_878 = vector.broadcast %parallel_loop3A_877 : i32 to vector<16xi32>
        %parallel_loop3A_879 = arith.addi %iota3A, %parallel_loop3A_878 : vector<16xi32>
        %parallel_loop3A_880 = tpu.vector_load_idx %arg10[%parallel_loop3A_879, %parallel_loop3A_873] : memref<128x64xf32, #tpu.memory_space<vmem>>[vector<16xi32>, vector<16xi32>], vector<16xf32>,
        %parallel_loop3A_881 = arith.addf %parallel_loop3A_880, %parallel_loop3A_876 : vector<16xf32>
        tpu.vector_store_idx %arg12[%parallel_loop3A_873, %parallel_loop3A_879], %parallel_loop3A_881 : memref<64x128xf32, #tpu.memory_space<vmem>>[vector<16xi32>, vector<16xi32>], vector<16xf32>,
        %parallel_loop3A_882 = arith.constant 16 : i32
        %parallel_loop3A_883 = vector.broadcast %parallel_loop3A_882 : i32 to vector<16xi32>
        %parallel_loop3A_884 = arith.addi %iota3A, %parallel_loop3A_883 : vector<16xi32>
        %parallel_loop3A_885 = tpu.vector_load_idx %arg10[%parallel_loop3A_884, %parallel_loop3A_873] : memref<128x64xf32, #tpu.memory_space<vmem>>[vector<16xi32>, vector<16xi32>], vector<16xf32>,
        %parallel_loop3A_886 = arith.addf %parallel_loop3A_885, %parallel_loop3A_876 : vector<16xf32>
        tpu.vector_store_idx %arg12[%parallel_loop3A_873, %parallel_loop3A_884], %parallel_loop3A_886 : memref<64x128xf32, #tpu.memory_space<vmem>>[vector<16xi32>, vector<16xi32>], vector<16xf32>,
        %parallel_loop3A_887 = arith.constant 32 : i32
        %parallel_loop3A_888 = vector.broadcast %parallel_loop3A_887 : i32 to vector<16xi32>
        %parallel_loop3A_889 = arith.addi %iota3A, %parallel_loop3A_888 : vector<16xi32>
        %parallel_loop3A_890 = tpu.vector_load_idx %arg10[%parallel_loop3A_889, %parallel_loop3A_873] : memref<128x64xf32, #tpu.memory_space<vmem>>[vector<16xi32>, vector<16xi32>], vector<16xf32>,
        %parallel_loop3A_891 = arith.addf %parallel_loop3A_890, %parallel_loop3A_876 : vector<16xf32>
        tpu.vector_store_idx %arg12[%parallel_loop3A_873, %parallel_loop3A_889], %parallel_loop3A_891 : memref<64x128xf32, #tpu.memory_space<vmem>>[vector<16xi32>, vector<16xi32>], vector<16xf32>,
        %parallel_loop3A_892 = arith.constant 48 : i32
        %parallel_loop3A_893 = vector.broadcast %parallel_loop3A_892 : i32 to vector<16xi32>
        %parallel_loop3A_894 = arith.addi %iota3A, %parallel_loop3A_893 : vector<16xi32>
        %parallel_loop3A_895 = tpu.vector_load_idx %arg10[%parallel_loop3A_894, %parallel_loop3A_873] : memref<128x64xf32, #tpu.memory_space<vmem>>[vector<16xi32>, vector<16xi32>], vector<16xf32>,
        %parallel_loop3A_896 = arith.addf %parallel_loop3A_895, %parallel_loop3A_876 : vector<16xf32>
        tpu.vector_store_idx %arg12[%parallel_loop3A_873, %parallel_loop3A_894], %parallel_loop3A_896 : memref<64x128xf32, #tpu.memory_space<vmem>>[vector<16xi32>, vector<16xi32>], vector<16xf32>,
        %parallel_loop3A_897 = arith.constant 64 : i32
        %parallel_loop3A_898 = vector.broadcast %parallel_loop3A_897 : i32 to vector<16xi32>
        %parallel_loop3A_899 = arith.addi %iota3A, %parallel_loop3A_898 : vector<16xi32>
        %parallel_loop3A_900 = tpu.vector_load_idx %arg10[%parallel_loop3A_899, %parallel_loop3A_873] : memref<128x64xf32, #tpu.memory_space<vmem>>[vector<16xi32>, vector<16xi32>], vector<16xf32>,
        %parallel_loop3A_901 = arith.addf %parallel_loop3A_900, %parallel_loop3A_876 : vector<16xf32>
        tpu.vector_store_idx %arg12[%parallel_loop3A_873, %parallel_loop3A_899], %parallel_loop3A_901 : memref<64x128xf32, #tpu.memory_space<vmem>>[vector<16xi32>, vector<16xi32>], vector<16xf32>,
        %parallel_loop3A_902 = arith.constant 80 : i32
        %parallel_loop3A_903 = vector.broadcast %parallel_loop3A_902 : i32 to vector<16xi32>
        %parallel_loop3A_904 = arith.addi %iota3A, %parallel_loop3A_903 : vector<16xi32>
        %parallel_loop3A_905 = tpu.vector_load_idx %arg10[%parallel_loop3A_904, %parallel_loop3A_873] : memref<128x64xf32, #tpu.memory_space<vmem>>[vector<16xi32>, vector<16xi32>], vector<16xf32>,
        %parallel_loop3A_906 = arith.addf %parallel_loop3A_905, %parallel_loop3A_876 : vector<16xf32>
        tpu.vector_store_idx %arg12[%parallel_loop3A_873, %parallel_loop3A_904], %parallel_loop3A_906 : memref<64x128xf32, #tpu.memory_space<vmem>>[vector<16xi32>, vector<16xi32>], vector<16xf32>,
        %parallel_loop3A_907 = arith.constant 96 : i32
        %parallel_loop3A_908 = vector.broadcast %parallel_loop3A_907 : i32 to vector<16xi32>
        %parallel_loop3A_909 = arith.addi %iota3A, %parallel_loop3A_908 : vector<16xi32>
        %parallel_loop3A_910 = tpu.vector_load_idx %arg10[%parallel_loop3A_909, %parallel_loop3A_873] : memref<128x64xf32, #tpu.memory_space<vmem>>[vector<16xi32>, vector<16xi32>], vector<16xf32>,
        %parallel_loop3A_911 = arith.addf %parallel_loop3A_910, %parallel_loop3A_876 : vector<16xf32>
        tpu.vector_store_idx %arg12[%parallel_loop3A_873, %parallel_loop3A_909], %parallel_loop3A_911 : memref<64x128xf32, #tpu.memory_space<vmem>>[vector<16xi32>, vector<16xi32>], vector<16xf32>,
        %parallel_loop3A_912 = arith.constant 112 : i32
        %parallel_loop3A_913 = vector.broadcast %parallel_loop3A_912 : i32 to vector<16xi32>
        %parallel_loop3A_914 = arith.addi %iota3A, %parallel_loop3A_913 : vector<16xi32>
        %parallel_loop3A_915 = tpu.vector_load_idx %arg10[%parallel_loop3A_914, %parallel_loop3A_873] : memref<128x64xf32, #tpu.memory_space<vmem>>[vector<16xi32>, vector<16xi32>], vector<16xf32>,
        %parallel_loop3A_916 = arith.addf %parallel_loop3A_915, %parallel_loop3A_876 : vector<16xf32>
        tpu.vector_store_idx %arg12[%parallel_loop3A_873, %parallel_loop3A_914], %parallel_loop3A_916 : memref<64x128xf32, #tpu.memory_space<vmem>>[vector<16xi32>, vector<16xi32>], vector<16xf32>,
      } {sc.loop_unroll_factor = 4 : i64, sc.parallel_access}
      %dma_start3A_748 = arith.constant 0 : i32
      %dma_start3A_749 = arith.constant 0 : i32
      %dma_start3A_750 = arith.constant 0 : i32
      %dma_start3A_751 = tpu.memref_slice %arg12[%dma_start3A_749, %dma_start3A_750] : memref<64x128xf32, #tpu.memory_space<vmem>> -> memref<8x128xf32, #tpu.memory_space<vmem>>
      %dma_start3A_752 = arith.constant 0 : i32
      %dma_start3A_753 = arith.constant 0 : i32
      %dma_start3A_754 = tpu.memref_slice %arg5[%add3A_722, %dma_start3A_748, %add3A, %dma_start3A_752, %dma_start3A_753] : memref<200x8x32x8x128xf32, #tpu.memory_space<hbm>> -> memref<1x1x1x8x128xf32, #tpu.memory_space<hbm>>
      %dma_start3A_755 = tpu.memref_squeeze %dma_start3A_754 : memref<1x1x1x8x128xf32, #tpu.memory_space<hbm>> -> memref<8x128xf32, #tpu.memory_space<hbm>>
      %dma_start3A_756 = arith.constant 0 : i32
      %dma_start3A_757 = arith.constant 0 : i32
      %dma_start3A_758 = tpu.memref_slice %arg5[%add3A_722, %dma_start3A_748, %add3A, %dma_start3A_756, %dma_start3A_757] : memref<200x8x32x8x128xf32, #tpu.memory_space<hbm>> -> memref<1x1x1x8x128xf32, #tpu.memory_space<hbm>>
      %dma_start3A_759 = tpu.memref_squeeze %dma_start3A_758 : memref<1x1x1x8x128xf32, #tpu.memory_space<hbm>> -> memref<8x128xf32, #tpu.memory_space<hbm>>
      %dma_start3A_760 = arith.constant 0 : i32
      %dma_start3A_761 = arith.constant 0 : i32
      %dma_start3A_762 = tpu.memref_slice %arg12[%dma_start3A_760, %dma_start3A_761] : memref<64x128xf32, #tpu.memory_space<vmem>> -> memref<8x128xf32, #tpu.memory_space<vmem>>
      tpu.enqueue_dma source(%dma_start3A_762 : memref<8x128xf32, #tpu.memory_space<vmem>>) target(%dma_start3A_759 : memref<8x128xf32, #tpu.memory_space<hbm>>) target_semaphore(%arg19 : memref<!tpu.dma_semaphore, #tpu.memory_space<semaphore_mem>>)
      %dma_start3A_763 = arith.constant 1 : i32
      %dma_start3A_764 = arith.constant 8 : i32
      %dma_start3A_765 = arith.constant 0 : i32
      %dma_start3A_766 = tpu.memref_slice %arg12[%dma_start3A_764, %dma_start3A_765] : memref<64x128xf32, #tpu.memory_space<vmem>> -> memref<8x128xf32, #tpu.memory_space<vmem>>
      %dma_start3A_767 = arith.constant 0 : i32
      %dma_start3A_768 = arith.constant 0 : i32
      %dma_start3A_769 = tpu.memref_slice %arg5[%add3A_722, %dma_start3A_763, %add3A, %dma_start3A_767, %dma_start3A_768] : memref<200x8x32x8x128xf32, #tpu.memory_space<hbm>> -> memref<1x1x1x8x128xf32, #tpu.memory_space<hbm>>
      %dma_start3A_770 = tpu.memref_squeeze %dma_start3A_769 : memref<1x1x1x8x128xf32, #tpu.memory_space<hbm>> -> memref<8x128xf32, #tpu.memory_space<hbm>>
      %dma_start3A_771 = arith.constant 0 : i32
      %dma_start3A_772 = arith.constant 0 : i32
      %dma_start3A_773 = tpu.memref_slice %arg5[%add3A_722, %dma_start3A_763, %add3A, %dma_start3A_771, %dma_start3A_772] : memref<200x8x32x8x128xf32, #tpu.memory_space<hbm>> -> memref<1x1x1x8x128xf32, #tpu.memory_space<hbm>>
      %dma_start3A_774 = tpu.memref_squeeze %dma_start3A_773 : memref<1x1x1x8x128xf32, #tpu.memory_space<hbm>> -> memref<8x128xf32, #tpu.memory_space<hbm>>
      %dma_start3A_775 = arith.constant 8 : i32
      %dma_start3A_776 = arith.constant 0 : i32
      %dma_start3A_777 = tpu.memref_slice %arg12[%dma_start3A_775, %dma_start3A_776] : memref<64x128xf32, #tpu.memory_space<vmem>> -> memref<8x128xf32, #tpu.memory_space<vmem>>
      tpu.enqueue_dma source(%dma_start3A_777 : memref<8x128xf32, #tpu.memory_space<vmem>>) target(%dma_start3A_774 : memref<8x128xf32, #tpu.memory_space<hbm>>) target_semaphore(%arg19 : memref<!tpu.dma_semaphore, #tpu.memory_space<semaphore_mem>>)
      %dma_start3A_778 = arith.constant 2 : i32
      %dma_start3A_779 = arith.constant 16 : i32
      %dma_start3A_780 = arith.constant 0 : i32
      %dma_start3A_781 = tpu.memref_slice %arg12[%dma_start3A_779, %dma_start3A_780] : memref<64x128xf32, #tpu.memory_space<vmem>> -> memref<8x128xf32, #tpu.memory_space<vmem>>
      %dma_start3A_782 = arith.constant 0 : i32
      %dma_start3A_783 = arith.constant 0 : i32
      %dma_start3A_784 = tpu.memref_slice %arg5[%add3A_722, %dma_start3A_778, %add3A, %dma_start3A_782, %dma_start3A_783] : memref<200x8x32x8x128xf32, #tpu.memory_space<hbm>> -> memref<1x1x1x8x128xf32, #tpu.memory_space<hbm>>
      %dma_start3A_785 = tpu.memref_squeeze %dma_start3A_784 : memref<1x1x1x8x128xf32, #tpu.memory_space<hbm>> -> memref<8x128xf32, #tpu.memory_space<hbm>>
      %dma_start3A_786 = arith.constant 0 : i32
      %dma_start3A_787 = arith.constant 0 : i32
      %dma_start3A_788 = tpu.memref_slice %arg5[%add3A_722, %dma_start3A_778, %add3A, %dma_start3A_786, %dma_start3A_787] : memref<200x8x32x8x128xf32, #tpu.memory_space<hbm>> -> memref<1x1x1x8x128xf32, #tpu.memory_space<hbm>>
      %dma_start3A_789 = tpu.memref_squeeze %dma_start3A_788 : memref<1x1x1x8x128xf32, #tpu.memory_space<hbm>> -> memref<8x128xf32, #tpu.memory_space<hbm>>
      %dma_start3A_790 = arith.constant 16 : i32
      %dma_start3A_791 = arith.constant 0 : i32
      %dma_start3A_792 = tpu.memref_slice %arg12[%dma_start3A_790, %dma_start3A_791] : memref<64x128xf32, #tpu.memory_space<vmem>> -> memref<8x128xf32, #tpu.memory_space<vmem>>
      tpu.enqueue_dma source(%dma_start3A_792 : memref<8x128xf32, #tpu.memory_space<vmem>>) target(%dma_start3A_789 : memref<8x128xf32, #tpu.memory_space<hbm>>) target_semaphore(%arg19 : memref<!tpu.dma_semaphore, #tpu.memory_space<semaphore_mem>>)
      %dma_start3A_793 = arith.constant 3 : i32
      %dma_start3A_794 = arith.constant 24 : i32
      %dma_start3A_795 = arith.constant 0 : i32
      %dma_start3A_796 = tpu.memref_slice %arg12[%dma_start3A_794, %dma_start3A_795] : memref<64x128xf32, #tpu.memory_space<vmem>> -> memref<8x128xf32, #tpu.memory_space<vmem>>
      %dma_start3A_797 = arith.constant 0 : i32
      %dma_start3A_798 = arith.constant 0 : i32
      %dma_start3A_799 = tpu.memref_slice %arg5[%add3A_722, %dma_start3A_793, %add3A, %dma_start3A_797, %dma_start3A_798] : memref<200x8x32x8x128xf32, #tpu.memory_space<hbm>> -> memref<1x1x1x8x128xf32, #tpu.memory_space<hbm>>
      %dma_start3A_800 = tpu.memref_squeeze %dma_start3A_799 : memref<1x1x1x8x128xf32, #tpu.memory_space<hbm>> -> memref<8x128xf32, #tpu.memory_space<hbm>>
      %dma_start3A_801 = arith.constant 0 : i32
      %dma_start3A_802 = arith.constant 0 : i32
      %dma_start3A_803 = tpu.memref_slice %arg5[%add3A_722, %dma_start3A_793, %add3A, %dma_start3A_801, %dma_start3A_802] : memref<200x8x32x8x128xf32, #tpu.memory_space<hbm>> -> memref<1x1x1x8x128xf32, #tpu.memory_space<hbm>>
      %dma_start3A_804 = tpu.memref_squeeze %dma_start3A_803 : memref<1x1x1x8x128xf32, #tpu.memory_space<hbm>> -> memref<8x128xf32, #tpu.memory_space<hbm>>
      %dma_start3A_805 = arith.constant 24 : i32
      %dma_start3A_806 = arith.constant 0 : i32
      %dma_start3A_807 = tpu.memref_slice %arg12[%dma_start3A_805, %dma_start3A_806] : memref<64x128xf32, #tpu.memory_space<vmem>> -> memref<8x128xf32, #tpu.memory_space<vmem>>
      tpu.enqueue_dma source(%dma_start3A_807 : memref<8x128xf32, #tpu.memory_space<vmem>>) target(%dma_start3A_804 : memref<8x128xf32, #tpu.memory_space<hbm>>) target_semaphore(%arg19 : memref<!tpu.dma_semaphore, #tpu.memory_space<semaphore_mem>>)
      %dma_start3A_808 = arith.constant 4 : i32
      %dma_start3A_809 = arith.constant 32 : i32
      %dma_start3A_810 = arith.constant 0 : i32
      %dma_start3A_811 = tpu.memref_slice %arg12[%dma_start3A_809, %dma_start3A_810] : memref<64x128xf32, #tpu.memory_space<vmem>> -> memref<8x128xf32, #tpu.memory_space<vmem>>
      %dma_start3A_812 = arith.constant 0 : i32
      %dma_start3A_813 = arith.constant 0 : i32
      %dma_start3A_814 = tpu.memref_slice %arg5[%add3A_722, %dma_start3A_808, %add3A, %dma_start3A_812, %dma_start3A_813] : memref<200x8x32x8x128xf32, #tpu.memory_space<hbm>> -> memref<1x1x1x8x128xf32, #tpu.memory_space<hbm>>
      %dma_start3A_815 = tpu.memref_squeeze %dma_start3A_814 : memref<1x1x1x8x128xf32, #tpu.memory_space<hbm>> -> memref<8x128xf32, #tpu.memory_space<hbm>>
      %dma_start3A_816 = arith.constant 0 : i32
      %dma_start3A_817 = arith.constant 0 : i32
      %dma_start3A_818 = tpu.memref_slice %arg5[%add3A_722, %dma_start3A_808, %add3A, %dma_start3A_816, %dma_start3A_817] : memref<200x8x32x8x128xf32, #tpu.memory_space<hbm>> -> memref<1x1x1x8x128xf32, #tpu.memory_space<hbm>>
      %dma_start3A_819 = tpu.memref_squeeze %dma_start3A_818 : memref<1x1x1x8x128xf32, #tpu.memory_space<hbm>> -> memref<8x128xf32, #tpu.memory_space<hbm>>
      %dma_start3A_820 = arith.constant 32 : i32
      %dma_start3A_821 = arith.constant 0 : i32
      %dma_start3A_822 = tpu.memref_slice %arg12[%dma_start3A_820, %dma_start3A_821] : memref<64x128xf32, #tpu.memory_space<vmem>> -> memref<8x128xf32, #tpu.memory_space<vmem>>
      tpu.enqueue_dma source(%dma_start3A_822 : memref<8x128xf32, #tpu.memory_space<vmem>>) target(%dma_start3A_819 : memref<8x128xf32, #tpu.memory_space<hbm>>) target_semaphore(%arg19 : memref<!tpu.dma_semaphore, #tpu.memory_space<semaphore_mem>>)
      %dma_start3A_823 = arith.constant 5 : i32
      %dma_start3A_824 = arith.constant 40 : i32
      %dma_start3A_825 = arith.constant 0 : i32
      %dma_start3A_826 = tpu.memref_slice %arg12[%dma_start3A_824, %dma_start3A_825] : memref<64x128xf32, #tpu.memory_space<vmem>> -> memref<8x128xf32, #tpu.memory_space<vmem>>
      %dma_start3A_827 = arith.constant 0 : i32
      %dma_start3A_828 = arith.constant 0 : i32
      %dma_start3A_829 = tpu.memref_slice %arg5[%add3A_722, %dma_start3A_823, %add3A, %dma_start3A_827, %dma_start3A_828] : memref<200x8x32x8x128xf32, #tpu.memory_space<hbm>> -> memref<1x1x1x8x128xf32, #tpu.memory_space<hbm>>
      %dma_start3A_830 = tpu.memref_squeeze %dma_start3A_829 : memref<1x1x1x8x128xf32, #tpu.memory_space<hbm>> -> memref<8x128xf32, #tpu.memory_space<hbm>>
      %dma_start3A_831 = arith.constant 0 : i32
      %dma_start3A_832 = arith.constant 0 : i32
      %dma_start3A_833 = tpu.memref_slice %arg5[%add3A_722, %dma_start3A_823, %add3A, %dma_start3A_831, %dma_start3A_832] : memref<200x8x32x8x128xf32, #tpu.memory_space<hbm>> -> memref<1x1x1x8x128xf32, #tpu.memory_space<hbm>>
      %dma_start3A_834 = tpu.memref_squeeze %dma_start3A_833 : memref<1x1x1x8x128xf32, #tpu.memory_space<hbm>> -> memref<8x128xf32, #tpu.memory_space<hbm>>
      %dma_start3A_835 = arith.constant 40 : i32
      %dma_start3A_836 = arith.constant 0 : i32
      %dma_start3A_837 = tpu.memref_slice %arg12[%dma_start3A_835, %dma_start3A_836] : memref<64x128xf32, #tpu.memory_space<vmem>> -> memref<8x128xf32, #tpu.memory_space<vmem>>
      tpu.enqueue_dma source(%dma_start3A_837 : memref<8x128xf32, #tpu.memory_space<vmem>>) target(%dma_start3A_834 : memref<8x128xf32, #tpu.memory_space<hbm>>) target_semaphore(%arg19 : memref<!tpu.dma_semaphore, #tpu.memory_space<semaphore_mem>>)
      %dma_start3A_838 = arith.constant 6 : i32
      %dma_start3A_839 = arith.constant 48 : i32
      %dma_start3A_840 = arith.constant 0 : i32
      %dma_start3A_841 = tpu.memref_slice %arg12[%dma_start3A_839, %dma_start3A_840] : memref<64x128xf32, #tpu.memory_space<vmem>> -> memref<8x128xf32, #tpu.memory_space<vmem>>
      %dma_start3A_842 = arith.constant 0 : i32
      %dma_start3A_843 = arith.constant 0 : i32
      %dma_start3A_844 = tpu.memref_slice %arg5[%add3A_722, %dma_start3A_838, %add3A, %dma_start3A_842, %dma_start3A_843] : memref<200x8x32x8x128xf32, #tpu.memory_space<hbm>> -> memref<1x1x1x8x128xf32, #tpu.memory_space<hbm>>
      %dma_start3A_845 = tpu.memref_squeeze %dma_start3A_844 : memref<1x1x1x8x128xf32, #tpu.memory_space<hbm>> -> memref<8x128xf32, #tpu.memory_space<hbm>>
      %dma_start3A_846 = arith.constant 0 : i32
      %dma_start3A_847 = arith.constant 0 : i32
      %dma_start3A_848 = tpu.memref_slice %arg5[%add3A_722, %dma_start3A_838, %add3A, %dma_start3A_846, %dma_start3A_847] : memref<200x8x32x8x128xf32, #tpu.memory_space<hbm>> -> memref<1x1x1x8x128xf32, #tpu.memory_space<hbm>>
      %dma_start3A_849 = tpu.memref_squeeze %dma_start3A_848 : memref<1x1x1x8x128xf32, #tpu.memory_space<hbm>> -> memref<8x128xf32, #tpu.memory_space<hbm>>
      %dma_start3A_850 = arith.constant 48 : i32
      %dma_start3A_851 = arith.constant 0 : i32
      %dma_start3A_852 = tpu.memref_slice %arg12[%dma_start3A_850, %dma_start3A_851] : memref<64x128xf32, #tpu.memory_space<vmem>> -> memref<8x128xf32, #tpu.memory_space<vmem>>
      tpu.enqueue_dma source(%dma_start3A_852 : memref<8x128xf32, #tpu.memory_space<vmem>>) target(%dma_start3A_849 : memref<8x128xf32, #tpu.memory_space<hbm>>) target_semaphore(%arg19 : memref<!tpu.dma_semaphore, #tpu.memory_space<semaphore_mem>>)
      %dma_start3A_853 = arith.constant 7 : i32
      %dma_start3A_854 = arith.constant 56 : i32
      %dma_start3A_855 = arith.constant 0 : i32
      %dma_start3A_856 = tpu.memref_slice %arg12[%dma_start3A_854, %dma_start3A_855] : memref<64x128xf32, #tpu.memory_space<vmem>> -> memref<8x128xf32, #tpu.memory_space<vmem>>
      %dma_start3A_857 = arith.constant 0 : i32
      %dma_start3A_858 = arith.constant 0 : i32
      %dma_start3A_859 = tpu.memref_slice %arg5[%add3A_722, %dma_start3A_853, %add3A, %dma_start3A_857, %dma_start3A_858] : memref<200x8x32x8x128xf32, #tpu.memory_space<hbm>> -> memref<1x1x1x8x128xf32, #tpu.memory_space<hbm>>
      %dma_start3A_860 = tpu.memref_squeeze %dma_start3A_859 : memref<1x1x1x8x128xf32, #tpu.memory_space<hbm>> -> memref<8x128xf32, #tpu.memory_space<hbm>>
      %dma_start3A_861 = arith.constant 0 : i32
      %dma_start3A_862 = arith.constant 0 : i32
      %dma_start3A_863 = tpu.memref_slice %arg5[%add3A_722, %dma_start3A_853, %add3A, %dma_start3A_861, %dma_start3A_862] : memref<200x8x32x8x128xf32, #tpu.memory_space<hbm>> -> memref<1x1x1x8x128xf32, #tpu.memory_space<hbm>>
      %dma_start3A_864 = tpu.memref_squeeze %dma_start3A_863 : memref<1x1x1x8x128xf32, #tpu.memory_space<hbm>> -> memref<8x128xf32, #tpu.memory_space<hbm>>
      %dma_start3A_865 = arith.constant 56 : i32
      %dma_start3A_866 = arith.constant 0 : i32
      %dma_start3A_867 = tpu.memref_slice %arg12[%dma_start3A_865, %dma_start3A_866] : memref<64x128xf32, #tpu.memory_space<vmem>> -> memref<8x128xf32, #tpu.memory_space<vmem>>
      tpu.enqueue_dma source(%dma_start3A_867 : memref<8x128xf32, #tpu.memory_space<vmem>>) target(%dma_start3A_864 : memref<8x128xf32, #tpu.memory_space<hbm>>) target_semaphore(%arg19 : memref<!tpu.dma_semaphore, #tpu.memory_space<semaphore_mem>>)
    }
    %scan3A_27 = arith.constant 50 : i32
    %dma_wait3A = arith.constant 198 : i32
    %dma_wait3A_28 = arith.constant 0 : i32
    %dma_wait3A_29 = arith.constant 0 : i32
    %dma_wait3A_30 = arith.constant 0 : i32
    %dma_wait3A_31 = tpu.memref_slice %arg11[%dma_wait3A_29, %dma_wait3A_30] : memref<64x128xf32, #tpu.memory_space<vmem>> -> memref<8x128xf32, #tpu.memory_space<vmem>>
    %dma_wait3A_32 = arith.constant 0 : i32
    %dma_wait3A_33 = arith.constant 0 : i32
    %dma_wait3A_34 = tpu.memref_slice %arg5[%dma_wait3A, %dma_wait3A_28, %add3A, %dma_wait3A_32, %dma_wait3A_33] : memref<200x8x32x8x128xf32, #tpu.memory_space<hbm>> -> memref<1x1x1x8x128xf32, #tpu.memory_space<hbm>>
    %dma_wait3A_35 = tpu.memref_squeeze %dma_wait3A_34 : memref<1x1x1x8x128xf32, #tpu.memory_space<hbm>> -> memref<8x128xf32, #tpu.memory_space<hbm>>
    %dma_wait3A_36 = arith.constant 0 : i32
    %dma_wait3A_37 = arith.constant 0 : i32
    %dma_wait3A_38 = tpu.memref_slice %arg5[%dma_wait3A, %dma_wait3A_28, %add3A, %dma_wait3A_36, %dma_wait3A_37] : memref<200x8x32x8x128xf32, #tpu.memory_space<hbm>> -> memref<1x1x1x8x128xf32, #tpu.memory_space<hbm>>
    %dma_wait3A_39 = tpu.memref_squeeze %dma_wait3A_38 : memref<1x1x1x8x128xf32, #tpu.memory_space<hbm>> -> memref<8x128xf32, #tpu.memory_space<hbm>>
    %dma_wait3A_40 = arith.constant 0 : i32
    %dma_wait3A_41 = arith.constant 0 : i32
    %dma_wait3A_42 = tpu.memref_slice %arg11[%dma_wait3A_40, %dma_wait3A_41] : memref<64x128xf32, #tpu.memory_space<vmem>> -> memref<8x128xf32, #tpu.memory_space<vmem>>
    tpu.wait_dma2 semaphore(%arg18 : memref<!tpu.dma_semaphore, #tpu.memory_space<semaphore_mem>>) src(%dma_wait3A_42 : memref<8x128xf32, #tpu.memory_space<vmem>>) dst(%dma_wait3A_39 : memref<8x128xf32, #tpu.memory_space<hbm>>)
    %dma_wait3A_43 = arith.constant 198 : i32
    %dma_wait3A_44 = arith.constant 1 : i32
    %dma_wait3A_45 = arith.constant 8 : i32
    %dma_wait3A_46 = arith.constant 0 : i32
    %dma_wait3A_47 = tpu.memref_slice %arg11[%dma_wait3A_45, %dma_wait3A_46] : memref<64x128xf32, #tpu.memory_space<vmem>> -> memref<8x128xf32, #tpu.memory_space<vmem>>
    %dma_wait3A_48 = arith.constant 0 : i32
    %dma_wait3A_49 = arith.constant 0 : i32
    %dma_wait3A_50 = tpu.memref_slice %arg5[%dma_wait3A_43, %dma_wait3A_44, %add3A, %dma_wait3A_48, %dma_wait3A_49] : memref<200x8x32x8x128xf32, #tpu.memory_space<hbm>> -> memref<1x1x1x8x128xf32, #tpu.memory_space<hbm>>
    %dma_wait3A_51 = tpu.memref_squeeze %dma_wait3A_50 : memref<1x1x1x8x128xf32, #tpu.memory_space<hbm>> -> memref<8x128xf32, #tpu.memory_space<hbm>>
    %dma_wait3A_52 = arith.constant 0 : i32
    %dma_wait3A_53 = arith.constant 0 : i32
    %dma_wait3A_54 = tpu.memref_slice %arg5[%dma_wait3A_43, %dma_wait3A_44, %add3A, %dma_wait3A_52, %dma_wait3A_53] : memref<200x8x32x8x128xf32, #tpu.memory_space<hbm>> -> memref<1x1x1x8x128xf32, #tpu.memory_space<hbm>>
    %dma_wait3A_55 = tpu.memref_squeeze %dma_wait3A_54 : memref<1x1x1x8x128xf32, #tpu.memory_space<hbm>> -> memref<8x128xf32, #tpu.memory_space<hbm>>
    %dma_wait3A_56 = arith.constant 8 : i32
    %dma_wait3A_57 = arith.constant 0 : i32
    %dma_wait3A_58 = tpu.memref_slice %arg11[%dma_wait3A_56, %dma_wait3A_57] : memref<64x128xf32, #tpu.memory_space<vmem>> -> memref<8x128xf32, #tpu.memory_space<vmem>>
    tpu.wait_dma2 semaphore(%arg18 : memref<!tpu.dma_semaphore, #tpu.memory_space<semaphore_mem>>) src(%dma_wait3A_58 : memref<8x128xf32, #tpu.memory_space<vmem>>) dst(%dma_wait3A_55 : memref<8x128xf32, #tpu.memory_space<hbm>>)
    %dma_wait3A_59 = arith.constant 198 : i32
    %dma_wait3A_60 = arith.constant 2 : i32
    %dma_wait3A_61 = arith.constant 16 : i32
    %dma_wait3A_62 = arith.constant 0 : i32
    %dma_wait3A_63 = tpu.memref_slice %arg11[%dma_wait3A_61, %dma_wait3A_62] : memref<64x128xf32, #tpu.memory_space<vmem>> -> memref<8x128xf32, #tpu.memory_space<vmem>>
    %dma_wait3A_64 = arith.constant 0 : i32
    %dma_wait3A_65 = arith.constant 0 : i32
    %dma_wait3A_66 = tpu.memref_slice %arg5[%dma_wait3A_59, %dma_wait3A_60, %add3A, %dma_wait3A_64, %dma_wait3A_65] : memref<200x8x32x8x128xf32, #tpu.memory_space<hbm>> -> memref<1x1x1x8x128xf32, #tpu.memory_space<hbm>>
    %dma_wait3A_67 = tpu.memref_squeeze %dma_wait3A_66 : memref<1x1x1x8x128xf32, #tpu.memory_space<hbm>> -> memref<8x128xf32, #tpu.memory_space<hbm>>
    %dma_wait3A_68 = arith.constant 0 : i32
    %dma_wait3A_69 = arith.constant 0 : i32
    %dma_wait3A_70 = tpu.memref_slice %arg5[%dma_wait3A_59, %dma_wait3A_60, %add3A, %dma_wait3A_68, %dma_wait3A_69] : memref<200x8x32x8x128xf32, #tpu.memory_space<hbm>> -> memref<1x1x1x8x128xf32, #tpu.memory_space<hbm>>
    %dma_wait3A_71 = tpu.memref_squeeze %dma_wait3A_70 : memref<1x1x1x8x128xf32, #tpu.memory_space<hbm>> -> memref<8x128xf32, #tpu.memory_space<hbm>>
    %dma_wait3A_72 = arith.constant 16 : i32
    %dma_wait3A_73 = arith.constant 0 : i32
    %dma_wait3A_74 = tpu.memref_slice %arg11[%dma_wait3A_72, %dma_wait3A_73] : memref<64x128xf32, #tpu.memory_space<vmem>> -> memref<8x128xf32, #tpu.memory_space<vmem>>
    tpu.wait_dma2 semaphore(%arg18 : memref<!tpu.dma_semaphore, #tpu.memory_space<semaphore_mem>>) src(%dma_wait3A_74 : memref<8x128xf32, #tpu.memory_space<vmem>>) dst(%dma_wait3A_71 : memref<8x128xf32, #tpu.memory_space<hbm>>)
    %dma_wait3A_75 = arith.constant 198 : i32
    %dma_wait3A_76 = arith.constant 3 : i32
    %dma_wait3A_77 = arith.constant 24 : i32
    %dma_wait3A_78 = arith.constant 0 : i32
    %dma_wait3A_79 = tpu.memref_slice %arg11[%dma_wait3A_77, %dma_wait3A_78] : memref<64x128xf32, #tpu.memory_space<vmem>> -> memref<8x128xf32, #tpu.memory_space<vmem>>
    %dma_wait3A_80 = arith.constant 0 : i32
    %dma_wait3A_81 = arith.constant 0 : i32
    %dma_wait3A_82 = tpu.memref_slice %arg5[%dma_wait3A_75, %dma_wait3A_76, %add3A, %dma_wait3A_80, %dma_wait3A_81] : memref<200x8x32x8x128xf32, #tpu.memory_space<hbm>> -> memref<1x1x1x8x128xf32, #tpu.memory_space<hbm>>
    %dma_wait3A_83 = tpu.memref_squeeze %dma_wait3A_82 : memref<1x1x1x8x128xf32, #tpu.memory_space<hbm>> -> memref<8x128xf32, #tpu.memory_space<hbm>>
    %dma_wait3A_84 = arith.constant 0 : i32
    %dma_wait3A_85 = arith.constant 0 : i32
    %dma_wait3A_86 = tpu.memref_slice %arg5[%dma_wait3A_75, %dma_wait3A_76, %add3A, %dma_wait3A_84, %dma_wait3A_85] : memref<200x8x32x8x128xf32, #tpu.memory_space<hbm>> -> memref<1x1x1x8x128xf32, #tpu.memory_space<hbm>>
    %dma_wait3A_87 = tpu.memref_squeeze %dma_wait3A_86 : memref<1x1x1x8x128xf32, #tpu.memory_space<hbm>> -> memref<8x128xf32, #tpu.memory_space<hbm>>
    %dma_wait3A_88 = arith.constant 24 : i32
    %dma_wait3A_89 = arith.constant 0 : i32
    %dma_wait3A_90 = tpu.memref_slice %arg11[%dma_wait3A_88, %dma_wait3A_89] : memref<64x128xf32, #tpu.memory_space<vmem>> -> memref<8x128xf32, #tpu.memory_space<vmem>>
    tpu.wait_dma2 semaphore(%arg18 : memref<!tpu.dma_semaphore, #tpu.memory_space<semaphore_mem>>) src(%dma_wait3A_90 : memref<8x128xf32, #tpu.memory_space<vmem>>) dst(%dma_wait3A_87 : memref<8x128xf32, #tpu.memory_space<hbm>>)
    %dma_wait3A_91 = arith.constant 198 : i32
    %dma_wait3A_92 = arith.constant 4 : i32
    %dma_wait3A_93 = arith.constant 32 : i32
    %dma_wait3A_94 = arith.constant 0 : i32
    %dma_wait3A_95 = tpu.memref_slice %arg11[%dma_wait3A_93, %dma_wait3A_94] : memref<64x128xf32, #tpu.memory_space<vmem>> -> memref<8x128xf32, #tpu.memory_space<vmem>>
    %dma_wait3A_96 = arith.constant 0 : i32
    %dma_wait3A_97 = arith.constant 0 : i32
    %dma_wait3A_98 = tpu.memref_slice %arg5[%dma_wait3A_91, %dma_wait3A_92, %add3A, %dma_wait3A_96, %dma_wait3A_97] : memref<200x8x32x8x128xf32, #tpu.memory_space<hbm>> -> memref<1x1x1x8x128xf32, #tpu.memory_space<hbm>>
    %dma_wait3A_99 = tpu.memref_squeeze %dma_wait3A_98 : memref<1x1x1x8x128xf32, #tpu.memory_space<hbm>> -> memref<8x128xf32, #tpu.memory_space<hbm>>
    %dma_wait3A_100 = arith.constant 0 : i32
    %dma_wait3A_101 = arith.constant 0 : i32
    %dma_wait3A_102 = tpu.memref_slice %arg5[%dma_wait3A_91, %dma_wait3A_92, %add3A, %dma_wait3A_100, %dma_wait3A_101] : memref<200x8x32x8x128xf32, #tpu.memory_space<hbm>> -> memref<1x1x1x8x128xf32, #tpu.memory_space<hbm>>
    %dma_wait3A_103 = tpu.memref_squeeze %dma_wait3A_102 : memref<1x1x1x8x128xf32, #tpu.memory_space<hbm>> -> memref<8x128xf32, #tpu.memory_space<hbm>>
    %dma_wait3A_104 = arith.constant 32 : i32
    %dma_wait3A_105 = arith.constant 0 : i32
    %dma_wait3A_106 = tpu.memref_slice %arg11[%dma_wait3A_104, %dma_wait3A_105] : memref<64x128xf32, #tpu.memory_space<vmem>> -> memref<8x128xf32, #tpu.memory_space<vmem>>
    tpu.wait_dma2 semaphore(%arg18 : memref<!tpu.dma_semaphore, #tpu.memory_space<semaphore_mem>>) src(%dma_wait3A_106 : memref<8x128xf32, #tpu.memory_space<vmem>>) dst(%dma_wait3A_103 : memref<8x128xf32, #tpu.memory_space<hbm>>)
    %dma_wait3A_107 = arith.constant 198 : i32
    %dma_wait3A_108 = arith.constant 5 : i32
    %dma_wait3A_109 = arith.constant 40 : i32
    %dma_wait3A_110 = arith.constant 0 : i32
    %dma_wait3A_111 = tpu.memref_slice %arg11[%dma_wait3A_109, %dma_wait3A_110] : memref<64x128xf32, #tpu.memory_space<vmem>> -> memref<8x128xf32, #tpu.memory_space<vmem>>
    %dma_wait3A_112 = arith.constant 0 : i32
    %dma_wait3A_113 = arith.constant 0 : i32
    %dma_wait3A_114 = tpu.memref_slice %arg5[%dma_wait3A_107, %dma_wait3A_108, %add3A, %dma_wait3A_112, %dma_wait3A_113] : memref<200x8x32x8x128xf32, #tpu.memory_space<hbm>> -> memref<1x1x1x8x128xf32, #tpu.memory_space<hbm>>
    %dma_wait3A_115 = tpu.memref_squeeze %dma_wait3A_114 : memref<1x1x1x8x128xf32, #tpu.memory_space<hbm>> -> memref<8x128xf32, #tpu.memory_space<hbm>>
    %dma_wait3A_116 = arith.constant 0 : i32
    %dma_wait3A_117 = arith.constant 0 : i32
    %dma_wait3A_118 = tpu.memref_slice %arg5[%dma_wait3A_107, %dma_wait3A_108, %add3A, %dma_wait3A_116, %dma_wait3A_117] : memref<200x8x32x8x128xf32, #tpu.memory_space<hbm>> -> memref<1x1x1x8x128xf32, #tpu.memory_space<hbm>>
    %dma_wait3A_119 = tpu.memref_squeeze %dma_wait3A_118 : memref<1x1x1x8x128xf32, #tpu.memory_space<hbm>> -> memref<8x128xf32, #tpu.memory_space<hbm>>
    %dma_wait3A_120 = arith.constant 40 : i32
    %dma_wait3A_121 = arith.constant 0 : i32
    %dma_wait3A_122 = tpu.memref_slice %arg11[%dma_wait3A_120, %dma_wait3A_121] : memref<64x128xf32, #tpu.memory_space<vmem>> -> memref<8x128xf32, #tpu.memory_space<vmem>>
    tpu.wait_dma2 semaphore(%arg18 : memref<!tpu.dma_semaphore, #tpu.memory_space<semaphore_mem>>) src(%dma_wait3A_122 : memref<8x128xf32, #tpu.memory_space<vmem>>) dst(%dma_wait3A_119 : memref<8x128xf32, #tpu.memory_space<hbm>>)
    %dma_wait3A_123 = arith.constant 198 : i32
    %dma_wait3A_124 = arith.constant 6 : i32
    %dma_wait3A_125 = arith.constant 48 : i32
    %dma_wait3A_126 = arith.constant 0 : i32
    %dma_wait3A_127 = tpu.memref_slice %arg11[%dma_wait3A_125, %dma_wait3A_126] : memref<64x128xf32, #tpu.memory_space<vmem>> -> memref<8x128xf32, #tpu.memory_space<vmem>>
    %dma_wait3A_128 = arith.constant 0 : i32
    %dma_wait3A_129 = arith.constant 0 : i32
    %dma_wait3A_130 = tpu.memref_slice %arg5[%dma_wait3A_123, %dma_wait3A_124, %add3A, %dma_wait3A_128, %dma_wait3A_129] : memref<200x8x32x8x128xf32, #tpu.memory_space<hbm>> -> memref<1x1x1x8x128xf32, #tpu.memory_space<hbm>>
    %dma_wait3A_131 = tpu.memref_squeeze %dma_wait3A_130 : memref<1x1x1x8x128xf32, #tpu.memory_space<hbm>> -> memref<8x128xf32, #tpu.memory_space<hbm>>
    %dma_wait3A_132 = arith.constant 0 : i32
    %dma_wait3A_133 = arith.constant 0 : i32
    %dma_wait3A_134 = tpu.memref_slice %arg5[%dma_wait3A_123, %dma_wait3A_124, %add3A, %dma_wait3A_132, %dma_wait3A_133] : memref<200x8x32x8x128xf32, #tpu.memory_space<hbm>> -> memref<1x1x1x8x128xf32, #tpu.memory_space<hbm>>
    %dma_wait3A_135 = tpu.memref_squeeze %dma_wait3A_134 : memref<1x1x1x8x128xf32, #tpu.memory_space<hbm>> -> memref<8x128xf32, #tpu.memory_space<hbm>>
    %dma_wait3A_136 = arith.constant 48 : i32
    %dma_wait3A_137 = arith.constant 0 : i32
    %dma_wait3A_138 = tpu.memref_slice %arg11[%dma_wait3A_136, %dma_wait3A_137] : memref<64x128xf32, #tpu.memory_space<vmem>> -> memref<8x128xf32, #tpu.memory_space<vmem>>
    tpu.wait_dma2 semaphore(%arg18 : memref<!tpu.dma_semaphore, #tpu.memory_space<semaphore_mem>>) src(%dma_wait3A_138 : memref<8x128xf32, #tpu.memory_space<vmem>>) dst(%dma_wait3A_135 : memref<8x128xf32, #tpu.memory_space<hbm>>)
    %dma_wait3A_139 = arith.constant 198 : i32
    %dma_wait3A_140 = arith.constant 7 : i32
    %dma_wait3A_141 = arith.constant 56 : i32
    %dma_wait3A_142 = arith.constant 0 : i32
    %dma_wait3A_143 = tpu.memref_slice %arg11[%dma_wait3A_141, %dma_wait3A_142] : memref<64x128xf32, #tpu.memory_space<vmem>> -> memref<8x128xf32, #tpu.memory_space<vmem>>
    %dma_wait3A_144 = arith.constant 0 : i32
    %dma_wait3A_145 = arith.constant 0 : i32
    %dma_wait3A_146 = tpu.memref_slice %arg5[%dma_wait3A_139, %dma_wait3A_140, %add3A, %dma_wait3A_144, %dma_wait3A_145] : memref<200x8x32x8x128xf32, #tpu.memory_space<hbm>> -> memref<1x1x1x8x128xf32, #tpu.memory_space<hbm>>
    %dma_wait3A_147 = tpu.memref_squeeze %dma_wait3A_146 : memref<1x1x1x8x128xf32, #tpu.memory_space<hbm>> -> memref<8x128xf32, #tpu.memory_space<hbm>>
    %dma_wait3A_148 = arith.constant 0 : i32
    %dma_wait3A_149 = arith.constant 0 : i32
    %dma_wait3A_150 = tpu.memref_slice %arg5[%dma_wait3A_139, %dma_wait3A_140, %add3A, %dma_wait3A_148, %dma_wait3A_149] : memref<200x8x32x8x128xf32, #tpu.memory_space<hbm>> -> memref<1x1x1x8x128xf32, #tpu.memory_space<hbm>>
    %dma_wait3A_151 = tpu.memref_squeeze %dma_wait3A_150 : memref<1x1x1x8x128xf32, #tpu.memory_space<hbm>> -> memref<8x128xf32, #tpu.memory_space<hbm>>
    %dma_wait3A_152 = arith.constant 56 : i32
    %dma_wait3A_153 = arith.constant 0 : i32
    %dma_wait3A_154 = tpu.memref_slice %arg11[%dma_wait3A_152, %dma_wait3A_153] : memref<64x128xf32, #tpu.memory_space<vmem>> -> memref<8x128xf32, #tpu.memory_space<vmem>>
    tpu.wait_dma2 semaphore(%arg18 : memref<!tpu.dma_semaphore, #tpu.memory_space<semaphore_mem>>) src(%dma_wait3A_154 : memref<8x128xf32, #tpu.memory_space<vmem>>) dst(%dma_wait3A_151 : memref<8x128xf32, #tpu.memory_space<hbm>>)
    %dma_wait3A_155 = arith.constant 199 : i32
    %dma_wait3A_156 = arith.constant 0 : i32
    %dma_wait3A_157 = arith.constant 0 : i32
    %dma_wait3A_158 = arith.constant 0 : i32
    %dma_wait3A_159 = tpu.memref_slice %arg12[%dma_wait3A_157, %dma_wait3A_158] : memref<64x128xf32, #tpu.memory_space<vmem>> -> memref<8x128xf32, #tpu.memory_space<vmem>>
    %dma_wait3A_160 = arith.constant 0 : i32
    %dma_wait3A_161 = arith.constant 0 : i32
    %dma_wait3A_162 = tpu.memref_slice %arg5[%dma_wait3A_155, %dma_wait3A_156, %add3A, %dma_wait3A_160, %dma_wait3A_161] : memref<200x8x32x8x128xf32, #tpu.memory_space<hbm>> -> memref<1x1x1x8x128xf32, #tpu.memory_space<hbm>>
    %dma_wait3A_163 = tpu.memref_squeeze %dma_wait3A_162 : memref<1x1x1x8x128xf32, #tpu.memory_space<hbm>> -> memref<8x128xf32, #tpu.memory_space<hbm>>
    %dma_wait3A_164 = arith.constant 0 : i32
    %dma_wait3A_165 = arith.constant 0 : i32
    %dma_wait3A_166 = tpu.memref_slice %arg5[%dma_wait3A_155, %dma_wait3A_156, %add3A, %dma_wait3A_164, %dma_wait3A_165] : memref<200x8x32x8x128xf32, #tpu.memory_space<hbm>> -> memref<1x1x1x8x128xf32, #tpu.memory_space<hbm>>
    %dma_wait3A_167 = tpu.memref_squeeze %dma_wait3A_166 : memref<1x1x1x8x128xf32, #tpu.memory_space<hbm>> -> memref<8x128xf32, #tpu.memory_space<hbm>>
    %dma_wait3A_168 = arith.constant 0 : i32
    %dma_wait3A_169 = arith.constant 0 : i32
    %dma_wait3A_170 = tpu.memref_slice %arg12[%dma_wait3A_168, %dma_wait3A_169] : memref<64x128xf32, #tpu.memory_space<vmem>> -> memref<8x128xf32, #tpu.memory_space<vmem>>
    tpu.wait_dma2 semaphore(%arg19 : memref<!tpu.dma_semaphore, #tpu.memory_space<semaphore_mem>>) src(%dma_wait3A_170 : memref<8x128xf32, #tpu.memory_space<vmem>>) dst(%dma_wait3A_167 : memref<8x128xf32, #tpu.memory_space<hbm>>)
    %dma_wait3A_171 = arith.constant 199 : i32
    %dma_wait3A_172 = arith.constant 1 : i32
    %dma_wait3A_173 = arith.constant 8 : i32
    %dma_wait3A_174 = arith.constant 0 : i32
    %dma_wait3A_175 = tpu.memref_slice %arg12[%dma_wait3A_173, %dma_wait3A_174] : memref<64x128xf32, #tpu.memory_space<vmem>> -> memref<8x128xf32, #tpu.memory_space<vmem>>
    %dma_wait3A_176 = arith.constant 0 : i32
    %dma_wait3A_177 = arith.constant 0 : i32
    %dma_wait3A_178 = tpu.memref_slice %arg5[%dma_wait3A_171, %dma_wait3A_172, %add3A, %dma_wait3A_176, %dma_wait3A_177] : memref<200x8x32x8x128xf32, #tpu.memory_space<hbm>> -> memref<1x1x1x8x128xf32, #tpu.memory_space<hbm>>
    %dma_wait3A_179 = tpu.memref_squeeze %dma_wait3A_178 : memref<1x1x1x8x128xf32, #tpu.memory_space<hbm>> -> memref<8x128xf32, #tpu.memory_space<hbm>>
    %dma_wait3A_180 = arith.constant 0 : i32
    %dma_wait3A_181 = arith.constant 0 : i32
    %dma_wait3A_182 = tpu.memref_slice %arg5[%dma_wait3A_171, %dma_wait3A_172, %add3A, %dma_wait3A_180, %dma_wait3A_181] : memref<200x8x32x8x128xf32, #tpu.memory_space<hbm>> -> memref<1x1x1x8x128xf32, #tpu.memory_space<hbm>>
    %dma_wait3A_183 = tpu.memref_squeeze %dma_wait3A_182 : memref<1x1x1x8x128xf32, #tpu.memory_space<hbm>> -> memref<8x128xf32, #tpu.memory_space<hbm>>
    %dma_wait3A_184 = arith.constant 8 : i32
    %dma_wait3A_185 = arith.constant 0 : i32
    %dma_wait3A_186 = tpu.memref_slice %arg12[%dma_wait3A_184, %dma_wait3A_185] : memref<64x128xf32, #tpu.memory_space<vmem>> -> memref<8x128xf32, #tpu.memory_space<vmem>>
    tpu.wait_dma2 semaphore(%arg19 : memref<!tpu.dma_semaphore, #tpu.memory_space<semaphore_mem>>) src(%dma_wait3A_186 : memref<8x128xf32, #tpu.memory_space<vmem>>) dst(%dma_wait3A_183 : memref<8x128xf32, #tpu.memory_space<hbm>>)
    %dma_wait3A_187 = arith.constant 199 : i32
    %dma_wait3A_188 = arith.constant 2 : i32
    %dma_wait3A_189 = arith.constant 16 : i32
    %dma_wait3A_190 = arith.constant 0 : i32
    %dma_wait3A_191 = tpu.memref_slice %arg12[%dma_wait3A_189, %dma_wait3A_190] : memref<64x128xf32, #tpu.memory_space<vmem>> -> memref<8x128xf32, #tpu.memory_space<vmem>>
    %dma_wait3A_192 = arith.constant 0 : i32
    %dma_wait3A_193 = arith.constant 0 : i32
    %dma_wait3A_194 = tpu.memref_slice %arg5[%dma_wait3A_187, %dma_wait3A_188, %add3A, %dma_wait3A_192, %dma_wait3A_193] : memref<200x8x32x8x128xf32, #tpu.memory_space<hbm>> -> memref<1x1x1x8x128xf32, #tpu.memory_space<hbm>>
    %dma_wait3A_195 = tpu.memref_squeeze %dma_wait3A_194 : memref<1x1x1x8x128xf32, #tpu.memory_space<hbm>> -> memref<8x128xf32, #tpu.memory_space<hbm>>
    %dma_wait3A_196 = arith.constant 0 : i32
    %dma_wait3A_197 = arith.constant 0 : i32
    %dma_wait3A_198 = tpu.memref_slice %arg5[%dma_wait3A_187, %dma_wait3A_188, %add3A, %dma_wait3A_196, %dma_wait3A_197] : memref<200x8x32x8x128xf32, #tpu.memory_space<hbm>> -> memref<1x1x1x8x128xf32, #tpu.memory_space<hbm>>
    %dma_wait3A_199 = tpu.memref_squeeze %dma_wait3A_198 : memref<1x1x1x8x128xf32, #tpu.memory_space<hbm>> -> memref<8x128xf32, #tpu.memory_space<hbm>>
    %dma_wait3A_200 = arith.constant 16 : i32
    %dma_wait3A_201 = arith.constant 0 : i32
    %dma_wait3A_202 = tpu.memref_slice %arg12[%dma_wait3A_200, %dma_wait3A_201] : memref<64x128xf32, #tpu.memory_space<vmem>> -> memref<8x128xf32, #tpu.memory_space<vmem>>
    tpu.wait_dma2 semaphore(%arg19 : memref<!tpu.dma_semaphore, #tpu.memory_space<semaphore_mem>>) src(%dma_wait3A_202 : memref<8x128xf32, #tpu.memory_space<vmem>>) dst(%dma_wait3A_199 : memref<8x128xf32, #tpu.memory_space<hbm>>)
    %dma_wait3A_203 = arith.constant 199 : i32
    %dma_wait3A_204 = arith.constant 3 : i32
    %dma_wait3A_205 = arith.constant 24 : i32
    %dma_wait3A_206 = arith.constant 0 : i32
    %dma_wait3A_207 = tpu.memref_slice %arg12[%dma_wait3A_205, %dma_wait3A_206] : memref<64x128xf32, #tpu.memory_space<vmem>> -> memref<8x128xf32, #tpu.memory_space<vmem>>
    %dma_wait3A_208 = arith.constant 0 : i32
    %dma_wait3A_209 = arith.constant 0 : i32
    %dma_wait3A_210 = tpu.memref_slice %arg5[%dma_wait3A_203, %dma_wait3A_204, %add3A, %dma_wait3A_208, %dma_wait3A_209] : memref<200x8x32x8x128xf32, #tpu.memory_space<hbm>> -> memref<1x1x1x8x128xf32, #tpu.memory_space<hbm>>
    %dma_wait3A_211 = tpu.memref_squeeze %dma_wait3A_210 : memref<1x1x1x8x128xf32, #tpu.memory_space<hbm>> -> memref<8x128xf32, #tpu.memory_space<hbm>>
    %dma_wait3A_212 = arith.constant 0 : i32
    %dma_wait3A_213 = arith.constant 0 : i32
    %dma_wait3A_214 = tpu.memref_slice %arg5[%dma_wait3A_203, %dma_wait3A_204, %add3A, %dma_wait3A_212, %dma_wait3A_213] : memref<200x8x32x8x128xf32, #tpu.memory_space<hbm>> -> memref<1x1x1x8x128xf32, #tpu.memory_space<hbm>>
    %dma_wait3A_215 = tpu.memref_squeeze %dma_wait3A_214 : memref<1x1x1x8x128xf32, #tpu.memory_space<hbm>> -> memref<8x128xf32, #tpu.memory_space<hbm>>
    %dma_wait3A_216 = arith.constant 24 : i32
    %dma_wait3A_217 = arith.constant 0 : i32
    %dma_wait3A_218 = tpu.memref_slice %arg12[%dma_wait3A_216, %dma_wait3A_217] : memref<64x128xf32, #tpu.memory_space<vmem>> -> memref<8x128xf32, #tpu.memory_space<vmem>>
    tpu.wait_dma2 semaphore(%arg19 : memref<!tpu.dma_semaphore, #tpu.memory_space<semaphore_mem>>) src(%dma_wait3A_218 : memref<8x128xf32, #tpu.memory_space<vmem>>) dst(%dma_wait3A_215 : memref<8x128xf32, #tpu.memory_space<hbm>>)
    %dma_wait3A_219 = arith.constant 199 : i32
    %dma_wait3A_220 = arith.constant 4 : i32
    %dma_wait3A_221 = arith.constant 32 : i32
    %dma_wait3A_222 = arith.constant 0 : i32
    %dma_wait3A_223 = tpu.memref_slice %arg12[%dma_wait3A_221, %dma_wait3A_222] : memref<64x128xf32, #tpu.memory_space<vmem>> -> memref<8x128xf32, #tpu.memory_space<vmem>>
    %dma_wait3A_224 = arith.constant 0 : i32
    %dma_wait3A_225 = arith.constant 0 : i32
    %dma_wait3A_226 = tpu.memref_slice %arg5[%dma_wait3A_219, %dma_wait3A_220, %add3A, %dma_wait3A_224, %dma_wait3A_225] : memref<200x8x32x8x128xf32, #tpu.memory_space<hbm>> -> memref<1x1x1x8x128xf32, #tpu.memory_space<hbm>>
    %dma_wait3A_227 = tpu.memref_squeeze %dma_wait3A_226 : memref<1x1x1x8x128xf32, #tpu.memory_space<hbm>> -> memref<8x128xf32, #tpu.memory_space<hbm>>
    %dma_wait3A_228 = arith.constant 0 : i32
    %dma_wait3A_229 = arith.constant 0 : i32
    %dma_wait3A_230 = tpu.memref_slice %arg5[%dma_wait3A_219, %dma_wait3A_220, %add3A, %dma_wait3A_228, %dma_wait3A_229] : memref<200x8x32x8x128xf32, #tpu.memory_space<hbm>> -> memref<1x1x1x8x128xf32, #tpu.memory_space<hbm>>
    %dma_wait3A_231 = tpu.memref_squeeze %dma_wait3A_230 : memref<1x1x1x8x128xf32, #tpu.memory_space<hbm>> -> memref<8x128xf32, #tpu.memory_space<hbm>>
    %dma_wait3A_232 = arith.constant 32 : i32
    %dma_wait3A_233 = arith.constant 0 : i32
    %dma_wait3A_234 = tpu.memref_slice %arg12[%dma_wait3A_232, %dma_wait3A_233] : memref<64x128xf32, #tpu.memory_space<vmem>> -> memref<8x128xf32, #tpu.memory_space<vmem>>
    tpu.wait_dma2 semaphore(%arg19 : memref<!tpu.dma_semaphore, #tpu.memory_space<semaphore_mem>>) src(%dma_wait3A_234 : memref<8x128xf32, #tpu.memory_space<vmem>>) dst(%dma_wait3A_231 : memref<8x128xf32, #tpu.memory_space<hbm>>)
    %dma_wait3A_235 = arith.constant 199 : i32
    %dma_wait3A_236 = arith.constant 5 : i32
    %dma_wait3A_237 = arith.constant 40 : i32
    %dma_wait3A_238 = arith.constant 0 : i32
    %dma_wait3A_239 = tpu.memref_slice %arg12[%dma_wait3A_237, %dma_wait3A_238] : memref<64x128xf32, #tpu.memory_space<vmem>> -> memref<8x128xf32, #tpu.memory_space<vmem>>
    %dma_wait3A_240 = arith.constant 0 : i32
    %dma_wait3A_241 = arith.constant 0 : i32
    %dma_wait3A_242 = tpu.memref_slice %arg5[%dma_wait3A_235, %dma_wait3A_236, %add3A, %dma_wait3A_240, %dma_wait3A_241] : memref<200x8x32x8x128xf32, #tpu.memory_space<hbm>> -> memref<1x1x1x8x128xf32, #tpu.memory_space<hbm>>
    %dma_wait3A_243 = tpu.memref_squeeze %dma_wait3A_242 : memref<1x1x1x8x128xf32, #tpu.memory_space<hbm>> -> memref<8x128xf32, #tpu.memory_space<hbm>>
    %dma_wait3A_244 = arith.constant 0 : i32
    %dma_wait3A_245 = arith.constant 0 : i32
    %dma_wait3A_246 = tpu.memref_slice %arg5[%dma_wait3A_235, %dma_wait3A_236, %add3A, %dma_wait3A_244, %dma_wait3A_245] : memref<200x8x32x8x128xf32, #tpu.memory_space<hbm>> -> memref<1x1x1x8x128xf32, #tpu.memory_space<hbm>>
    %dma_wait3A_247 = tpu.memref_squeeze %dma_wait3A_246 : memref<1x1x1x8x128xf32, #tpu.memory_space<hbm>> -> memref<8x128xf32, #tpu.memory_space<hbm>>
    %dma_wait3A_248 = arith.constant 40 : i32
    %dma_wait3A_249 = arith.constant 0 : i32
    %dma_wait3A_250 = tpu.memref_slice %arg12[%dma_wait3A_248, %dma_wait3A_249] : memref<64x128xf32, #tpu.memory_space<vmem>> -> memref<8x128xf32, #tpu.memory_space<vmem>>
    tpu.wait_dma2 semaphore(%arg19 : memref<!tpu.dma_semaphore, #tpu.memory_space<semaphore_mem>>) src(%dma_wait3A_250 : memref<8x128xf32, #tpu.memory_space<vmem>>) dst(%dma_wait3A_247 : memref<8x128xf32, #tpu.memory_space<hbm>>)
    %dma_wait3A_251 = arith.constant 199 : i32
    %dma_wait3A_252 = arith.constant 6 : i32
    %dma_wait3A_253 = arith.constant 48 : i32
    %dma_wait3A_254 = arith.constant 0 : i32
    %dma_wait3A_255 = tpu.memref_slice %arg12[%dma_wait3A_253, %dma_wait3A_254] : memref<64x128xf32, #tpu.memory_space<vmem>> -> memref<8x128xf32, #tpu.memory_space<vmem>>
    %dma_wait3A_256 = arith.constant 0 : i32
    %dma_wait3A_257 = arith.constant 0 : i32
    %dma_wait3A_258 = tpu.memref_slice %arg5[%dma_wait3A_251, %dma_wait3A_252, %add3A, %dma_wait3A_256, %dma_wait3A_257] : memref<200x8x32x8x128xf32, #tpu.memory_space<hbm>> -> memref<1x1x1x8x128xf32, #tpu.memory_space<hbm>>
    %dma_wait3A_259 = tpu.memref_squeeze %dma_wait3A_258 : memref<1x1x1x8x128xf32, #tpu.memory_space<hbm>> -> memref<8x128xf32, #tpu.memory_space<hbm>>
    %dma_wait3A_260 = arith.constant 0 : i32
    %dma_wait3A_261 = arith.constant 0 : i32
    %dma_wait3A_262 = tpu.memref_slice %arg5[%dma_wait3A_251, %dma_wait3A_252, %add3A, %dma_wait3A_260, %dma_wait3A_261] : memref<200x8x32x8x128xf32, #tpu.memory_space<hbm>> -> memref<1x1x1x8x128xf32, #tpu.memory_space<hbm>>
    %dma_wait3A_263 = tpu.memref_squeeze %dma_wait3A_262 : memref<1x1x1x8x128xf32, #tpu.memory_space<hbm>> -> memref<8x128xf32, #tpu.memory_space<hbm>>
    %dma_wait3A_264 = arith.constant 48 : i32
    %dma_wait3A_265 = arith.constant 0 : i32
    %dma_wait3A_266 = tpu.memref_slice %arg12[%dma_wait3A_264, %dma_wait3A_265] : memref<64x128xf32, #tpu.memory_space<vmem>> -> memref<8x128xf32, #tpu.memory_space<vmem>>
    tpu.wait_dma2 semaphore(%arg19 : memref<!tpu.dma_semaphore, #tpu.memory_space<semaphore_mem>>) src(%dma_wait3A_266 : memref<8x128xf32, #tpu.memory_space<vmem>>) dst(%dma_wait3A_263 : memref<8x128xf32, #tpu.memory_space<hbm>>)
    %dma_wait3A_267 = arith.constant 199 : i32
    %dma_wait3A_268 = arith.constant 7 : i32
    %dma_wait3A_269 = arith.constant 56 : i32
    %dma_wait3A_270 = arith.constant 0 : i32
    %dma_wait3A_271 = tpu.memref_slice %arg12[%dma_wait3A_269, %dma_wait3A_270] : memref<64x128xf32, #tpu.memory_space<vmem>> -> memref<8x128xf32, #tpu.memory_space<vmem>>
    %dma_wait3A_272 = arith.constant 0 : i32
    %dma_wait3A_273 = arith.constant 0 : i32
    %dma_wait3A_274 = tpu.memref_slice %arg5[%dma_wait3A_267, %dma_wait3A_268, %add3A, %dma_wait3A_272, %dma_wait3A_273] : memref<200x8x32x8x128xf32, #tpu.memory_space<hbm>> -> memref<1x1x1x8x128xf32, #tpu.memory_space<hbm>>
    %dma_wait3A_275 = tpu.memref_squeeze %dma_wait3A_274 : memref<1x1x1x8x128xf32, #tpu.memory_space<hbm>> -> memref<8x128xf32, #tpu.memory_space<hbm>>
    %dma_wait3A_276 = arith.constant 0 : i32
    %dma_wait3A_277 = arith.constant 0 : i32
    %dma_wait3A_278 = tpu.memref_slice %arg5[%dma_wait3A_267, %dma_wait3A_268, %add3A, %dma_wait3A_276, %dma_wait3A_277] : memref<200x8x32x8x128xf32, #tpu.memory_space<hbm>> -> memref<1x1x1x8x128xf32, #tpu.memory_space<hbm>>
    %dma_wait3A_279 = tpu.memref_squeeze %dma_wait3A_278 : memref<1x1x1x8x128xf32, #tpu.memory_space<hbm>> -> memref<8x128xf32, #tpu.memory_space<hbm>>
    %dma_wait3A_280 = arith.constant 56 : i32
    %dma_wait3A_281 = arith.constant 0 : i32
    %dma_wait3A_282 = tpu.memref_slice %arg12[%dma_wait3A_280, %dma_wait3A_281] : memref<64x128xf32, #tpu.memory_space<vmem>> -> memref<8x128xf32, #tpu.memory_space<vmem>>
    tpu.wait_dma2 semaphore(%arg19 : memref<!tpu.dma_semaphore, #tpu.memory_space<semaphore_mem>>) src(%dma_wait3A_282 : memref<8x128xf32, #tpu.memory_space<vmem>>) dst(%dma_wait3A_279 : memref<8x128xf32, #tpu.memory_space<hbm>>)
    return
  }
}

</mosaic_0001>

<sc_bundles>
// kernel: kernel.3.cloned.1.call-start
scs
__scs_entry_jumppad:
0x0: {  	(pc) =	sbr.rel $0x88, $3  }
0x1: {  	(tag) =	ssettag $0x0;
	lr =	simm.s32 $0x1  }
0x2: {  	[smem:$0x3F9E] =	sst lr;
	_ =	strace $0xD0000000  }
0x3: {  	_ = 	snop  }
0x4: {  	_ = 	snop  }
0x5: {  	_ = 	snop  }
0x6: {  	_ = 	snop  }
0x7: {  	_ = 	snop  }
__scs_overlays_trampoline_lowered:
0x8: {  	[smem:$0x3FAD] =	sst s0  }
0x9: {  	[smem:$0x3FAE] =	sst s1  }
0xa: {  	[smem:$0x3FAF] =	sst s2  }
0xb: {  	[smem:$0x3FB0] =	sst s3  }
0xc: {  	[smem:$0x3FB1] =	sst s4  }
0xd: {  	[smem:$0x3FB2] =	sst s5  }
0xe: {  	[smem:$0x3FB3] =	sst s6  }
0xf: {  	[smem:$0x3FB4] =	sst s7  }
0x10: {  	[smem:$0x3FB5] =	sst s8  }
0x11: {  	[smem:$0x3FB6] =	sst s9;
	s0 =	simm.s32 @!p0 $0x0  }
0x12: {  	s1 =	sld [smem:$0x3F9C];
	s0 =	simm.s32 @p0 $0x1  }
0x13: {  	[smem:$0x3FB7] =	sst s0;
	s0 =	simm.s32 @!p1 $0x0  }
0x14: {  	s2 =	sld [smem:$0x3F9B];
	s0 =	simm.s32 @p1 $0x1  }
0x15: {  	[smem:$0x3FB8] =	sst s0;
	s0 =	simm.s32 @!p2 $0x0  }
0x16: {  	s3 =	sld [smem:$0x3FDB];
	s0 =	simm.s32 @p2 $0x1  }
0x17: {  	s4 =	simm.s32 $0x1BF5;
	[smem:$0x3FBA] =	sst s0  }
0x18: {  	s0 =	sld [smem:$0x3F9D];
	_ =	swait.ge [sflag:s4], $0x0  }
0x19: {  	s7 =	sld [smem:$0x3F9E]  }
0x1a: {  	s8 =	sadd.s32 $0xFFFFE003, lr  }
0x1b: {  	s9 =	sadd.s32 $0xFFFFFEF7, lr;
	s5 =	simm.s32 $0xFFFFFFFF;
	p2 =	slt.u32 s8, $0xFFFFF086  }
0x1c: {  	p1 =	slt.u32 s9, $0xF7A;
	s5 =	simm.s32 @!p2 $0x0  }
0x1d: {  	s5 =	simm.s32 @p1 $0x1;
	p0 =	seq.s32 s7, s2  }
0x1e: {  	s7 =	smul.u32 @!p0 $0xF7A, s2;
	p2 =	seq.s32 @!p0 s5, $0x0  }
0x1f: {  	s9 =	smul.u32 $0xF7A, s1;
	s8 =	simm.s32 @!p0 $0x1BF5;
	p2 =	por !p2, p0  }
0x20: {  	[sflag:s8] =	ssyncset.s32 @!p0 $0xFFFFF086;
	s6 =	sadd.s32 @!p0 s3, s7;
	s7 =	simm.s32 @!p0 $0x108  }
0x21: {  	s3 =	sadd.s32 s3, s9;
	s6 =	sadd.s32 @!p0 $0x88, s6;
	s7 =	simm.s32 @p2 $0x1082  }
0x22: {  	[simem:s7], [sflag:s8] =	dma.local @!p0 [hbm:s6], $0xF7A  }
0x23: {  	s9 =	sor.u32 $0xD0000000, s2;
	s6 =	simm.s32 $0x108;
	_ =	swait.ge @!p0 [sflag:s8], $0x0  }
0x24: {  	s3 =	sadd.s32 $0x88, s3;
	s6 =	simm.s32 @!p1 $0x1082;
	[sflag:s4] =	ssyncset.s32 $0xFFFFF086  }
0x25: {  	[simem:s6], [sflag:s4] =	dma.local [hbm:s3], $0xF7A  }
0x26: {  	[smem:$0x3F9E] =	sst s1;
	(tag) =	ssettag s2;
	_ =	strace s9  }
0x27: {  	s1 =	sld [smem:$0x3FAE]  }
0x28: {  	s2 =	sld [smem:$0x3FAF]  }
0x29: {  	s4 =	sld [smem:$0x3FB1]  }
0x2a: {  	p0 =	seq.s32 s5, $0x0;
	s5 =	sld [smem:$0x3FB2]  }
0x2b: {  	s6 =	sld [smem:$0x3FB3]  }
0x2c: {  	s7 =	sld [smem:$0x3FB4]  }
0x2d: {  	s3 =	simm.s32 $0x108;
	s8 =	sld [smem:$0x3FB5]  }
0x2e: {  	s3 =	simm.s32 @!p0 $0x1082;
	s9 =	sld [smem:$0x3FB6]  }
0x2f: {  	lr =	sadd.s32 s0, s3;
	s0 =	sld [smem:$0x3FAD]  }
0x30: {  	s3 =	sld [smem:$0x3FB0]  }
0x31: {  	[smem:$0x3FB9] =	sst s10  }
0x32: {  	s10 =	sld [smem:$0x3FB7];
	_ =	sdelay $0x3  }
0x33: {  	p0 =	seq.s32 s10, $0x1;
	s10 =	sld [smem:$0x3FB9];
	_ =	sdelay $0x3  }
0x34: {  	[smem:$0x3FB9] =	sst s10  }
0x35: {  	s10 =	sld [smem:$0x3FB8];
	_ =	sdelay $0x3  }
0x36: {  	p1 =	seq.s32 s10, $0x1;
	s10 =	sld [smem:$0x3FB9];
	_ =	sdelay $0x3  }
0x37: {  	[smem:$0x3FB9] =	sst s10  }
0x38: {  	s10 =	sld [smem:$0x3FBA]  }
0x39: {  	_ = 	snop;
	(pc) =	sbr.ind lr, $3  }
0x3a: {  	_ = 	snop  }
0x3b: {  	_ = 	snop  }
0x3c: {  	p2 =	seq.s32 s10, $0x1;
	s10 =	sld [smem:$0x3FB9]  }
0x3d: {  	_ =	shalt  }
0x3e: {  	_ =	shalt  }
0x3f: {  	_ =	shalt  }
0x40: {  	_ =	shalt  }
0x41: {  	_ =	shalt  }
0x42: {  	_ =	shalt  }
0x43: {  	_ =	shalt  }
0x44: {  	_ =	shalt  }
0x45: {  	_ =	shalt  }
0x46: {  	_ =	shalt  }
0x47: {  	_ =	shalt  }
0x48: {  	_ =	shalt  }
0x49: {  	_ =	shalt  }
0x4a: {  	_ =	shalt  }
0x4b: {  	_ =	shalt  }
0x4c: {  	_ =	shalt  }
0x4d: {  	_ =	shalt  }
0x4e: {  	_ =	shalt  }
0x4f: {  	_ =	shalt  }
0x50: {  	_ =	shalt  }
0x51: {  	_ =	shalt  }
0x52: {  	_ =	shalt  }
0x53: {  	_ =	shalt  }
0x54: {  	_ =	shalt  }
0x55: {  	_ =	shalt  }
0x56: {  	_ =	shalt  }
0x57: {  	_ =	shalt  }
0x58: {  	_ =	shalt  }
0x59: {  	_ =	shalt  }
0x5a: {  	_ =	shalt  }
0x5b: {  	_ =	shalt  }
0x5c: {  	_ =	shalt  }
0x5d: {  	_ =	shalt  }
0x5e: {  	_ =	shalt  }
0x5f: {  	_ =	shalt  }
0x60: {  	_ =	shalt  }
0x61: {  	_ =	shalt  }
0x62: {  	_ =	shalt  }
0x63: {  	_ =	shalt  }
0x64: {  	_ =	shalt  }
0x65: {  	_ =	shalt  }
0x66: {  	_ =	shalt  }
0x67: {  	_ =	shalt  }
0x68: {  	_ =	shalt  }
0x69: {  	_ =	shalt  }
0x6a: {  	_ =	shalt  }
0x6b: {  	_ =	shalt  }
0x6c: {  	_ =	shalt  }
0x6d: {  	_ =	shalt  }
0x6e: {  	_ =	shalt  }
0x6f: {  	_ =	shalt  }
0x70: {  	_ =	shalt  }
0x71: {  	_ =	shalt  }
0x72: {  	_ =	shalt  }
0x73: {  	_ =	shalt  }
0x74: {  	_ =	shalt  }
0x75: {  	_ =	shalt  }
0x76: {  	_ =	shalt  }
0x77: {  	_ =	shalt  }
0x78: {  	_ =	shalt  }
0x79: {  	_ =	shalt  }
0x7a: {  	_ =	shalt  }
0x7b: {  	_ =	shalt  }
0x7c: {  	_ =	shalt  }
0x7d: {  	_ =	shalt  }
0x7e: {  	_ =	shalt  }
0x7f: {  	_ =	shalt  }
0x80: {  	_ =	shalt  }
0x81: {  	_ =	shalt  }
0x82: {  	_ =	shalt  }
0x83: {  	_ =	shalt  }
0x84: {  	_ =	shalt  }
0x85: {  	_ =	shalt  }
0x86: {  	_ =	shalt  }
0x87: {  	_ =	shalt  }
.Lfunc_end0:
.L_simem_size_0:
called_computation_lowered:
.L_overlay_start_0:
0x88: {  	s2 =	sld [smem:$0x3FD9]  }
0x89: {  	s3 =	sld [smem:$0x3FFE];
	_ =	sdelay $0x1  }
0x8a: {  	s1 =	srdreg.scid  }
0x8b: {  	s0 =	sand.u32 $0x1, s1  }
0x8c: {  	s17 =	sshll.u32 s0, $0xA;
	s2 =	sadd.s32 s3, s2  }
0x8d: {  	s2 =	sadd.s32 s2, s17  }
0x8e: {  	[smem:$0x3FC5] =	sst s2  }
0x8f: {  	_ = 	snop  }
0x90: {  	s2 =	sld [smem:$0x3FD0];
	(tm) =	ssettm $0x1  }
0x91: {  	s18 =	sld [smem:$0x3FFB];
	_ =	sdelay $0x3  }
0x92: {  	_ =	strace s18  }
0x93: {  	s3 =	sld [smem:$0x3FFC];
	_ =	sdelay $0x3  }
0x94: {  	_ =	strace s3  }
0x95: {  	s3 =	sld [smem:$0x3FFD];
	_ =	sdelay $0x3  }
0x96: {  	_ =	strace s3  }
0x97: {  	_ =	strace $0x8FFFFFFF  }
0x98: {  	s19 =	sld [smem:$0x3FDB];
	_ =	sdelay $0x1  }
0x99: {  	s4 =	simm.s32 $_scs_section_size  }
0x9a: {  	s5 =	simm.s32 $_size__tile_overlayer_lowered;
	s6 =	simm.s32 $_tile_overlayer_lowered  }
0x9b: {  	s22 =	simm.s32 $0x1BFF;
	s21 =	sshll.u32 s6, $0x1;
	s3 =	sadd.s32 s4, s19  }
0x9c: {  	s7 =	simm.s32 $0x0;
	s20 =	sshll.u32 s5, $0x1;
	s5 =	sadd.s32 s21, s3  }
0x9d: {  	[timem:s7], [sflag:s22] =	dma.local [hbm:s5], s20  }
0x9e: {  	_ =	swait.ge [sflag:s22], s20  }
0x9f: {  	s4 =	ssub.s32 $0x0, s20;
	[sflag:s22] =	ssyncset.done $0x0  }
0xa0: {  	[sflag:s22] =	ssyncadd.s32 s4;
	_ =	sdelay $0x1  }
0xa1: {  	s23 =	simm.s32 $0x1B8B  }
0xa2: {  	_ =	swait.ge [sflag:s23], $0x1  }
0xa3: {  	[sflag:s23] =	ssyncset.done $0x0  }
0xa4: {  	s25 =	simm.s32 $0x1B8E;
	s24 =	sld [smem:$0x3FFE];
	[sflag:s23] =	ssyncadd.s32 $0xFFFFFFFF  }
0xa5: {  	s26 =	simm.s32 $execute0_lowered;
	[smem:$0x3FD2] =	sst s25  }
0xa6: {  	s5 =	sshll.u32 s26, $0x1;
	_ =	strace $0x80000046;
	[dreg:$0x1] =	wrdreg $0xFFFFFFFF  }
0xa7: {  	s28 =	simm.s32 $_size_execute0_lowered;
	s3 =	sadd.s32 s3, s5;
	[dreg:$0x0] =	wrdreg $0x0  }
0xa8: {  	s5 =	sshll.u32 s28, $0x1;
	[dreg:$0x2] =	wrdreg s3  }
0xa9: {  	[dreg:$0x3] =	wrdreg s5  }
0xaa: {  	[dreg:$0x4] =	wrdreg $0xC0  }
0xab: {  	_ =	task [dreg:s7], $0x5FFFF  }
0xac: {  	[dreg:$0x1] =	wrdreg $0xFFFFFFFF  }
0xad: {  	[dreg:$0x0] =	wrdreg $0x60  }
0xae: {  	[dreg:$0x2] =	wrdreg s24  }
0xaf: {  	[dreg:$0x3] =	wrdreg s2  }
0xb0: {  	[dreg:$0x4] =	wrdreg $0x9  }
0xb1: {  	_ =	task.clear_ibuf [dreg:s7], $0x5FFFF;
	_ =	strace $0x90000046  }
0xb2: {  	s29 =	simm.s32 $0x9;
	_ =	strace $0x80000048  }
0xb3: {  	_ =	swait.ge [sflag:s29], $0x1  }
0xb4: {  	[sflag:s29] =	ssyncadd.s32 $0xFFFFFFFF  }
0xb5: {  	_ =	strace $0x90000048  }
0xb6: {  	_ =	sfence  }
0xb7: {  	s30 =	sld [smem:$0x0];
	_ =	sdelay $0x2  }
0xb8: {  	s31 =	sshll.u32 s1, $0xD;
	s1 =	sshrl.u32 s1, $0x2  }
0xb9: {  	s3 =	sand.u32 $0x4000, s31;
	s1 =	sadd.s32 s1, s30  }
0xba: {  	s0 =	sor.u32 s3, s0;
	s1 =	sshll.u32 s1, $0x11  }
0xbb: {  	s0 =	sor.u32 s1, s0  }
0xbc: {  	s0 =	sadd.s32 $0x8F2B, s0  }
0xbd: {  	[sflag:s0] =	ssyncadd.remote.s32 $0x1  }
0xbe: {  	_ =	sfence.sel $0xFFFF  }
0xbf: {  	[dreg:$0x0] =	wrdreg $0xFFFFFFFF;
	(pc) =	sbr.abs _section_cstart, $3  }
0xc0: {  	[dreg:$0x1] =	wrdreg $0xFFFFFFFF  }
0xc1: {  	_ =	task.clear_ibuf [dreg:s7], $0x2FFFF;
	_ =	strace $0x9FFFFFFF  }
0xc2: {  	(tm) =	ssettm $0x7FFFFFFF  }
0xc3: {  	_ =	shalt  }
tec
execute0_lowered:
.L_overlay_start_1:
0x0: {  	(tag) =	ssettag $0x1  }
0x1: {  	s3 =	stileid.u32  }
0x2: {  	s0 =	rddreg [dreg:$0x0];
	v61 =	vlaneseq.u32;
	s4 =	sshll.u32 s3, $0x1;
	s3 =	simm.s32 $0x0  }
0x3: {  	v0 =	vor.u32 $0x40, v61;
	[smem:$0x7FF] =	sst s3  }
0x4: {  	s2 =	rddreg [dreg:$0x1];
	v4 =	vor.u32 $0x70, v61;
	_ =	strace $0x80000047;
	[tilespmem:$0x1FF10] =	vst v0  }
0x5: {  	v1 =	vor.u32 $0x60, v61;
	[tilespmem:$0x1FF40] =	vst v4  }
0x6: {  	v5 =	vmul.u32 $0x40, v61;
	v14 =	vor.u32 $0x50, v61;
	[tilespmem:$0x1FF70] =	vst v1  }
0x7: {  	s1 =	srdreg.scid;
	s16 =	simm.s32 $0x12400;
	[tilespmem:$0x1FF80] =	vst v14  }
0x8: {  	s20 =	simm.s32 $0x6400;
	s21 =	simm.s32 $0x8400;
	s23 =	simm.s32 $0xA400;
	v7 =	vor.u32 $0x10, v61;
	[tilespmem:$0x1FF90] =	vst v5  }
0x9: {  	s25 =	simm.s32 $0xC400;
	s26 =	simm.s32 $0xE400;
	s31 =	simm.s32 $0x3;
	v11 =	vor.u32 $0x20, v61;
	[tilespmem:$0x1FFB0] =	vst v7  }
0xa: {  	s19 =	simm.s32 $0x6;
	s15 =	simm.s32 $0x0;
	s1 =	sand.u32 $0x1, s1;
	v63 =	vor.u32 $0x30, v61;
	[tilespmem:$0x1FFE0] =	vst v11  }
0xb: {  	s8 =	sadd.s32 $0x1000, s2;
	s9 =	sadd.s32 $0x2000, s2;
	s10 =	sadd.s32 $0x3000, s2;
	v9 =	vor.u32 $0x800, v5;
	[tilespmem:$0x1FFF0] =	vst v63  }
0xc: {  	s11 =	sadd.s32 $0x4000, s2;
	s12 =	sadd.s32 $0x5000, s2;
	s5 =	sor.u32 s1, s4;
	v10 =	vor.u32 $0x1400, v5;
	[tilespmem:$0x1FF20] =	vst v9  }
0xd: {  	s13 =	sadd.s32 $0x6000, s2;
	s1 =	ssub.s32 $0x2, s1;
	s4 =	sshll.u32 s5, $0x4;
	v3 =	vor.u32 $0x1C00, v5;
	[tilespmem:$0x1FF30] =	vst v10  }
0xe: {  	s14 =	sadd.s32 $0x7000, s2;
	s7 =	sshrl.u32 s1, $0x1;
	v2 =	vor.u32 $0x1800, v5;
	s6 =	sadd.s32 s4, s0;
	[tilespmem:$0x1FF50] =	vst v3  }
0xf: {  	v6 =	vor.u32 $0x400, v5;
	s4 =	sadd.s32 $0xF42C00, s0;
	s0 =	sadd.s32 $0x19800, s0;
	s29 =	ssub.s32 s1, s7;
	[tilespmem:$0x1FF60] =	vst v2  }
0x10: {  	v8 =	vor.u32 $0x1000, v5;
	s7 =	sshll.u32 s5, $0xA;
	[tilespmem:$0x1FFA0] =	vst v6;
	[dreg:$0x3] =	wrdreg s0;
	s30 =	sadd.s32 $0x800, s6  }
0x11: {  	v62 =	vor.u32 $0xC00, v5;
	s5 =	simm.s32 $0x10400;
	[tilespmem:$0x1FFC0] =	vst v8;
	s0 =	smax.u32 s29, $0x1;
	[dreg:$0x4] =	wrdreg s30  }
0x12: {  	s1 =	simm.s32 $0x5;
	[tilespmem:$0x1FFD0] =	vst v62;
	[dreg:$0x5] =	wrdreg s0;
	s0 =	simm.s32 $0x4  }
.LBB2_1:
0x13: {  	[dreg:$0x6] =	wrdreg s15  }
0x14: {  	s6 =	rddreg [dreg:$0x3];
	s28 =	simm.s32 $0x7  }
0x15: {  	[tilespmem:s16], [sflag:$0x7] =	stream.linear.gather [hbm4b:s6+s3], $0x3200, $0x38;
	[tilespmem:$0x15600] =	vst v63  }
0x16: {  	_ =	swait.ge [sflag:s28], $0x3200  }
0x17: {  	s17 =	simm.s32 $0x80;
	[sflag:s28] =	ssyncset.done $0x0  }
0x18: {  	s18 =	simm.s32 $0x1000;
	s29 =	rddreg [dreg:$0x4];
	[sflag:s28] =	ssyncadd.s32 $0xFFFFCE00  }
0x19: {  	[tilespmem:s3], [sflag:$0x7] =	stream.strided.gather [hbm4b:s29+s17], $0x6400, s18, s17, $0x38;
	[tilespmem:$0x15600] =	vst v63  }
0x1a: {  	_ =	swait.ge [sflag:s28], $0x6400  }
0x1b: {  	[sflag:s28] =	ssyncset.done $0x0  }
0x1c: {  	[sflag:s28] =	ssyncadd.s32 $0xFFFF9C00  }
0x1d: {  	[tilespmem:s20], [sflag:$0x1] =	stream.indirect.gather [hbm4b:s4+s17], $0x40, s3, s17, $0xb8;
	[tilespmem:$0x15600] =	vst v63  }
0x1e: {  	_ = 	snop  }
0x1f: {  	[tilespmem:s21], [sflag:$0x2] =	stream.indirect.gather [hbm4b:s4+s17], $0x40, s17, s17, $0xb8;
	[tilespmem:$0x15600] =	vst v63  }
0x20: {  	s30 =	simm.s32 $0x100;
	s6 =	simm.s32 $0x0  }
0x21: {  	[tilespmem:s23], [sflag:$0x3] =	stream.indirect.gather [hbm4b:s4+s17], $0x40, s30, s17, $0xb8;
	[tilespmem:$0x15600] =	vst v63  }
.LBB2_2:
0x22: {  	s18 =	simm.s32 $0x1  }
0x23: {  	s15 =	sshllo.u32 s6, $0x2;
	_ =	swait.ge [sflag:s18], $0x2000  }
0x24: {  	s24 =	simm.s32 $0x80;
	s17 =	sshll.u32 s15, $0x7;
	[sflag:s18] =	ssyncset.done $0x0  }
0x25: {  	p0 =	seq.s32 s6, $0x0;
	s17 =	sand.u32 $0x3FFFFF80, s17;
	[sflag:s18] =	ssyncadd.s32 $0xFFFFE000  }
0x26: {  	[tilespmem:s25], [sflag:$0x4] =	stream.indirect.gather [hbm4b:s4+s24], $0x40, s17, s24, $0xb8;
	[tilespmem:$0x15600] =	vst v63  }
0x27: {  	s17 =	simm.s32 @!p0 $0x5  }
0x28: {  	_ =	swait.ge @!p0 [sflag:s17], $0x400  }
0x29: {  	[sflag:s17] =	ssyncset.done @!p0 $0x0  }
0x2a: {  	[sflag:s17] =	ssyncadd.s32 @!p0 $0xFFFFFC00  }
0x2b: {  	_ =	swait.ge @!p0 [sflag:s17], $0x400  }
0x2c: {  	[sflag:s17] =	ssyncset.done @!p0 $0x0  }
0x2d: {  	[sflag:s17] =	ssyncadd.s32 @!p0 $0xFFFFFC00  }
0x2e: {  	_ =	swait.ge @!p0 [sflag:s17], $0x400  }
0x2f: {  	[sflag:s17] =	ssyncset.done @!p0 $0x0  }
0x30: {  	[sflag:s17] =	ssyncadd.s32 @!p0 $0xFFFFFC00  }
0x31: {  	_ =	swait.ge @!p0 [sflag:s17], $0x400  }
0x32: {  	[sflag:s17] =	ssyncset.done @!p0 $0x0  }
0x33: {  	[sflag:s17] =	ssyncadd.s32 @!p0 $0xFFFFFC00  }
0x34: {  	_ =	swait.ge @!p0 [sflag:s17], $0x400  }
0x35: {  	[sflag:s17] =	ssyncset.done @!p0 $0x0  }
0x36: {  	[sflag:s17] =	ssyncadd.s32 @!p0 $0xFFFFFC00  }
0x37: {  	_ =	swait.ge @!p0 [sflag:s17], $0x400  }
0x38: {  	s28 =	simm.s32 $0x0;
	[sflag:s17] =	ssyncset.done @!p0 $0x0  }
0x39: {  	v0 =	vadd.s32 s28, v61;
	[sflag:s17] =	ssyncadd.s32 @!p0 $0xFFFFFC00  }
0x3a: {  	s29 =	sshll.u32 s6, $0x8;
	v18 =	vand.u32 $0x3F, v0;
	_ =	swait.ge @!p0 [sflag:s17], $0x400  }
0x3b: {  	v13 =	vmov s29;
	v16 =	vor.u32 v5, v18;
	[sflag:s17] =	ssyncset.done @!p0 $0x0  }
0x3c: {  	v17 =	vor.u32 v13, v18;
	[sflag:s17] =	ssyncadd.s32 @!p0 $0xFFFFFC00  }
0x3d: {  	s28 =	simm.s32 $0x2;
	_ =	swait.ge @!p0 [sflag:s17], $0x400  }
0x3e: {  	v21 =	vadd.s32 s28, v61;
	[sflag:s17] =	ssyncset.done @!p0 $0x0  }
0x3f: {  	s22 =	simm.s32 $0x3;
	v24 =	vand.u32 $0x3F, v21;
	[sflag:s17] =	ssyncadd.s32 @!p0 $0xFFFFFC00  }
0x40: {  	v25 =	vadd.s32 s22, v61;
	v20 =	vor.u32 v13, v24;
	v27 =	vld.idx.msk [tilespmem:v16+s20+$0x0], $0xffff  }
0x41: {  	v0 =	vshll.u32 v0, $0x7;
	v29 =	vand.u32 $0x3F, v25;
	v28 =	vor.u32 v5, v24;
	v16 =	vld.idx.msk [tilespmem:v17+s16+$0x0], $0xffff  }
0x42: {  	s30 =	simm.s32 $0x1;
	v23 =	vand.u32 $0x1F80, v0;
	v0 =	vor.u32 v5, v29  }
0x43: {  	v1 =	vadd.s32 s30, v61;
	v30 =	vor.u32 v61, v23;
	v17 =	vor.u32 v13, v29  }
0x44: {  	v22 =	vand.u32 $0x3F, v1;
	v31 =	vor.u32 v6, v18  }
0x45: {  	v19 =	vor.u32 v13, v22;
	v20 =	vld.idx.msk [tilespmem:v20+s16+$0x0], $0xffff  }
0x46: {  	v32 =	vor.u32 v5, v22;
	v28 =	vld.idx.msk [tilespmem:v28+s20+$0x0], $0xffff;
	v27 =	vadd.f32 v27, v16  }
0x47: {  	v21 =	vshll.u32 v21, $0x7;
	v0 =	vld.idx.msk [tilespmem:v0+s20+$0x0], $0xffff  }
0x48: {  	v25 =	vshll.u32 v25, $0x7;
	v37 =	vand.u32 $0x1F80, v21;
	v17 =	vld.idx.msk [tilespmem:v17+s16+$0x0], $0xffff;
	[tilespmem:v30+s26+$0x0] =	vst.idx.msk $0xffff, v27  }
0x49: {  	v21 =	vand.u32 $0x1F80, v25;
	v25 =	vor.u32 v61, v37;
	v27 =	vld.idx.msk [tilespmem:v31+s20+$0x0], $0xffff  }
0x4a: {  	v1 =	vshll.u32 v1, $0x7;
	v51 =	vor.u32 v61, v21;
	v19 =	vld.idx.msk [tilespmem:v19+s16+$0x0], $0xffff;
	v31 =	vor.u32 v6, v24  }
0x4b: {  	v38 =	vand.u32 $0x1F80, v1;
	v1 =	vor.u32 v6, v29;
	v33 =	vor.u32 v7, v23;
	v30 =	vld.idx.msk [tilespmem:v32+s20+$0x0], $0xffff  }
0x4c: {  	v35 =	vor.u32 v9, v18;
	v28 =	vadd.f32 v28, v20  }
0x4d: {  	v34 =	vor.u32 v61, v38;
	v0 =	vadd.f32 v0, v17  }
0x4e: {  	v36 =	vor.u32 v6, v22;
	[tilespmem:v25+s26+$0x0] =	vst.idx.msk $0xffff, v28;
	v25 =	vadd.f32 v27, v16  }
0x4f: {  	[tilespmem:v51+s26+$0x0] =	vst.idx.msk $0xffff, v0;
	v28 =	vld.idx.msk [tilespmem:v31+s20+$0x0], $0xffff  }
0x50: {  	v27 =	vadd.f32 v30, v19;
	v0 =	vld.idx.msk [tilespmem:v1+s20+$0x0], $0xffff;
	[tilespmem:v33+s26+$0x0] =	vst.idx.msk $0xffff, v25  }
0x51: {  	v1 =	vor.u32 v7, v37;
	v25 =	vld.idx.msk [tilespmem:v35+s20+$0x0], $0xffff  }
0x52: {  	v31 =	vor.u32 v7, v21;
	[tilespmem:v34+s26+$0x0] =	vst.idx.msk $0xffff, v27  }
0x53: {  	v53 =	vor.u32 v11, v23;
	v30 =	vor.u32 v9, v24;
	v27 =	vld.idx.msk [tilespmem:v36+s20+$0x0], $0xffff  }
0x54: {  	v52 =	vor.u32 v9, v29;
	v28 =	vadd.f32 v28, v20  }
0x55: {  	v55 =	vor.u32 v62, v18;
	v0 =	vadd.f32 v0, v17  }
0x56: {  	v54 =	vor.u32 v7, v38;
	[tilespmem:v1+s26+$0x0] =	vst.idx.msk $0xffff, v28;
	v1 =	vadd.f32 v25, v16  }
0x57: {  	v56 =	vor.u32 v9, v22;
	[tilespmem:v31+s26+$0x0] =	vst.idx.msk $0xffff, v0  }
0x58: {  	v25 =	vadd.f32 v27, v19;
	v27 =	vld.idx.msk [tilespmem:v30+s20+$0x0], $0xffff;
	[tilespmem:v53+s26+$0x0] =	vst.idx.msk $0xffff, v1;
	v1 =	vor.u32 v4, v23  }
0x59: {  	v0 =	vld.idx.msk [tilespmem:v52+s20+$0x0], $0xffff;
	[tilespmem:$0x1FEC0] =	vst v1;
	v1 =	vor.u32 v14, v21  }
0x5a: {  	[tilespmem:$0x1FED0] =	vst v1  }
0x5b: {  	s29 =	simm.s32 $0x6;
	v28 =	vld.idx.msk [tilespmem:v55+s20+$0x0], $0xffff;
	[tilespmem:v54+s26+$0x0] =	vst.idx.msk $0xffff, v25;
	v25 =	vor.u32 v11, v37  }
0x5c: {  	v46 =	vadd.s32 s29, v61;
	v57 =	vor.u32 v62, v24;
	v31 =	vld.idx.msk [tilespmem:v56+s20+$0x0], $0xffff  }
0x5d: {  	v59 =	vor.u32 v8, v18;
	v41 =	vor.u32 v62, v22;
	v42 =	vor.u32 v11, v21  }
0x5e: {  	v45 =	vor.u32 v62, v29;
	v58 =	vor.u32 v63, v23;
	v27 =	vadd.f32 v27, v20  }
0x5f: {  	s30 =	simm.s32 $0x7;
	v40 =	vor.u32 v11, v38;
	v43 =	vor.u32 v63, v38;
	v48 =	vor.u32 v14, v38  }
0x60: {  	v62 =	vadd.s32 s30, v61;
	v47 =	vor.u32 v14, v37;
	v0 =	vadd.f32 v0, v17;
	v1 =	vld [tilespmem:$0x1FF10];
	[tilespmem:v25+s26+$0x0] =	vst.idx.msk $0xffff, v27  }
0x61: {  	s24 =	simm.s32 $0x5;
	v44 =	vor.u32 v63, v21;
	v28 =	vadd.f32 v28, v16;
	v25 =	vadd.f32 v31, v19;
	v31 =	vld.idx.msk [tilespmem:v57+s20+$0x0], $0xffff  }
0x62: {  	s28 =	simm.s32 $0x4;
	v60 =	vor.u32 v63, v37;
	v36 =	vand.u32 $0x3F, v46;
	[tilespmem:v42+s26+$0x0] =	vst.idx.msk $0xffff, v0;
	v27 =	vadd.s32 s24, v61  }
0x63: {  	v30 =	vor.u32 v8, v22;
	v39 =	vand.u32 $0x3F, v27;
	[tilespmem:v58+s26+$0x0] =	vst.idx.msk $0xffff, v28;
	v28 =	vadd.s32 s28, v61  }
0x64: {  	v35 =	vand.u32 $0x3F, v62;
	v54 =	vld.idx.msk [tilespmem:v45+s20+$0x0], $0xffff;
	v50 =	vor.u32 v13, v39;
	[tilespmem:v40+s26+$0x0] =	vst.idx.msk $0xffff, v25;
	v25 =	vshll.u32 v28, $0x7  }
0x65: {  	v51 =	vor.u32 v5, v39;
	v49 =	vld.idx.msk [tilespmem:v59+s20+$0x0], $0xffff;
	v40 =	vand.u32 $0x3F, v28;
	v42 =	vand.u32 $0x1F80, v25  }
0x66: {  	v41 =	vld.idx.msk [tilespmem:v41+s20+$0x0], $0xffff;
	v52 =	vor.u32 v5, v40;
	v11 =	vor.u32 v4, v42;
	v31 =	vadd.f32 v31, v20  }
0x67: {  	v53 =	vor.u32 v5, v36;
	v32 =	vor.u32 v1, v23;
	v55 =	vor.u32 v13, v40;
	[tilespmem:$0x1FEE0] =	vst v11  }
0x68: {  	v56 =	vor.u32 v13, v35;
	v0 =	vor.u32 v13, v36;
	v57 =	vshll.u32 v27, $0x7;
	[tilespmem:v60+s26+$0x0] =	vst.idx.msk $0xffff, v31  }
0x69: {  	v27 =	vshll.u32 v62, $0x7;
	v62 =	vor.u32 v10, v22;
	v58 =	vor.u32 v5, v35;
	v28 =	vld.idx.msk [tilespmem:v50+s16+$0x0], $0xffff;
	[tilespmem:$0x1FEF0] =	vst v13  }
0x6a: {  	v45 =	vand.u32 $0x1F80, v27;
	v63 =	vadd.f32 v54, v17;
	v49 =	vadd.f32 v49, v16;
	v51 =	vld.idx.msk [tilespmem:v51+s20+$0x0], $0xffff  }
0x6b: {  	v54 =	vor.u32 v8, v24;
	v11 =	vor.u32 v4, v21;
	v31 =	vadd.f32 v41, v19;
	v52 =	vld.idx.msk [tilespmem:v52+s20+$0x0], $0xffff  }
0x6c: {  	v50 =	vor.u32 v9, v35;
	v60 =	vor.u32 v8, v29;
	[tilespmem:v32+s26+$0x0] =	vst.idx.msk $0xffff, v49;
	v34 =	vld.idx.msk [tilespmem:v55+s16+$0x0], $0xffff  }
0x6d: {  	v8 =	vor.u32 v2, v18;
	v41 =	vor.u32 v3, v24;
	v27 =	vld.idx.msk [tilespmem:v0+s16+$0x0], $0xffff;
	[tilespmem:v43+s26+$0x0] =	vst.idx.msk $0xffff, v31  }
0x6e: {  	[tilespmem:v44+s26+$0x0] =	vst.idx.msk $0xffff, v63;
	v0 =	vor.u32 v61, v42;
	v55 =	vld.idx.msk [tilespmem:v30+s20+$0x0], $0xffff;
	v30 =	vand.u32 $0x1F80, v57  }
0x6f: {  	v46 =	vshll.u32 v46, $0x7;
	v44 =	vor.u32 v10, v18;
	v53 =	vld.idx.msk [tilespmem:v53+s20+$0x0], $0xffff;
	[tilespmem:$0x1FF00] =	vst v11;
	v59 =	vor.u32 v61, v30  }
0x70: {  	v63 =	vor.u32 v7, v45;
	v43 =	vor.u32 v14, v45;
	v57 =	vor.u32 v1, v38;
	v58 =	vld.idx.msk [tilespmem:v58+s20+$0x0], $0xffff  }
0x71: {  	v31 =	vand.u32 $0x1F80, v46;
	v49 =	vld.idx.msk [tilespmem:v56+s16+$0x0], $0xffff;
	v32 =	vadd.f32 v52, v34;
	v52 =	vor.u32 v6, v40  }
0x72: {  	v46 =	vor.u32 v6, v39;
	v33 =	vor.u32 v61, v31;
	v51 =	vadd.f32 v51, v28  }
0x73: {  	v54 =	vld.idx.msk [tilespmem:v54+s20+$0x0], $0xffff;
	v55 =	vadd.f32 v55, v19;
	[tilespmem:v0+s26+$0x0] =	vst.idx.msk $0xffff, v32;
	v0 =	vor.u32 v61, v45  }
0x74: {  	v56 =	vor.u32 v7, v30;
	v44 =	vld.idx.msk [tilespmem:v44+s20+$0x0], $0xffff;
	v53 =	vadd.f32 v53, v27;
	[tilespmem:v59+s26+$0x0] =	vst.idx.msk $0xffff, v51  }
0x75: {  	v32 =	vor.u32 v1, v37;
	v51 =	vor.u32 v6, v36;
	[tilespmem:v57+s26+$0x0] =	vst.idx.msk $0xffff, v55;
	v57 =	vld.idx.msk [tilespmem:v60+s20+$0x0], $0xffff  }
0x76: {  	v58 =	vadd.f32 v58, v49;
	v59 =	vor.u32 v6, v35;
	v55 =	vor.u32 v14, v23;
	v52 =	vld.idx.msk [tilespmem:v52+s20+$0x0], $0xffff  }
0x77: {  	[tilespmem:v33+s26+$0x0] =	vst.idx.msk $0xffff, v53;
	v53 =	vor.u32 v1, v21;
	v33 =	vor.u32 v10, v24;
	v62 =	vld.idx.msk [tilespmem:v62+s20+$0x0], $0xffff  }
0x78: {  	v25 =	vmov v5;
	v54 =	vadd.f32 v54, v20;
	[tilespmem:v0+s26+$0x0] =	vst.idx.msk $0xffff, v58;
	v58 =	vor.u32 v7, v42  }
0x79: {  	v1 =	vor.u32 v10, v29;
	v5 =	vld.idx.msk [tilespmem:v46+s20+$0x0], $0xffff;
	v46 =	vor.u32 v3, v29;
	v44 =	vadd.f32 v44, v16  }
0x7a: {  	[tilespmem:v32+s26+$0x0] =	vst.idx.msk $0xffff, v54;
	v0 =	vor.u32 v9, v40;
	v51 =	vld.idx.msk [tilespmem:v51+s20+$0x0], $0xffff;
	v32 =	vadd.f32 v57, v17  }
0x7b: {  	v60 =	vor.u32 v7, v31;
	v59 =	vld.idx.msk [tilespmem:v59+s20+$0x0], $0xffff;
	[tilespmem:v55+s26+$0x0] =	vst.idx.msk $0xffff, v44;
	v52 =	vadd.f32 v52, v34  }
0x7c: {  	v44 =	vor.u32 v14, v31;
	v55 =	vld.idx.msk [tilespmem:v33+s20+$0x0], $0xffff;
	v33 =	vadd.f32 v62, v19;
	[tilespmem:v53+s26+$0x0] =	vst.idx.msk $0xffff, v32  }
0x7d: {  	v57 =	vor.u32 v2, v22;
	v62 =	vor.u32 v9, v36;
	v53 =	vld.idx.msk [tilespmem:v8+s20+$0x0], $0xffff;
	[tilespmem:v58+s26+$0x0] =	vst.idx.msk $0xffff, v52  }
0x7e: {  	v52 =	vor.u32 v3, v22;
	v58 =	vadd.f32 v5, v28;
	v54 =	vld.idx.msk [tilespmem:v1+s20+$0x0], $0xffff;
	[tilespmem:v48+s26+$0x0] =	vst.idx.msk $0xffff, v33  }
0x7f: {  	v15 =	vlaneseq.u32;
	s18 =	sshll.u32 s6, $0x2;
	s17 =	simm.s32 $0x8;
	v13 =	vmovc v16;
	v48 =	vor.u32 v4, v37;
	v22 =	vmovc v6;
	v61 =	vld.idx.msk [tilespmem:v0+s20+$0x0], $0xffff;
	v0 =	vadd.f32 v51, v27  }
.LBB2_3:
0x80: {  	v4 =	vld [tilespmem:$0x1FF70]  }
0x81: {  	v32 =	vld [tilespmem:$0x1FF50]  }
0x82: {  	v26 =	vld [tilespmem:$0x1FF40]  }
0x83: {  	v16 =	vld [tilespmem:$0x1FF60]  }
0x84: {  	v5 =	vld [tilespmem:$0x1FFE0];
	[tilespmem:v60+s26+$0x0] =	vst.idx.msk $0xffff, v0  }
0x85: {  	v3 =	vor.u32 v4, v21;
	v21 =	vmovc v45;
	v45 =	vmov v17;
	v17 =	vmov v49;
	v49 =	vld.idx.msk [tilespmem:v62+s20+$0x0], $0xffff  }
0x86: {  	v62 =	vld [tilespmem:$0x1FED0]  }
0x87: {  	v14 =	vld [tilespmem:$0x1FF20]  }
0x88: {  	v6 =	vld [tilespmem:$0x1FFD0]  }
0x89: {  	v0 =	vld.idx.msk [tilespmem:v57+s20+$0x0], $0xffff;
	[tilespmem:v56+s26+$0x0] =	vst.idx.msk $0xffff, v58;
	v55 =	vadd.f32 v55, v20;
	v57 =	vadd.f32 v61, v34  }
0x8a: {  	v51 =	vmovc v39;
	v7 =	vld [tilespmem:$0x1FFC0];
	v1 =	vor.u32 v32, v18;
	v29 =	vor.u32 v16, v29;
	v33 =	vadd.f32 v59, v17  }
0x8b: {  	v9 =	vld [tilespmem:$0x1FF10];
	v18 =	vmovc v40;
	v39 =	vor.u32 v16, v24;
	v40 =	vor.u32 v5, v42;
	v60 =	vor.u32 v4, v23  }
0x8c: {  	v11 =	vld [tilespmem:$0x1FF80];
	v61 =	vor.u32 v14, v51;
	[tilespmem:v63+s26+$0x0] =	vst.idx.msk $0xffff, v33;
	v33 =	vadd.f32 v54, v45  }
0x8d: {  	v37 =	vor.u32 v4, v37;
	v59 =	vor.u32 v6, v18;
	v63 =	vor.u32 v4, v38;
	v4 =	vld [tilespmem:$0x1FFF0]  }
0x8e: {  	v50 =	vld.idx.msk [tilespmem:v50+s20+$0x0], $0xffff;
	[tilespmem:v62+s26+$0x0] =	vst.idx.msk $0xffff, v33  }
0x8f: {  	v53 =	vadd.f32 v53, v13;
	v2 =	vor.u32 v26, v38;
	[tilespmem:v47+s26+$0x0] =	vst.idx.msk $0xffff, v55;
	v33 =	vld.idx.msk [tilespmem:v29+s20+$0x0], $0xffff  }
0x90: {  	v24 =	vmovc v36;
	v23 =	vmov v42;
	v39 =	vld.idx.msk [tilespmem:v39+s20+$0x0], $0xffff;
	v42 =	vadd.f32 v49, v27;
	v49 =	vor.u32 v5, v31  }
0x91: {  	v47 =	vor.u32 v7, v51;
	v55 =	vor.u32 v6, v24;
	[tilespmem:v40+s26+$0x0] =	vst.idx.msk $0xffff, v57;
	v54 =	vld.idx.msk [tilespmem:v61+s20+$0x0], $0xffff  }
0x92: {  	v0 =	vadd.f32 v0, v19;
	v58 =	vor.u32 v7, v18;
	v40 =	vld.idx.msk [tilespmem:v59+s20+$0x0], $0xffff;
	[tilespmem:v60+s26+$0x0] =	vst.idx.msk $0xffff, v53  }
0x93: {  	v53 =	vor.u32 v6, v51;
	v59 =	vor.u32 v5, v21;
	v60 =	vor.u32 v6, v35;
	v6 =	vld [tilespmem:$0x1FEF0]  }
0x94: {  	v1 =	vld.idx.msk [tilespmem:v1+s20+$0x0], $0xffff;
	[tilespmem:v63+s26+$0x0] =	vst.idx.msk $0xffff, v0;
	v0 =	vor.u32 v4, v23;
	v61 =	vadd.f32 v33, v45  }
0x95: {  	v38 =	vor.u32 v9, v23;
	v56 =	vor.u32 v4, v30;
	v52 =	vld.idx.msk [tilespmem:v52+s20+$0x0], $0xffff;
	[tilespmem:v49+s26+$0x0] =	vst.idx.msk $0xffff, v42  }
0x96: {  	v57 =	vor.u32 v4, v21;
	v50 =	vadd.f32 v50, v17;
	v42 =	vld.idx.msk [tilespmem:v55+s20+$0x0], $0xffff;
	[tilespmem:v3+s26+$0x0] =	vst.idx.msk $0xffff, v61  }
0x97: {  	v62 =	vmov v43;
	v43 =	vor.u32 v4, v31;
	v40 =	vadd.f32 v40, v34;
	v46 =	vld.idx.msk [tilespmem:v46+s20+$0x0], $0xffff  }
0x98: {  	v29 =	vmov v35;
	v35 =	vor.u32 v5, v30;
	v63 =	vadd.f32 v39, v20;
	[tilespmem:v59+s26+$0x0] =	vst.idx.msk $0xffff, v50;
	v50 =	vld [tilespmem:$0x1FEC0]  }
0x99: {  	s28 =	smov.u32 s17;
	v4 =	vor.u32 v11, v23;
	v5 =	vor.u32 v10, v29;
	[tilespmem:v0+s26+$0x0] =	vst.idx.msk $0xffff, v40  }
0x9a: {  	s29 =	sadd.s32 $0x1, s28;
	[tilespmem:v37+s26+$0x0] =	vst.idx.msk $0xffff, v63;
	v63 =	vadd.s32 s28, v15;
	v1 =	vadd.f32 v1, v13;
	v49 =	vld.idx.msk [tilespmem:v58+s20+$0x0], $0xffff  }
0x9b: {  	v41 =	vld.idx.msk [tilespmem:v41+s20+$0x0], $0xffff;
	v0 =	vadd.f32 v54, v28;
	v40 =	vand.u32 $0x3F, v63;
	v3 =	vadd.s32 s29, v15  }
0x9c: {  	s30 =	sadd.s32 $0x2, s28;
	[tilespmem:$0x1FED0] =	vst v62;
	v62 =	vadd.f32 v52, v19;
	v19 =	vmovc v28;
	v28 =	vshll.u32 v63, $0x7;
	v39 =	vand.u32 $0x3F, v3  }
0x9d: {  	[tilespmem:v35+s26+$0x0] =	vst.idx.msk $0xffff, v0;
	v61 =	vadd.s32 s30, v15;
	v63 =	vadd.f32 v42, v27;
	v52 =	vor.u32 v6, v39  }
0x9e: {  	v12 =	vmov v34;
	v34 =	vor.u32 v25, v40;
	v37 =	vld.idx.msk [tilespmem:v53+s20+$0x0], $0xffff;
	[tilespmem:v2+s26+$0x0] =	vst.idx.msk $0xffff, v62;
	v36 =	vand.u32 $0x3F, v61  }
0x9f: {  	s28 =	sadd.s32 $0x3, s28;
	v0 =	vor.u32 v6, v36;
	v59 =	vld.idx.msk [tilespmem:v60+s20+$0x0], $0xffff;
	[tilespmem:v43+s26+$0x0] =	vst.idx.msk $0xffff, v63;
	v63 =	vadd.f32 v49, v12  }
0xa0: {  	v58 =	vadd.s32 s28, v15;
	v60 =	vld [tilespmem:$0x1FEE0];
	[tilespmem:v50+s26+$0x0] =	vst.idx.msk $0xffff, v1;
	v1 =	vadd.f32 v41, v20;
	v41 =	vor.u32 v6, v40  }
0xa1: {  	v35 =	vand.u32 $0x3F, v58;
	v42 =	vand.u32 $0x1F80, v28;
	v54 =	vor.u32 v25, v39;
	[tilespmem:v38+s26+$0x0] =	vst.idx.msk $0xffff, v63;
	v63 =	vld [tilespmem:$0x1FF00]  }
0xa2: {  	v62 =	vor.u32 v26, v42;
	v55 =	vor.u32 v25, v36;
	v43 =	vor.u32 v32, v24;
	v28 =	vld.idx.msk [tilespmem:v52+s16+$0x0], $0xffff  }
0xa3: {  	v49 =	vor.u32 v6, v35;
	v33 =	vadd.f32 v46, v45;
	[tilespmem:v48+s26+$0x0] =	vst.idx.msk $0xffff, v1;
	v48 =	vld.idx.msk [tilespmem:v34+s20+$0x0], $0xffff  }
0xa4: {  	v2 =	vshll.u32 v61, $0x7;
	v20 =	vmovc v27;
	v6 =	vor.u32 v7, v24;
	v27 =	vld.idx.msk [tilespmem:v0+s16+$0x0], $0xffff;
	v0 =	vadd.f32 v37, v19  }
0xa5: {  	[tilespmem:$0x1FEE0] =	vst v62;
	v46 =	vor.u32 v32, v29;
	v61 =	vmov v60;
	v60 =	vor.u32 v25, v35;
	v34 =	vld.idx.msk [tilespmem:v41+s16+$0x0], $0xffff  }
0xa6: {  	v62 =	vadd.f32 v59, v17;
	v1 =	vld.idx.msk [tilespmem:v54+s20+$0x0], $0xffff;
	[tilespmem:v56+s26+$0x0] =	vst.idx.msk $0xffff, v0;
	v0 =	vor.u32 v26, v21  }
0xa7: {  	v54 =	vld.idx.msk [tilespmem:v55+s20+$0x0], $0xffff;
	v41 =	vor.u32 v15, v42;
	[tilespmem:$0x1FF00] =	vst v0;
	v0 =	vor.u32 v10, v18  }
0xa8: {  	[tilespmem:$0x1FEC0] =	vst v61;
	v61 =	vshll.u32 v58, $0x7;
	v58 =	vor.u32 v16, v18;
	v37 =	vmovc v31;
	v31 =	vand.u32 $0x1F80, v2  }
0xa9: {  	v3 =	vshll.u32 v3, $0x7;
	v45 =	vand.u32 $0x1F80, v61;
	v59 =	vor.u32 v15, v31;
	v53 =	vld.idx.msk [tilespmem:v6+s20+$0x0], $0xffff;
	[tilespmem:v63+s26+$0x0] =	vst.idx.msk $0xffff, v33  }
0xaa: {  	v50 =	vor.u32 v14, v35;
	v47 =	vld.idx.msk [tilespmem:v47+s20+$0x0], $0xffff;
	[tilespmem:v57+s26+$0x0] =	vst.idx.msk $0xffff, v62;
	v48 =	vadd.f32 v48, v34  }
0xab: {  	v38 =	vmovc v30;
	v30 =	vand.u32 $0x1F80, v3;
	v55 =	vor.u32 v7, v29;
	v2 =	vor.u32 v22, v40;
	v52 =	vld.idx.msk [tilespmem:v60+s20+$0x0], $0xffff  }
0xac: {  	v60 =	vor.u32 v9, v38;
	v0 =	vld.idx.msk [tilespmem:v0+s20+$0x0], $0xffff;
	[tilespmem:v41+s26+$0x0] =	vst.idx.msk $0xffff, v48;
	v41 =	vadd.f32 v54, v27  }
0xad: {  	v3 =	vor.u32 v15, v30;
	v61 =	vor.u32 v11, v31;
	v6 =	vor.u32 v22, v36;
	v49 =	vld.idx.msk [tilespmem:v49+s16+$0x0], $0xffff  }
0xae: {  	v8 =	vor.u32 v9, v37;
	v62 =	vor.u32 v10, v51;
	[tilespmem:v59+s26+$0x0] =	vst.idx.msk $0xffff, v41;
	v41 =	vld [tilespmem:$0x1FFB0]  }
0xaf: {  	v57 =	vor.u32 v22, v39;
	v7 =	vadd.f32 v47, v19;
	v48 =	vor.u32 v15, v45  }
0xb0: {  	v1 =	vadd.f32 v1, v28;
	v33 =	vor.u32 v11, v45;
	v55 =	vld.idx.msk [tilespmem:v55+s20+$0x0], $0xffff;
	v54 =	vor.u32 v22, v35  }
0xb1: {  	v63 =	vor.u32 v10, v24;
	v10 =	vor.u32 v11, v38;
	v2 =	vld.idx.msk [tilespmem:v2+s20+$0x0], $0xffff;
	[tilespmem:v60+s26+$0x0] =	vst.idx.msk $0xffff, v7  }
0xb2: {  	v6 =	vld.idx.msk [tilespmem:v6+s20+$0x0], $0xffff;
	v7 =	vor.u32 v9, v21;
	v52 =	vadd.f32 v52, v49;
	[tilespmem:v3+s26+$0x0] =	vst.idx.msk $0xffff, v1  }
0xb3: {  	v13 =	vmovc v12;
	v47 =	vmov v44;
	v0 =	vadd.f32 v0, v12;
	v1 =	vld.idx.msk [tilespmem:v62+s20+$0x0], $0xffff;
	v11 =	vor.u32 v41, v42  }
0xb4: {  	v12 =	vor.u32 v14, v40;
	v3 =	vadd.f32 v53, v20;
	v9 =	vld.idx.msk [tilespmem:v57+s20+$0x0], $0xffff;
	[tilespmem:v48+s26+$0x0] =	vst.idx.msk $0xffff, v52  }
0xb5: {  	p0 =	slt.u32 s17, $0x3C;
	v48 =	vadd.f32 v55, v17;
	v52 =	vor.u32 v32, v51;
	[tilespmem:v4+s26+$0x0] =	vst.idx.msk $0xffff, v0;
	v59 =	vld.idx.msk [tilespmem:v54+s20+$0x0], $0xffff  }
.Ltmp0:
0xb6: {  	v2 =	vadd.f32 v2, v34;
	v57 =	vor.u32 v16, v51;
	[tilespmem:v8+s26+$0x0] =	vst.idx.msk $0xffff, v3;
	v53 =	vld.idx.msk [tilespmem:v58+s20+$0x0], $0xffff;
	(pc) =	sbr.rel @p0 .LBB2_3-.Ltmp0, $4  }
0xb7: {  	v62 =	vor.u32 v14, v36;
	v56 =	vor.u32 v41, v30;
	v55 =	vld.idx.msk [tilespmem:v63+s20+$0x0], $0xffff;
	[tilespmem:v7+s26+$0x0] =	vst.idx.msk $0xffff, v48  }
0xb8: {  	v60 =	vor.u32 v41, v31;
	v54 =	vld.idx.msk [tilespmem:v5+s20+$0x0], $0xffff;
	v1 =	vadd.f32 v1, v19;
	[tilespmem:v11+s26+$0x0] =	vst.idx.msk $0xffff, v2  }
0xb9: {  	v44 =	vmovc v61;
	v0 =	vadd.f32 v6, v27;
	v63 =	vor.u32 v41, v45;
	v41 =	vmov v43;
	v61 =	vld.idx.msk [tilespmem:v12+s20+$0x0], $0xffff  }
0xba: {  	s17 =	sadd.s32 $0x4, s17;
	v43 =	vmov v33;
	v48 =	vor.u32 v26, v37;
	v58 =	vadd.f32 v9, v28;
	[tilespmem:v10+s26+$0x0] =	vst.idx.msk $0xffff, v1;
	v10 =	vld [tilespmem:$0x1FF30]  }
0xbb: {  	v1 =	vld [tilespmem:$0x1FF20];
	_ =	sdelay $0x4  }
0xbc: {  	v1 =	vor.u32 v1, v39  }
0xbd: {  	v15 =	vld [tilespmem:$0x1FFB0];
	[tilespmem:v56+s26+$0x0] =	vst.idx.msk $0xffff, v58  }
0xbe: {  	v2 =	vadd.f32 v59, v49;
	v59 =	vld [tilespmem:$0x1FFE0];
	_ =	sdelay $0x2  }
0xbf: {  	v1 =	vld.idx.msk [tilespmem:v1+s20+$0x0], $0xffff;
	_ =	sdelay $0x1  }
0xc0: {  	[tilespmem:v60+s26+$0x0] =	vst.idx.msk $0xffff, v0;
	v3 =	vor.u32 v59, v30  }
0xc1: {  	v26 =	vld [tilespmem:$0x1FFD0]  }
0xc2: {  	[tilespmem:v63+s26+$0x0] =	vst.idx.msk $0xffff, v2;
	v2 =	vor.u32 v59, v42  }
0xc3: {  	v1 =	vadd.f32 v1, v28;
	_ =	sdelay $0x1  }
0xc4: {  	[tilespmem:v3+s26+$0x0] =	vst.idx.msk $0xffff, v1;
	v3 =	vadd.f32 v61, v34  }
0xc5: {  	v0 =	vor.u32 v26, v39  }
0xc6: {  	v5 =	vld.idx.msk [tilespmem:v50+s20+$0x0], $0xffff;
	[tilespmem:v2+s26+$0x0] =	vst.idx.msk $0xffff, v3  }
0xc7: {  	v6 =	vor.u32 v26, v40;
	v60 =	vld [tilespmem:$0x1FFF0];
	_ =	sdelay $0x1  }
0xc8: {  	v1 =	vor.u32 v59, v45  }
0xc9: {  	v0 =	vld.idx.msk [tilespmem:v0+s20+$0x0], $0xffff  }
0xca: {  	v4 =	vld.idx.msk [tilespmem:v62+s20+$0x0], $0xffff  }
0xcb: {  	v3 =	vadd.f32 v5, v49;
	v6 =	vld.idx.msk [tilespmem:v6+s20+$0x0], $0xffff;
	v2 =	vor.u32 v60, v30  }
0xcc: {  	v7 =	vor.u32 v59, v31;
	v62 =	vld [tilespmem:$0x1FFC0]  }
0xcd: {  	[tilespmem:v1+s26+$0x0] =	vst.idx.msk $0xffff, v3;
	v1 =	vor.u32 v60, v42  }
0xce: {  	v0 =	vadd.f32 v0, v28  }
0xcf: {  	v8 =	vor.u32 v26, v36;
	v4 =	vadd.f32 v4, v27  }
0xd0: {  	v9 =	vor.u32 v26, v35;
	[tilespmem:v2+s26+$0x0] =	vst.idx.msk $0xffff, v0;
	v2 =	vadd.f32 v6, v34  }
0xd1: {  	[tilespmem:v7+s26+$0x0] =	vst.idx.msk $0xffff, v4;
	v61 =	vor.u32 v62, v39  }
0xd2: {  	[tilespmem:v1+s26+$0x0] =	vst.idx.msk $0xffff, v2  }
0xd3: {  	v16 =	vld [tilespmem:$0x1FF10]  }
0xd4: {  	v4 =	vld.idx.msk [tilespmem:v8+s20+$0x0], $0xffff  }
0xd5: {  	v3 =	vld.idx.msk [tilespmem:v9+s20+$0x0], $0xffff  }
0xd6: {  	v63 =	vor.u32 v62, v40;
	v32 =	vor.u32 v60, v31;
	v5 =	vld.idx.msk [tilespmem:v61+s20+$0x0], $0xffff  }
0xd7: {  	v33 =	vor.u32 v60, v45;
	v0 =	vor.u32 v62, v36  }
0xd8: {  	v50 =	vor.u32 v62, v35;
	v2 =	vor.u32 v16, v30  }
0xd9: {  	v4 =	vadd.f32 v4, v27  }
0xda: {  	v1 =	vadd.f32 v3, v49  }
0xdb: {  	v3 =	vld.idx.msk [tilespmem:v63+s20+$0x0], $0xffff;
	[tilespmem:v32+s26+$0x0] =	vst.idx.msk $0xffff, v4;
	v5 =	vadd.f32 v5, v28  }
0xdc: {  	[tilespmem:v33+s26+$0x0] =	vst.idx.msk $0xffff, v1;
	v0 =	vld.idx.msk [tilespmem:v0+s20+$0x0], $0xffff  }
0xdd: {  	v6 =	vld.idx.msk [tilespmem:v50+s20+$0x0], $0xffff;
	v1 =	vor.u32 v16, v42;
	[tilespmem:v2+s26+$0x0] =	vst.idx.msk $0xffff, v5  }
0xde: {  	v51 =	vmov v22;
	v22 =	vmov v25;
	v61 =	vor.u32 v16, v31;
	v25 =	vld [tilespmem:$0x1FF60]  }
0xdf: {  	v2 =	vor.u32 v16, v45  }
0xe0: {  	v3 =	vadd.f32 v3, v34  }
0xe1: {  	v0 =	vadd.f32 v0, v27  }
0xe2: {  	v56 =	vor.u32 v10, v39;
	v50 =	vld [tilespmem:$0x1FF70];
	[tilespmem:v1+s26+$0x0] =	vst.idx.msk $0xffff, v3;
	v3 =	vadd.f32 v6, v49  }
0xe3: {  	[tilespmem:v61+s26+$0x0] =	vst.idx.msk $0xffff, v0;
	v32 =	vor.u32 v25, v24;
	v24 =	vadd.f32 v55, v20  }
0xe4: {  	v14 =	vld [tilespmem:$0x1FF80];
	[tilespmem:v2+s26+$0x0] =	vst.idx.msk $0xffff, v3  }
0xe5: {  	[tilespmem:v47+s26+$0x0] =	vst.idx.msk $0xffff, v24  }
0xe6: {  	v58 =	vor.u32 v10, v40;
	v24 =	vld [tilespmem:$0x1FED0];
	_ =	sdelay $0x1  }
0xe7: {  	v63 =	vor.u32 v10, v36;
	v1 =	vld.idx.msk [tilespmem:v56+s20+$0x0], $0xffff;
	v23 =	vor.u32 v50, v23  }
0xe8: {  	v11 =	vld.idx.msk [tilespmem:v57+s20+$0x0], $0xffff;
	v33 =	vor.u32 v10, v35  }
0xe9: {  	v57 =	vor.u32 v14, v30  }
0xea: {  	v7 =	vld.idx.msk [tilespmem:v58+s20+$0x0], $0xffff;
	v55 =	vadd.f32 v53, v13;
	v56 =	vor.u32 v50, v38  }
0xeb: {  	v0 =	vadd.f32 v54, v17;
	v3 =	vor.u32 v25, v39  }
0xec: {  	v9 =	vld.idx.msk [tilespmem:v63+s20+$0x0], $0xffff;
	v1 =	vadd.f32 v1, v28;
	v2 =	vor.u32 v14, v42;
	[tilespmem:v23+s26+$0x0] =	vst.idx.msk $0xffff, v55  }
0xed: {  	v10 =	vld.idx.msk [tilespmem:v33+s20+$0x0], $0xffff;
	[tilespmem:v24+s26+$0x0] =	vst.idx.msk $0xffff, v0;
	v0 =	vadd.f32 v11, v19  }
0xee: {  	v12 =	vor.u32 v25, v29;
	[tilespmem:v57+s26+$0x0] =	vst.idx.msk $0xffff, v1  }
0xef: {  	v61 =	vor.u32 v25, v36;
	v5 =	vld.idx.msk [tilespmem:v32+s20+$0x0], $0xffff;
	[tilespmem:v56+s26+$0x0] =	vst.idx.msk $0xffff, v0;
	v0 =	vadd.f32 v7, v34  }
0xf0: {  	v63 =	vor.u32 v25, v35;
	v53 =	vld [tilespmem:$0x1FF50]  }
0xf1: {  	v1 =	vadd.f32 v9, v27;
	[tilespmem:v2+s26+$0x0] =	vst.idx.msk $0xffff, v0;
	v0 =	vld.idx.msk [tilespmem:v3+s20+$0x0], $0xffff  }
0xf2: {  	v58 =	vor.u32 v25, v40;
	v2 =	vadd.f32 v10, v49;
	v54 =	vld [tilespmem:$0x1FF40]  }
0xf3: {  	v32 =	vor.u32 v50, v37;
	v12 =	vld.idx.msk [tilespmem:v12+s20+$0x0], $0xffff;
	[tilespmem:v44+s26+$0x0] =	vst.idx.msk $0xffff, v1  }
0xf4: {  	v47 =	vor.u32 v50, v30;
	v4 =	vld.idx.msk [tilespmem:v61+s20+$0x0], $0xffff;
	[tilespmem:v43+s26+$0x0] =	vst.idx.msk $0xffff, v2  }
0xf5: {  	v37 =	vor.u32 v50, v21;
	v6 =	vld.idx.msk [tilespmem:v63+s20+$0x0], $0xffff  }
0xf6: {  	v56 =	vor.u32 v50, v31;
	v1 =	vadd.f32 v5, v20;
	v33 =	vor.u32 v53, v18;
	v18 =	vld.idx.msk [tilespmem:v52+s20+$0x0], $0xffff  }
0xf7: {  	v23 =	vor.u32 v50, v45;
	v0 =	vadd.f32 v0, v28;
	v3 =	vor.u32 v54, v38;
	v38 =	vld.idx.msk [tilespmem:v58+s20+$0x0], $0xffff  }
0xf8: {  	v2 =	vadd.f32 v12, v17;
	[tilespmem:v32+s26+$0x0] =	vst.idx.msk $0xffff, v1  }
0xf9: {  	v12 =	vor.u32 v50, v42;
	[tilespmem:v47+s26+$0x0] =	vst.idx.msk $0xffff, v0;
	v0 =	vadd.f32 v4, v27  }
0xfa: {  	[tilespmem:v37+s26+$0x0] =	vst.idx.msk $0xffff, v2;
	v63 =	vadd.f32 v6, v49  }
0xfb: {  	v32 =	vadd.f32 v18, v19;
	[tilespmem:v56+s26+$0x0] =	vst.idx.msk $0xffff, v0  }
0xfc: {  	[tilespmem:v23+s26+$0x0] =	vst.idx.msk $0xffff, v63;
	v57 =	vadd.f32 v38, v34  }
0xfd: {  	[tilespmem:v3+s26+$0x0] =	vst.idx.msk $0xffff, v32  }
0xfe: {  	v24 =	vld.idx.msk [tilespmem:v41+s20+$0x0], $0xffff;
	[tilespmem:v12+s26+$0x0] =	vst.idx.msk $0xffff, v57  }
0xff: {  	v5 =	vld [tilespmem:$0x1FEC0]  }
0x100: {  	v8 =	vld.idx.msk [tilespmem:v33+s20+$0x0], $0xffff;
	_ =	sdelay $0x1  }
0x101: {  	v55 =	vor.u32 v53, v39;
	_ =	sdelay $0x1  }
0x102: {  	v3 =	vadd.f32 v24, v20  }
0x103: {  	v0 =	vadd.f32 v8, v13  }
0x104: {  	[tilespmem:v48+s26+$0x0] =	vst.idx.msk $0xffff, v3  }
0x105: {  	v61 =	vld.idx.msk [tilespmem:v55+s20+$0x0], $0xffff;
	[tilespmem:v5+s26+$0x0] =	vst.idx.msk $0xffff, v0  }
0x106: {  	v6 =	vld [tilespmem:$0x1FF00]  }
0x107: {  	v58 =	vld.idx.msk [tilespmem:v46+s20+$0x0], $0xffff  }
0x108: {  	v33 =	vor.u32 v54, v30;
	_ =	sdelay $0x2  }
0x109: {  	v1 =	vor.u32 v53, v40;
	v4 =	vadd.f32 v61, v28  }
0x10a: {  	v21 =	vor.u32 v53, v36;
	v0 =	vadd.f32 v58, v17  }
0x10b: {  	v2 =	vor.u32 v53, v35;
	[tilespmem:v33+s26+$0x0] =	vst.idx.msk $0xffff, v4  }
0x10c: {  	[tilespmem:v6+s26+$0x0] =	vst.idx.msk $0xffff, v0  }
0x10d: {  	v4 =	vld [tilespmem:$0x1FEE0]  }
0x10e: {  	v1 =	vld.idx.msk [tilespmem:v1+s20+$0x0], $0xffff  }
0x10f: {  	v35 =	vld.idx.msk [tilespmem:v21+s20+$0x0], $0xffff  }
0x110: {  	v2 =	vld.idx.msk [tilespmem:v2+s20+$0x0], $0xffff  }
0x111: {  	v36 =	vor.u32 v54, v31  }
0x112: {  	v3 =	vor.u32 v54, v45  }
0x113: {  	v0 =	vadd.f32 v1, v34  }
0x114: {  	s17 =	sshll.u32 s6, $0x14;
	v1 =	vadd.f32 v35, v27  }
0x115: {  	s17 =	sor.u32 s7, s17;
	[tilespmem:v4+s26+$0x0] =	vst.idx.msk $0xffff, v0;
	v0 =	vadd.f32 v2, v49  }
0x116: {  	s17 =	sshrl.u32 s17, $0x3;
	[tilespmem:v36+s26+$0x0] =	vst.idx.msk $0xffff, v1  }
0x117: {  	s28 =	sadd.s32 s2, s17;
	[tilespmem:v3+s26+$0x0] =	vst.idx.msk $0xffff, v0  }
0x118: {  	[hbm4b:s28+s3] =	stream.linear.scatter [tilespmem:s26], [sflag:$0x5], $0x400, $0x38;
	[tilespmem:$0x15600] =	vst v63  }
0x119: {  	s22 =	simm.s32 $0xE800;
	s28 =	sadd.s32 s17, s8  }
0x11a: {  	[hbm4b:s28+s3] =	stream.linear.scatter [tilespmem:s22], [sflag:$0x5], $0x400, $0x38;
	[tilespmem:$0x15600] =	vst v63  }
0x11b: {  	s30 =	simm.s32 $0xEC00;
	s28 =	sadd.s32 s17, s9  }
0x11c: {  	[hbm4b:s28+s3] =	stream.linear.scatter [tilespmem:s30], [sflag:$0x5], $0x400, $0x38;
	[tilespmem:$0x15600] =	vst v63  }
0x11d: {  	s24 =	simm.s32 $0xF000;
	s28 =	sadd.s32 s17, s10  }
0x11e: {  	[hbm4b:s28+s3] =	stream.linear.scatter [tilespmem:s24], [sflag:$0x5], $0x400, $0x38;
	[tilespmem:$0x15600] =	vst v63  }
0x11f: {  	s30 =	simm.s32 $0xF400;
	s28 =	sadd.s32 s17, s11  }
0x120: {  	[hbm4b:s28+s3] =	stream.linear.scatter [tilespmem:s30], [sflag:$0x5], $0x400, $0x38;
	[tilespmem:$0x15600] =	vst v63  }
0x121: {  	p0 =	seq.s32 s6, $0x31;
	s24 =	simm.s32 $0xF800;
	s28 =	sadd.s32 s17, s12  }
0x122: {  	[hbm4b:s28+s3] =	stream.linear.scatter [tilespmem:s24], [sflag:$0x5], $0x400, $0x38;
	[tilespmem:$0x15600] =	vst v63  }
0x123: {  	p1 =	seq.s32 @!p0 s6, $0x0;
	s30 =	simm.s32 $0xFC00;
	s28 =	sadd.s32 s17, s13  }
0x124: {  	[hbm4b:s28+s3] =	stream.linear.scatter [tilespmem:s30], [sflag:$0x5], $0x400, $0x38;
	[tilespmem:$0x15600] =	vst v63  }
0x125: {  	s17 =	sadd.s32 s17, s14;
	s24 =	simm.s32 $0x10000;
	s30 =	simm.s32 $0x2  }
0x126: {  	[hbm4b:s17+s3] =	stream.linear.scatter [tilespmem:s24], [sflag:$0x5], $0x400, $0x38;
	[tilespmem:$0x15600] =	vst v63  }
0x127: {  	s29 =	simm.s32 @!p0 $0x80;
	s17 =	sshll.u32 @!p0 s6, $0x9;
	_ =	swait.ge [sflag:s30], $0x2000  }
0x128: {  	p1 =	por p0, !p1;
	s17 =	sand.u32 @!p0 $0x3FFFFE00, s17;
	[sflag:s30] =	ssyncset.done $0x0  }
0x129: {  	s28 =	sadd.s32 @!p0 $0x200, s17;
	[sflag:s30] =	ssyncadd.s32 $0xFFFFE000;
	s30 =	simm.s32 @!p0 $0x6400  }
0x12a: {  	[tilespmem:s30], [sflag:$0x1] =	stream.indirect.gather @!p0 [hbm4b:s4+s29], $0x40, s28, s29, $0xb8;
	[tilespmem:$0x15600] =	vst v63  }
0x12b: {  	_ =	swait.ge @p1 [sflag:s19], $0x400  }
0x12c: {  	[sflag:s19] =	ssyncset.done @p1 $0x0  }
0x12d: {  	[sflag:s19] =	ssyncadd.s32 @p1 $0xFFFFFC00  }
0x12e: {  	_ =	swait.ge @p1 [sflag:s19], $0x400  }
0x12f: {  	[sflag:s19] =	ssyncset.done @p1 $0x0  }
0x130: {  	[sflag:s19] =	ssyncadd.s32 @p1 $0xFFFFFC00  }
0x131: {  	_ =	swait.ge @p1 [sflag:s19], $0x400  }
0x132: {  	[sflag:s19] =	ssyncset.done @p1 $0x0  }
0x133: {  	[sflag:s19] =	ssyncadd.s32 @p1 $0xFFFFFC00  }
0x134: {  	_ =	swait.ge @p1 [sflag:s19], $0x400  }
0x135: {  	[sflag:s19] =	ssyncset.done @p1 $0x0  }
0x136: {  	[sflag:s19] =	ssyncadd.s32 @p1 $0xFFFFFC00  }
0x137: {  	_ =	swait.ge @p1 [sflag:s19], $0x400  }
0x138: {  	[sflag:s19] =	ssyncset.done @p1 $0x0  }
0x139: {  	[sflag:s19] =	ssyncadd.s32 @p1 $0xFFFFFC00  }
0x13a: {  	_ =	swait.ge @p1 [sflag:s19], $0x400  }
0x13b: {  	v52 =	vlaneseq.u32;
	s29 =	simm.s32 $0x2;
	s28 =	sor.u32 $0x1, s18;
	[sflag:s19] =	ssyncset.done @p1 $0x0  }
0x13c: {  	v0 =	vadd.s32 s29, v52;
	s29 =	sshll.u32 s28, $0x6;
	[sflag:s19] =	ssyncadd.s32 @p1 $0xFFFFFC00  }
0x13d: {  	v49 =	vmov v25;
	v45 =	vand.u32 $0x3F, v0;
	v25 =	vmov s29;
	s29 =	simm.s32 $0x1;
	_ =	swait.ge @p1 [sflag:s19], $0x400  }
0x13e: {  	v1 =	vor.u32 v22, v45;
	v2 =	vadd.s32 s29, v52;
	[sflag:s19] =	ssyncset.done @p1 $0x0  }
0x13f: {  	v3 =	vor.u32 v25, v0;
	v20 =	vand.u32 $0x3F, v2;
	[sflag:s19] =	ssyncadd.s32 @p1 $0xFFFFFC00  }
0x140: {  	v37 =	vor.u32 v22, v20;
	_ =	swait.ge @p1 [sflag:s19], $0x400  }
0x141: {  	v39 =	vor.u32 v25, v2;
	[sflag:s19] =	ssyncset.done @p1 $0x0  }
0x142: {  	s29 =	simm.s32 $0x3;
	[sflag:s19] =	ssyncadd.s32 @p1 $0xFFFFFC00  }
0x143: {  	v38 =	vadd.s32 s29, v52;
	v1 =	vld.idx.msk [tilespmem:v1+s21+$0x0], $0xffff  }
0x144: {  	v48 =	vmov v16;
	v0 =	vshll.u32 v0, $0x7;
	v24 =	vand.u32 $0x3F, v38;
	v16 =	vld.idx.msk [tilespmem:v3+s16+$0x0], $0xffff  }
0x145: {  	v13 =	vmov v22;
	v40 =	vor.u32 v22, v24;
	v22 =	vand.u32 $0x1F80, v0;
	v4 =	vld.idx.msk [tilespmem:v37+s21+$0x0], $0xffff  }
0x146: {  	v2 =	vshll.u32 v2, $0x7;
	v42 =	vor.u32 v52, v22;
	v19 =	vld.idx.msk [tilespmem:v39+s16+$0x0], $0xffff  }
0x147: {  	v46 =	vand.u32 $0x1F80, v2  }
0x148: {  	s29 =	simm.s32 $0x0;
	v0 =	vor.u32 v25, v38;
	v44 =	vor.u32 v52, v46  }
0x149: {  	v3 =	vadd.s32 s29, v52;
	v1 =	vadd.f32 v1, v16  }
0x14a: {  	v41 =	vor.u32 v25, v3  }
0x14b: {  	v43 =	vor.u32 v51, v45;
	v23 =	vand.u32 $0x3F, v3;
	[tilespmem:v42+s5+$0x0] =	vst.idx.msk $0xffff, v1;
	v1 =	vadd.f32 v4, v19  }
0x14c: {  	v7 =	vld.idx.msk [tilespmem:v40+s21+$0x0], $0xffff;
	v2 =	vor.u32 v13, v23  }
0x14d: {  	v18 =	vld.idx.msk [tilespmem:v0+s16+$0x0], $0xffff;
	[tilespmem:v44+s5+$0x0] =	vst.idx.msk $0xffff, v1  }
0x14e: {  	v5 =	vshll.u32 v38, $0x7;
	v47 =	vor.u32 v51, v20;
	v58 =	vld [tilespmem:$0x1FF20]  }
0x14f: {  	v28 =	vand.u32 $0x1F80, v5;
	v17 =	vld.idx.msk [tilespmem:v41+s16+$0x0], $0xffff  }
0x150: {  	v0 =	vor.u32 v52, v28;
	v55 =	vld.idx.msk [tilespmem:v43+s21+$0x0], $0xffff  }
0x151: {  	v61 =	vor.u32 v51, v24;
	v3 =	vshll.u32 v3, $0x7;
	v2 =	vld.idx.msk [tilespmem:v2+s21+$0x0], $0xffff  }
0x152: {  	v21 =	vand.u32 $0x1F80, v3;
	v1 =	vor.u32 v15, v22  }
0x153: {  	v3 =	vor.u32 v52, v21;
	v32 =	vadd.f32 v7, v18;
	v33 =	vld.idx.msk [tilespmem:v47+s21+$0x0], $0xffff;
	v34 =	vor.u32 v58, v45  }
0x154: {  	v35 =	vor.u32 v51, v23  }
0x155: {  	[tilespmem:v0+s5+$0x0] =	vst.idx.msk $0xffff, v32;
	v0 =	vor.u32 v15, v46;
	v4 =	vadd.f32 v55, v16  }
0x156: {  	v5 =	vld.idx.msk [tilespmem:v61+s21+$0x0], $0xffff;
	v2 =	vadd.f32 v2, v17;
	v36 =	vor.u32 v58, v20  }
0x157: {  	[tilespmem:v1+s5+$0x0] =	vst.idx.msk $0xffff, v4  }
0x158: {  	[tilespmem:v3+s5+$0x0] =	vst.idx.msk $0xffff, v2;
	v1 =	vor.u32 v15, v28;
	v2 =	vadd.f32 v33, v19;
	v3 =	vld.idx.msk [tilespmem:v34+s21+$0x0], $0xffff  }
0x159: {  	v37 =	vld.idx.msk [tilespmem:v35+s21+$0x0], $0xffff  }
0x15a: {  	v63 =	vmov v26;
	v38 =	vor.u32 v58, v24;
	[tilespmem:v0+s5+$0x0] =	vst.idx.msk $0xffff, v2;
	v0 =	vor.u32 v59, v22  }
0x15b: {  	v39 =	vor.u32 v63, v45;
	v5 =	vadd.f32 v5, v18;
	v2 =	vor.u32 v15, v21;
	v6 =	vld.idx.msk [tilespmem:v36+s21+$0x0], $0xffff  }
0x15c: {  	v31 =	vor.u32 v50, v46;
	v40 =	vor.u32 v58, v23  }
0x15d: {  	[tilespmem:v1+s5+$0x0] =	vst.idx.msk $0xffff, v5;
	v1 =	vor.u32 v59, v46;
	v3 =	vadd.f32 v3, v16  }
0x15e: {  	v12 =	vor.u32 v62, v24;
	v30 =	vor.u32 v60, v46;
	v4 =	vadd.f32 v37, v17  }
0x15f: {  	v29 =	vor.u32 v48, v22;
	v41 =	vor.u32 v63, v20;
	v5 =	vld.idx.msk [tilespmem:v38+s21+$0x0], $0xffff;
	[tilespmem:v0+s5+$0x0] =	vst.idx.msk $0xffff, v3  }
0x160: {  	v9 =	vor.u32 v62, v23;
	[tilespmem:v2+s5+$0x0] =	vst.idx.msk $0xffff, v4;
	v0 =	vadd.f32 v6, v19;
	v2 =	vld.idx.msk [tilespmem:v39+s21+$0x0], $0xffff  }
0x161: {  	v27 =	vor.u32 v63, v23;
	v11 =	vor.u32 v60, v21;
	v42 =	vor.u32 v59, v28;
	v3 =	vld.idx.msk [tilespmem:v40+s21+$0x0], $0xffff  }
0x162: {  	v57 =	vmov v15;
	s24 =	simm.s32 $0x6;
	v43 =	vor.u32 v63, v24;
	v15 =	vld [tilespmem:$0x1FF30];
	[tilespmem:v1+s5+$0x0] =	vst.idx.msk $0xffff, v0;
	v0 =	vor.u32 v60, v22  }
0x163: {  	v44 =	vor.u32 v62, v45;
	v47 =	vor.u32 v59, v21;
	v33 =	vadd.s32 s24, v52  }
0x164: {  	s29 =	simm.s32 $0x5;
	v32 =	vor.u32 v60, v28;
	v26 =	vand.u32 $0x3F, v33;
	v1 =	vadd.f32 v5, v18;
	v7 =	vld.idx.msk [tilespmem:v41+s21+$0x0], $0xffff  }
0x165: {  	v55 =	vadd.s32 s29, v52;
	v61 =	vor.u32 v13, v26;
	v2 =	vadd.f32 v2, v16  }
0x166: {  	v34 =	vshll.u32 v33, $0x7;
	[tilespmem:v42+s5+$0x0] =	vst.idx.msk $0xffff, v1;
	v1 =	vor.u32 v62, v20;
	v3 =	vadd.f32 v3, v17  }
0x167: {  	s29 =	simm.s32 $0x4;
	v62 =	vor.u32 v25, v33;
	v8 =	vld.idx.msk [tilespmem:v43+s21+$0x0], $0xffff;
	v43 =	vor.u32 v54, v46;
	[tilespmem:v0+s5+$0x0] =	vst.idx.msk $0xffff, v2  }
0x168: {  	v40 =	vand.u32 $0x3F, v55;
	v4 =	vor.u32 v15, v45;
	[tilespmem:v47+s5+$0x0] =	vst.idx.msk $0xffff, v3;
	v3 =	vadd.s32 s29, v52;
	v0 =	vld.idx.msk [tilespmem:v44+s21+$0x0], $0xffff  }
0x169: {  	v47 =	vor.u32 v49, v23;
	v2 =	vor.u32 v13, v40;
	v56 =	vadd.f32 v7, v19;
	v10 =	vld.idx.msk [tilespmem:v27+s21+$0x0], $0xffff  }
0x16a: {  	v42 =	vshll.u32 v3, $0x7;
	v27 =	vshll.u32 v55, $0x7;
	v38 =	vor.u32 v25, v3  }
0x16b: {  	s29 =	simm.s32 $0x7;
	v33 =	vand.u32 $0x3F, v3;
	v3 =	vor.u32 v25, v55;
	v7 =	vld.idx.msk [tilespmem:v61+s21+$0x0], $0xffff;
	v61 =	vor.u32 v48, v46  }
0x16c: {  	v44 =	vor.u32 v53, v45;
	[tilespmem:v30+s5+$0x0] =	vst.idx.msk $0xffff, v56;
	v30 =	vadd.s32 s29, v52;
	v55 =	vadd.f32 v8, v18  }
0x16d: {  	v8 =	vor.u32 v13, v33;
	v1 =	vld.idx.msk [tilespmem:v1+s21+$0x0], $0xffff;
	v35 =	vand.u32 $0x3F, v30;
	v0 =	vadd.f32 v0, v16  }
0x16e: {  	v56 =	vshll.u32 v30, $0x7;
	[tilespmem:v32+s5+$0x0] =	vst.idx.msk $0xffff, v55;
	v32 =	vand.u32 $0x1F80, v27;
	v27 =	vld.idx.msk [tilespmem:v62+s16+$0x0], $0xffff;
	v10 =	vadd.f32 v10, v17  }
0x16f: {  	v39 =	vand.u32 $0x1F80, v34;
	v41 =	vor.u32 v13, v35;
	v34 =	vand.u32 $0x1F80, v56;
	[tilespmem:v29+s5+$0x0] =	vst.idx.msk $0xffff, v0;
	v0 =	vld.idx.msk [tilespmem:v12+s21+$0x0], $0xffff  }
0x170: {  	v55 =	vor.u32 v52, v39;
	v2 =	vld.idx.msk [tilespmem:v2+s21+$0x0], $0xffff;
	[tilespmem:v11+s5+$0x0] =	vst.idx.msk $0xffff, v10;
	v12 =	vor.u32 v25, v30  }
0x171: {  	v56 =	vor.u32 v15, v20;
	v36 =	vor.u32 v50, v32;
	v50 =	vor.u32 v48, v28;
	v62 =	vld.idx.msk [tilespmem:v9+s21+$0x0], $0xffff  }
0x172: {  	v13 =	vmov v48;
	v37 =	vld.idx.msk [tilespmem:v3+s16+$0x0], $0xffff;
	v3 =	vor.u32 v48, v21;
	v53 =	vor.u32 v52, v34  }
0x173: {  	v38 =	vld.idx.msk [tilespmem:v38+s16+$0x0], $0xffff;
	v48 =	vor.u32 v51, v33;
	v30 =	vor.u32 v54, v21;
	v1 =	vadd.f32 v1, v19  }
0x174: {  	v29 =	vor.u32 v54, v22;
	v10 =	vld.idx.msk [tilespmem:v41+s21+$0x0], $0xffff;
	v7 =	vadd.f32 v7, v27;
	v0 =	vadd.f32 v0, v18  }
0x175: {  	[tilespmem:v61+s5+$0x0] =	vst.idx.msk $0xffff, v1;
	v1 =	vor.u32 v52, v32;
	v41 =	vld.idx.msk [tilespmem:v12+s16+$0x0], $0xffff;
	v12 =	vor.u32 v15, v24  }
0x176: {  	v4 =	vld.idx.msk [tilespmem:v4+s21+$0x0], $0xffff;
	v5 =	vadd.f32 v62, v17;
	[tilespmem:v50+s5+$0x0] =	vst.idx.msk $0xffff, v0;
	v0 =	vor.u32 v51, v26  }
0x177: {  	v6 =	vld.idx.msk [tilespmem:v8+s21+$0x0], $0xffff;
	v61 =	vor.u32 v15, v23;
	v2 =	vadd.f32 v2, v37;
	[tilespmem:v55+s5+$0x0] =	vst.idx.msk $0xffff, v7  }
0x178: {  	v42 =	vand.u32 $0x1F80, v42;
	v62 =	vor.u32 v14, v22;
	[tilespmem:v3+s5+$0x0] =	vst.idx.msk $0xffff, v5;
	v3 =	vor.u32 v51, v40  }
0x179: {  	v55 =	vor.u32 v49, v45;
	v11 =	vld.idx.msk [tilespmem:v56+s21+$0x0], $0xffff;
	v56 =	vor.u32 v52, v42;
	v7 =	vor.u32 v49, v20  }
0x17a: {  	v45 =	vor.u32 v54, v28;
	v52 =	vor.u32 v58, v26;
	[tilespmem:v1+s5+$0x0] =	vst.idx.msk $0xffff, v2;
	v2 =	vld.idx.msk [tilespmem:v12+s21+$0x0], $0xffff  }
0x17b: {  	v4 =	vadd.f32 v4, v16;
	v1 =	vor.u32 v51, v35;
	v12 =	vor.u32 v14, v46;
	v0 =	vld.idx.msk [tilespmem:v0+s21+$0x0], $0xffff  }
0x17c: {  	v6 =	vadd.f32 v6, v38;
	v50 =	vor.u32 v14, v28;
	v8 =	vld.idx.msk [tilespmem:v61+s21+$0x0], $0xffff;
	v61 =	vor.u32 v57, v39  }
0x17d: {  	v10 =	vadd.f32 v10, v41;
	[tilespmem:v62+s5+$0x0] =	vst.idx.msk $0xffff, v4;
	v62 =	vor.u32 v49, v24;
	v3 =	vld.idx.msk [tilespmem:v3+s21+$0x0], $0xffff  }
0x17e: {  	v11 =	vadd.f32 v11, v19;
	[tilespmem:v56+s5+$0x0] =	vst.idx.msk $0xffff, v6;
	v56 =	vor.u32 v57, v32;
	v46 =	vld.idx.msk [tilespmem:v55+s21+$0x0], $0xffff  }
0x17f: {  	v57 =	vor.u32 v57, v34;
	[tilespmem:v53+s5+$0x0] =	vst.idx.msk $0xffff, v10;
	v53 =	vld.idx.msk [tilespmem:v48+s21+$0x0], $0xffff;
	v2 =	vadd.f32 v2, v18  }
0x180: {  	v55 =	vor.u32 v58, v40;
	v54 =	vld.idx.msk [tilespmem:v1+s21+$0x0], $0xffff;
	[tilespmem:v12+s5+$0x0] =	vst.idx.msk $0xffff, v11;
	v0 =	vadd.f32 v0, v27  }
0x181: {  	v58 =	vor.u32 v58, v35;
	v51 =	vadd.f32 v8, v17;
	v49 =	vld.idx.msk [tilespmem:v7+s21+$0x0], $0xffff;
	[tilespmem:v50+s5+$0x0] =	vst.idx.msk $0xffff, v2  }
0x182: {  	s29 =	simm.s32 $0x8;
	v50 =	vor.u32 v14, v21;
	v48 =	vld.idx.msk [tilespmem:v62+s21+$0x0], $0xffff;
	[tilespmem:v61+s5+$0x0] =	vst.idx.msk $0xffff, v0;
	v0 =	vadd.f32 v3, v37  }
.LBB2_5:
0x183: {  	v14 =	vld [tilespmem:$0x1FF50]  }
0x184: {  	v15 =	vld [tilespmem:$0x1FF70]  }
0x185: {  	v61 =	vld [tilespmem:$0x1FFB0]  }
0x186: {  	v62 =	vld [tilespmem:$0x1FF20]  }
0x187: {  	v1 =	vld.idx.msk [tilespmem:v52+s21+$0x0], $0xffff;
	v11 =	vor.u32 v59, v39;
	[tilespmem:v56+s5+$0x0] =	vst.idx.msk $0xffff, v0  }
0x188: {  	v12 =	vor.u32 v63, v26;
	[tilespmem:v50+s5+$0x0] =	vst.idx.msk $0xffff, v51;
	v0 =	vadd.f32 v54, v41  }
0x189: {  	v7 =	vld.idx.msk [tilespmem:v55+s21+$0x0], $0xffff;
	v55 =	vor.u32 v60, v32;
	v9 =	vadd.f32 v53, v38;
	v10 =	vadd.f32 v49, v19  }
0x18a: {  	v49 =	vor.u32 v59, v34;
	v2 =	vor.u32 v14, v20;
	v5 =	vor.u32 v61, v42  }
0x18b: {  	v3 =	vor.u32 v15, v22;
	v20 =	vmovc v40;
	v6 =	vor.u32 v62, v33;
	v8 =	vor.u32 v15, v28  }
0x18c: {  	[tilespmem:v57+s5+$0x0] =	vst.idx.msk $0xffff, v0;
	v0 =	vld.idx.msk [tilespmem:v47+s21+$0x0], $0xffff;
	v28 =	vor.u32 v59, v32;
	v1 =	vadd.f32 v1, v27  }
0x18d: {  	v4 =	vor.u32 v14, v24;
	v24 =	vld.idx.msk [tilespmem:v58+s21+$0x0], $0xffff;
	[tilespmem:v31+s5+$0x0] =	vst.idx.msk $0xffff, v10;
	v58 =	vor.u32 v63, v20  }
0x18e: {  	v50 =	vld [tilespmem:$0x1FFC0];
	v57 =	vadd.f32 v48, v18;
	v48 =	vor.u32 v15, v21;
	[tilespmem:v11+s5+$0x0] =	vst.idx.msk $0xffff, v1  }
0x18f: {  	v23 =	vor.u32 v14, v23;
	v7 =	vadd.f32 v7, v37;
	v51 =	vld.idx.msk [tilespmem:v12+s21+$0x0], $0xffff;
	[tilespmem:v5+s5+$0x0] =	vst.idx.msk $0xffff, v9  }
0x190: {  	v22 =	vmov v39;
	v21 =	vmov v42;
	v31 =	vadd.f32 v46, v16;
	v2 =	vld.idx.msk [tilespmem:v2+s21+$0x0], $0xffff;
	[tilespmem:v8+s5+$0x0] =	vst.idx.msk $0xffff, v57  }
0x191: {  	v1 =	vor.u32 v63, v35;
	v0 =	vadd.f32 v0, v17;
	[tilespmem:v28+s5+$0x0] =	vst.idx.msk $0xffff, v7;
	v6 =	vld.idx.msk [tilespmem:v6+s21+$0x0], $0xffff  }
0x192: {  	[tilespmem:v3+s5+$0x0] =	vst.idx.msk $0xffff, v31;
	v3 =	vor.u32 v60, v22;
	v12 =	vadd.f32 v24, v41;
	v5 =	vld.idx.msk [tilespmem:v58+s21+$0x0], $0xffff  }
0x193: {  	s30 =	smov.u32 s29;
	v47 =	vor.u32 v50, v35;
	v53 =	vor.u32 v50, v26;
	v4 =	vld.idx.msk [tilespmem:v4+s21+$0x0], $0xffff;
	[tilespmem:v48+s5+$0x0] =	vst.idx.msk $0xffff, v0  }
0x194: {  	s22 =	sadd.s32 $0x2, s30;
	v11 =	vor.u32 v50, v33;
	v57 =	vlaneseq.u32;
	v54 =	vld.idx.msk [tilespmem:v44+s21+$0x0], $0xffff;
	[tilespmem:v49+s5+$0x0] =	vst.idx.msk $0xffff, v12;
	v12 =	vor.u32 v59, v21  }
0x195: {  	s24 =	sadd.s32 $0x1, s30;
	v44 =	vor.u32 v60, v34;
	v58 =	vadd.s32 s22, v57;
	v9 =	vld.idx.msk [tilespmem:v23+s21+$0x0], $0xffff;
	v7 =	vadd.f32 v51, v27  }
0x196: {  	v48 =	vor.u32 v50, v20;
	v50 =	vadd.s32 s24, v57;
	v23 =	vmovc v33;
	v1 =	vld.idx.msk [tilespmem:v1+s21+$0x0], $0xffff;
	v2 =	vadd.f32 v2, v19  }
0x197: {  	[tilespmem:v3+s5+$0x0] =	vst.idx.msk $0xffff, v7;
	v19 =	vmov v37;
	v6 =	vadd.f32 v6, v38;
	v5 =	vadd.f32 v5, v37;
	v37 =	vld [tilespmem:$0x1FF90]  }
0x198: {  	v0 =	vor.u32 v13, v22;
	v40 =	vand.u32 $0x3F, v50;
	v33 =	vor.u32 v63, v23;
	[tilespmem:v43+s5+$0x0] =	vst.idx.msk $0xffff, v2  }
0x199: {  	v52 =	vld [tilespmem:$0x1FF30];
	v31 =	vmovc v36;
	v51 =	vshll.u32 v50, $0x7;
	v3 =	vand.u32 $0x3F, v58;
	v2 =	vadd.f32 v4, v18;
	[tilespmem:v12+s5+$0x0] =	vst.idx.msk $0xffff, v6  }
0x19a: {  	v18 =	vmov v41;
	v4 =	vand.u32 $0x1F80, v51;
	v6 =	vld.idx.msk [tilespmem:v53+s21+$0x0], $0xffff;
	v42 =	vadd.f32 v9, v17;
	[tilespmem:v55+s5+$0x0] =	vst.idx.msk $0xffff, v5  }
0x19b: {  	v53 =	vshll.u32 v58, $0x7;
	v55 =	vor.u32 v25, v58;
	v36 =	vor.u32 v15, v4;
	v15 =	vld [tilespmem:$0x1FF40];
	[tilespmem:v45+s5+$0x0] =	vst.idx.msk $0xffff, v2  }
0x19c: {  	v58 =	vld.idx.msk [tilespmem:v48+s21+$0x0], $0xffff;
	v1 =	vadd.f32 v1, v18;
	[tilespmem:v30+s5+$0x0] =	vst.idx.msk $0xffff, v42;
	v45 =	vor.u32 v37, v40  }
0x19d: {  	v54 =	vadd.f32 v54, v16;
	v2 =	vadd.s32 s30, v57;
	s30 =	sadd.s32 $0x3, s30;
	v12 =	vor.u32 v37, v3;
	v56 =	vld.idx.msk [tilespmem:v33+s21+$0x0], $0xffff  }
0x19e: {  	v16 =	vmov v27;
	v27 =	vadd.s32 s30, v57;
	[tilespmem:v44+s5+$0x0] =	vst.idx.msk $0xffff, v1;
	v44 =	vor.u32 v14, v26;
	v14 =	vld [tilespmem:$0x1FF60]  }
0x19f: {  	v46 =	vor.u32 v60, v21;
	[tilespmem:v29+s5+$0x0] =	vst.idx.msk $0xffff, v54;
	v51 =	vor.u32 v25, v27;
	v1 =	vld.idx.msk [tilespmem:v47+s21+$0x0], $0xffff  }
0x1a0: {  	v8 =	vor.u32 v52, v26;
	v24 =	vmovc v35;
	v35 =	vand.u32 $0x3F, v27;
	v29 =	vshll.u32 v27, $0x7;
	v27 =	vld.idx.msk [tilespmem:v55+s16+$0x0], $0xffff  }
0x1a1: {  	v17 =	vmovc v38;
	v39 =	vand.u32 $0x1F80, v53;
	v33 =	vand.u32 $0x3F, v2;
	v6 =	vadd.f32 v6, v16;
	v9 =	vld.idx.msk [tilespmem:v45+s21+$0x0], $0xffff  }
0x1a2: {  	v38 =	vor.u32 v25, v2;
	v48 =	vor.u32 v37, v33;
	v37 =	vor.u32 v37, v35;
	v12 =	vld.idx.msk [tilespmem:v12+s21+$0x0], $0xffff  }
0x1a3: {  	v49 =	vshll.u32 v2, $0x7;
	v2 =	vor.u32 v25, v50;
	[tilespmem:v0+s5+$0x0] =	vst.idx.msk $0xffff, v6;
	v0 =	vadd.f32 v56, v17;
	v56 =	vld [tilespmem:$0x1FFA0]  }
0x1a4: {  	v28 =	vmovc v34;
	v53 =	vor.u32 v13, v32;
	v34 =	vand.u32 $0x1F80, v29;
	v30 =	vor.u32 v15, v21;
	v41 =	vld.idx.msk [tilespmem:v51+s16+$0x0], $0xffff  }
0x1a5: {  	v29 =	vor.u32 v15, v22;
	v43 =	vor.u32 v15, v32;
	v45 =	vor.u32 v15, v28;
	v15 =	vld [tilespmem:$0x1FF80]  }
0x1a6: {  	v10 =	vor.u32 v52, v24;
	v7 =	vor.u32 v57, v4;
	v5 =	vld.idx.msk [tilespmem:v8+s21+$0x0], $0xffff  }
0x1a7: {  	v47 =	vor.u32 v57, v39;
	v55 =	vor.u32 v57, v34;
	v51 =	vor.u32 v14, v20;
	v6 =	vld.idx.msk [tilespmem:v37+s21+$0x0], $0xffff  }
0x1a8: {  	v37 =	vld.idx.msk [tilespmem:v2+s16+$0x0], $0xffff;
	[tilespmem:v46+s5+$0x0] =	vst.idx.msk $0xffff, v0;
	v0 =	vadd.f32 v58, v19;
	v46 =	vor.u32 v13, v28  }
0x1a9: {  	v50 =	vor.u32 v14, v26;
	v1 =	vadd.f32 v1, v18;
	v8 =	vld.idx.msk [tilespmem:v11+s21+$0x0], $0xffff;
	v11 =	vor.u32 v52, v20  }
0x1aa: {  	v42 =	vand.u32 $0x1F80, v49;
	v58 =	vor.u32 v13, v21;
	v52 =	vor.u32 v52, v23;
	[tilespmem:v53+s5+$0x0] =	vst.idx.msk $0xffff, v0  }
0x1ab: {  	v26 =	vmovc v3;
	v2 =	vor.u32 v56, v40;
	v0 =	vor.u32 v56, v3;
	v12 =	vadd.f32 v12, v27  }
0x1ac: {  	v38 =	vld.idx.msk [tilespmem:v38+s16+$0x0], $0xffff;
	v53 =	vor.u32 v56, v35;
	v32 =	vor.u32 v15, v32;
	v54 =	vor.u32 v15, v22  }
0x1ad: {  	v48 =	vld.idx.msk [tilespmem:v48+s21+$0x0], $0xffff;
	v3 =	vadd.f32 v9, v37;
	v5 =	vadd.f32 v5, v16;
	[tilespmem:v46+s5+$0x0] =	vst.idx.msk $0xffff, v1  }
0x1ae: {  	v1 =	vor.u32 v57, v42;
	[tilespmem:v47+s5+$0x0] =	vst.idx.msk $0xffff, v12;
	v11 =	vld.idx.msk [tilespmem:v11+s21+$0x0], $0xffff;
	v8 =	vadd.f32 v8, v17  }
0x1af: {  	v57 =	vor.u32 v56, v33;
	v12 =	vor.u32 v61, v39;
	v9 =	vld.idx.msk [tilespmem:v10+s21+$0x0], $0xffff;
	[tilespmem:v7+s5+$0x0] =	vst.idx.msk $0xffff, v3  }
0x1b0: {  	v47 =	vor.u32 v14, v23;
	v3 =	vadd.f32 v6, v41;
	v0 =	vld.idx.msk [tilespmem:v0+s21+$0x0], $0xffff;
	[tilespmem:v58+s5+$0x0] =	vst.idx.msk $0xffff, v8  }
0x1b1: {  	v56 =	vor.u32 v61, v4;
	v2 =	vld.idx.msk [tilespmem:v2+s21+$0x0], $0xffff;
	[tilespmem:v54+s5+$0x0] =	vst.idx.msk $0xffff, v5;
	v5 =	vor.u32 v15, v28  }
0x1b2: {  	p1 =	slt.u32 s29, $0x3C;
	v7 =	vor.u32 v14, v24;
	v58 =	vadd.f32 v48, v38;
	[tilespmem:v55+s5+$0x0] =	vst.idx.msk $0xffff, v3;
	v6 =	vld.idx.msk [tilespmem:v52+s21+$0x0], $0xffff  }
.Ltmp1:
0x1b3: {  	v55 =	vor.u32 v62, v40;
	v46 =	vld.idx.msk [tilespmem:v50+s21+$0x0], $0xffff;
	v52 =	vor.u32 v62, v26;
	v3 =	vadd.f32 v11, v19;
	(pc) =	sbr.rel @p1 .LBB2_5-.Ltmp1, $4  }
0x1b4: {  	v54 =	vld.idx.msk [tilespmem:v53+s21+$0x0], $0xffff;
	v50 =	vor.u32 v15, v21;
	[tilespmem:v1+s5+$0x0] =	vst.idx.msk $0xffff, v58;
	v1 =	vadd.f32 v9, v18  }
0x1b5: {  	v58 =	vor.u32 v62, v35;
	v53 =	vld.idx.msk [tilespmem:v57+s21+$0x0], $0xffff;
	[tilespmem:v32+s5+$0x0] =	vst.idx.msk $0xffff, v3;
	v3 =	vadd.f32 v0, v27  }
0x1b6: {  	v57 =	vor.u32 v61, v34;
	[tilespmem:v5+s5+$0x0] =	vst.idx.msk $0xffff, v1;
	v32 =	vmov v4;
	v49 =	vld.idx.msk [tilespmem:v51+s21+$0x0], $0xffff  }
0x1b7: {  	s29 =	sadd.s32 $0x4, s29;
	v0 =	vadd.f32 v2, v37;
	v51 =	vadd.f32 v6, v17;
	v48 =	vld.idx.msk [tilespmem:v7+s21+$0x0], $0xffff;
	[tilespmem:v12+s5+$0x0] =	vst.idx.msk $0xffff, v3  }
0x1b8: {  	v62 =	vld [tilespmem:$0x1FFB0]  }
0x1b9: {  	v61 =	vld [tilespmem:$0x1FF20];
	_ =	sdelay $0x3  }
0x1ba: {  	v3 =	vadd.f32 v54, v41;
	v1 =	vor.u32 v62, v42  }
0x1bb: {  	v2 =	vor.u32 v61, v33  }
0x1bc: {  	[tilespmem:v57+s5+$0x0] =	vst.idx.msk $0xffff, v3  }
0x1bd: {  	[tilespmem:v56+s5+$0x0] =	vst.idx.msk $0xffff, v0;
	v0 =	vadd.f32 v53, v38;
	v3 =	vld.idx.msk [tilespmem:v58+s21+$0x0], $0xffff  }
0x1be: {  	v4 =	vld.idx.msk [tilespmem:v55+s21+$0x0], $0xffff  }
0x1bf: {  	v6 =	vor.u32 v59, v34;
	[tilespmem:v1+s5+$0x0] =	vst.idx.msk $0xffff, v0  }
0x1c0: {  	v0 =	vor.u32 v59, v32;
	v1 =	vld.idx.msk [tilespmem:v2+s21+$0x0], $0xffff  }
0x1c1: {  	v7 =	vor.u32 v63, v35;
	v2 =	vld.idx.msk [tilespmem:v52+s21+$0x0], $0xffff  }
0x1c2: {  	v5 =	vor.u32 v63, v40;
	v8 =	vor.u32 v59, v42;
	v3 =	vadd.f32 v3, v41  }
0x1c3: {  	v9 =	vor.u32 v59, v39;
	v10 =	vor.u32 v63, v33;
	v4 =	vadd.f32 v4, v37  }
0x1c4: {  	v11 =	vor.u32 v63, v26;
	[tilespmem:v6+s5+$0x0] =	vst.idx.msk $0xffff, v3  }
0x1c5: {  	[tilespmem:v0+s5+$0x0] =	vst.idx.msk $0xffff, v4;
	v0 =	vadd.f32 v1, v38  }
0x1c6: {  	v3 =	vld.idx.msk [tilespmem:v7+s21+$0x0], $0xffff;
	v1 =	vadd.f32 v2, v27  }
0x1c7: {  	v2 =	vld.idx.msk [tilespmem:v5+s21+$0x0], $0xffff;
	[tilespmem:v8+s5+$0x0] =	vst.idx.msk $0xffff, v0  }
0x1c8: {  	[tilespmem:v9+s5+$0x0] =	vst.idx.msk $0xffff, v1;
	v1 =	vld.idx.msk [tilespmem:v10+s21+$0x0], $0xffff  }
0x1c9: {  	v0 =	vor.u32 v60, v32;
	v4 =	vld.idx.msk [tilespmem:v11+s21+$0x0], $0xffff  }
0x1ca: {  	v57 =	vor.u32 v60, v34;
	v52 =	vld [tilespmem:$0x1FFC0]  }
0x1cb: {  	v58 =	vor.u32 v60, v42  }
0x1cc: {  	v53 =	vor.u32 v60, v39;
	v2 =	vadd.f32 v2, v37  }
0x1cd: {  	v3 =	vadd.f32 v3, v41  }
0x1ce: {  	[tilespmem:v0+s5+$0x0] =	vst.idx.msk $0xffff, v2;
	v0 =	vadd.f32 v1, v38  }
0x1cf: {  	[tilespmem:v57+s5+$0x0] =	vst.idx.msk $0xffff, v3;
	v56 =	vor.u32 v52, v40;
	v1 =	vadd.f32 v4, v27  }
0x1d0: {  	v12 =	vor.u32 v52, v35;
	[tilespmem:v58+s5+$0x0] =	vst.idx.msk $0xffff, v0  }
0x1d1: {  	v14 =	vor.u32 v52, v33;
	[tilespmem:v53+s5+$0x0] =	vst.idx.msk $0xffff, v1  }
0x1d2: {  	v54 =	vor.u32 v52, v26;
	v53 =	vld [tilespmem:$0x1FF30];
	_ =	sdelay $0x1  }
0x1d3: {  	v2 =	vld.idx.msk [tilespmem:v56+s21+$0x0], $0xffff  }
0x1d4: {  	v3 =	vld.idx.msk [tilespmem:v12+s21+$0x0], $0xffff  }
0x1d5: {  	v0 =	vor.u32 v13, v32;
	v1 =	vld.idx.msk [tilespmem:v14+s21+$0x0], $0xffff  }
0x1d6: {  	v4 =	vld.idx.msk [tilespmem:v54+s21+$0x0], $0xffff;
	v56 =	vor.u32 v13, v34;
	v55 =	vor.u32 v53, v40  }
0x1d7: {  	v14 =	vor.u32 v13, v42  }
0x1d8: {  	v9 =	vor.u32 v13, v39;
	v2 =	vadd.f32 v2, v37  }
0x1d9: {  	[tilespmem:v50+s5+$0x0] =	vst.idx.msk $0xffff, v51;
	v3 =	vadd.f32 v3, v41  }
0x1da: {  	[tilespmem:v0+s5+$0x0] =	vst.idx.msk $0xffff, v2;
	v0 =	vadd.f32 v1, v38  }
0x1db: {  	v1 =	vadd.f32 v4, v27;
	[tilespmem:v56+s5+$0x0] =	vst.idx.msk $0xffff, v3;
	v2 =	vld.idx.msk [tilespmem:v55+s21+$0x0], $0xffff  }
0x1dc: {  	v54 =	vld [tilespmem:$0x1FF50];
	[tilespmem:v14+s5+$0x0] =	vst.idx.msk $0xffff, v0  }
0x1dd: {  	v12 =	vor.u32 v53, v35;
	v14 =	vld [tilespmem:$0x1FF70];
	[tilespmem:v9+s5+$0x0] =	vst.idx.msk $0xffff, v1  }
0x1de: {  	v58 =	vor.u32 v53, v33;
	v55 =	vld [tilespmem:$0x1FF80]  }
0x1df: {  	v57 =	vor.u32 v53, v26;
	v56 =	vld [tilespmem:$0x1FF60];
	_ =	sdelay $0x2  }
0x1e0: {  	v4 =	vld.idx.msk [tilespmem:v12+s21+$0x0], $0xffff  }
0x1e1: {  	v49 =	vadd.f32 v49, v19;
	v5 =	vld.idx.msk [tilespmem:v58+s21+$0x0], $0xffff;
	v1 =	vor.u32 v55, v32  }
0x1e2: {  	v7 =	vld.idx.msk [tilespmem:v57+s21+$0x0], $0xffff;
	v3 =	vor.u32 v54, v20;
	v8 =	vor.u32 v56, v40;
	v58 =	vor.u32 v55, v34  }
0x1e3: {  	v2 =	vadd.f32 v2, v37;
	v50 =	vor.u32 v56, v35;
	v12 =	vor.u32 v55, v42  }
0x1e4: {  	v20 =	vld.idx.msk [tilespmem:v47+s21+$0x0], $0xffff;
	v0 =	vor.u32 v14, v22;
	v22 =	vor.u32 v55, v39;
	v25 =	vor.u32 v56, v33  }
0x1e5: {  	[tilespmem:v31+s5+$0x0] =	vst.idx.msk $0xffff, v49;
	v4 =	vadd.f32 v4, v41;
	v51 =	vor.u32 v56, v26  }
0x1e6: {  	v6 =	vor.u32 v14, v28;
	[tilespmem:v1+s5+$0x0] =	vst.idx.msk $0xffff, v2;
	v1 =	vadd.f32 v5, v38  }
0x1e7: {  	v21 =	vor.u32 v14, v21;
	v57 =	vadd.f32 v7, v27;
	[tilespmem:v58+s5+$0x0] =	vst.idx.msk $0xffff, v4;
	v7 =	vld.idx.msk [tilespmem:v8+s21+$0x0], $0xffff  }
0x1e8: {  	v9 =	vld.idx.msk [tilespmem:v50+s21+$0x0], $0xffff;
	[tilespmem:v12+s5+$0x0] =	vst.idx.msk $0xffff, v1  }
0x1e9: {  	v47 =	vadd.f32 v20, v17;
	v58 =	vadd.f32 v48, v18;
	[tilespmem:v22+s5+$0x0] =	vst.idx.msk $0xffff, v57;
	v48 =	vld.idx.msk [tilespmem:v25+s21+$0x0], $0xffff  }
0x1ea: {  	v2 =	vor.u32 v54, v24;
	v49 =	vld.idx.msk [tilespmem:v51+s21+$0x0], $0xffff;
	v50 =	vor.u32 v54, v40;
	v51 =	vor.u32 v14, v34  }
0x1eb: {  	v1 =	vadd.f32 v46, v16;
	[tilespmem:v6+s5+$0x0] =	vst.idx.msk $0xffff, v58;
	v58 =	vor.u32 v14, v42  }
0x1ec: {  	[tilespmem:v21+s5+$0x0] =	vst.idx.msk $0xffff, v47;
	v7 =	vadd.f32 v7, v37  }
0x1ed: {  	v4 =	vor.u32 v54, v23;
	[tilespmem:v0+s5+$0x0] =	vst.idx.msk $0xffff, v1;
	v1 =	vadd.f32 v9, v41  }
0x1ee: {  	v3 =	vld.idx.msk [tilespmem:v3+s21+$0x0], $0xffff;
	[tilespmem:v36+s5+$0x0] =	vst.idx.msk $0xffff, v7;
	v5 =	vadd.f32 v48, v38  }
0x1ef: {  	v2 =	vld.idx.msk [tilespmem:v2+s21+$0x0], $0xffff;
	[tilespmem:v51+s5+$0x0] =	vst.idx.msk $0xffff, v1  }
0x1f0: {  	v57 =	vor.u32 v54, v35;
	v7 =	vld.idx.msk [tilespmem:v50+s21+$0x0], $0xffff;
	[tilespmem:v58+s5+$0x0] =	vst.idx.msk $0xffff, v5  }
0x1f1: {  	v20 =	vor.u32 v14, v39;
	v21 =	vor.u32 v54, v33;
	v50 =	vld [tilespmem:$0x1FF40]  }
0x1f2: {  	v0 =	vor.u32 v54, v26;
	v4 =	vld.idx.msk [tilespmem:v4+s21+$0x0], $0xffff  }
0x1f3: {  	v35 =	vld.idx.msk [tilespmem:v44+s21+$0x0], $0xffff  }
0x1f4: {  	v6 =	vadd.f32 v49, v27  }
0x1f5: {  	v1 =	vadd.f32 v3, v19;
	v3 =	vld.idx.msk [tilespmem:v57+s21+$0x0], $0xffff  }
0x1f6: {  	v2 =	vadd.f32 v2, v18;
	v40 =	vld.idx.msk [tilespmem:v21+s21+$0x0], $0xffff;
	[tilespmem:v20+s5+$0x0] =	vst.idx.msk $0xffff, v6;
	v36 =	vor.u32 v50, v32  }
0x1f7: {  	[tilespmem:v43+s5+$0x0] =	vst.idx.msk $0xffff, v1;
	v1 =	vadd.f32 v4, v17;
	v0 =	vld.idx.msk [tilespmem:v0+s21+$0x0], $0xffff;
	v43 =	vor.u32 v50, v34  }
0x1f8: {  	[tilespmem:v45+s5+$0x0] =	vst.idx.msk $0xffff, v2;
	v2 =	vadd.f32 v35, v16;
	v44 =	vor.u32 v50, v42  }
0x1f9: {  	[tilespmem:v30+s5+$0x0] =	vst.idx.msk $0xffff, v1;
	v7 =	vadd.f32 v7, v37;
	v1 =	vor.u32 v50, v39  }
0x1fa: {  	[tilespmem:v29+s5+$0x0] =	vst.idx.msk $0xffff, v2;
	v2 =	vadd.f32 v3, v41  }
0x1fb: {  	s22 =	sshll.u32 s28, $0x12;
	v3 =	vadd.f32 v40, v38;
	[tilespmem:v36+s5+$0x0] =	vst.idx.msk $0xffff, v7  }
0x1fc: {  	s22 =	sor.u32 s7, s22;
	v0 =	vadd.f32 v0, v27;
	[tilespmem:v43+s5+$0x0] =	vst.idx.msk $0xffff, v2  }
0x1fd: {  	s22 =	sshrl.u32 s22, $0x3;
	[tilespmem:v44+s5+$0x0] =	vst.idx.msk $0xffff, v3  }
0x1fe: {  	s24 =	sadd.s32 s2, s22;
	[tilespmem:v1+s5+$0x0] =	vst.idx.msk $0xffff, v0  }
0x1ff: {  	[hbm4b:s24+s3] =	stream.linear.scatter [tilespmem:s5], [sflag:$0x6], $0x400, $0x38;
	[tilespmem:$0x15600] =	vst v63  }
0x200: {  	s30 =	simm.s32 $0x10800;
	s29 =	sadd.s32 s22, s8  }
0x201: {  	[hbm4b:s29+s3] =	stream.linear.scatter [tilespmem:s30], [sflag:$0x6], $0x400, $0x38;
	[tilespmem:$0x15600] =	vst v63  }
0x202: {  	s28 =	simm.s32 $0x10C00;
	s29 =	sadd.s32 s22, s9  }
0x203: {  	[hbm4b:s29+s3] =	stream.linear.scatter [tilespmem:s28], [sflag:$0x6], $0x400, $0x38;
	[tilespmem:$0x15600] =	vst v63  }
0x204: {  	s29 =	sadd.s32 s22, s10;
	s28 =	simm.s32 $0x11000  }
0x205: {  	[hbm4b:s29+s3] =	stream.linear.scatter [tilespmem:s28], [sflag:$0x6], $0x400, $0x38;
	[tilespmem:$0x15600] =	vst v63  }
0x206: {  	s29 =	sadd.s32 s22, s11;
	s28 =	simm.s32 $0x11400  }
0x207: {  	[hbm4b:s29+s3] =	stream.linear.scatter [tilespmem:s28], [sflag:$0x6], $0x400, $0x38;
	[tilespmem:$0x15600] =	vst v63  }
0x208: {  	s29 =	sadd.s32 s22, s12;
	s28 =	simm.s32 $0x11800  }
0x209: {  	[hbm4b:s29+s3] =	stream.linear.scatter [tilespmem:s28], [sflag:$0x6], $0x400, $0x38;
	[tilespmem:$0x15600] =	vst v63  }
0x20a: {  	s29 =	sadd.s32 s22, s13;
	s28 =	simm.s32 $0x11C00  }
0x20b: {  	[hbm4b:s29+s3] =	stream.linear.scatter [tilespmem:s28], [sflag:$0x6], $0x400, $0x38;
	[tilespmem:$0x15600] =	vst v63  }
0x20c: {  	s22 =	sadd.s32 s22, s14;
	s29 =	simm.s32 $0x12000  }
0x20d: {  	[hbm4b:s22+s3] =	stream.linear.scatter [tilespmem:s29], [sflag:$0x6], $0x400, $0x38;
	[tilespmem:$0x15600] =	vst v63  }
0x20e: {  	_ =	swait.ge [sflag:s31], $0x2000  }
0x20f: {  	s24 =	simm.s32 @!p0 $0x80;
	[sflag:s31] =	ssyncset.done $0x0  }
0x210: {  	s28 =	simm.s32 @!p0 $0x8400;
	s22 =	sadd.s32 @!p0 $0x280, s17;
	[sflag:s31] =	ssyncadd.s32 $0xFFFFE000  }
0x211: {  	[tilespmem:s28], [sflag:$0x2] =	stream.indirect.gather @!p0 [hbm4b:s4+s24], $0x40, s22, s24, $0xb8;
	[tilespmem:$0x15600] =	vst v63  }
0x212: {  	_ =	swait.ge [sflag:s1], $0x400  }
0x213: {  	[sflag:s1] =	ssyncset.done $0x0  }
0x214: {  	[sflag:s1] =	ssyncadd.s32 $0xFFFFFC00  }
0x215: {  	_ =	swait.ge [sflag:s1], $0x400  }
0x216: {  	[sflag:s1] =	ssyncset.done $0x0  }
0x217: {  	[sflag:s1] =	ssyncadd.s32 $0xFFFFFC00  }
0x218: {  	_ =	swait.ge [sflag:s1], $0x400  }
0x219: {  	[sflag:s1] =	ssyncset.done $0x0  }
0x21a: {  	[sflag:s1] =	ssyncadd.s32 $0xFFFFFC00  }
0x21b: {  	_ =	swait.ge [sflag:s1], $0x400  }
0x21c: {  	[sflag:s1] =	ssyncset.done $0x0  }
0x21d: {  	[sflag:s1] =	ssyncadd.s32 $0xFFFFFC00  }
0x21e: {  	_ =	swait.ge [sflag:s1], $0x400  }
0x21f: {  	[sflag:s1] =	ssyncset.done $0x0  }
0x220: {  	[sflag:s1] =	ssyncadd.s32 $0xFFFFFC00  }
0x221: {  	_ =	swait.ge [sflag:s1], $0x400  }
0x222: {  	[sflag:s1] =	ssyncset.done $0x0  }
0x223: {  	[sflag:s1] =	ssyncadd.s32 $0xFFFFFC00  }
0x224: {  	_ =	swait.ge [sflag:s1], $0x400  }
0x225: {  	v14 =	vld [tilespmem:$0x1FF90]  }
0x226: {  	s18 =	sor.u32 $0x2, s18;
	v46 =	vlaneseq.u32;
	s24 =	simm.s32 $0x0  }
0x227: {  	s29 =	sshll.u32 s18, $0x6;
	v0 =	vadd.s32 s24, v46  }
0x228: {  	v26 =	vmov s29;
	v18 =	vand.u32 $0x3F, v0  }
0x229: {  	v2 =	vor.u32 v26, v18;
	[sflag:s1] =	ssyncset.done $0x0  }
0x22a: {  	s24 =	simm.s32 $0x1;
	[sflag:s1] =	ssyncadd.s32 $0xFFFFFC00;
	v1 =	vor.u32 v14, v18  }
0x22b: {  	s29 =	simm.s32 $0x2;
	v3 =	vadd.s32 s24, v46;
	_ =	swait.ge [sflag:s1], $0x400  }
0x22c: {  	v45 =	vadd.s32 s29, v46;
	v48 =	vand.u32 $0x3F, v3;
	[sflag:s1] =	ssyncset.done $0x0  }
0x22d: {  	v23 =	vand.u32 $0x3F, v45;
	s24 =	simm.s32 $0x3;
	v47 =	vor.u32 v26, v48;
	v15 =	vld [tilespmem:$0x1FFA0];
	[sflag:s1] =	ssyncadd.s32 $0xFFFFFC00  }
0x22e: {  	v49 =	vor.u32 v26, v23;
	v51 =	vadd.s32 s24, v46;
	v16 =	vld.idx.msk [tilespmem:v2+s16+$0x0], $0xffff  }
0x22f: {  	v0 =	vshll.u32 v0, $0x7;
	v28 =	vand.u32 $0x3F, v51;
	v57 =	vor.u32 v14, v23;
	v1 =	vld.idx.msk [tilespmem:v1+s23+$0x0], $0xffff  }
0x230: {  	v24 =	vand.u32 $0x1F80, v0;
	v0 =	vor.u32 v14, v28  }
0x231: {  	v58 =	vor.u32 v46, v24;
	v2 =	vor.u32 v26, v28  }
0x232: {  	v19 =	vld.idx.msk [tilespmem:v47+s16+$0x0], $0xffff;
	v32 =	vor.u32 v15, v18  }
0x233: {  	v33 =	vor.u32 v14, v48;
	v20 =	vld.idx.msk [tilespmem:v49+s16+$0x0], $0xffff  }
0x234: {  	v34 =	vld.idx.msk [tilespmem:v57+s23+$0x0], $0xffff;
	v1 =	vadd.f32 v1, v16  }
0x235: {  	v4 =	vshll.u32 v45, $0x7;
	v0 =	vld.idx.msk [tilespmem:v0+s23+$0x0], $0xffff  }
0x236: {  	v37 =	vand.u32 $0x1F80, v4;
	v7 =	vshll.u32 v51, $0x7;
	v17 =	vld.idx.msk [tilespmem:v2+s16+$0x0], $0xffff;
	[tilespmem:v58+s26+$0x0] =	vst.idx.msk $0xffff, v1  }
0x237: {  	v21 =	vand.u32 $0x1F80, v7;
	v1 =	vor.u32 v46, v37;
	v2 =	vld.idx.msk [tilespmem:v32+s23+$0x0], $0xffff  }
0x238: {  	v3 =	vshll.u32 v3, $0x7;
	v7 =	vor.u32 v46, v21;
	v40 =	vor.u32 v15, v23;
	v35 =	vld.idx.msk [tilespmem:v33+s23+$0x0], $0xffff  }
0x239: {  	v38 =	vand.u32 $0x1F80, v3;
	v41 =	vor.u32 v62, v24;
	v3 =	vor.u32 v15, v28  }
0x23a: {  	v43 =	vor.u32 v61, v18;
	v42 =	vor.u32 v46, v38;
	v6 =	vadd.f32 v34, v20  }
0x23b: {  	v44 =	vor.u32 v15, v48;
	v0 =	vadd.f32 v0, v17  }
0x23c: {  	[tilespmem:v1+s26+$0x0] =	vst.idx.msk $0xffff, v6;
	v1 =	vadd.f32 v2, v16  }
0x23d: {  	[tilespmem:v7+s26+$0x0] =	vst.idx.msk $0xffff, v0;
	v2 =	vadd.f32 v35, v19;
	v45 =	vld.idx.msk [tilespmem:v40+s23+$0x0], $0xffff  }
0x23e: {  	v0 =	vld.idx.msk [tilespmem:v3+s23+$0x0], $0xffff;
	[tilespmem:v41+s26+$0x0] =	vst.idx.msk $0xffff, v1  }
0x23f: {  	[tilespmem:v42+s26+$0x0] =	vst.idx.msk $0xffff, v2;
	v1 =	vor.u32 v62, v37;
	v2 =	vld.idx.msk [tilespmem:v43+s23+$0x0], $0xffff  }
0x240: {  	v47 =	vor.u32 v61, v23;
	v49 =	vor.u32 v62, v21;
	v3 =	vld.idx.msk [tilespmem:v44+s23+$0x0], $0xffff  }
0x241: {  	v57 =	vor.u32 v59, v24  }
0x242: {  	v51 =	vor.u32 v61, v28;
	v4 =	vadd.f32 v45, v20  }
0x243: {  	v39 =	vor.u32 v59, v37;
	v12 =	vor.u32 v63, v18;
	v0 =	vadd.f32 v0, v17  }
0x244: {  	v58 =	vor.u32 v62, v38;
	[tilespmem:v1+s26+$0x0] =	vst.idx.msk $0xffff, v4;
	v1 =	vadd.f32 v2, v16  }
0x245: {  	v36 =	vor.u32 v61, v48;
	[tilespmem:v49+s26+$0x0] =	vst.idx.msk $0xffff, v0;
	v2 =	vadd.f32 v3, v19;
	v3 =	vld.idx.msk [tilespmem:v47+s23+$0x0], $0xffff  }
0x246: {  	v22 =	vor.u32 v56, v18;
	[tilespmem:v57+s26+$0x0] =	vst.idx.msk $0xffff, v1;
	v1 =	vor.u32 v50, v24  }
0x247: {  	v56 =	vor.u32 v56, v48;
	v27 =	vor.u32 v63, v28;
	v0 =	vld.idx.msk [tilespmem:v51+s23+$0x0], $0xffff;
	[tilespmem:$0x1FEA0] =	vst v1  }
0x248: {  	v30 =	vor.u32 v60, v21;
	v25 =	vor.u32 v59, v21;
	v33 =	vor.u32 v55, v21;
	v1 =	vld.idx.msk [tilespmem:v12+s23+$0x0], $0xffff  }
0x249: {  	v32 =	vor.u32 v50, v21;
	v41 =	vor.u32 v63, v23;
	[tilespmem:v58+s26+$0x0] =	vst.idx.msk $0xffff, v2  }
0x24a: {  	v6 =	vor.u32 v13, v24;
	v42 =	vor.u32 v60, v24;
	v40 =	vld.idx.msk [tilespmem:v36+s23+$0x0], $0xffff;
	v3 =	vadd.f32 v3, v20  }
0x24b: {  	s29 =	simm.s32 $0x5;
	v43 =	vor.u32 v52, v18;
	v44 =	vor.u32 v59, v38;
	v45 =	vor.u32 v63, v48  }
0x24c: {  	v47 =	vor.u32 v55, v37;
	v0 =	vadd.f32 v0, v17;
	[tilespmem:v39+s26+$0x0] =	vst.idx.msk $0xffff, v3;
	v3 =	vadd.s32 s29, v46  }
0x24d: {  	v57 =	vor.u32 v60, v37;
	s29 =	simm.s32 $0x6;
	v39 =	vand.u32 $0x3F, v3;
	v1 =	vadd.f32 v1, v16  }
0x24e: {  	s24 =	simm.s32 $0x4;
	[tilespmem:v25+s26+$0x0] =	vst.idx.msk $0xffff, v0;
	v51 =	vld.idx.msk [tilespmem:v41+s23+$0x0], $0xffff;
	v58 =	vadd.s32 s29, v46;
	v29 =	vor.u32 v26, v39  }
0x24f: {  	v36 =	vand.u32 $0x3F, v58;
	v49 =	vadd.f32 v40, v19;
	[tilespmem:v42+s26+$0x0] =	vst.idx.msk $0xffff, v1;
	v1 =	vadd.s32 s24, v46  }
0x250: {  	v27 =	vld.idx.msk [tilespmem:v27+s23+$0x0], $0xffff;
	v59 =	vor.u32 v14, v39;
	v40 =	vand.u32 $0x3F, v1;
	v1 =	vshll.u32 v1, $0x7  }
0x251: {  	v0 =	vor.u32 v26, v36;
	v9 =	vld.idx.msk [tilespmem:v43+s23+$0x0], $0xffff;
	[tilespmem:v44+s26+$0x0] =	vst.idx.msk $0xffff, v49;
	v42 =	vand.u32 $0x1F80, v1  }
0x252: {  	v2 =	vor.u32 v52, v48;
	v31 =	vor.u32 v14, v36;
	v10 =	vld.idx.msk [tilespmem:v45+s23+$0x0], $0xffff;
	v1 =	vor.u32 v50, v42  }
0x253: {  	v12 =	vor.u32 v60, v38;
	s29 =	simm.s32 $0x7;
	v63 =	vor.u32 v26, v40;
	v5 =	vadd.f32 v51, v20;
	[tilespmem:$0x1FEB0] =	vst v1  }
0x254: {  	v41 =	vor.u32 v54, v23;
	v60 =	vor.u32 v14, v40;
	v45 =	vadd.s32 s29, v46;
	v29 =	vld.idx.msk [tilespmem:v29+s16+$0x0], $0xffff  }
0x255: {  	v3 =	vshll.u32 v3, $0x7;
	v51 =	vshll.u32 v45, $0x7;
	[tilespmem:v57+s26+$0x0] =	vst.idx.msk $0xffff, v5;
	v4 =	vld.idx.msk [tilespmem:v59+s23+$0x0], $0xffff;
	v57 =	vadd.f32 v27, v17  }
0x256: {  	v35 =	vand.u32 $0x3F, v45;
	v45 =	vand.u32 $0x1F80, v51;
	v27 =	vld.idx.msk [tilespmem:v0+s16+$0x0], $0xffff;
	v1 =	vadd.f32 v9, v16  }
0x257: {  	v5 =	vor.u32 v26, v35;
	v8 =	vld.idx.msk [tilespmem:v31+s23+$0x0], $0xffff;
	v49 =	vadd.f32 v10, v19;
	[tilespmem:v30+s26+$0x0] =	vst.idx.msk $0xffff, v57  }
0x258: {  	v51 =	vor.u32 v61, v35;
	v9 =	vor.u32 v14, v35;
	v34 =	vld.idx.msk [tilespmem:v63+s16+$0x0], $0xffff;
	[tilespmem:v6+s26+$0x0] =	vst.idx.msk $0xffff, v1  }
0x259: {  	v30 =	vand.u32 $0x1F80, v3;
	v3 =	vor.u32 v53, v18;
	v1 =	vld.idx.msk [tilespmem:v60+s23+$0x0], $0xffff;
	[tilespmem:v12+s26+$0x0] =	vst.idx.msk $0xffff, v49  }
0x25a: {  	v6 =	vshll.u32 v58, $0x7;
	v58 =	vor.u32 v52, v23;
	v60 =	vor.u32 v46, v30;
	v2 =	vld.idx.msk [tilespmem:v2+s23+$0x0], $0xffff  }
0x25b: {  	v43 =	vor.u32 v55, v45;
	v0 =	vor.u32 v46, v42;
	v59 =	vor.u32 v13, v38  }
0x25c: {  	v63 =	vor.u32 v52, v28;
	v57 =	vor.u32 v53, v48;
	v31 =	vand.u32 $0x1F80, v6;
	v49 =	vld.idx.msk [tilespmem:v5+s16+$0x0], $0xffff  }
0x25d: {  	v52 =	vor.u32 v15, v40;
	v6 =	vor.u32 v46, v31;
	v4 =	vadd.f32 v4, v29;
	v9 =	vld.idx.msk [tilespmem:v9+s23+$0x0], $0xffff  }
0x25e: {  	v12 =	vor.u32 v55, v38;
	v8 =	vadd.f32 v8, v27;
	v3 =	vld.idx.msk [tilespmem:v3+s23+$0x0], $0xffff;
	v1 =	vadd.f32 v1, v34  }
0x25f: {  	v44 =	vor.u32 v55, v31;
	v7 =	vld.idx.msk [tilespmem:v58+s23+$0x0], $0xffff;
	[tilespmem:v60+s26+$0x0] =	vst.idx.msk $0xffff, v4;
	v2 =	vadd.f32 v2, v19  }
0x260: {  	v60 =	vor.u32 v15, v36;
	[tilespmem:v0+s26+$0x0] =	vst.idx.msk $0xffff, v1;
	v0 =	vor.u32 v46, v45  }
0x261: {  	v1 =	vor.u32 v15, v39;
	[tilespmem:v59+s26+$0x0] =	vst.idx.msk $0xffff, v2;
	v2 =	vor.u32 v55, v24  }
0x262: {  	v58 =	vld.idx.msk [tilespmem:v63+s23+$0x0], $0xffff;
	v63 =	vor.u32 v15, v35;
	[tilespmem:v6+s26+$0x0] =	vst.idx.msk $0xffff, v8;
	v59 =	vor.u32 v13, v37  }
0x263: {  	v8 =	vor.u32 v53, v23;
	v46 =	vor.u32 v54, v28;
	v9 =	vadd.f32 v9, v49;
	v5 =	vld.idx.msk [tilespmem:v52+s23+$0x0], $0xffff  }
0x264: {  	v13 =	vor.u32 v13, v21;
	v3 =	vadd.f32 v3, v16;
	v14 =	vld.idx.msk [tilespmem:v57+s23+$0x0], $0xffff;
	v7 =	vadd.f32 v7, v20  }
0x265: {  	v4 =	vld.idx.msk [tilespmem:v60+s23+$0x0], $0xffff;
	[tilespmem:v0+s26+$0x0] =	vst.idx.msk $0xffff, v9;
	v0 =	vor.u32 v53, v28;
	v9 =	vor.u32 v62, v42  }
0x266: {  	v52 =	vor.u32 v54, v48;
	v1 =	vld.idx.msk [tilespmem:v1+s23+$0x0], $0xffff;
	[tilespmem:v2+s26+$0x0] =	vst.idx.msk $0xffff, v3;
	v2 =	vor.u32 v61, v40  }
0x267: {  	v48 =	vor.u32 v50, v37;
	v10 =	vadd.f32 v58, v17;
	[tilespmem:v59+s26+$0x0] =	vst.idx.msk $0xffff, v7;
	v59 =	vld.idx.msk [tilespmem:v63+s23+$0x0], $0xffff  }
0x268: {  	v57 =	vor.u32 v62, v30;
	v60 =	vor.u32 v62, v31;
	v3 =	vadd.f32 v5, v34;
	v53 =	vld.idx.msk [tilespmem:v8+s23+$0x0], $0xffff  }
0x269: {  	[tilespmem:v13+s26+$0x0] =	vst.idx.msk $0xffff, v10;
	v13 =	vmov v62;
	v14 =	vadd.f32 v14, v19;
	v54 =	vld.idx.msk [tilespmem:v22+s23+$0x0], $0xffff  }
0x26a: {  	v62 =	vor.u32 v61, v36;
	v63 =	vor.u32 v13, v45;
	[tilespmem:v9+s26+$0x0] =	vst.idx.msk $0xffff, v3;
	v55 =	vld.idx.msk [tilespmem:v0+s23+$0x0], $0xffff  }
0x26b: {  	s28 =	simm.s32 $0x8;
	v58 =	vadd.f32 v1, v29;
	[tilespmem:v12+s26+$0x0] =	vst.idx.msk $0xffff, v14;
	v0 =	vadd.f32 v4, v27;
	v61 =	vld.idx.msk [tilespmem:v2+s23+$0x0], $0xffff  }
.LBB2_7:
0x26c: {  	v15 =	vld [tilespmem:$0x1FF50]  }
0x26d: {  	v22 =	vld [tilespmem:$0x1FF40]  }
0x26e: {  	v13 =	vld [tilespmem:$0x1FF70]  }
0x26f: {  	v14 =	vld [tilespmem:$0x1FF60]  }
0x270: {  	[tilespmem:v60+s26+$0x0] =	vst.idx.msk $0xffff, v0;
	v0 =	vld.idx.msk [tilespmem:v56+s23+$0x0], $0xffff  }
0x271: {  	v56 =	vld [tilespmem:$0x1FFE0]  }
0x272: {  	v4 =	vmov v17;
	v17 =	vmov v49;
	v10 =	vadd.f32 v53, v20;
	v53 =	vld [tilespmem:$0x1FFD0]  }
0x273: {  	v8 =	vld.idx.msk [tilespmem:v62+s23+$0x0], $0xffff;
	v9 =	vadd.f32 v59, v17;
	v12 =	vadd.f32 v54, v16  }
0x274: {  	v62 =	vld [tilespmem:$0x1FF20];
	v49 =	vadd.f32 v61, v34;
	v1 =	vor.u32 v15, v18;
	v3 =	vor.u32 v13, v21  }
0x275: {  	v60 =	vld [tilespmem:$0x1FF10];
	v18 =	vmovc v40;
	v21 =	vmov v45;
	v5 =	vor.u32 v14, v23;
	v45 =	vadd.f32 v55, v4  }
0x276: {  	v54 =	vld [tilespmem:$0x1FFC0];
	v6 =	vor.u32 v14, v28;
	v23 =	vmov v36;
	[tilespmem:v63+s26+$0x0] =	vst.idx.msk $0xffff, v9;
	v7 =	vor.u32 v56, v42  }
0x277: {  	v40 =	vld.idx.msk [tilespmem:v51+s23+$0x0], $0xffff;
	[tilespmem:v33+s26+$0x0] =	vst.idx.msk $0xffff, v45;
	v33 =	vor.u32 v56, v31;
	v11 =	vor.u32 v53, v18  }
0x278: {  	v50 =	vmovc v39;
	v61 =	vld [tilespmem:$0x1FFF0];
	v28 =	vor.u32 v13, v24;
	v9 =	vor.u32 v13, v38;
	v59 =	vor.u32 v53, v23  }
0x279: {  	v37 =	vor.u32 v13, v37;
	v13 =	vld [tilespmem:$0x1FF90];
	[tilespmem:v47+s26+$0x0] =	vst.idx.msk $0xffff, v10;
	v39 =	vor.u32 v62, v50  }
0x27a: {  	[tilespmem:v57+s26+$0x0] =	vst.idx.msk $0xffff, v58;
	v2 =	vor.u32 v22, v38;
	v8 =	vadd.f32 v8, v27;
	v5 =	vld.idx.msk [tilespmem:v5+s23+$0x0], $0xffff  }
0x27b: {  	v24 =	vmov v42;
	v0 =	vadd.f32 v0, v19;
	v6 =	vld.idx.msk [tilespmem:v6+s23+$0x0], $0xffff;
	[tilespmem:v7+s26+$0x0] =	vst.idx.msk $0xffff, v49  }
0x27c: {  	v45 =	vor.u32 v56, v21;
	v56 =	vor.u32 v56, v30;
	[tilespmem:v33+s26+$0x0] =	vst.idx.msk $0xffff, v8;
	v11 =	vld.idx.msk [tilespmem:v11+s23+$0x0], $0xffff  }
0x27d: {  	v10 =	vor.u32 v54, v50;
	v63 =	vor.u32 v54, v18;
	v47 =	vor.u32 v61, v30;
	v58 =	vld.idx.msk [tilespmem:v59+s23+$0x0], $0xffff  }
0x27e: {  	v51 =	vor.u32 v53, v35;
	v38 =	vld.idx.msk [tilespmem:v39+s23+$0x0], $0xffff;
	[tilespmem:v9+s26+$0x0] =	vst.idx.msk $0xffff, v0;
	v0 =	vor.u32 v61, v24  }
0x27f: {  	s29 =	smov.u32 s28;
	v7 =	vor.u32 v60, v24;
	v49 =	vor.u32 v61, v21;
	v40 =	vadd.f32 v40, v17;
	v33 =	vmovc v43  }
0x280: {  	v25 =	vlaneseq.u32;
	s24 =	sadd.s32 $0x2, s29;
	v43 =	vor.u32 v61, v31;
	v55 =	vld.idx.msk [tilespmem:v52+s23+$0x0], $0xffff;
	[tilespmem:v28+s26+$0x0] =	vst.idx.msk $0xffff, v12;
	v6 =	vadd.f32 v6, v4  }
0x281: {  	v61 =	vadd.s32 s24, v25;
	v12 =	vor.u32 v53, v50;
	v1 =	vld.idx.msk [tilespmem:v1+s23+$0x0], $0xffff;
	v57 =	vadd.f32 v11, v34  }
0x282: {  	v36 =	vand.u32 $0x3F, v61;
	v5 =	vadd.f32 v5, v20;
	[tilespmem:v3+s26+$0x0] =	vst.idx.msk $0xffff, v6;
	v11 =	vadd.f32 v58, v27;
	v58 =	vld [tilespmem:$0x1FEA0]  }
0x283: {  	s22 =	sadd.s32 $0x1, s29;
	v59 =	vadd.s32 s29, v25;
	v52 =	vor.u32 v13, v36;
	v8 =	vld.idx.msk [tilespmem:v46+s23+$0x0], $0xffff;
	[tilespmem:v0+s26+$0x0] =	vst.idx.msk $0xffff, v57  }
0x284: {  	[tilespmem:v37+s26+$0x0] =	vst.idx.msk $0xffff, v5;
	v3 =	vadd.s32 s22, v25;
	v5 =	vshll.u32 v59, $0x7;
	v0 =	vadd.f32 v38, v29;
	v9 =	vld.idx.msk [tilespmem:v63+s23+$0x0], $0xffff  }
0x285: {  	v39 =	vand.u32 $0x3F, v3;
	[tilespmem:v45+s26+$0x0] =	vst.idx.msk $0xffff, v40;
	v40 =	vand.u32 $0x3F, v59;
	v59 =	vld [tilespmem:$0x1FEB0];
	v63 =	vadd.f32 v55, v19  }
0x286: {  	v28 =	vmov v35;
	v37 =	vld.idx.msk [tilespmem:v41+s23+$0x0], $0xffff;
	v42 =	vand.u32 $0x1F80, v5;
	v38 =	vor.u32 v26, v39;
	[tilespmem:v56+s26+$0x0] =	vst.idx.msk $0xffff, v0  }
0x287: {  	v35 =	vor.u32 v22, v42;
	v12 =	vld.idx.msk [tilespmem:v12+s23+$0x0], $0xffff;
	[tilespmem:v2+s26+$0x0] =	vst.idx.msk $0xffff, v63;
	v63 =	vor.u32 v13, v40  }
0x288: {  	v41 =	vor.u32 v13, v39;
	v1 =	vadd.f32 v1, v16;
	v16 =	vmov v34;
	[tilespmem:$0x1FEB0] =	vst v35  }
0x289: {  	s29 =	sadd.s32 $0x3, s29;
	v57 =	vld.idx.msk [tilespmem:v51+s23+$0x0], $0xffff;
	[tilespmem:v43+s26+$0x0] =	vst.idx.msk $0xffff, v11;
	v0 =	vor.u32 v26, v36;
	v9 =	vadd.f32 v9, v16  }
0x28a: {  	v56 =	vadd.s32 s29, v25;
	v4 =	vadd.f32 v8, v4;
	v2 =	vshll.u32 v61, $0x7;
	v61 =	vmovc v59;
	v59 =	vld [tilespmem:$0x1FFA0];
	[tilespmem:v58+s26+$0x0] =	vst.idx.msk $0xffff, v1  }
0x28b: {  	v3 =	vshll.u32 v3, $0x7;
	v19 =	vmov v29;
	v35 =	vand.u32 $0x3F, v56;
	v29 =	vld.idx.msk [tilespmem:v38+s16+$0x0], $0xffff;
	[tilespmem:v7+s26+$0x0] =	vst.idx.msk $0xffff, v9  }
0x28c: {  	[tilespmem:v32+s26+$0x0] =	vst.idx.msk $0xffff, v4;
	v1 =	vadd.f32 v37, v20;
	v37 =	vor.u32 v26, v40;
	v4 =	vld.idx.msk [tilespmem:v63+s23+$0x0], $0xffff  }
0x28d: {  	v46 =	vor.u32 v15, v28;
	v53 =	vshll.u32 v56, $0x7;
	[tilespmem:$0x1FEA0] =	vst v61;
	v11 =	vor.u32 v13, v35;
	v63 =	vld [tilespmem:$0x1FF30]  }
0x28e: {  	v8 =	vor.u32 v26, v35;
	v51 =	vor.u32 v62, v35;
	[tilespmem:v48+s26+$0x0] =	vst.idx.msk $0xffff, v1;
	v1 =	vld.idx.msk [tilespmem:v41+s23+$0x0], $0xffff  }
0x28f: {  	v45 =	vand.u32 $0x1F80, v53;
	v61 =	vor.u32 v54, v23;
	v55 =	vadd.f32 v57, v17;
	v20 =	vmovc v27;
	v27 =	vld.idx.msk [tilespmem:v0+s16+$0x0], $0xffff  }
0x290: {  	v32 =	vor.u32 v22, v21;
	v13 =	vor.u32 v62, v40;
	v0 =	vadd.f32 v12, v19;
	v7 =	vld.idx.msk [tilespmem:v52+s23+$0x0], $0xffff  }
0x291: {  	v62 =	vor.u32 v62, v36;
	v38 =	vmov v30;
	v30 =	vand.u32 $0x1F80, v3;
	[tilespmem:v49+s26+$0x0] =	vst.idx.msk $0xffff, v55;
	v34 =	vld.idx.msk [tilespmem:v37+s16+$0x0], $0xffff  }
0x292: {  	v3 =	vor.u32 v25, v30;
	v11 =	vld.idx.msk [tilespmem:v11+s23+$0x0], $0xffff;
	[tilespmem:v47+s26+$0x0] =	vst.idx.msk $0xffff, v0;
	v0 =	vor.u32 v63, v18  }
0x293: {  	v53 =	vor.u32 v60, v38;
	v47 =	vor.u32 v25, v42;
	v37 =	vmovc v31;
	v31 =	vand.u32 $0x1F80, v2;
	v6 =	vld.idx.msk [tilespmem:v10+s23+$0x0], $0xffff  }
0x294: {  	v49 =	vld.idx.msk [tilespmem:v8+s16+$0x0], $0xffff;
	v10 =	vor.u32 v54, v28;
	v52 =	vor.u32 v25, v31;
	v8 =	vor.u32 v63, v50  }
0x295: {  	v5 =	vld.idx.msk [tilespmem:v61+s23+$0x0], $0xffff;
	v55 =	vor.u32 v63, v23;
	v61 =	vor.u32 v63, v28;
	v63 =	vor.u32 v59, v36  }
0x296: {  	v57 =	vld [tilespmem:$0x1FF80];
	v41 =	vor.u32 v15, v23;
	v2 =	vor.u32 v59, v40;
	v4 =	vadd.f32 v4, v34  }
0x297: {  	v48 =	vor.u32 v59, v39;
	v12 =	vor.u32 v60, v37;
	v7 =	vadd.f32 v7, v27;
	v0 =	vld.idx.msk [tilespmem:v0+s23+$0x0], $0xffff  }
0x298: {  	v6 =	vadd.f32 v6, v19;
	[tilespmem:v47+s26+$0x0] =	vst.idx.msk $0xffff, v4;
	v4 =	vor.u32 v25, v45;
	v25 =	vld [tilespmem:$0x1FFB0]  }
0x299: {  	v1 =	vadd.f32 v1, v29;
	v59 =	vor.u32 v59, v35;
	v10 =	vld.idx.msk [tilespmem:v10+s23+$0x0], $0xffff;
	[tilespmem:v52+s26+$0x0] =	vst.idx.msk $0xffff, v7  }
0x29a: {  	v47 =	vmov v44;
	[tilespmem:v53+s26+$0x0] =	vst.idx.msk $0xffff, v6;
	v44 =	vadd.f32 v11, v49;
	v63 =	vld.idx.msk [tilespmem:v63+s23+$0x0], $0xffff  }
0x29b: {  	v2 =	vld.idx.msk [tilespmem:v2+s23+$0x0], $0xffff;
	[tilespmem:v3+s26+$0x0] =	vst.idx.msk $0xffff, v1;
	v3 =	vadd.f32 v5, v20;
	v5 =	vor.u32 v60, v21  }
0x29c: {  	v9 =	vor.u32 v14, v18;
	v43 =	vor.u32 v57, v45;
	v56 =	vor.u32 v57, v24;
	v1 =	vld.idx.msk [tilespmem:v8+s23+$0x0], $0xffff  }
0x29d: {  	v54 =	vor.u32 v57, v31;
	v6 =	vld.idx.msk [tilespmem:v48+s23+$0x0], $0xffff;
	[tilespmem:v12+s26+$0x0] =	vst.idx.msk $0xffff, v3;
	v11 =	vor.u32 v25, v42  }
0x29e: {  	p1 =	slt.u32 s28, $0x3C;
	v52 =	vor.u32 v15, v50;
	v8 =	vor.u32 v57, v38;
	v48 =	vadd.f32 v10, v17;
	v53 =	vld.idx.msk [tilespmem:v55+s23+$0x0], $0xffff  }
.Ltmp2:
0x29f: {  	v57 =	vor.u32 v25, v30;
	v0 =	vadd.f32 v0, v16;
	[tilespmem:v4+s26+$0x0] =	vst.idx.msk $0xffff, v44;
	v44 =	vmov v54;
	(pc) =	sbr.rel @p1 .LBB2_7-.Ltmp2, $4  }
0x2a0: {  	v60 =	vor.u32 v25, v31;
	v59 =	vld.idx.msk [tilespmem:v59+s23+$0x0], $0xffff;
	v2 =	vadd.f32 v2, v34;
	[tilespmem:v5+s26+$0x0] =	vst.idx.msk $0xffff, v48  }
0x2a1: {  	v48 =	vor.u32 v22, v37;
	[tilespmem:v56+s26+$0x0] =	vst.idx.msk $0xffff, v0;
	v1 =	vadd.f32 v1, v19;
	v55 =	vld.idx.msk [tilespmem:v61+s23+$0x0], $0xffff  }
0x2a2: {  	v56 =	vor.u32 v14, v50;
	v58 =	vadd.f32 v6, v29;
	v54 =	vld.idx.msk [tilespmem:v9+s23+$0x0], $0xffff;
	[tilespmem:v11+s26+$0x0] =	vst.idx.msk $0xffff, v2  }
0x2a3: {  	s28 =	sadd.s32 $0x4, s28;
	v0 =	vadd.f32 v63, v27;
	v63 =	vor.u32 v25, v45;
	[tilespmem:v8+s26+$0x0] =	vst.idx.msk $0xffff, v1;
	v61 =	vld.idx.msk [tilespmem:v13+s23+$0x0], $0xffff  }
0x2a4: {  	_ =	sdelay $0x1  }
0x2a5: {  	v26 =	vld [tilespmem:$0x1FF20];
	_ =	sdelay $0x1  }
0x2a6: {  	[tilespmem:v57+s26+$0x0] =	vst.idx.msk $0xffff, v58  }
0x2a7: {  	[tilespmem:v60+s26+$0x0] =	vst.idx.msk $0xffff, v0  }
0x2a8: {  	v11 =	vld [tilespmem:$0x1FFE0]  }
0x2a9: {  	v1 =	vor.u32 v26, v39;
	_ =	sdelay $0x3  }
0x2aa: {  	v3 =	vld.idx.msk [tilespmem:v62+s23+$0x0], $0xffff;
	v2 =	vor.u32 v11, v42  }
0x2ab: {  	v0 =	vadd.f32 v59, v49;
	v1 =	vld.idx.msk [tilespmem:v1+s23+$0x0], $0xffff  }
0x2ac: {  	v59 =	vld [tilespmem:$0x1FFD0];
	v6 =	vor.u32 v11, v31  }
0x2ad: {  	[tilespmem:v63+s26+$0x0] =	vst.idx.msk $0xffff, v0;
	v8 =	vadd.f32 v61, v34;
	v0 =	vor.u32 v11, v30;
	_ =	sdelay $0x1  }
0x2ae: {  	[tilespmem:v2+s26+$0x0] =	vst.idx.msk $0xffff, v8;
	v2 =	vadd.f32 v3, v27  }
0x2af: {  	v1 =	vadd.f32 v1, v29  }
0x2b0: {  	v4 =	vor.u32 v59, v40;
	[tilespmem:v6+s26+$0x0] =	vst.idx.msk $0xffff, v2  }
0x2b1: {  	v7 =	vor.u32 v59, v39;
	[tilespmem:v0+s26+$0x0] =	vst.idx.msk $0xffff, v1  }
0x2b2: {  	v9 =	vor.u32 v59, v36;
	v63 =	vld [tilespmem:$0x1FFF0];
	_ =	sdelay $0x1  }
0x2b3: {  	v5 =	vld.idx.msk [tilespmem:v51+s23+$0x0], $0xffff  }
0x2b4: {  	v4 =	vld.idx.msk [tilespmem:v4+s23+$0x0], $0xffff  }
0x2b5: {  	v10 =	vor.u32 v11, v45;
	v1 =	vld.idx.msk [tilespmem:v7+s23+$0x0], $0xffff  }
0x2b6: {  	v51 =	vld.idx.msk [tilespmem:v9+s23+$0x0], $0xffff;
	v2 =	vor.u32 v63, v42  }
0x2b7: {  	v60 =	vld [tilespmem:$0x1FFC0];
	v6 =	vor.u32 v63, v30  }
0x2b8: {  	v3 =	vor.u32 v59, v35;
	v0 =	vadd.f32 v5, v49;
	v8 =	vor.u32 v63, v31  }
0x2b9: {  	v4 =	vadd.f32 v4, v34  }
0x2ba: {  	[tilespmem:v10+s26+$0x0] =	vst.idx.msk $0xffff, v0;
	v1 =	vadd.f32 v1, v29  }
0x2bb: {  	[tilespmem:v2+s26+$0x0] =	vst.idx.msk $0xffff, v4;
	v2 =	vadd.f32 v51, v27  }
0x2bc: {  	v7 =	vor.u32 v60, v40;
	[tilespmem:v6+s26+$0x0] =	vst.idx.msk $0xffff, v1  }
0x2bd: {  	v3 =	vld.idx.msk [tilespmem:v3+s23+$0x0], $0xffff;
	v0 =	vor.u32 v60, v39;
	[tilespmem:v8+s26+$0x0] =	vst.idx.msk $0xffff, v2  }
0x2be: {  	v9 =	vor.u32 v60, v36;
	v51 =	vld [tilespmem:$0x1FF10]  }
0x2bf: {  	v10 =	vor.u32 v63, v45  }
0x2c0: {  	v57 =	vor.u32 v60, v35  }
0x2c1: {  	v58 =	vld.idx.msk [tilespmem:v7+s23+$0x0], $0xffff  }
0x2c2: {  	v1 =	vadd.f32 v3, v49;
	v0 =	vld.idx.msk [tilespmem:v0+s23+$0x0], $0xffff  }
0x2c3: {  	v3 =	vld.idx.msk [tilespmem:v9+s23+$0x0], $0xffff;
	v2 =	vor.u32 v51, v42  }
0x2c4: {  	[tilespmem:v10+s26+$0x0] =	vst.idx.msk $0xffff, v1;
	v1 =	vor.u32 v51, v30  }
0x2c5: {  	v4 =	vld.idx.msk [tilespmem:v57+s23+$0x0], $0xffff;
	v6 =	vor.u32 v51, v31  }
0x2c6: {  	v50 =	vld [tilespmem:$0x1FF30];
	v5 =	vadd.f32 v58, v34  }
0x2c7: {  	v0 =	vadd.f32 v0, v29;
	v9 =	vor.u32 v51, v45  }
0x2c8: {  	v3 =	vadd.f32 v3, v27;
	[tilespmem:v2+s26+$0x0] =	vst.idx.msk $0xffff, v5  }
0x2c9: {  	[tilespmem:v1+s26+$0x0] =	vst.idx.msk $0xffff, v0  }
0x2ca: {  	[tilespmem:v6+s26+$0x0] =	vst.idx.msk $0xffff, v3;
	v1 =	vld.idx.msk [tilespmem:v56+s23+$0x0], $0xffff;
	v3 =	vadd.f32 v4, v49  }
0x2cb: {  	v7 =	vor.u32 v50, v39;
	v14 =	vld [tilespmem:$0x1FF70]  }
0x2cc: {  	v8 =	vor.u32 v50, v40;
	v56 =	vld [tilespmem:$0x1FF60];
	[tilespmem:v9+s26+$0x0] =	vst.idx.msk $0xffff, v3  }
0x2cd: {  	v57 =	vld [tilespmem:$0x1FF80]  }
0x2ce: {  	v0 =	vor.u32 v50, v35;
	_ =	sdelay $0x1  }
0x2cf: {  	v2 =	vor.u32 v50, v36;
	v7 =	vld.idx.msk [tilespmem:v7+s23+$0x0], $0xffff;
	v6 =	vor.u32 v14, v24  }
0x2d0: {  	v10 =	vadd.f32 v53, v20;
	v8 =	vld.idx.msk [tilespmem:v8+s23+$0x0], $0xffff;
	v4 =	vor.u32 v56, v23;
	v3 =	vor.u32 v14, v38  }
0x2d1: {  	v62 =	vmovc v11;
	v11 =	vadd.f32 v55, v17;
	v61 =	vor.u32 v56, v28;
	v12 =	vor.u32 v57, v30  }
0x2d2: {  	v9 =	vadd.f32 v54, v16;
	[tilespmem:v47+s26+$0x0] =	vst.idx.msk $0xffff, v10;
	v0 =	vld.idx.msk [tilespmem:v0+s23+$0x0], $0xffff;
	v10 =	vor.u32 v57, v42  }
0x2d3: {  	[tilespmem:v33+s26+$0x0] =	vst.idx.msk $0xffff, v11;
	v1 =	vadd.f32 v1, v19  }
0x2d4: {  	v2 =	vld.idx.msk [tilespmem:v2+s23+$0x0], $0xffff;
	v11 =	vor.u32 v56, v40;
	[tilespmem:v6+s26+$0x0] =	vst.idx.msk $0xffff, v9;
	v6 =	vadd.f32 v7, v29  }
0x2d5: {  	v4 =	vld.idx.msk [tilespmem:v4+s23+$0x0], $0xffff;
	[tilespmem:v3+s26+$0x0] =	vst.idx.msk $0xffff, v1;
	v1 =	vadd.f32 v8, v34;
	v3 =	vor.u32 v56, v35  }
0x2d6: {  	v13 =	vor.u32 v56, v39;
	v5 =	vld.idx.msk [tilespmem:v61+s23+$0x0], $0xffff;
	[tilespmem:v12+s26+$0x0] =	vst.idx.msk $0xffff, v6  }
0x2d7: {  	v0 =	vadd.f32 v0, v49;
	v8 =	vor.u32 v14, v37;
	v37 =	vld [tilespmem:$0x1FF50];
	[tilespmem:v10+s26+$0x0] =	vst.idx.msk $0xffff, v1  }
0x2d8: {  	v7 =	vor.u32 v56, v36;
	v47 =	vld [tilespmem:$0x1FF40]  }
0x2d9: {  	v2 =	vadd.f32 v2, v27;
	v10 =	vor.u32 v14, v21;
	v11 =	vld.idx.msk [tilespmem:v11+s23+$0x0], $0xffff;
	[tilespmem:v43+s26+$0x0] =	vst.idx.msk $0xffff, v0  }
0x2da: {  	v3 =	vld.idx.msk [tilespmem:v3+s23+$0x0], $0xffff  }
0x2db: {  	v42 =	vor.u32 v14, v42;
	v1 =	vld.idx.msk [tilespmem:v13+s23+$0x0], $0xffff;
	[tilespmem:v44+s26+$0x0] =	vst.idx.msk $0xffff, v2;
	v2 =	vadd.f32 v4, v20  }
0x2dc: {  	v21 =	vor.u32 v14, v45;
	v43 =	vld.idx.msk [tilespmem:v52+s23+$0x0], $0xffff;
	v0 =	vadd.f32 v5, v17  }
0x2dd: {  	v7 =	vld.idx.msk [tilespmem:v7+s23+$0x0], $0xffff;
	[tilespmem:v8+s26+$0x0] =	vst.idx.msk $0xffff, v2;
	v9 =	vor.u32 v47, v38;
	v38 =	vor.u32 v14, v30  }
0x2de: {  	[tilespmem:v10+s26+$0x0] =	vst.idx.msk $0xffff, v0;
	v10 =	vadd.f32 v11, v34  }
0x2df: {  	v8 =	vor.u32 v14, v31;
	v6 =	vor.u32 v37, v18;
	v3 =	vadd.f32 v3, v49  }
0x2e0: {  	v1 =	vadd.f32 v1, v29;
	[tilespmem:v42+s26+$0x0] =	vst.idx.msk $0xffff, v10  }
0x2e1: {  	v44 =	vadd.f32 v43, v19;
	[tilespmem:v21+s26+$0x0] =	vst.idx.msk $0xffff, v3  }
0x2e2: {  	v39 =	vor.u32 v37, v39;
	[tilespmem:v38+s26+$0x0] =	vst.idx.msk $0xffff, v1;
	v1 =	vadd.f32 v7, v27  }
0x2e3: {  	v23 =	vld.idx.msk [tilespmem:v41+s23+$0x0], $0xffff;
	[tilespmem:v9+s26+$0x0] =	vst.idx.msk $0xffff, v44  }
0x2e4: {  	v6 =	vld.idx.msk [tilespmem:v6+s23+$0x0], $0xffff;
	[tilespmem:v8+s26+$0x0] =	vst.idx.msk $0xffff, v1  }
0x2e5: {  	v5 =	vld [tilespmem:$0x1FEA0];
	_ =	sdelay $0x1  }
0x2e6: {  	v4 =	vld.idx.msk [tilespmem:v39+s23+$0x0], $0xffff  }
0x2e7: {  	v2 =	vor.u32 v37, v40;
	v11 =	vld.idx.msk [tilespmem:v46+s23+$0x0], $0xffff  }
0x2e8: {  	v0 =	vor.u32 v37, v35;
	v1 =	vadd.f32 v6, v16;
	v6 =	vor.u32 v47, v30  }
0x2e9: {  	v18 =	vor.u32 v37, v36;
	v3 =	vadd.f32 v23, v20;
	_ =	sdelay $0x1  }
0x2ea: {  	[tilespmem:v48+s26+$0x0] =	vst.idx.msk $0xffff, v3;
	v4 =	vadd.f32 v4, v29  }
0x2eb: {  	v2 =	vld.idx.msk [tilespmem:v2+s23+$0x0], $0xffff;
	[tilespmem:v5+s26+$0x0] =	vst.idx.msk $0xffff, v1;
	v1 =	vadd.f32 v11, v17  }
0x2ec: {  	v0 =	vld.idx.msk [tilespmem:v0+s23+$0x0], $0xffff;
	[tilespmem:v6+s26+$0x0] =	vst.idx.msk $0xffff, v4  }
0x2ed: {  	v7 =	vld.idx.msk [tilespmem:v18+s23+$0x0], $0xffff;
	[tilespmem:v32+s26+$0x0] =	vst.idx.msk $0xffff, v1  }
0x2ee: {  	v4 =	vld [tilespmem:$0x1FEB0]  }
0x2ef: {  	v3 =	vor.u32 v47, v45  }
0x2f0: {  	v46 =	vor.u32 v47, v31;
	_ =	sdelay $0x1  }
0x2f1: {  	v0 =	vadd.f32 v0, v49  }
0x2f2: {  	s18 =	sshll.u32 s18, $0x12;
	v1 =	vadd.f32 v2, v34;
	v2 =	vadd.f32 v7, v27  }
0x2f3: {  	s18 =	sor.u32 s7, s18;
	[tilespmem:v3+s26+$0x0] =	vst.idx.msk $0xffff, v0  }
0x2f4: {  	s18 =	sshrl.u32 s18, $0x3;
	[tilespmem:v46+s26+$0x0] =	vst.idx.msk $0xffff, v2  }
0x2f5: {  	s22 =	sadd.s32 s2, s18;
	[tilespmem:v4+s26+$0x0] =	vst.idx.msk $0xffff, v1  }
0x2f6: {  	[hbm4b:s22+s3] =	stream.linear.scatter [tilespmem:s26], [sflag:$0x5], $0x400, $0x38;
	[tilespmem:$0x15600] =	vst v63  }
0x2f7: {  	s24 =	simm.s32 $0xE800;
	s29 =	sadd.s32 s18, s8  }
0x2f8: {  	[hbm4b:s29+s3] =	stream.linear.scatter [tilespmem:s24], [sflag:$0x5], $0x400, $0x38;
	[tilespmem:$0x15600] =	vst v63  }
0x2f9: {  	s28 =	sadd.s32 s18, s9;
	s29 =	simm.s32 $0xEC00  }
0x2fa: {  	[hbm4b:s28+s3] =	stream.linear.scatter [tilespmem:s29], [sflag:$0x5], $0x400, $0x38;
	[tilespmem:$0x15600] =	vst v63  }
0x2fb: {  	s28 =	sadd.s32 s18, s10;
	s29 =	simm.s32 $0xF000  }
0x2fc: {  	[hbm4b:s28+s3] =	stream.linear.scatter [tilespmem:s29], [sflag:$0x5], $0x400, $0x38;
	[tilespmem:$0x15600] =	vst v63  }
0x2fd: {  	s28 =	sadd.s32 s18, s11;
	s29 =	simm.s32 $0xF400  }
0x2fe: {  	[hbm4b:s28+s3] =	stream.linear.scatter [tilespmem:s29], [sflag:$0x5], $0x400, $0x38;
	[tilespmem:$0x15600] =	vst v63  }
0x2ff: {  	s28 =	sadd.s32 s18, s12;
	s29 =	simm.s32 $0xF800  }
0x300: {  	[hbm4b:s28+s3] =	stream.linear.scatter [tilespmem:s29], [sflag:$0x5], $0x400, $0x38;
	[tilespmem:$0x15600] =	vst v63  }
0x301: {  	s24 =	sadd.s32 s18, s13;
	s28 =	simm.s32 $0xFC00  }
0x302: {  	[hbm4b:s24+s3] =	stream.linear.scatter [tilespmem:s28], [sflag:$0x5], $0x400, $0x38;
	[tilespmem:$0x15600] =	vst v63  }
0x303: {  	s18 =	sadd.s32 s18, s14;
	s29 =	simm.s32 $0x10000  }
0x304: {  	[hbm4b:s18+s3] =	stream.linear.scatter [tilespmem:s29], [sflag:$0x5], $0x400, $0x38;
	[tilespmem:$0x15600] =	vst v63  }
0x305: {  	_ =	swait.ge [sflag:s0], $0x2000  }
0x306: {  	s17 =	sadd.s32 @!p0 $0x300, s17;
	[sflag:s0] =	ssyncset.done $0x0  }
0x307: {  	s22 =	simm.s32 @!p0 $0xA400;
	s18 =	simm.s32 @!p0 $0x80;
	[sflag:s0] =	ssyncadd.s32 $0xFFFFE000  }
0x308: {  	[tilespmem:s22], [sflag:$0x3] =	stream.indirect.gather @!p0 [hbm4b:s4+s18], $0x40, s17, s18, $0xb8;
	[tilespmem:$0x15600] =	vst v63  }
0x309: {  	_ =	swait.ge [sflag:s19], $0x400  }
0x30a: {  	[sflag:s19] =	ssyncset.done $0x0  }
0x30b: {  	[sflag:s19] =	ssyncadd.s32 $0xFFFFFC00  }
0x30c: {  	_ =	swait.ge [sflag:s19], $0x400  }
0x30d: {  	[sflag:s19] =	ssyncset.done $0x0  }
0x30e: {  	[sflag:s19] =	ssyncadd.s32 $0xFFFFFC00  }
0x30f: {  	_ =	swait.ge [sflag:s19], $0x400  }
0x310: {  	[sflag:s19] =	ssyncset.done $0x0  }
0x311: {  	[sflag:s19] =	ssyncadd.s32 $0xFFFFFC00  }
0x312: {  	_ =	swait.ge [sflag:s19], $0x400  }
0x313: {  	[sflag:s19] =	ssyncset.done $0x0  }
0x314: {  	[sflag:s19] =	ssyncadd.s32 $0xFFFFFC00  }
0x315: {  	_ =	swait.ge [sflag:s19], $0x400  }
0x316: {  	[sflag:s19] =	ssyncset.done $0x0  }
0x317: {  	[sflag:s19] =	ssyncadd.s32 $0xFFFFFC00  }
0x318: {  	_ =	swait.ge [sflag:s19], $0x400  }
0x319: {  	[sflag:s19] =	ssyncset.done $0x0  }
0x31a: {  	[sflag:s19] =	ssyncadd.s32 $0xFFFFFC00  }
0x31b: {  	_ =	swait.ge [sflag:s19], $0x400  }
0x31c: {  	v15 =	vld [tilespmem:$0x1FF90];
	_ =	sdelay $0x1  }
0x31d: {  	v48 =	vlaneseq.u32;
	s24 =	sshll.u32 s15, $0x6;
	s22 =	simm.s32 $0x2  }
0x31e: {  	v43 =	vmov s24;
	v0 =	vadd.s32 s22, v48  }
0x31f: {  	s28 =	simm.s32 $0x1;
	v45 =	vand.u32 $0x3F, v0;
	v3 =	vor.u32 v43, v0;
	[sflag:s19] =	ssyncset.done $0x0  }
0x320: {  	v2 =	vadd.s32 s28, v48;
	[sflag:s19] =	ssyncadd.s32 $0xFFFFFC00;
	v1 =	vor.u32 v15, v45  }
0x321: {  	v20 =	vand.u32 $0x3F, v2;
	v6 =	vor.u32 v43, v2;
	_ =	swait.ge [sflag:s19], $0x400  }
0x322: {  	[sflag:s19] =	ssyncset.done $0x0;
	v49 =	vor.u32 v15, v20  }
0x323: {  	[sflag:s19] =	ssyncadd.s32 $0xFFFFFC00  }
0x324: {  	v16 =	vld.idx.msk [tilespmem:v3+s16+$0x0], $0xffff  }
0x325: {  	v0 =	vshll.u32 v0, $0x7;
	v1 =	vld.idx.msk [tilespmem:v1+s25+$0x0], $0xffff  }
0x326: {  	v22 =	vand.u32 $0x1F80, v0;
	v19 =	vld.idx.msk [tilespmem:v6+s16+$0x0], $0xffff  }
0x327: {  	s29 =	simm.s32 $0x3;
	v2 =	vshll.u32 v2, $0x7;
	v9 =	vor.u32 v48, v22;
	v4 =	vld.idx.msk [tilespmem:v49+s25+$0x0], $0xffff  }
0x328: {  	v52 =	vadd.s32 s29, v48;
	v46 =	vand.u32 $0x1F80, v2;
	v24 =	vld [tilespmem:$0x1FFA0]  }
0x329: {  	v10 =	vor.u32 v48, v46;
	v0 =	vor.u32 v43, v52  }
0x32a: {  	v25 =	vand.u32 $0x3F, v52;
	s18 =	simm.s32 $0x0;
	v1 =	vadd.f32 v1, v16  }
0x32b: {  	v7 =	vor.u32 v15, v25;
	v3 =	vadd.s32 s18, v48  }
0x32c: {  	v8 =	vor.u32 v43, v3;
	[tilespmem:v9+s5+$0x0] =	vst.idx.msk $0xffff, v1;
	v1 =	vadd.f32 v4, v19  }
0x32d: {  	v23 =	vand.u32 $0x3F, v3;
	v6 =	vor.u32 v24, v45  }
0x32e: {  	v18 =	vld.idx.msk [tilespmem:v0+s16+$0x0], $0xffff;
	v2 =	vor.u32 v15, v23;
	[tilespmem:v10+s5+$0x0] =	vst.idx.msk $0xffff, v1  }
0x32f: {  	v30 =	vld [tilespmem:$0x1FFB0]  }
0x330: {  	v5 =	vshll.u32 v52, $0x7;
	v11 =	vor.u32 v24, v20;
	v7 =	vld.idx.msk [tilespmem:v7+s25+$0x0], $0xffff  }
0x331: {  	v28 =	vand.u32 $0x1F80, v5;
	v17 =	vld.idx.msk [tilespmem:v8+s16+$0x0], $0xffff  }
0x332: {  	v0 =	vor.u32 v48, v28;
	v53 =	vld.idx.msk [tilespmem:v6+s25+$0x0], $0xffff  }
0x333: {  	v3 =	vshll.u32 v3, $0x7;
	v54 =	vor.u32 v24, v25;
	v2 =	vld.idx.msk [tilespmem:v2+s25+$0x0], $0xffff  }
0x334: {  	v21 =	vand.u32 $0x1F80, v3;
	v1 =	vor.u32 v30, v22  }
0x335: {  	v3 =	vor.u32 v48, v21;
	v8 =	vor.u32 v26, v45;
	v6 =	vadd.f32 v7, v18;
	v7 =	vld.idx.msk [tilespmem:v11+s25+$0x0], $0xffff  }
0x336: {  	v9 =	vor.u32 v24, v23  }
0x337: {  	[tilespmem:v0+s5+$0x0] =	vst.idx.msk $0xffff, v6;
	v4 =	vadd.f32 v53, v16;
	v0 =	vor.u32 v30, v46  }
0x338: {  	v2 =	vadd.f32 v2, v17;
	v6 =	vor.u32 v26, v20;
	v5 =	vld.idx.msk [tilespmem:v54+s25+$0x0], $0xffff  }
0x339: {  	[tilespmem:v1+s5+$0x0] =	vst.idx.msk $0xffff, v4  }
0x33a: {  	[tilespmem:v3+s5+$0x0] =	vst.idx.msk $0xffff, v2;
	v2 =	vadd.f32 v7, v19;
	v1 =	vor.u32 v30, v28;
	v3 =	vld.idx.msk [tilespmem:v8+s25+$0x0], $0xffff  }
0x33b: {  	v31 =	vor.u32 v14, v46;
	v55 =	vld.idx.msk [tilespmem:v9+s25+$0x0], $0xffff  }
0x33c: {  	v7 =	vor.u32 v26, v25;
	[tilespmem:v0+s5+$0x0] =	vst.idx.msk $0xffff, v2;
	v0 =	vor.u32 v62, v22  }
0x33d: {  	v5 =	vadd.f32 v5, v18;
	v2 =	vor.u32 v30, v21;
	v6 =	vld.idx.msk [tilespmem:v6+s25+$0x0], $0xffff;
	v8 =	vor.u32 v59, v45  }
0x33e: {  	v29 =	vor.u32 v63, v46;
	v12 =	vor.u32 v60, v25;
	v9 =	vor.u32 v26, v23  }
0x33f: {  	[tilespmem:v1+s5+$0x0] =	vst.idx.msk $0xffff, v5;
	v1 =	vor.u32 v62, v46;
	v3 =	vadd.f32 v3, v16  }
0x340: {  	s24 =	simm.s32 $0x6;
	v44 =	vor.u32 v63, v28;
	v61 =	vor.u32 v60, v45;
	v4 =	vadd.f32 v55, v17  }
0x341: {  	v27 =	vor.u32 v51, v22;
	v49 =	vadd.s32 s24, v48;
	v10 =	vmov v59;
	v5 =	vld.idx.msk [tilespmem:v7+s25+$0x0], $0xffff;
	[tilespmem:v0+s5+$0x0] =	vst.idx.msk $0xffff, v3  }
0x342: {  	[tilespmem:v2+s5+$0x0] =	vst.idx.msk $0xffff, v4;
	v7 =	vor.u32 v10, v20;
	v0 =	vadd.f32 v6, v19;
	v2 =	vld.idx.msk [tilespmem:v8+s25+$0x0], $0xffff  }
0x343: {  	v58 =	vmovc v10;
	v11 =	vor.u32 v63, v21;
	v54 =	vshll.u32 v49, $0x7;
	v6 =	vor.u32 v62, v28  }
0x344: {  	v3 =	vld.idx.msk [tilespmem:v9+s25+$0x0], $0xffff;
	v8 =	vor.u32 v10, v25;
	[tilespmem:v1+s5+$0x0] =	vst.idx.msk $0xffff, v0;
	v0 =	vor.u32 v63, v22  }
0x345: {  	v13 =	vor.u32 v58, v23;
	v39 =	vand.u32 $0x1F80, v54;
	v54 =	vor.u32 v50, v25  }
0x346: {  	v55 =	vor.u32 v43, v49;
	v10 =	vor.u32 v62, v21;
	v1 =	vadd.f32 v5, v18  }
0x347: {  	v59 =	vmovc v26;
	v26 =	vand.u32 $0x3F, v49;
	v49 =	vor.u32 v51, v46;
	v7 =	vld.idx.msk [tilespmem:v7+s25+$0x0], $0xffff;
	v2 =	vadd.f32 v2, v16  }
0x348: {  	s22 =	simm.s32 $0x5;
	v4 =	vor.u32 v50, v45;
	v9 =	vor.u32 v60, v23;
	[tilespmem:v6+s5+$0x0] =	vst.idx.msk $0xffff, v1  }
0x349: {  	v3 =	vadd.f32 v3, v17;
	v6 =	vadd.s32 s22, v48;
	v8 =	vld.idx.msk [tilespmem:v8+s25+$0x0], $0xffff;
	[tilespmem:v0+s5+$0x0] =	vst.idx.msk $0xffff, v2  }
0x34a: {  	s28 =	simm.s32 $0x4;
	v1 =	vor.u32 v60, v20;
	v40 =	vand.u32 $0x3F, v6;
	v53 =	vshll.u32 v6, $0x7;
	v0 =	vld.idx.msk [tilespmem:v61+s25+$0x0], $0xffff  }
0x34b: {  	[tilespmem:v10+s5+$0x0] =	vst.idx.msk $0xffff, v3;
	v3 =	vadd.s32 s28, v48;
	v32 =	vand.u32 $0x1F80, v53;
	v2 =	vor.u32 v15, v40  }
0x34c: {  	v52 =	vadd.f32 v7, v19;
	v7 =	vor.u32 v15, v26;
	v10 =	vld.idx.msk [tilespmem:v13+s25+$0x0], $0xffff;
	v13 =	vshll.u32 v3, $0x7  }
0x34d: {  	v58 =	vor.u32 v43, v3;
	v33 =	vand.u32 $0x3F, v3;
	v3 =	vor.u32 v43, v6  }
0x34e: {  	s29 =	simm.s32 $0x7;
	v36 =	vor.u32 v14, v32;
	[tilespmem:v29+s5+$0x0] =	vst.idx.msk $0xffff, v52;
	v6 =	vadd.f32 v8, v18  }
0x34f: {  	v42 =	vand.u32 $0x1F80, v13;
	v29 =	vadd.s32 s29, v48;
	v1 =	vld.idx.msk [tilespmem:v1+s25+$0x0], $0xffff;
	v0 =	vadd.f32 v0, v16  }
0x350: {  	v13 =	vor.u32 v48, v42;
	v35 =	vand.u32 $0x3F, v29;
	v2 =	vld.idx.msk [tilespmem:v2+s25+$0x0], $0xffff;
	[tilespmem:v44+s5+$0x0] =	vst.idx.msk $0xffff, v6  }
0x351: {  	v8 =	vor.u32 v15, v33;
	v10 =	vadd.f32 v10, v17;
	[tilespmem:v27+s5+$0x0] =	vst.idx.msk $0xffff, v0;
	v0 =	vld.idx.msk [tilespmem:v12+s25+$0x0], $0xffff  }
0x352: {  	v52 =	vor.u32 v43, v29;
	v61 =	vor.u32 v15, v35;
	v7 =	vld.idx.msk [tilespmem:v7+s25+$0x0], $0xffff;
	v6 =	vshll.u32 v29, $0x7;
	[tilespmem:$0x1FE80] =	vst v43  }
0x353: {  	v34 =	vand.u32 $0x1F80, v6;
	v6 =	vor.u32 v51, v28;
	v27 =	vld.idx.msk [tilespmem:v55+s16+$0x0], $0xffff;
	[tilespmem:v11+s5+$0x0] =	vst.idx.msk $0xffff, v10  }
0x354: {  	v29 =	vor.u32 v47, v21;
	v44 =	vor.u32 v37, v45;
	v10 =	vor.u32 v47, v22;
	v53 =	vld.idx.msk [tilespmem:v9+s25+$0x0], $0xffff  }
0x355: {  	v1 =	vadd.f32 v1, v19;
	v4 =	vld.idx.msk [tilespmem:v4+s25+$0x0], $0xffff;
	v9 =	vor.u32 v48, v39;
	[tilespmem:$0x1FE90] =	vst v10  }
0x356: {  	v12 =	vor.u32 v57, v46;
	v37 =	vld.idx.msk [tilespmem:v3+s16+$0x0], $0xffff;
	v3 =	vor.u32 v51, v21;
	v0 =	vadd.f32 v0, v18  }
0x357: {  	v43 =	vor.u32 v47, v46;
	v11 =	vor.u32 v50, v20;
	v10 =	vld.idx.msk [tilespmem:v61+s25+$0x0], $0xffff;
	[tilespmem:v49+s5+$0x0] =	vst.idx.msk $0xffff, v1  }
0x358: {  	v1 =	vor.u32 v48, v32;
	v41 =	vld.idx.msk [tilespmem:v52+s16+$0x0], $0xffff;
	v7 =	vadd.f32 v7, v27;
	[tilespmem:v6+s5+$0x0] =	vst.idx.msk $0xffff, v0  }
0x359: {  	v0 =	vor.u32 v24, v26;
	v6 =	vld.idx.msk [tilespmem:v8+s25+$0x0], $0xffff;
	v8 =	vor.u32 v50, v23;
	v5 =	vadd.f32 v53, v17  }
0x35a: {  	v38 =	vld.idx.msk [tilespmem:v58+s16+$0x0], $0xffff;
	[tilespmem:v9+s5+$0x0] =	vst.idx.msk $0xffff, v7;
	v7 =	vor.u32 v57, v22;
	v9 =	vor.u32 v48, v34  }
0x35b: {  	v2 =	vadd.f32 v2, v37;
	[tilespmem:v3+s5+$0x0] =	vst.idx.msk $0xffff, v5;
	v3 =	vor.u32 v24, v40  }
0x35c: {  	v55 =	vor.u32 v56, v45;
	v45 =	vor.u32 v47, v28;
	v47 =	vor.u32 v56, v23;
	v11 =	vld.idx.msk [tilespmem:v11+s25+$0x0], $0xffff  }
0x35d: {  	v58 =	vor.u32 v24, v33;
	v4 =	vadd.f32 v4, v16;
	[tilespmem:v1+s5+$0x0] =	vst.idx.msk $0xffff, v2;
	v2 =	vld.idx.msk [tilespmem:v54+s25+$0x0], $0xffff  }
0x35e: {  	v61 =	vor.u32 v57, v28;
	v10 =	vadd.f32 v10, v41;
	v1 =	vor.u32 v24, v35;
	v0 =	vld.idx.msk [tilespmem:v0+s25+$0x0], $0xffff  }
0x35f: {  	v6 =	vadd.f32 v6, v38;
	v8 =	vld.idx.msk [tilespmem:v8+s25+$0x0], $0xffff;
	[tilespmem:v7+s5+$0x0] =	vst.idx.msk $0xffff, v4;
	v7 =	vor.u32 v56, v20  }
0x360: {  	[tilespmem:v9+s5+$0x0] =	vst.idx.msk $0xffff, v10;
	v9 =	vor.u32 v30, v39;
	v10 =	vor.u32 v56, v25;
	v3 =	vld.idx.msk [tilespmem:v3+s25+$0x0], $0xffff  }
0x361: {  	v52 =	vor.u32 v59, v26;
	v11 =	vadd.f32 v11, v19;
	[tilespmem:v13+s5+$0x0] =	vst.idx.msk $0xffff, v6;
	v46 =	vld.idx.msk [tilespmem:v55+s25+$0x0], $0xffff  }
0x362: {  	v50 =	vor.u32 v57, v21;
	v57 =	vor.u32 v30, v34;
	v53 =	vld.idx.msk [tilespmem:v58+s25+$0x0], $0xffff;
	v2 =	vadd.f32 v2, v18  }
0x363: {  	v24 =	vmov v60;
	[tilespmem:v12+s5+$0x0] =	vst.idx.msk $0xffff, v11;
	v54 =	vld.idx.msk [tilespmem:v1+s25+$0x0], $0xffff;
	v0 =	vadd.f32 v0, v27  }
0x364: {  	v56 =	vor.u32 v30, v32;
	v55 =	vor.u32 v59, v40;
	[tilespmem:v61+s5+$0x0] =	vst.idx.msk $0xffff, v2;
	v49 =	vld.idx.msk [tilespmem:v7+s25+$0x0], $0xffff  }
0x365: {  	v58 =	vor.u32 v59, v35;
	v51 =	vadd.f32 v8, v17;
	[tilespmem:v9+s5+$0x0] =	vst.idx.msk $0xffff, v0;
	v48 =	vld.idx.msk [tilespmem:v10+s25+$0x0], $0xffff  }
0x366: {  	s17 =	simm.s32 $0x8;
	v8 =	vmovc v30;
	v30 =	vmovc v62;
	v61 =	vlaneseq.u32;
	v9 =	vmov v59;
	v0 =	vadd.f32 v3, v37;
	v62 =	vld [tilespmem:$0x1FFD0]  }
.LBB2_9:
0x367: {  	v14 =	vld [tilespmem:$0x1FF50]  }
0x368: {  	v15 =	vld [tilespmem:$0x1FF70]  }
0x369: {  	v1 =	vld.idx.msk [tilespmem:v52+s25+$0x0], $0xffff  }
0x36a: {  	v5 =	vor.u32 v8, v42;
	v6 =	vor.u32 v9, v33;
	v59 =	vmovc v8;
	v11 =	vor.u32 v30, v39  }
0x36b: {  	v60 =	vmov v9;
	v12 =	vor.u32 v62, v26;
	[tilespmem:v56+s5+$0x0] =	vst.idx.msk $0xffff, v0;
	v0 =	vadd.f32 v54, v41  }
0x36c: {  	[tilespmem:v50+s5+$0x0] =	vst.idx.msk $0xffff, v51;
	v7 =	vld.idx.msk [tilespmem:v55+s25+$0x0], $0xffff;
	v9 =	vadd.f32 v53, v38;
	v10 =	vadd.f32 v49, v19  }
0x36d: {  	v2 =	vor.u32 v14, v20;
	v8 =	vor.u32 v15, v28;
	[tilespmem:v57+s5+$0x0] =	vst.idx.msk $0xffff, v0;
	v0 =	vld.idx.msk [tilespmem:v47+s25+$0x0], $0xffff  }
0x36e: {  	v3 =	vor.u32 v15, v22;
	v4 =	vor.u32 v14, v25;
	v25 =	vor.u32 v30, v32  }
0x36f: {  	v1 =	vadd.f32 v1, v27;
	[tilespmem:v5+s5+$0x0] =	vst.idx.msk $0xffff, v9;
	v9 =	vor.u32 v15, v21  }
0x370: {  	v23 =	vor.u32 v14, v23;
	v13 =	vld.idx.msk [tilespmem:v58+s25+$0x0], $0xffff;
	[tilespmem:v31+s5+$0x0] =	vst.idx.msk $0xffff, v10;
	v10 =	vadd.f32 v48, v18  }
0x371: {  	v28 =	vadd.f32 v46, v16;
	v6 =	vld.idx.msk [tilespmem:v6+s25+$0x0], $0xffff;
	v7 =	vadd.f32 v7, v37;
	[tilespmem:v11+s5+$0x0] =	vst.idx.msk $0xffff, v1  }
0x372: {  	v20 =	vmov v40;
	v21 =	vmov v42;
	v2 =	vld.idx.msk [tilespmem:v2+s25+$0x0], $0xffff;
	[tilespmem:v8+s5+$0x0] =	vst.idx.msk $0xffff, v10;
	v0 =	vadd.f32 v0, v17  }
0x373: {  	v56 =	vor.u32 v62, v20;
	v49 =	vor.u32 v30, v21;
	[tilespmem:v25+s5+$0x0] =	vst.idx.msk $0xffff, v7;
	v7 =	vld.idx.msk [tilespmem:v12+s25+$0x0], $0xffff  }
0x374: {  	v22 =	vmov v39;
	v10 =	vor.u32 v30, v34;
	[tilespmem:v9+s5+$0x0] =	vst.idx.msk $0xffff, v0  }
0x375: {  	[tilespmem:v3+s5+$0x0] =	vst.idx.msk $0xffff, v28;
	v3 =	vor.u32 v63, v22;
	v9 =	vld.idx.msk [tilespmem:v23+s25+$0x0], $0xffff  }
0x376: {  	v6 =	vadd.f32 v6, v38  }
0x377: {  	v50 =	vor.u32 v63, v32;
	v53 =	vor.u32 v63, v34;
	v4 =	vld.idx.msk [tilespmem:v4+s25+$0x0], $0xffff;
	v57 =	vadd.f32 v13, v41  }
0x378: {  	s18 =	smov.u32 s17;
	v1 =	vor.u32 v62, v35;
	v5 =	vld.idx.msk [tilespmem:v56+s25+$0x0], $0xffff;
	[tilespmem:v49+s5+$0x0] =	vst.idx.msk $0xffff, v6;
	v7 =	vadd.f32 v7, v27  }
0x379: {  	s22 =	sadd.s32 $0x1, s18;
	v46 =	vor.u32 v24, v35;
	v2 =	vadd.f32 v2, v19;
	[tilespmem:v10+s5+$0x0] =	vst.idx.msk $0xffff, v57;
	v10 =	vld.idx.msk [tilespmem:v44+s25+$0x0], $0xffff  }
0x37a: {  	s24 =	sadd.s32 $0x2, s18;
	v55 =	vadd.s32 s22, v61;
	v58 =	vor.u32 v24, v26;
	v57 =	vld [tilespmem:$0x1FF90];
	[tilespmem:v3+s5+$0x0] =	vst.idx.msk $0xffff, v7;
	v7 =	vadd.f32 v9, v17  }
0x37b: {  	v51 =	vld [tilespmem:$0x1FF30];
	v52 =	vor.u32 v24, v20;
	v11 =	vor.u32 v24, v33;
	v56 =	vadd.s32 s24, v61;
	[tilespmem:v43+s5+$0x0] =	vst.idx.msk $0xffff, v2  }
0x37c: {  	v40 =	vand.u32 $0x3F, v55;
	v47 =	vshll.u32 v56, $0x7;
	v23 =	vmovc v33;
	v2 =	vadd.f32 v4, v18;
	[tilespmem:v29+s5+$0x0] =	vst.idx.msk $0xffff, v7;
	v29 =	vld [tilespmem:$0x1FE80]  }
0x37d: {  	v39 =	vand.u32 $0x1F80, v47;
	v33 =	vor.u32 v62, v23;
	v44 =	vor.u32 v14, v26;
	v1 =	vld.idx.msk [tilespmem:v1+s25+$0x0], $0xffff  }
0x37e: {  	v48 =	vld [tilespmem:$0x1FF10];
	v5 =	vadd.f32 v5, v37;
	v3 =	vand.u32 $0x3F, v56;
	[tilespmem:v45+s5+$0x0] =	vst.idx.msk $0xffff, v2;
	v45 =	vshll.u32 v55, $0x7  }
0x37f: {  	v6 =	vld.idx.msk [tilespmem:v58+s25+$0x0], $0xffff;
	v2 =	vadd.s32 s18, v61;
	v9 =	vor.u32 v57, v40;
	v4 =	vand.u32 $0x1F80, v45  }
0x380: {  	v31 =	vmovc v36;
	v25 =	vmovc v35;
	s18 =	sadd.s32 $0x3, s18;
	v54 =	vshll.u32 v2, $0x7;
	v58 =	vor.u32 v57, v3;
	v36 =	vor.u32 v15, v4;
	v15 =	vld [tilespmem:$0x1FF40]  }
0x381: {  	v18 =	vmovc v41;
	v7 =	vadd.f32 v10, v16;
	v16 =	vmovc v27;
	v27 =	vadd.s32 s18, v61;
	v10 =	vor.u32 v29, v56;
	v56 =	vld [tilespmem:$0x1FE90]  }
0x382: {  	[tilespmem:v50+s5+$0x0] =	vst.idx.msk $0xffff, v5;
	v49 =	vld.idx.msk [tilespmem:v33+s25+$0x0], $0xffff;
	v33 =	vand.u32 $0x3F, v2;
	v35 =	vand.u32 $0x3F, v27;
	v1 =	vadd.f32 v1, v18  }
0x383: {  	v19 =	vmovc v37;
	v14 =	vld [tilespmem:$0x1FF60];
	v47 =	vor.u32 v57, v33;
	v37 =	vor.u32 v57, v35;
	v57 =	vor.u32 v29, v27  }
0x384: {  	v50 =	vor.u32 v29, v2;
	v2 =	vor.u32 v29, v55;
	v9 =	vld.idx.msk [tilespmem:v9+s25+$0x0], $0xffff;
	v29 =	vshll.u32 v27, $0x7  }
0x385: {  	v28 =	vmov v34;
	[tilespmem:v53+s5+$0x0] =	vst.idx.msk $0xffff, v1;
	v55 =	vld [tilespmem:$0x1FFA0];
	v34 =	vand.u32 $0x1F80, v29;
	v29 =	vor.u32 v15, v21  }
0x386: {  	v1 =	vor.u32 v15, v22;
	v43 =	vor.u32 v15, v32;
	v45 =	vor.u32 v15, v28;
	v15 =	vld [tilespmem:$0x1FF80]  }
0x387: {  	v0 =	vor.u32 v48, v22;
	[tilespmem:$0x1FE90] =	vst v1;
	v1 =	vld.idx.msk [tilespmem:v46+s25+$0x0], $0xffff  }
0x388: {  	v41 =	vld.idx.msk [tilespmem:v57+s16+$0x0], $0xffff  }
0x389: {  	v8 =	vor.u32 v51, v26;
	v13 =	vor.u32 v63, v21;
	[tilespmem:v56+s5+$0x0] =	vst.idx.msk $0xffff, v7;
	v7 =	vld.idx.msk [tilespmem:v52+s25+$0x0], $0xffff  }
0x38a: {  	v6 =	vadd.f32 v6, v16;
	v12 =	vld.idx.msk [tilespmem:v58+s25+$0x0], $0xffff  }
0x38b: {  	v17 =	vmov v38;
	v42 =	vand.u32 $0x1F80, v54;
	v27 =	vld.idx.msk [tilespmem:v10+s16+$0x0], $0xffff  }
0x38c: {  	v10 =	vor.u32 v48, v32;
	[tilespmem:v0+s5+$0x0] =	vst.idx.msk $0xffff, v6;
	v0 =	vadd.f32 v49, v17;
	v6 =	vld.idx.msk [tilespmem:v37+s25+$0x0], $0xffff  }
0x38d: {  	v53 =	vor.u32 v55, v35;
	v57 =	vor.u32 v61, v34;
	v1 =	vadd.f32 v1, v18;
	v37 =	vld.idx.msk [tilespmem:v2+s16+$0x0], $0xffff  }
0x38e: {  	v52 =	vor.u32 v15, v22;
	v56 =	vor.u32 v59, v4;
	v5 =	vld.idx.msk [tilespmem:v8+s25+$0x0], $0xffff;
	[tilespmem:v13+s5+$0x0] =	vst.idx.msk $0xffff, v0  }
0x38f: {  	v2 =	vor.u32 v55, v40;
	v13 =	vor.u32 v48, v28;
	v8 =	vld.idx.msk [tilespmem:v11+s25+$0x0], $0xffff;
	v0 =	vadd.f32 v7, v19  }
0x390: {  	v58 =	vor.u32 v61, v39;
	v49 =	vor.u32 v14, v20;
	v11 =	vor.u32 v51, v20;
	v38 =	vld.idx.msk [tilespmem:v50+s16+$0x0], $0xffff  }
0x391: {  	v47 =	vld.idx.msk [tilespmem:v47+s25+$0x0], $0xffff;
	v7 =	vor.u32 v61, v4;
	[tilespmem:v10+s5+$0x0] =	vst.idx.msk $0xffff, v0;
	v10 =	vor.u32 v51, v25  }
0x392: {  	v32 =	vor.u32 v15, v32;
	v48 =	vor.u32 v48, v21;
	v0 =	vor.u32 v55, v3  }
0x393: {  	v50 =	vor.u32 v14, v26;
	v12 =	vadd.f32 v12, v27;
	v51 =	vor.u32 v51, v23  }
0x394: {  	v26 =	vmov v3;
	v3 =	vadd.f32 v9, v37;
	v5 =	vadd.f32 v5, v16;
	[tilespmem:v13+s5+$0x0] =	vst.idx.msk $0xffff, v1  }
0x395: {  	v1 =	vor.u32 v61, v42;
	[tilespmem:v58+s5+$0x0] =	vst.idx.msk $0xffff, v12;
	v11 =	vld.idx.msk [tilespmem:v11+s25+$0x0], $0xffff;
	v8 =	vadd.f32 v8, v17  }
0x396: {  	v12 =	vor.u32 v59, v39;
	v58 =	vadd.f32 v47, v38;
	[tilespmem:v7+s5+$0x0] =	vst.idx.msk $0xffff, v3;
	v9 =	vld.idx.msk [tilespmem:v10+s25+$0x0], $0xffff  }
0x397: {  	v3 =	vadd.f32 v6, v41;
	[tilespmem:v48+s5+$0x0] =	vst.idx.msk $0xffff, v8;
	v10 =	vor.u32 v55, v33;
	v0 =	vld.idx.msk [tilespmem:v0+s25+$0x0], $0xffff  }
0x398: {  	v47 =	vor.u32 v14, v23;
	v2 =	vld.idx.msk [tilespmem:v2+s25+$0x0], $0xffff;
	[tilespmem:v52+s5+$0x0] =	vst.idx.msk $0xffff, v5;
	v5 =	vor.u32 v15, v28  }
0x399: {  	p0 =	slt.u32 s17, $0x3C;
	v7 =	vor.u32 v14, v25;
	v6 =	vld.idx.msk [tilespmem:v51+s25+$0x0], $0xffff;
	[tilespmem:v57+s5+$0x0] =	vst.idx.msk $0xffff, v3;
	v52 =	vor.u32 v60, v26  }
.Ltmp3:
0x39a: {  	v55 =	vor.u32 v60, v40;
	v57 =	vor.u32 v59, v34;
	v46 =	vld.idx.msk [tilespmem:v50+s25+$0x0], $0xffff;
	v3 =	vadd.f32 v11, v19;
	(pc) =	sbr.rel @p0 .LBB2_9-.Ltmp3, $4  }
0x39b: {  	[tilespmem:v1+s5+$0x0] =	vst.idx.msk $0xffff, v58;
	v8 =	vmov v59;
	v54 =	vld.idx.msk [tilespmem:v53+s25+$0x0], $0xffff;
	v1 =	vadd.f32 v9, v18  }
0x39c: {  	v50 =	vor.u32 v15, v21;
	[tilespmem:v32+s5+$0x0] =	vst.idx.msk $0xffff, v3;
	v53 =	vld.idx.msk [tilespmem:v10+s25+$0x0], $0xffff;
	v3 =	vadd.f32 v0, v27  }
0x39d: {  	v58 =	vor.u32 v60, v35;
	v32 =	vmov v4;
	v9 =	vmov v60;
	v49 =	vld.idx.msk [tilespmem:v49+s25+$0x0], $0xffff;
	[tilespmem:v5+s5+$0x0] =	vst.idx.msk $0xffff, v1  }
0x39e: {  	s17 =	sadd.s32 $0x4, s17;
	v51 =	vadd.f32 v6, v17;
	v0 =	vadd.f32 v2, v37;
	[tilespmem:v12+s5+$0x0] =	vst.idx.msk $0xffff, v3;
	v48 =	vld.idx.msk [tilespmem:v7+s25+$0x0], $0xffff  }
0x39f: {  	_ = 	snop  }
0x3a0: {  	v1 =	vor.u32 v8, v42  }
0x3a1: {  	v2 =	vor.u32 v9, v33  }
0x3a2: {  	v3 =	vadd.f32 v54, v41  }
0x3a3: {  	[tilespmem:v56+s5+$0x0] =	vst.idx.msk $0xffff, v0;
	v0 =	vadd.f32 v53, v38  }
0x3a4: {  	v4 =	vld.idx.msk [tilespmem:v55+s25+$0x0], $0xffff;
	[tilespmem:v57+s5+$0x0] =	vst.idx.msk $0xffff, v3  }
0x3a5: {  	v3 =	vld.idx.msk [tilespmem:v58+s25+$0x0], $0xffff;
	[tilespmem:v1+s5+$0x0] =	vst.idx.msk $0xffff, v0  }
0x3a6: {  	v0 =	vor.u32 v30, v32;
	v1 =	vld.idx.msk [tilespmem:v2+s25+$0x0], $0xffff  }
0x3a7: {  	v5 =	vor.u32 v62, v40;
	v6 =	vor.u32 v30, v34;
	v2 =	vld.idx.msk [tilespmem:v52+s25+$0x0], $0xffff  }
0x3a8: {  	v7 =	vor.u32 v62, v35;
	v8 =	vor.u32 v30, v42  }
0x3a9: {  	v9 =	vor.u32 v30, v39;
	v10 =	vor.u32 v62, v33;
	v4 =	vadd.f32 v4, v37  }
0x3aa: {  	v11 =	vor.u32 v62, v26;
	v3 =	vadd.f32 v3, v41  }
0x3ab: {  	[tilespmem:v0+s5+$0x0] =	vst.idx.msk $0xffff, v4;
	v0 =	vadd.f32 v1, v38  }
0x3ac: {  	v1 =	vadd.f32 v2, v27;
	v2 =	vld.idx.msk [tilespmem:v5+s25+$0x0], $0xffff;
	[tilespmem:v6+s5+$0x0] =	vst.idx.msk $0xffff, v3  }
0x3ad: {  	v3 =	vld.idx.msk [tilespmem:v7+s25+$0x0], $0xffff;
	[tilespmem:v8+s5+$0x0] =	vst.idx.msk $0xffff, v0  }
0x3ae: {  	[tilespmem:v9+s5+$0x0] =	vst.idx.msk $0xffff, v1;
	v0 =	vor.u32 v63, v32;
	v1 =	vld.idx.msk [tilespmem:v10+s25+$0x0], $0xffff  }
0x3af: {  	v6 =	vor.u32 v63, v34;
	v4 =	vld.idx.msk [tilespmem:v11+s25+$0x0], $0xffff  }
0x3b0: {  	v7 =	vor.u32 v63, v42  }
0x3b1: {  	v10 =	vor.u32 v63, v39;
	v2 =	vadd.f32 v2, v37  }
0x3b2: {  	v3 =	vadd.f32 v3, v41  }
0x3b3: {  	[tilespmem:v0+s5+$0x0] =	vst.idx.msk $0xffff, v2;
	v0 =	vadd.f32 v1, v38  }
0x3b4: {  	v1 =	vadd.f32 v4, v27;
	[tilespmem:v6+s5+$0x0] =	vst.idx.msk $0xffff, v3  }
0x3b5: {  	v5 =	vor.u32 v24, v40;
	[tilespmem:v7+s5+$0x0] =	vst.idx.msk $0xffff, v0  }
0x3b6: {  	v8 =	vor.u32 v24, v35;
	[tilespmem:v10+s5+$0x0] =	vst.idx.msk $0xffff, v1  }
0x3b7: {  	v9 =	vor.u32 v24, v33;
	v10 =	vld [tilespmem:$0x1FF10]  }
0x3b8: {  	v11 =	vor.u32 v24, v26;
	v52 =	vld [tilespmem:$0x1FF30];
	_ =	sdelay $0x1  }
0x3b9: {  	v2 =	vld.idx.msk [tilespmem:v5+s25+$0x0], $0xffff  }
0x3ba: {  	v3 =	vld.idx.msk [tilespmem:v8+s25+$0x0], $0xffff  }
0x3bb: {  	v1 =	vld.idx.msk [tilespmem:v9+s25+$0x0], $0xffff;
	v0 =	vor.u32 v10, v32  }
0x3bc: {  	v4 =	vld.idx.msk [tilespmem:v11+s25+$0x0], $0xffff;
	v5 =	vor.u32 v52, v40;
	v6 =	vor.u32 v10, v34  }
0x3bd: {  	v8 =	vor.u32 v10, v42  }
0x3be: {  	v2 =	vadd.f32 v2, v37;
	v9 =	vor.u32 v10, v39  }
0x3bf: {  	[tilespmem:v50+s5+$0x0] =	vst.idx.msk $0xffff, v51;
	v3 =	vadd.f32 v3, v41  }
0x3c0: {  	[tilespmem:v0+s5+$0x0] =	vst.idx.msk $0xffff, v2;
	v0 =	vadd.f32 v1, v38  }
0x3c1: {  	v7 =	vor.u32 v52, v35;
	v1 =	vadd.f32 v4, v27;
	[tilespmem:v6+s5+$0x0] =	vst.idx.msk $0xffff, v3;
	v2 =	vld.idx.msk [tilespmem:v5+s25+$0x0], $0xffff  }
0x3c2: {  	v10 =	vor.u32 v52, v33;
	v50 =	vld [tilespmem:$0x1FF50];
	[tilespmem:v8+s5+$0x0] =	vst.idx.msk $0xffff, v0  }
0x3c3: {  	v51 =	vld [tilespmem:$0x1FF70];
	[tilespmem:v9+s5+$0x0] =	vst.idx.msk $0xffff, v1  }
0x3c4: {  	v14 =	vld [tilespmem:$0x1FF80]  }
0x3c5: {  	v11 =	vor.u32 v52, v26;
	v15 =	vld [tilespmem:$0x1FF60]  }
0x3c6: {  	v4 =	vld.idx.msk [tilespmem:v7+s25+$0x0], $0xffff  }
0x3c7: {  	v5 =	vld.idx.msk [tilespmem:v10+s25+$0x0], $0xffff;
	v10 =	vadd.f32 v49, v19;
	_ =	sdelay $0x1  }
0x3c8: {  	[tilespmem:v31+s5+$0x0] =	vst.idx.msk $0xffff, v10;
	v1 =	vor.u32 v14, v32  }
0x3c9: {  	v7 =	vld.idx.msk [tilespmem:v11+s25+$0x0], $0xffff;
	v3 =	vor.u32 v50, v20;
	v8 =	vor.u32 v15, v40;
	v9 =	vor.u32 v14, v34  }
0x3ca: {  	v2 =	vadd.f32 v2, v37;
	v11 =	vor.u32 v15, v35;
	v12 =	vor.u32 v14, v42  }
0x3cb: {  	v13 =	vld.idx.msk [tilespmem:v47+s25+$0x0], $0xffff;
	v4 =	vadd.f32 v4, v41;
	v56 =	vor.u32 v14, v39;
	v57 =	vor.u32 v15, v33  }
0x3cc: {  	v0 =	vor.u32 v51, v22;
	v6 =	vor.u32 v51, v28;
	v10 =	vor.u32 v15, v26  }
0x3cd: {  	v21 =	vor.u32 v51, v21;
	[tilespmem:v1+s5+$0x0] =	vst.idx.msk $0xffff, v2;
	v1 =	vadd.f32 v5, v38  }
0x3ce: {  	v2 =	vor.u32 v50, v25;
	v5 =	vadd.f32 v7, v27;
	[tilespmem:v9+s5+$0x0] =	vst.idx.msk $0xffff, v4;
	v7 =	vld.idx.msk [tilespmem:v8+s25+$0x0], $0xffff  }
0x3cf: {  	v4 =	vor.u32 v50, v23;
	v8 =	vadd.f32 v48, v18;
	v9 =	vld.idx.msk [tilespmem:v11+s25+$0x0], $0xffff;
	[tilespmem:v12+s5+$0x0] =	vst.idx.msk $0xffff, v1  }
0x3d0: {  	v11 =	vadd.f32 v13, v17;
	[tilespmem:v56+s5+$0x0] =	vst.idx.msk $0xffff, v5;
	v5 =	vld.idx.msk [tilespmem:v57+s25+$0x0], $0xffff  }
0x3d1: {  	v1 =	vadd.f32 v46, v16;
	[tilespmem:v6+s5+$0x0] =	vst.idx.msk $0xffff, v8;
	v6 =	vld.idx.msk [tilespmem:v10+s25+$0x0], $0xffff;
	v10 =	vor.u32 v51, v34  }
0x3d2: {  	v3 =	vld.idx.msk [tilespmem:v3+s25+$0x0], $0xffff;
	v12 =	vor.u32 v51, v42;
	[tilespmem:v21+s5+$0x0] =	vst.idx.msk $0xffff, v11;
	v11 =	vor.u32 v50, v35  }
0x3d3: {  	v13 =	vor.u32 v51, v39;
	v2 =	vld.idx.msk [tilespmem:v2+s25+$0x0], $0xffff;
	v7 =	vadd.f32 v7, v37  }
0x3d4: {  	[tilespmem:v0+s5+$0x0] =	vst.idx.msk $0xffff, v1;
	v4 =	vld.idx.msk [tilespmem:v4+s25+$0x0], $0xffff;
	v1 =	vadd.f32 v9, v41  }
0x3d5: {  	[tilespmem:v36+s5+$0x0] =	vst.idx.msk $0xffff, v7;
	v5 =	vadd.f32 v5, v38  }
0x3d6: {  	v8 =	vor.u32 v50, v40;
	v6 =	vadd.f32 v6, v27;
	[tilespmem:v10+s5+$0x0] =	vst.idx.msk $0xffff, v1  }
0x3d7: {  	v1 =	vadd.f32 v3, v19;
	v3 =	vld.idx.msk [tilespmem:v11+s25+$0x0], $0xffff;
	[tilespmem:v12+s5+$0x0] =	vst.idx.msk $0xffff, v5  }
0x3d8: {  	v2 =	vadd.f32 v2, v18;
	v11 =	vld [tilespmem:$0x1FF40];
	[tilespmem:v13+s5+$0x0] =	vst.idx.msk $0xffff, v6  }
0x3d9: {  	v0 =	vor.u32 v50, v26;
	[tilespmem:v43+s5+$0x0] =	vst.idx.msk $0xffff, v1;
	v1 =	vadd.f32 v4, v17  }
0x3da: {  	[tilespmem:v45+s5+$0x0] =	vst.idx.msk $0xffff, v2  }
0x3db: {  	v58 =	vor.u32 v50, v33;
	v7 =	vld.idx.msk [tilespmem:v8+s25+$0x0], $0xffff;
	[tilespmem:v29+s5+$0x0] =	vst.idx.msk $0xffff, v1  }
0x3dc: {  	v10 =	vld [tilespmem:$0x1FE90]  }
0x3dd: {  	v9 =	vld.idx.msk [tilespmem:v44+s25+$0x0], $0xffff  }
0x3de: {  	v0 =	vld.idx.msk [tilespmem:v0+s25+$0x0], $0xffff;
	v5 =	vor.u32 v11, v32;
	_ =	sdelay $0x1  }
0x3df: {  	v8 =	vld.idx.msk [tilespmem:v58+s25+$0x0], $0xffff;
	v1 =	vor.u32 v11, v39  }
0x3e0: {  	v7 =	vadd.f32 v7, v37;
	v4 =	vor.u32 v11, v34  }
0x3e1: {  	v2 =	vadd.f32 v9, v16;
	v6 =	vor.u32 v11, v42  }
0x3e2: {  	v0 =	vadd.f32 v0, v27;
	[tilespmem:v5+s5+$0x0] =	vst.idx.msk $0xffff, v7  }
0x3e3: {  	s15 =	sshll.u32 s15, $0x12;
	[tilespmem:v10+s5+$0x0] =	vst.idx.msk $0xffff, v2;
	v2 =	vadd.f32 v3, v41  }
0x3e4: {  	s15 =	sor.u32 s7, s15;
	[tilespmem:v1+s5+$0x0] =	vst.idx.msk $0xffff, v0;
	v3 =	vadd.f32 v8, v38  }
0x3e5: {  	s15 =	sshrl.u32 s15, $0x3;
	[tilespmem:v4+s5+$0x0] =	vst.idx.msk $0xffff, v2  }
0x3e6: {  	s17 =	sadd.s32 s2, s15;
	[tilespmem:v6+s5+$0x0] =	vst.idx.msk $0xffff, v3  }
0x3e7: {  	[hbm4b:s17+s3] =	stream.linear.scatter [tilespmem:s5], [sflag:$0x6], $0x400, $0x38;
	[tilespmem:$0x15600] =	vst v63  }
0x3e8: {  	s18 =	sadd.s32 s15, s8  }
0x3e9: {  	[hbm4b:s18+s3] =	stream.linear.scatter [tilespmem:s30], [sflag:$0x6], $0x400, $0x38;
	[tilespmem:$0x15600] =	vst v63  }
0x3ea: {  	s22 =	sadd.s32 s15, s9;
	s18 =	simm.s32 $0x10C00  }
0x3eb: {  	[hbm4b:s22+s3] =	stream.linear.scatter [tilespmem:s18], [sflag:$0x6], $0x400, $0x38;
	[tilespmem:$0x15600] =	vst v63  }
0x3ec: {  	s28 =	simm.s32 $0x11000;
	s24 =	sadd.s32 s15, s10  }
0x3ed: {  	[hbm4b:s24+s3] =	stream.linear.scatter [tilespmem:s28], [sflag:$0x6], $0x400, $0x38;
	[tilespmem:$0x15600] =	vst v63  }
0x3ee: {  	s6 =	sadd.s32 $0x1, s6;
	s29 =	sadd.s32 s15, s11;
	s30 =	simm.s32 $0x11400  }
0x3ef: {  	[hbm4b:s29+s3] =	stream.linear.scatter [tilespmem:s30], [sflag:$0x6], $0x400, $0x38;
	[tilespmem:$0x15600] =	vst v63  }
0x3f0: {  	p0 =	sne.s32 s6, $0x32;
	s22 =	sadd.s32 s15, s12;
	s24 =	simm.s32 $0x11800  }
0x3f1: {  	[hbm4b:s22+s3] =	stream.linear.scatter [tilespmem:s24], [sflag:$0x6], $0x400, $0x38;
	[tilespmem:$0x15600] =	vst v63  }
.Ltmp4:
0x3f2: {  	_ = 	snop;
	(pc) =	sbr.rel @p0 .LBB2_2-.Ltmp4, $4  }
0x3f3: {  	s28 =	sadd.s32 s15, s13;
	s29 =	simm.s32 $0x11C00  }
0x3f4: {  	[hbm4b:s28+s3] =	stream.linear.scatter [tilespmem:s29], [sflag:$0x6], $0x400, $0x38;
	[tilespmem:$0x15600] =	vst v63  }
0x3f5: {  	v9 =	vmov v60;
	v7 =	vmov v59;
	v10 =	vmov v52;
	v5 =	vld [tilespmem:$0x1FF90];
	s15 =	sadd.s32 s15, s14;
	s30 =	simm.s32 $0x12000  }
0x3f6: {  	v8 =	vmovc v24;
	v4 =	vmovc v11;
	v11 =	vmov v30;
	v6 =	vld [tilespmem:$0x1FFA0];
	v2 =	vmov v15;
	v3 =	vmov v50;
	[hbm4b:s15+s3] =	stream.linear.scatter [tilespmem:s30], [sflag:$0x6], $0x400, $0x38  }
0x3f7: {  	_ =	swait.ge [sflag:s1], $0x400  }
0x3f8: {  	[sflag:s1] =	ssyncset.done $0x0  }
0x3f9: {  	[sflag:s1] =	ssyncadd.s32 $0xFFFFFC00  }
0x3fa: {  	_ =	swait.ge [sflag:s1], $0x400  }
0x3fb: {  	[sflag:s1] =	ssyncset.done $0x0  }
0x3fc: {  	[sflag:s1] =	ssyncadd.s32 $0xFFFFFC00  }
0x3fd: {  	_ =	swait.ge [sflag:s1], $0x400  }
0x3fe: {  	[sflag:s1] =	ssyncset.done $0x0  }
0x3ff: {  	[sflag:s1] =	ssyncadd.s32 $0xFFFFFC00  }
0x400: {  	_ =	swait.ge [sflag:s1], $0x400  }
0x401: {  	[sflag:s1] =	ssyncset.done $0x0  }
0x402: {  	[sflag:s1] =	ssyncadd.s32 $0xFFFFFC00  }
0x403: {  	_ =	swait.ge [sflag:s1], $0x400  }
0x404: {  	[sflag:s1] =	ssyncset.done $0x0  }
0x405: {  	[sflag:s1] =	ssyncadd.s32 $0xFFFFFC00  }
0x406: {  	_ =	swait.ge [sflag:s1], $0x400  }
0x407: {  	[sflag:s1] =	ssyncset.done $0x0  }
0x408: {  	[sflag:s1] =	ssyncadd.s32 $0xFFFFFC00  }
0x409: {  	_ =	swait.ge [sflag:s1], $0x400  }
0x40a: {  	[sflag:s1] =	ssyncset.done $0x0  }
0x40b: {  	[sflag:s1] =	ssyncadd.s32 $0xFFFFFC00  }
0x40c: {  	_ =	swait.ge [sflag:s1], $0x400  }
0x40d: {  	[sflag:s1] =	ssyncset.done $0x0  }
0x40e: {  	[sflag:s1] =	ssyncadd.s32 $0xFFFFFC00  }
0x40f: {  	_ =	swait.ge [sflag:s19], $0x400  }
0x410: {  	[sflag:s19] =	ssyncset.done $0x0  }
0x411: {  	[sflag:s19] =	ssyncadd.s32 $0xFFFFFC00  }
0x412: {  	_ =	swait.ge [sflag:s19], $0x400  }
0x413: {  	[sflag:s19] =	ssyncset.done $0x0  }
0x414: {  	[sflag:s19] =	ssyncadd.s32 $0xFFFFFC00  }
0x415: {  	_ =	swait.ge [sflag:s19], $0x400  }
0x416: {  	[sflag:s19] =	ssyncset.done $0x0  }
0x417: {  	[sflag:s19] =	ssyncadd.s32 $0xFFFFFC00  }
0x418: {  	_ =	swait.ge [sflag:s19], $0x400  }
0x419: {  	[sflag:s19] =	ssyncset.done $0x0  }
0x41a: {  	[sflag:s19] =	ssyncadd.s32 $0xFFFFFC00  }
0x41b: {  	_ =	swait.ge [sflag:s19], $0x400  }
0x41c: {  	[sflag:s19] =	ssyncset.done $0x0  }
0x41d: {  	[sflag:s19] =	ssyncadd.s32 $0xFFFFFC00  }
0x41e: {  	_ =	swait.ge [sflag:s19], $0x400  }
0x41f: {  	[sflag:s19] =	ssyncset.done $0x0  }
0x420: {  	[sflag:s19] =	ssyncadd.s32 $0xFFFFFC00  }
0x421: {  	_ =	swait.ge [sflag:s19], $0x400  }
0x422: {  	[sflag:s19] =	ssyncset.done $0x0  }
0x423: {  	[sflag:s19] =	ssyncadd.s32 $0xFFFFFC00  }
0x424: {  	_ =	swait.ge [sflag:s19], $0x400  }
0x425: {  	s15 =	rddreg [dreg:$0x6]  }
0x426: {  	s6 =	rddreg [dreg:$0x5];
	s15 =	sadd.s32 $0x1, s15  }
0x427: {  	p0 =	sne.s32 s15, s6  }
.Ltmp5:
0x428: {  	_ = 	snop;
	(pc) =	sbr.rel @p0 .LBB2_1-.Ltmp5, $3  }
0x429: {  	_ =	sdelay $0x1  }
0x42a: {  	[sflag:s19] =	ssyncset.done $0x0  }
0x42b: {  	[sflag:s19] =	ssyncadd.s32 $0xFFFFFC00  }
0x42c: {  	_ =	sfence.sel $0x180000  }
0x42d: {  	[bflag:$0x0] =	sbarrier.arrive $0xFFFF  }
0x42e: {  	_ =	strace $0x90000047  }
0x42f: {  	s0 =	stileid.u32;
	[bflag:$0x2] =	sbarrier.arrive $0xFFFF  }
0x430: {  	p0 =	sne.s32 s0, $0x0;
	s0 =	rddreg [dreg:$0x2]  }
0x431: {  	s0 =	sadd.s32 @!p0 $0x100000, s0  }
0x432: {  	[sflag:s0] =	ssyncadd.tile.s32 @!p0 $0x1;
	_ =	shalt  }
.Lfunc_end2:
_tile_overlayer_lowered:
.L_overlay_start_2:
0x433: {  	(tag) =	ssettag $0x2  }
0x434: {  	s0 =	rddreg [dreg:$0x0];
	s2 =	stileid.u32  }
0x435: {  	s1 =	rddreg [dreg:$0x1];
	p0 =	sne.s32 s2, $0x0  }
0x436: {  	s3 =	rddreg [dreg:$0x2];
	[bflag:$0x3] =	sbarrier.arrive $0xFFFF;
	s2 =	simm.s32 @!p0 $0x1C07  }
0x437: {  	[timem:s3], [sflag:s2] =	dma.local @!p0 [hbm:s0], s1  }
0x438: {  	s0 =	simm.s32 @!p0 $0x7  }
0x439: {  	_ =	swait.ge @!p0 [sflag:s0], s1  }
0x43a: {  	s1 =	ssub.s32 @!p0 $0x0, s1;
	[sflag:s0] =	ssyncset.done @!p0 $0x0  }
0x43b: {  	[sflag:s0] =	ssyncadd.s32 @!p0 s1  }
0x43c: {  	[bflag:$0x3] =	sbarrier.arrive $0xFFFF  }
0x43d: {  	_ =	shalt  }

</sc_bundles>
